<compile_context>
chip_gen: v7x
topology: tpu7x:2x2x1
jax: 0.10.2.dev20260603
libtpu: 0.0.44.dev20260713+nightly
codegen_flags: <defaults>
</compile_context>

<pallas_src>
import jax
import jax.numpy as jnp
from jax import lax
from jax.experimental import pallas as pl
from jax.experimental.pallas import tpu as pltpu
from jax.experimental.pallas import tpu_sc as plsc

N = 10000
E = 160000
NPAD = 10240
NC, NS, L = 2, 16, 16
NW = NC * NS
T = 5120
EPAD = NW * T
CK = 128
NCH = T // CK
GPC = CK // L
RPT = NPAD // NS
SQRT3 = 3.0 ** 0.5
F32 = jnp.float32
I32 = jnp.int32

_MESH = plsc.VectorSubcoreMesh(
    core_axis_name="c", subcore_axis_name="s", num_cores=NC, num_subcores=NS)
_SC_PARAMS = pltpu.CompilerParams(needs_layout_passes=False,
                                  use_tc_tiling_on_sc=False,
                                  disable_bounds_checks=True)


def _rsqrt(n2):
    i = plsc.bitcast(n2, I32)
    i = jnp.full((L,), 0x5F3759DF, I32) - lax.shift_right_logical(
        i, jnp.full((L,), 1, I32))
    y = plsc.bitcast(i, F32)
    for _ in range(3):
        y = y * (1.5 - 0.5 * n2 * y * y)
    return y


def _edge_geom(src2_v, dst2_v, pos_v, j, g):
    s3 = src2_v[j, pl.ds(g * L, L)] * 3
    d3 = dst2_v[j, pl.ds(g * L, L)] * 3
    dx = plsc.load_gather(pos_v, [d3]) - plsc.load_gather(pos_v, [s3])
    dy = plsc.load_gather(pos_v, [d3 + 1]) - plsc.load_gather(pos_v, [s3 + 1])
    dz = plsc.load_gather(pos_v, [d3 + 2]) - plsc.load_gather(pos_v, [s3 + 2])
    n2 = dx * dx + dy * dy + dz * dz + 1e-12
    y = _rsqrt(n2)
    return dx, dy, dz, n2, y


def _geom_body(src3_hbm, dst3_hbm, pos_hbm, ln_hbm, src2_v, dst2_v, pos_v,
               ln_v):
    cid = lax.axis_index("c")
    sid = lax.axis_index("s")
    wid = sid * NC + cid
    base = wid * T
    pltpu.sync_copy(src3_hbm.at[wid], src2_v)
    pltpu.sync_copy(dst3_hbm.at[wid], dst2_v)
    pltpu.sync_copy(pos_hbm, pos_v)

    @pl.loop(0, NCH)
    def _chunks(j):
        @pl.loop(0, GPC)
        def _groups(g):
            _, _, _, n2, y = _edge_geom(src2_v, dst2_v, pos_v, j, g)
            ln_v[pl.ds(j * CK + g * L, L)] = n2 * y

    pltpu.sync_copy(ln_v, ln_hbm.at[pl.ds(base, T)])


_sc_geom = pl.kernel(
    _geom_body,
    out_type=jax.ShapeDtypeStruct((EPAD,), F32),
    mesh=_MESH,
    compiler_params=_SC_PARAMS,
    scratch_types=[
        pltpu.VMEM((NCH, CK), I32),
        pltpu.VMEM((NCH, CK), I32),
        pltpu.VMEM((NPAD * 3,), F32),
        pltpu.VMEM((T,), F32),
    ],
)


def _main_body(src3_hbm, dst3_hbm, pos_hbm, nf_hbm, rad_hbm, zeros_hbm,
               out_hbm, src2_v, dst2_v, pos_v, nf_v0, rad_v0, nf_v1,
               rad_v1, msg_v, sem0, sem1, agg_sh):
    cid = lax.axis_index("c")
    sid = lax.axis_index("s")
    wid = sid * NC + cid
    base = wid * T
    pltpu.sync_copy(src3_hbm.at[wid], src2_v)
    pltpu.sync_copy(dst3_hbm.at[wid], dst2_v)
    pltpu.sync_copy(pos_hbm, pos_v)
    pltpu.sync_copy(zeros_hbm.at[pl.ds(sid * RPT, RPT)],
                    agg_sh.at[pl.ds(sid * RPT, RPT)])
    plsc.subcore_barrier()

    iota = lax.iota(I32, L)
    bufs = ((nf_v0, rad_v0, sem0), (nf_v1, rad_v1, sem1))

    def _fire(j, nfb, rdb, sem):
        pltpu.async_copy(nf_hbm.at[src2_v.at[j]], nfb, sem)
        pltpu.async_copy(rad_hbm.at[pl.ds(base + j * CK, CK)], rdb, sem)

    def _drain(j, nfb, rdb, sem):
        pltpu.make_async_copy(nf_hbm.at[src2_v.at[j]], nfb, sem).wait()
        pltpu.make_async_copy(rad_hbm.at[pl.ds(base + j * CK, CK)], rdb,
                              sem).wait()

    _fire(0, *bufs[0])

    @pl.loop(0, NCH // 2)
    def _chunks(jj):
        for par in range(2):
            j = jj * 2 + par
            nfb, rdb, sem = bufs[par]
            _drain(j, nfb, rdb, sem)
            if par == 0:
                _fire(j + 1, *bufs[1])
            else:
                @pl.when(j + 1 < NCH)
                def _():
                    _fire(j + 1, *bufs[0])

            @pl.loop(0, GPC)
            def _groups(g):
                dx, dy, dz, _, y = _edge_geom(src2_v, dst2_v, pos_v, j, g)
                f = y * SQRT3
                ux = dx * f
                uy = dy * f
                uz = dz * f
                rows = iota + (g * L)
                gate = jnp.zeros((L,), F32)
                for k in range(32):
                    ck = jnp.bitwise_and(iota + k, 31)
                    m = (plsc.load_gather(nfb, [rows, ck])
                         * plsc.load_gather(rdb, [rows, ck]))
                    gate = gate + m
                    plsc.store_scatter(msg_v, [rows, ck], m)
                plsc.store_scatter(msg_v, [rows, jnp.full((L,), 32, I32)],
                                   ux * gate)
                plsc.store_scatter(msg_v, [rows, jnp.full((L,), 33, I32)],
                                   uy * gate)
                plsc.store_scatter(msg_v, [rows, jnp.full((L,), 34, I32)],
                                   uz * gate)
            pltpu.sync_copy(msg_v, agg_sh.at[dst2_v.at[j]], add=True)

    plsc.subcore_barrier()
    pltpu.sync_copy(agg_sh.at[pl.ds(sid * RPT, RPT)],
                    out_hbm.at[cid, pl.ds(sid * RPT, RPT)])


_sc_main = pl.kernel(
    _main_body,
    out_type=jax.ShapeDtypeStruct((NC, NPAD, 48), F32),
    mesh=_MESH,
    compiler_params=_SC_PARAMS,
    scratch_types=[
        pltpu.VMEM((NCH, CK), I32),
        pltpu.VMEM((NCH, CK), I32),
        pltpu.VMEM((NPAD * 3,), F32),
        pltpu.VMEM((CK, 32), F32),
        pltpu.VMEM((CK, 32), F32),
        pltpu.VMEM((CK, 32), F32),
        pltpu.VMEM((CK, 32), F32),
        pltpu.VMEM((CK, 48), F32),
        pltpu.SemaphoreType.DMA,
        pltpu.SemaphoreType.DMA,
        pltpu.VMEM_SHARED((NPAD, 48), F32),
    ],
)

_RB = 8192


def _radial_blk(ln_ref, w1_ref, b1_ref, w2_ref, b2_ref):
    t = ln_ref[...] * w1_ref[...] + b1_ref[...]
    h = t * jax.nn.sigmoid(t)
    return jnp.dot(h, w2_ref[...], preferred_element_type=F32) + b2_ref[...]


def _prep_krn(ln_ref, x_ref, we_ref, be_ref, w1_ref, b1_ref, w2_ref,
              b2_ref, rad_ref, h_ref):
    i = pl.program_id(0)
    rad_ref[...] = _radial_blk(ln_ref, w1_ref, b1_ref, w2_ref, b2_ref)

    @pl.when(i == 0)
    def _():
        h = jnp.dot(x_ref[...], we_ref[...],
                    preferred_element_type=F32) + be_ref[...]
        h_ref[0:N, :] = h
        h_ref[N:NPAD, :] = jnp.zeros((NPAD - N, 32), F32)


_w_spec = [
    pl.BlockSpec((1, 16), lambda i: (0, 0)),
    pl.BlockSpec((1, 16), lambda i: (0, 0)),
    pl.BlockSpec((16, 32), lambda i: (0, 0)),
    pl.BlockSpec((1, 32), lambda i: (0, 0)),
]

_tc_prep = pl.pallas_call(
    _prep_krn,
    grid=(EPAD // _RB,),
    in_specs=[pl.BlockSpec((_RB, 1), lambda i: (i, 0)),
              pl.BlockSpec((N, 10), lambda i: (0, 0)),
              pl.BlockSpec((10, 32), lambda i: (0, 0)),
              pl.BlockSpec((1, 32), lambda i: (0, 0))] + _w_spec,
    out_specs=(pl.BlockSpec((_RB, 32), lambda i: (i, 0)),
               pl.BlockSpec((NPAD, 32), lambda i: (0, 0))),
    out_shape=(jax.ShapeDtypeStruct((EPAD, 32), F32),
               jax.ShapeDtypeStruct((NPAD, 32), F32)))


def _radial_krn(ln_ref, w1_ref, b1_ref, w2_ref, b2_ref, rad_ref):
    rad_ref[...] = _radial_blk(ln_ref, w1_ref, b1_ref, w2_ref, b2_ref)


_tc_radial = pl.pallas_call(
    _radial_krn,
    grid=(EPAD // _RB,),
    in_specs=[pl.BlockSpec((_RB, 1), lambda i: (i, 0))] + _w_spec,
    out_specs=pl.BlockSpec((_RB, 32), lambda i: (i, 0)),
    out_shape=jax.ShapeDtypeStruct((EPAD, 32), F32))


def _dense0_krn(parts_ref, pos_ref, wp_ref, w1_ref, b1_ref, w2_ref, b2_ref,
                nf_ref, pos1_ref):
    p = (parts_ref[0] + parts_ref[1]) * 0.0625
    nf = jnp.dot(p[0:N, 0:32], wp_ref[...], preferred_element_type=F32)
    t = jnp.dot(nf, w1_ref[...], preferred_element_type=F32) + b1_ref[...]
    t = t * jax.nn.sigmoid(t)
    ro3 = jnp.dot(t, w2_ref[...], preferred_element_type=F32) + b2_ref[...]
    mbv = ro3 + p[0:N, 32:35]
    nf_ref[0:N, :] = nf
    nf_ref[N:NPAD, :] = jnp.zeros((NPAD - N, 32), F32)
    pos1_ref[0:N, :] = pos_ref[0:N, :] + mbv
    pos1_ref[N:NPAD, :] = jnp.zeros((NPAD - N, 3), F32)


_tc_dense0 = pl.pallas_call(
    _dense0_krn,
    out_shape=(jax.ShapeDtypeStruct((NPAD, 32), F32),
               jax.ShapeDtypeStruct((NPAD, 3), F32)))


def _dense1_krn(parts_ref, pos_ref, pos0_ref, wp_ref, w1_ref, b1_ref,
                w2_ref, b2_ref, o_ref):
    p = (parts_ref[0] + parts_ref[1]) * 0.0625
    nf = jnp.dot(p[0:N, 0:32], wp_ref[...], preferred_element_type=F32)
    t = jnp.dot(nf, w1_ref[...], preferred_element_type=F32) + b1_ref[...]
    t = t * jax.nn.sigmoid(t)
    ro3 = jnp.dot(t, w2_ref[...], preferred_element_type=F32) + b2_ref[...]
    pos2 = pos_ref[0:N, :] + ro3 + p[0:N, 32:35]
    o_ref[...] = (pos2 - jnp.mean(pos2, axis=0, keepdims=True)
                  - pos0_ref[...])


_tc_dense1 = pl.pallas_call(
    _dense1_krn, out_shape=jax.ShapeDtypeStruct((N, 3), F32))


def kernel(positions, node_attrs, time_embedding, edge_index, params):
    positions = positions.astype(F32)
    src = edge_index[0].astype(I32)
    dst = edge_index[1].astype(I32)
    pad = EPAD - E
    src_p = jnp.concatenate([src, jnp.zeros((pad,), I32)])
    dst_p = jnp.concatenate([dst, jnp.full((pad,), N, I32)])
    src3 = src_p.reshape(NW, NCH, CK)
    dst3 = dst_p.reshape(NW, NCH, CK)
    X = jnp.concatenate([node_attrs.astype(F32),
                         time_embedding.astype(F32)], axis=1)
    zeros_agg = jnp.zeros((NPAD, 48), F32)
    pos_pad = jnp.concatenate(
        [positions, jnp.zeros((NPAD - N, 3), F32)], axis=0)

    def row(v):
        return v.reshape(1, -1).astype(F32)

    nf_pad = None
    for l in range(2):
        ln = _sc_geom(src3, dst3, pos_pad.reshape(-1))
        rw = (ln.reshape(EPAD, 1), params['Wr1_%d' % l].astype(F32),
              row(params['br1_%d' % l]), params['Wr2_%d' % l].astype(F32),
              row(params['br2_%d' % l]))
        if l == 0:
            rad, nf_pad = _tc_prep(rw[0], X, params['W_embed'].astype(F32),
                                   row(params['b_embed']), *rw[1:])
        else:
            rad = _tc_radial(*rw)
        parts = _sc_main(src3, dst3, pos_pad.reshape(-1), nf_pad, rad,
                         zeros_agg)
        wp = params['Wp_%d' % l].astype(F32)
        w1 = params['Wro1_%d' % l].astype(F32)
        b1 = row(params['bro1_%d' % l])
        w2 = params['Wro2_%d' % l][:, 32:35].astype(F32)
        b2 = row(params['bro2_%d' % l][32:35])
        if l == 0:
            nf_pad, pos_pad = _tc_dense0(parts, pos_pad, wp, w1, b1, w2, b2)
        else:
            out = _tc_dense1(parts, pos_pad, positions, wp, w1, b1, w2, b2)
    return out

# --- scband reference (transcript-rebuilt; emitter-appended) ---
"""Pipeline reference for scband-macediffusion-adapted-1297080123515 (READ-ONLY COPY).

The authoritative reference and input builder live on the scoring server;
editing this copy changes nothing except your own understanding.
"""

import jax, jax.numpy as jnp
import numpy as np


def _sh(u):
    x = u[..., 0]; y = u[..., 1]; z = u[..., 2]
    s3 = 3.0 ** 0.5; s15 = 15.0 ** 0.5; s5 = 5.0 ** 0.5
    c1 = (35.0 / 8.0) ** 0.5; c2 = 105.0 ** 0.5; c3 = (21.0 / 8.0) ** 0.5
    c4 = 0.5 * (7.0 ** 0.5); c6 = 0.5 * (105.0 ** 0.5)
    comps = [jnp.ones_like(x), s3 * x, s3 * y, s3 * z,
             s15 * x * y, s15 * y * z, 0.5 * s5 * (3.0 * z * z - 1.0), s15 * x * z, 0.5 * s15 * (x * x - y * y),
             c1 * y * (3.0 * x * x - y * y), c2 * x * y * z, c3 * y * (5.0 * z * z - 1.0), c4 * z * (5.0 * z * z - 3.0), c3 * x * (5.0 * z * z - 1.0), c6 * z * (x * x - y * y), c1 * x * (x * x - 3.0 * y * y)]
    return jnp.stack(comps, axis=-1)


def _forward(positions, node_attrs, time_embedding, edge_index, params):
    n = positions.shape[0]
    avg = 16.0
    node_attrs = node_attrs / 1.0
    src = edge_index[0]; dst = edge_index[1]
    def edge_vec(pos):
        v = pos[dst] - pos[src]
        ln = jnp.sqrt(jnp.sum(v * v, axis=-1, keepdims=True) + 1e-12)
        return v, ln
    vectors, lengths = edge_vec(positions)
    positions_0 = positions
    h = jnp.concatenate([node_attrs, time_embedding], axis=-1) @ params['W_embed'] + params['b_embed']
    node_feats = h
    ef = lengths
    for l in range(2):
        u = vectors / jnp.sqrt(jnp.sum(vectors * vectors, axis=-1, keepdims=True) + 1e-12)
        edge_attrs = _sh(u)
        radial = jax.nn.silu(ef @ params['Wr1_%d' % l] + params['br1_%d' % l]) @ params['Wr2_%d' % l] + params['br2_%d' % l]
        msg = node_feats[src] * radial
        agg = jax.ops.segment_sum(msg, dst, num_segments=n) / avg
        gate = jnp.sum(msg, axis=-1, keepdims=True)
        vmsg = edge_attrs[:, 1:4] * gate
        aggv = jax.ops.segment_sum(vmsg, dst, num_segments=n) / avg
        nf = agg @ params['Wp_%d' % l]
        ro = jax.nn.silu(nf @ params['Wro1_%d' % l] + params['bro1_%d' % l]) @ params['Wro2_%d' % l] + params['bro2_%d' % l]
        mbs = ro[:, :-3]
        mbv = ro[:, -3:] + aggv
        positions = positions + mbv
        h = h + jax.nn.silu(jnp.concatenate([h, mbs], axis=-1) @ params['Wm1_%d' % l] + params['bm1_%d' % l]) @ params['Wm2_%d' % l] + params['bm2_%d' % l]
        node_feats = nf
        vectors, ef = edge_vec(positions)
    out = (positions - jnp.mean(positions, axis=0, keepdims=True)) - positions_0
    return out


def setup_inputs(seed: int = 0):
    key = jax.random.key(seed)
    ks = jax.random.split(key, 6)
    positions = jax.random.normal(ks[0], (10000, 3), jnp.float32) * 3.0
    node_attrs = jax.random.uniform(ks[1], (10000, 5), jnp.float32)
    time_embedding = jax.random.uniform(ks[2], (10000, 5), jnp.float32)
    edge_index = jax.random.randint(ks[3], (2, 160000), 0, 10000)
    def glorot(k, shape):
        return jax.random.normal(k, shape, jnp.float32) / (shape[0] ** 0.5)
    pk = jax.random.split(ks[4], 32)
    params = {'W_embed': glorot(pk[0], (10, 32)), 'b_embed': jnp.zeros((32,), jnp.float32)}
    i = 1
    for l in range(2):
        params['Wr1_%d' % l] = glorot(pk[i], (1, 16)); i += 1
        params['br1_%d' % l] = jnp.zeros((16,), jnp.float32)
        params['Wr2_%d' % l] = glorot(pk[i], (16, 32)); i += 1
        params['br2_%d' % l] = jnp.zeros((32,), jnp.float32)
        params['Wp_%d' % l] = glorot(pk[i], (32, 32)); i += 1
        params['Wro1_%d' % l] = glorot(pk[i], (32, 16)); i += 1
        params['bro1_%d' % l] = jnp.zeros((16,), jnp.float32)
        params['Wro2_%d' % l] = glorot(pk[i], (16, 35)); i += 1
        params['bro2_%d' % l] = jnp.zeros((35,), jnp.float32)
        params['Wm1_%d' % l] = glorot(pk[i], (64, 32)); i += 1
        params['bm1_%d' % l] = jnp.zeros((32,), jnp.float32)
        params['Wm2_%d' % l] = glorot(pk[i], (32, 32)); i += 1
        params['bm2_%d' % l] = jnp.zeros((32,), jnp.float32)
    return {'positions': positions, 'node_attrs': node_attrs, 'time_embedding': time_embedding, 'edge_index': edge_index, 'params': params}


def reference(positions, node_attrs, time_embedding, edge_index, params):
    return _forward(positions, node_attrs, time_embedding, edge_index, params)

if __name__ == "__main__":
    import jax
    _d = setup_inputs()
    print(jax.jit(kernel)(*tuple(_d.values())))

</pallas_src>

<mosaic_0001>
#map = affine_map<(d0, d1) -> (0, 0, 0)>
#map1 = affine_map<(d0, d1) -> (0)>
module attributes {stable_mosaic.version = 14 : i64} {
  func.func @_geom_body(%arg0: i32, %arg1: i32, %arg2: memref<32x40x128xi32, #tpu.memory_space<hbm>>, %arg3: memref<32x40x128xi32, #tpu.memory_space<hbm>>, %arg4: memref<30720xf32, #tpu.memory_space<hbm>>, %arg5: memref<163840xf32, #tpu.memory_space<hbm>>, %arg6: memref<40x128xi32, #tpu.memory_space<vmem>>, %arg7: memref<40x128xi32, #tpu.memory_space<vmem>>, %arg8: memref<30720xf32, #tpu.memory_space<vmem>>, %arg9: memref<5120xf32, #tpu.memory_space<vmem>>) attributes {dimension_semantics = [#tpu.dimension_semantics<core_parallel>, #tpu.dimension_semantics<subcore_parallel>], iteration_bounds = array<i64: 2, 16>, scalar_prefetch = 0 : i64, scratch_operands = 4 : i64, tpu.core_type = #tpu.core_type<sc_vector_subcore>, window_params = [{transform_indices = #map}, {transform_indices = #map}, {transform_indices = #map1}, {transform_indices = #map1}]} {
    %mul3A = arith.constant 2 : i32
    %mul3A_0 = arith.muli %arg1, %mul3A : i32
    %add3A = arith.addi %mul3A_0, %arg0 : i32
    %mul3A_1 = arith.constant 5120 : i32
    %mul3A_2 = arith.muli %add3A, %mul3A_1 : i32
    "tpu.region"() ({
      %run_scoped3A = tpu.sem_alloc : memref<!tpu.dma_semaphore, #tpu.memory_space<semaphore_mem>>
      %dma_start3A = arith.constant 0 : i32
      %dma_start3A_7 = arith.constant 0 : i32
      %dma_start3A_8 = tpu.memref_slice %arg2[%add3A, %dma_start3A, %dma_start3A_7] : memref<32x40x128xi32, #tpu.memory_space<hbm>> -> memref<1x40x128xi32, #tpu.memory_space<hbm>>
      %dma_start3A_9 = tpu.memref_squeeze %dma_start3A_8 : memref<1x40x128xi32, #tpu.memory_space<hbm>> -> memref<40x128xi32, #tpu.memory_space<hbm>>
      %dma_start3A_10 = arith.constant 0 : i32
      %dma_start3A_11 = arith.constant 0 : i32
      %dma_start3A_12 = tpu.memref_slice %arg2[%add3A, %dma_start3A_10, %dma_start3A_11] : memref<32x40x128xi32, #tpu.memory_space<hbm>> -> memref<1x40x128xi32, #tpu.memory_space<hbm>>
      %dma_start3A_13 = tpu.memref_squeeze %dma_start3A_12 : memref<1x40x128xi32, #tpu.memory_space<hbm>> -> memref<40x128xi32, #tpu.memory_space<hbm>>
      tpu.enqueue_dma source(%dma_start3A_13 : memref<40x128xi32, #tpu.memory_space<hbm>>) target(%arg6 : memref<40x128xi32, #tpu.memory_space<vmem>>) target_semaphore(%run_scoped3A : memref<!tpu.dma_semaphore, #tpu.memory_space<semaphore_mem>>)
      %dma_wait3A = arith.constant 0 : i32
      %dma_wait3A_14 = arith.constant 0 : i32
      %dma_wait3A_15 = tpu.memref_slice %arg2[%add3A, %dma_wait3A, %dma_wait3A_14] : memref<32x40x128xi32, #tpu.memory_space<hbm>> -> memref<1x40x128xi32, #tpu.memory_space<hbm>>
      %dma_wait3A_16 = tpu.memref_squeeze %dma_wait3A_15 : memref<1x40x128xi32, #tpu.memory_space<hbm>> -> memref<40x128xi32, #tpu.memory_space<hbm>>
      %dma_wait3A_17 = arith.constant 0 : i32
      %dma_wait3A_18 = arith.constant 0 : i32
      %dma_wait3A_19 = tpu.memref_slice %arg2[%add3A, %dma_wait3A_17, %dma_wait3A_18] : memref<32x40x128xi32, #tpu.memory_space<hbm>> -> memref<1x40x128xi32, #tpu.memory_space<hbm>>
      %dma_wait3A_20 = tpu.memref_squeeze %dma_wait3A_19 : memref<1x40x128xi32, #tpu.memory_space<hbm>> -> memref<40x128xi32, #tpu.memory_space<hbm>>
      tpu.wait_dma2 semaphore(%run_scoped3A : memref<!tpu.dma_semaphore, #tpu.memory_space<semaphore_mem>>) src(%dma_wait3A_20 : memref<40x128xi32, #tpu.memory_space<hbm>>) dst(%arg6 : memref<40x128xi32, #tpu.memory_space<vmem>>)
      tpu.yield
    }) : () -> ()
    "tpu.region"() ({
      %run_scoped3A = tpu.sem_alloc : memref<!tpu.dma_semaphore, #tpu.memory_space<semaphore_mem>>
      %dma_start3A = arith.constant 0 : i32
      %dma_start3A_7 = arith.constant 0 : i32
      %dma_start3A_8 = tpu.memref_slice %arg3[%add3A, %dma_start3A, %dma_start3A_7] : memref<32x40x128xi32, #tpu.memory_space<hbm>> -> memref<1x40x128xi32, #tpu.memory_space<hbm>>
      %dma_start3A_9 = tpu.memref_squeeze %dma_start3A_8 : memref<1x40x128xi32, #tpu.memory_space<hbm>> -> memref<40x128xi32, #tpu.memory_space<hbm>>
      %dma_start3A_10 = arith.constant 0 : i32
      %dma_start3A_11 = arith.constant 0 : i32
      %dma_start3A_12 = tpu.memref_slice %arg3[%add3A, %dma_start3A_10, %dma_start3A_11] : memref<32x40x128xi32, #tpu.memory_space<hbm>> -> memref<1x40x128xi32, #tpu.memory_space<hbm>>
      %dma_start3A_13 = tpu.memref_squeeze %dma_start3A_12 : memref<1x40x128xi32, #tpu.memory_space<hbm>> -> memref<40x128xi32, #tpu.memory_space<hbm>>
      tpu.enqueue_dma source(%dma_start3A_13 : memref<40x128xi32, #tpu.memory_space<hbm>>) target(%arg7 : memref<40x128xi32, #tpu.memory_space<vmem>>) target_semaphore(%run_scoped3A : memref<!tpu.dma_semaphore, #tpu.memory_space<semaphore_mem>>)
      %dma_wait3A = arith.constant 0 : i32
      %dma_wait3A_14 = arith.constant 0 : i32
      %dma_wait3A_15 = tpu.memref_slice %arg3[%add3A, %dma_wait3A, %dma_wait3A_14] : memref<32x40x128xi32, #tpu.memory_space<hbm>> -> memref<1x40x128xi32, #tpu.memory_space<hbm>>
      %dma_wait3A_16 = tpu.memref_squeeze %dma_wait3A_15 : memref<1x40x128xi32, #tpu.memory_space<hbm>> -> memref<40x128xi32, #tpu.memory_space<hbm>>
      %dma_wait3A_17 = arith.constant 0 : i32
      %dma_wait3A_18 = arith.constant 0 : i32
      %dma_wait3A_19 = tpu.memref_slice %arg3[%add3A, %dma_wait3A_17, %dma_wait3A_18] : memref<32x40x128xi32, #tpu.memory_space<hbm>> -> memref<1x40x128xi32, #tpu.memory_space<hbm>>
      %dma_wait3A_20 = tpu.memref_squeeze %dma_wait3A_19 : memref<1x40x128xi32, #tpu.memory_space<hbm>> -> memref<40x128xi32, #tpu.memory_space<hbm>>
      tpu.wait_dma2 semaphore(%run_scoped3A : memref<!tpu.dma_semaphore, #tpu.memory_space<semaphore_mem>>) src(%dma_wait3A_20 : memref<40x128xi32, #tpu.memory_space<hbm>>) dst(%arg7 : memref<40x128xi32, #tpu.memory_space<vmem>>)
      tpu.yield
    }) : () -> ()
    "tpu.region"() ({
      %run_scoped3A = tpu.sem_alloc : memref<!tpu.dma_semaphore, #tpu.memory_space<semaphore_mem>>
      tpu.enqueue_dma source(%arg4 : memref<30720xf32, #tpu.memory_space<hbm>>) target(%arg8 : memref<30720xf32, #tpu.memory_space<vmem>>) target_semaphore(%run_scoped3A : memref<!tpu.dma_semaphore, #tpu.memory_space<semaphore_mem>>)
      tpu.wait_dma2 semaphore(%run_scoped3A : memref<!tpu.dma_semaphore, #tpu.memory_space<semaphore_mem>>) src(%arg4 : memref<30720xf32, #tpu.memory_space<hbm>>) dst(%arg8 : memref<30720xf32, #tpu.memory_space<vmem>>)
      tpu.yield
    }) : () -> ()
    %scan3A = arith.constant 0 : i32
    %scan3A_3 = arith.constant 40 : i32
    %scan3A_4 = arith.addi %scan3A, %scan3A_3 : i32
    %scan3A_5 = arith.constant 1 : i32
    scf.for %scan3A_7 = %scan3A to %scan3A_4 step %scan3A_5  : i32 {
      %mul3A_8 = arith.constant 1 : i32
      %mul3A_9 = arith.muli %scan3A_7, %mul3A_8 : i32
      %add3A_10 = arith.constant 0 : i32
      %add3A_11 = arith.addi %add3A_10, %mul3A_9 : i32
      %scan3A_12 = arith.constant 0 : i32
      %scan3A_13 = arith.constant 8 : i32
      %scan3A_14 = arith.addi %scan3A_12, %scan3A_13 : i32
      %scan3A_15 = arith.constant 1 : i32
      scf.for %scan3A_17 = %scan3A_12 to %scan3A_14 step %scan3A_15  : i32 {
        %mul3A_18 = arith.constant 1 : i32
        %mul3A_19 = arith.muli %scan3A_17, %mul3A_18 : i32
        %add3A_20 = arith.constant 0 : i32
        %add3A_21 = arith.addi %add3A_20, %mul3A_19 : i32
        %mul3A_22 = arith.constant 16 : i32
        %mul3A_23 = arith.muli %add3A_21, %mul3A_22 : i32
        %get3A = arith.index_cast %add3A_11 : i32 to index
        %get3A_24 = arith.index_cast %mul3A_23 : i32 to index
        %get3A_25 = tpu.vector_load %arg6[%get3A, %get3A_24] {strides = array<i32>} : memref<40x128xi32, #tpu.memory_space<vmem>>, vector<16xi32>,
        %mul3A_26 = arith.constant 3 : i32
        %mul3A_27 = vector.broadcast %mul3A_26 : i32 to vector<16xi32>
        %mul3A_28 = arith.muli %get3A_25, %mul3A_27 : vector<16xi32>
        %mul3A_29 = arith.constant 16 : i32
        %mul3A_30 = arith.muli %add3A_21, %mul3A_29 : i32
        %get3A_31 = arith.index_cast %add3A_11 : i32 to index
        %get3A_32 = arith.index_cast %mul3A_30 : i32 to index
        %get3A_33 = tpu.vector_load %arg7[%get3A_31, %get3A_32] {strides = array<i32>} : memref<40x128xi32, #tpu.memory_space<vmem>>, vector<16xi32>,
        %mul3A_34 = arith.constant 3 : i32
        %mul3A_35 = vector.broadcast %mul3A_34 : i32 to vector<16xi32>
        %mul3A_36 = arith.muli %get3A_33, %mul3A_35 : vector<16xi32>
        %gather3A = tpu.vector_load_idx %arg8[%mul3A_36] : memref<30720xf32, #tpu.memory_space<vmem>>[vector<16xi32>], vector<16xf32>,
        %gather3A_37 = tpu.vector_load_idx %arg8[%mul3A_28] : memref<30720xf32, #tpu.memory_space<vmem>>[vector<16xi32>], vector<16xf32>,
        %sub3A = arith.subf %gather3A, %gather3A_37 : vector<16xf32>
        %add3A_38 = arith.constant 1 : i32
        %add3A_39 = vector.broadcast %add3A_38 : i32 to vector<16xi32>
        %add3A_40 = arith.addi %mul3A_36, %add3A_39 : vector<16xi32>
        %gather3A_41 = tpu.vector_load_idx %arg8[%add3A_40] : memref<30720xf32, #tpu.memory_space<vmem>>[vector<16xi32>], vector<16xf32>,
        %add3A_42 = arith.constant 1 : i32
        %add3A_43 = vector.broadcast %add3A_42 : i32 to vector<16xi32>
        %add3A_44 = arith.addi %mul3A_28, %add3A_43 : vector<16xi32>
        %gather3A_45 = tpu.vector_load_idx %arg8[%add3A_44] : memref<30720xf32, #tpu.memory_space<vmem>>[vector<16xi32>], vector<16xf32>,
        %sub3A_46 = arith.subf %gather3A_41, %gather3A_45 : vector<16xf32>
        %add3A_47 = arith.constant 2 : i32
        %add3A_48 = vector.broadcast %add3A_47 : i32 to vector<16xi32>
        %add3A_49 = arith.addi %mul3A_36, %add3A_48 : vector<16xi32>
        %gather3A_50 = tpu.vector_load_idx %arg8[%add3A_49] : memref<30720xf32, #tpu.memory_space<vmem>>[vector<16xi32>], vector<16xf32>,
        %add3A_51 = arith.constant 2 : i32
        %add3A_52 = vector.broadcast %add3A_51 : i32 to vector<16xi32>
        %add3A_53 = arith.addi %mul3A_28, %add3A_52 : vector<16xi32>
        %gather3A_54 = tpu.vector_load_idx %arg8[%add3A_53] : memref<30720xf32, #tpu.memory_space<vmem>>[vector<16xi32>], vector<16xf32>,
        %sub3A_55 = arith.subf %gather3A_50, %gather3A_54 : vector<16xf32>
        %mul3A_56 = arith.mulf %sub3A, %sub3A : vector<16xf32>
        %mul3A_57 = arith.mulf %sub3A_46, %sub3A_46 : vector<16xf32>
        %add3A_58 = arith.addf %mul3A_56, %mul3A_57 : vector<16xf32>
        %mul3A_59 = arith.mulf %sub3A_55, %sub3A_55 : vector<16xf32>
        %add3A_60 = arith.addf %add3A_58, %mul3A_59 : vector<16xf32>
        %add3A_61 = arith.constant 9.99999996E-13 : f32
        %add3A_62 = vector.broadcast %add3A_61 : f32 to vector<16xf32>
        %add3A_63 = arith.addf %add3A_60, %add3A_62 : vector<16xf32>
        %bitcast3A = vector.bitcast %add3A_63 : vector<16xf32> to vector<16xi32>
        %broadcast_in_dim3A = arith.constant 1597463007 : i32
        %broadcast_in_dim3A_64 = vector.broadcast %broadcast_in_dim3A : i32 to vector<16xi32>
        %broadcast_in_dim3A_65 = arith.constant 1 : i32
        %broadcast_in_dim3A_66 = vector.broadcast %broadcast_in_dim3A_65 : i32 to vector<16xi32>
        %shift_right_logical3A = arith.shrui %bitcast3A, %broadcast_in_dim3A_66 : vector<16xi32>
        %sub3A_67 = arith.subi %broadcast_in_dim3A_64, %shift_right_logical3A : vector<16xi32>
        %bitcast3A_68 = vector.bitcast %sub3A_67 : vector<16xi32> to vector<16xf32>
        %mul3A_69 = arith.constant 5.000000e-01 : f32
        %mul3A_70 = vector.broadcast %mul3A_69 : f32 to vector<16xf32>
        %mul3A_71 = arith.mulf %mul3A_70, %add3A_63 : vector<16xf32>
        %mul3A_72 = arith.mulf %mul3A_71, %bitcast3A_68 : vector<16xf32>
        %mul3A_73 = arith.mulf %mul3A_72, %bitcast3A_68 : vector<16xf32>
        %sub3A_74 = arith.constant 1.500000e+00 : f32
        %sub3A_75 = vector.broadcast %sub3A_74 : f32 to vector<16xf32>
        %sub3A_76 = arith.subf %sub3A_75, %mul3A_73 : vector<16xf32>
        %mul3A_77 = arith.mulf %bitcast3A_68, %sub3A_76 : vector<16xf32>
        %mul3A_78 = arith.constant 5.000000e-01 : f32
        %mul3A_79 = vector.broadcast %mul3A_78 : f32 to vector<16xf32>
        %mul3A_80 = arith.mulf %mul3A_79, %add3A_63 : vector<16xf32>
        %mul3A_81 = arith.mulf %mul3A_80, %mul3A_77 : vector<16xf32>
        %mul3A_82 = arith.mulf %mul3A_81, %mul3A_77 : vector<16xf32>
        %sub3A_83 = arith.constant 1.500000e+00 : f32
        %sub3A_84 = vector.broadcast %sub3A_83 : f32 to vector<16xf32>
        %sub3A_85 = arith.subf %sub3A_84, %mul3A_82 : vector<16xf32>
        %mul3A_86 = arith.mulf %mul3A_77, %sub3A_85 : vector<16xf32>
        %mul3A_87 = arith.constant 5.000000e-01 : f32
        %mul3A_88 = vector.broadcast %mul3A_87 : f32 to vector<16xf32>
        %mul3A_89 = arith.mulf %mul3A_88, %add3A_63 : vector<16xf32>
        %mul3A_90 = arith.mulf %mul3A_89, %mul3A_86 : vector<16xf32>
        %mul3A_91 = arith.mulf %mul3A_90, %mul3A_86 : vector<16xf32>
        %sub3A_92 = arith.constant 1.500000e+00 : f32
        %sub3A_93 = vector.broadcast %sub3A_92 : f32 to vector<16xf32>
        %sub3A_94 = arith.subf %sub3A_93, %mul3A_91 : vector<16xf32>
        %mul3A_95 = arith.mulf %mul3A_86, %sub3A_94 : vector<16xf32>
        %mul3A_96 = arith.mulf %add3A_63, %mul3A_95 : vector<16xf32>
        %mul3A_97 = arith.constant 128 : i32
        %mul3A_98 = arith.muli %add3A_11, %mul3A_97 : i32
        %mul3A_99 = arith.constant 16 : i32
        %mul3A_100 = arith.muli %add3A_21, %mul3A_99 : i32
        %add3A_101 = arith.addi %mul3A_98, %mul3A_100 : i32
        %swap3A = arith.index_cast %add3A_101 : i32 to index
        %swap3A_102 = tpu.vector_load %arg9[%swap3A] {strides = array<i32>} : memref<5120xf32, #tpu.memory_space<vmem>>, vector<16xf32>,
        tpu.vector_store %arg9[%swap3A], %mul3A_96 {strides = array<i32>} : memref<5120xf32, #tpu.memory_space<vmem>>, vector<16xf32>,
      }
      %scan3A_16 = arith.constant 8 : i32
    }
    %scan3A_6 = arith.constant 40 : i32
    "tpu.region"() ({
      %run_scoped3A = tpu.sem_alloc : memref<!tpu.dma_semaphore, #tpu.memory_space<semaphore_mem>>
      %dma_start3A = tpu.memref_slice %arg5[%mul3A_2] : memref<163840xf32, #tpu.memory_space<hbm>> -> memref<5120xf32, #tpu.memory_space<hbm>>
      %dma_start3A_7 = tpu.memref_slice %arg5[%mul3A_2] : memref<163840xf32, #tpu.memory_space<hbm>> -> memref<5120xf32, #tpu.memory_space<hbm>>
      tpu.enqueue_dma source(%arg9 : memref<5120xf32, #tpu.memory_space<vmem>>) target(%dma_start3A_7 : memref<5120xf32, #tpu.memory_space<hbm>>) target_semaphore(%run_scoped3A : memref<!tpu.dma_semaphore, #tpu.memory_space<semaphore_mem>>)
      %dma_wait3A = tpu.memref_slice %arg5[%mul3A_2] : memref<163840xf32, #tpu.memory_space<hbm>> -> memref<5120xf32, #tpu.memory_space<hbm>>
      %dma_wait3A_8 = tpu.memref_slice %arg5[%mul3A_2] : memref<163840xf32, #tpu.memory_space<hbm>> -> memref<5120xf32, #tpu.memory_space<hbm>>
      tpu.wait_dma2 semaphore(%run_scoped3A : memref<!tpu.dma_semaphore, #tpu.memory_space<semaphore_mem>>) src(%arg9 : memref<5120xf32, #tpu.memory_space<vmem>>) dst(%dma_wait3A_8 : memref<5120xf32, #tpu.memory_space<hbm>>)
      tpu.yield
    }) : () -> ()
    return
  }
}

#map = affine_map<(d0, d1) -> (0, 0, 0)>
#map1 = affine_map<(d0, d1) -> (0)>
#map2 = affine_map<(d0, d1) -> (0, 0)>
module attributes {stable_mosaic.version = 14 : i64} {
  func.func @_main_body(%arg0: i32, %arg1: i32, %arg2: memref<32x40x128xi32, #tpu.memory_space<hbm>>, %arg3: memref<32x40x128xi32, #tpu.memory_space<hbm>>, %arg4: memref<30720xf32, #tpu.memory_space<hbm>>, %arg5: memref<10240x32xf32, #tpu.memory_space<hbm>>, %arg6: memref<163840x32xf32, #tpu.memory_space<hbm>>, %arg7: memref<10240x48xf32, #tpu.memory_space<hbm>>, %arg8: memref<2x10240x48xf32, #tpu.memory_space<hbm>>, %arg9: memref<40x128xi32, #tpu.memory_space<vmem>>, %arg10: memref<40x128xi32, #tpu.memory_space<vmem>>, %arg11: memref<30720xf32, #tpu.memory_space<vmem>>, %arg12: memref<128x32xf32, #tpu.memory_space<vmem>>, %arg13: memref<128x32xf32, #tpu.memory_space<vmem>>, %arg14: memref<128x32xf32, #tpu.memory_space<vmem>>, %arg15: memref<128x32xf32, #tpu.memory_space<vmem>>, %arg16: memref<128x48xf32, #tpu.memory_space<vmem>>, %arg17: memref<!tpu.dma_semaphore, #tpu.memory_space<semaphore_mem>>, %arg18: memref<!tpu.dma_semaphore, #tpu.memory_space<semaphore_mem>>, %arg19: memref<10240x48xf32, #tpu.memory_space<vmem_shared>>) attributes {dimension_semantics = [#tpu.dimension_semantics<core_parallel>, #tpu.dimension_semantics<subcore_parallel>], iteration_bounds = array<i64: 2, 16>, scalar_prefetch = 0 : i64, scratch_operands = 11 : i64, tpu.core_type = #tpu.core_type<sc_vector_subcore>, window_params = [{transform_indices = #map}, {transform_indices = #map}, {transform_indices = #map1}, {transform_indices = #map2}, {transform_indices = #map2}, {transform_indices = #map2}, {transform_indices = #map}]} {
    %mul3A = arith.constant 2 : i32
    %mul3A_0 = arith.muli %arg1, %mul3A : i32
    %add3A = arith.addi %mul3A_0, %arg0 : i32
    %mul3A_1 = arith.constant 5120 : i32
    %mul3A_2 = arith.muli %add3A, %mul3A_1 : i32
    "tpu.region"() ({
      %run_scoped3A = tpu.sem_alloc : memref<!tpu.dma_semaphore, #tpu.memory_space<semaphore_mem>>
      %dma_start3A_28 = arith.constant 0 : i32
      %dma_start3A_29 = arith.constant 0 : i32
      %dma_start3A_30 = tpu.memref_slice %arg2[%add3A, %dma_start3A_28, %dma_start3A_29] : memref<32x40x128xi32, #tpu.memory_space<hbm>> -> memref<1x40x128xi32, #tpu.memory_space<hbm>>
      %dma_start3A_31 = tpu.memref_squeeze %dma_start3A_30 : memref<1x40x128xi32, #tpu.memory_space<hbm>> -> memref<40x128xi32, #tpu.memory_space<hbm>>
      %dma_start3A_32 = arith.constant 0 : i32
      %dma_start3A_33 = arith.constant 0 : i32
      %dma_start3A_34 = tpu.memref_slice %arg2[%add3A, %dma_start3A_32, %dma_start3A_33] : memref<32x40x128xi32, #tpu.memory_space<hbm>> -> memref<1x40x128xi32, #tpu.memory_space<hbm>>
      %dma_start3A_35 = tpu.memref_squeeze %dma_start3A_34 : memref<1x40x128xi32, #tpu.memory_space<hbm>> -> memref<40x128xi32, #tpu.memory_space<hbm>>
      tpu.enqueue_dma source(%dma_start3A_35 : memref<40x128xi32, #tpu.memory_space<hbm>>) target(%arg9 : memref<40x128xi32, #tpu.memory_space<vmem>>) target_semaphore(%run_scoped3A : memref<!tpu.dma_semaphore, #tpu.memory_space<semaphore_mem>>)
      %dma_wait3A = arith.constant 0 : i32
      %dma_wait3A_36 = arith.constant 0 : i32
      %dma_wait3A_37 = tpu.memref_slice %arg2[%add3A, %dma_wait3A, %dma_wait3A_36] : memref<32x40x128xi32, #tpu.memory_space<hbm>> -> memref<1x40x128xi32, #tpu.memory_space<hbm>>
      %dma_wait3A_38 = tpu.memref_squeeze %dma_wait3A_37 : memref<1x40x128xi32, #tpu.memory_space<hbm>> -> memref<40x128xi32, #tpu.memory_space<hbm>>
      %dma_wait3A_39 = arith.constant 0 : i32
      %dma_wait3A_40 = arith.constant 0 : i32
      %dma_wait3A_41 = tpu.memref_slice %arg2[%add3A, %dma_wait3A_39, %dma_wait3A_40] : memref<32x40x128xi32, #tpu.memory_space<hbm>> -> memref<1x40x128xi32, #tpu.memory_space<hbm>>
      %dma_wait3A_42 = tpu.memref_squeeze %dma_wait3A_41 : memref<1x40x128xi32, #tpu.memory_space<hbm>> -> memref<40x128xi32, #tpu.memory_space<hbm>>
      tpu.wait_dma2 semaphore(%run_scoped3A : memref<!tpu.dma_semaphore, #tpu.memory_space<semaphore_mem>>) src(%dma_wait3A_42 : memref<40x128xi32, #tpu.memory_space<hbm>>) dst(%arg9 : memref<40x128xi32, #tpu.memory_space<vmem>>)
      tpu.yield
    }) : () -> ()
    "tpu.region"() ({
      %run_scoped3A = tpu.sem_alloc : memref<!tpu.dma_semaphore, #tpu.memory_space<semaphore_mem>>
      %dma_start3A_28 = arith.constant 0 : i32
      %dma_start3A_29 = arith.constant 0 : i32
      %dma_start3A_30 = tpu.memref_slice %arg3[%add3A, %dma_start3A_28, %dma_start3A_29] : memref<32x40x128xi32, #tpu.memory_space<hbm>> -> memref<1x40x128xi32, #tpu.memory_space<hbm>>
      %dma_start3A_31 = tpu.memref_squeeze %dma_start3A_30 : memref<1x40x128xi32, #tpu.memory_space<hbm>> -> memref<40x128xi32, #tpu.memory_space<hbm>>
      %dma_start3A_32 = arith.constant 0 : i32
      %dma_start3A_33 = arith.constant 0 : i32
      %dma_start3A_34 = tpu.memref_slice %arg3[%add3A, %dma_start3A_32, %dma_start3A_33] : memref<32x40x128xi32, #tpu.memory_space<hbm>> -> memref<1x40x128xi32, #tpu.memory_space<hbm>>
      %dma_start3A_35 = tpu.memref_squeeze %dma_start3A_34 : memref<1x40x128xi32, #tpu.memory_space<hbm>> -> memref<40x128xi32, #tpu.memory_space<hbm>>
      tpu.enqueue_dma source(%dma_start3A_35 : memref<40x128xi32, #tpu.memory_space<hbm>>) target(%arg10 : memref<40x128xi32, #tpu.memory_space<vmem>>) target_semaphore(%run_scoped3A : memref<!tpu.dma_semaphore, #tpu.memory_space<semaphore_mem>>)
      %dma_wait3A = arith.constant 0 : i32
      %dma_wait3A_36 = arith.constant 0 : i32
      %dma_wait3A_37 = tpu.memref_slice %arg3[%add3A, %dma_wait3A, %dma_wait3A_36] : memref<32x40x128xi32, #tpu.memory_space<hbm>> -> memref<1x40x128xi32, #tpu.memory_space<hbm>>
      %dma_wait3A_38 = tpu.memref_squeeze %dma_wait3A_37 : memref<1x40x128xi32, #tpu.memory_space<hbm>> -> memref<40x128xi32, #tpu.memory_space<hbm>>
      %dma_wait3A_39 = arith.constant 0 : i32
      %dma_wait3A_40 = arith.constant 0 : i32
      %dma_wait3A_41 = tpu.memref_slice %arg3[%add3A, %dma_wait3A_39, %dma_wait3A_40] : memref<32x40x128xi32, #tpu.memory_space<hbm>> -> memref<1x40x128xi32, #tpu.memory_space<hbm>>
      %dma_wait3A_42 = tpu.memref_squeeze %dma_wait3A_41 : memref<1x40x128xi32, #tpu.memory_space<hbm>> -> memref<40x128xi32, #tpu.memory_space<hbm>>
      tpu.wait_dma2 semaphore(%run_scoped3A : memref<!tpu.dma_semaphore, #tpu.memory_space<semaphore_mem>>) src(%dma_wait3A_42 : memref<40x128xi32, #tpu.memory_space<hbm>>) dst(%arg10 : memref<40x128xi32, #tpu.memory_space<vmem>>)
      tpu.yield
    }) : () -> ()
    "tpu.region"() ({
      %run_scoped3A = tpu.sem_alloc : memref<!tpu.dma_semaphore, #tpu.memory_space<semaphore_mem>>
      tpu.enqueue_dma source(%arg4 : memref<30720xf32, #tpu.memory_space<hbm>>) target(%arg11 : memref<30720xf32, #tpu.memory_space<vmem>>) target_semaphore(%run_scoped3A : memref<!tpu.dma_semaphore, #tpu.memory_space<semaphore_mem>>)
      tpu.wait_dma2 semaphore(%run_scoped3A : memref<!tpu.dma_semaphore, #tpu.memory_space<semaphore_mem>>) src(%arg4 : memref<30720xf32, #tpu.memory_space<hbm>>) dst(%arg11 : memref<30720xf32, #tpu.memory_space<vmem>>)
      tpu.yield
    }) : () -> ()
    %mul3A_3 = arith.constant 640 : i32
    %mul3A_4 = arith.muli %arg1, %mul3A_3 : i32
    %mul3A_5 = arith.constant 640 : i32
    %mul3A_6 = arith.muli %arg1, %mul3A_5 : i32
    "tpu.region"() ({
      %run_scoped3A = tpu.sem_alloc : memref<!tpu.dma_semaphore, #tpu.memory_space<semaphore_mem>>
      %dma_start3A_28 = arith.constant 0 : i32
      %dma_start3A_29 = tpu.memref_slice %arg19[%mul3A_6, %dma_start3A_28] : memref<10240x48xf32, #tpu.memory_space<vmem_shared>> -> memref<640x48xf32, #tpu.memory_space<vmem_shared>>
      %dma_start3A_30 = arith.constant 0 : i32
      %dma_start3A_31 = tpu.memref_slice %arg7[%mul3A_4, %dma_start3A_30] : memref<10240x48xf32, #tpu.memory_space<hbm>> -> memref<640x48xf32, #tpu.memory_space<hbm>>
      tpu.enqueue_dma source(%dma_start3A_31 : memref<640x48xf32, #tpu.memory_space<hbm>>) target(%dma_start3A_29 : memref<640x48xf32, #tpu.memory_space<vmem_shared>>) target_semaphore(%run_scoped3A : memref<!tpu.dma_semaphore, #tpu.memory_space<semaphore_mem>>)
      %dma_wait3A = arith.constant 0 : i32
      %dma_wait3A_32 = tpu.memref_slice %arg19[%mul3A_6, %dma_wait3A] : memref<10240x48xf32, #tpu.memory_space<vmem_shared>> -> memref<640x48xf32, #tpu.memory_space<vmem_shared>>
      %dma_wait3A_33 = arith.constant 0 : i32
      %dma_wait3A_34 = tpu.memref_slice %arg7[%mul3A_4, %dma_wait3A_33] : memref<10240x48xf32, #tpu.memory_space<hbm>> -> memref<640x48xf32, #tpu.memory_space<hbm>>
      tpu.wait_dma2 semaphore(%run_scoped3A : memref<!tpu.dma_semaphore, #tpu.memory_space<semaphore_mem>>) src(%dma_wait3A_34 : memref<640x48xf32, #tpu.memory_space<hbm>>) dst(%dma_wait3A_32 : memref<640x48xf32, #tpu.memory_space<vmem_shared>>)
      tpu.yield
    }) : () -> ()
    %barrier3A = arith.constant 0 : index
    tpu.barrier barrier_id(%barrier3A)
    %iota3A = tpu.iota {dimensions = array<i32: 0>} : vector<16xi32>
    %dma_start3A = arith.constant 0 : i32
    %dma_start3A_7 = arith.constant 0 : i32
    %dma_start3A_8 = tpu.memref_slice %arg9[%dma_start3A, %dma_start3A_7] : memref<40x128xi32, #tpu.memory_space<vmem>> -> memref<1x128xi32, #tpu.memory_space<vmem>>
    %dma_start3A_9 = tpu.memref_squeeze %dma_start3A_8 : memref<1x128xi32, #tpu.memory_space<vmem>> -> memref<128xi32, #tpu.memory_space<vmem>>
    %dma_start3A_10 = arith.constant 0 : i32
    %dma_start3A_11 = arith.constant 0 : i32
    %dma_start3A_12 = tpu.memref_slice %arg5[%dma_start3A_10, %dma_start3A_11] : memref<10240x32xf32, #tpu.memory_space<hbm>> -> memref<10240x32xf32, #tpu.memory_space<hbm>>
    tpu.enqueue_indirect_dma source(%dma_start3A_12 : memref<10240x32xf32, #tpu.memory_space<hbm>>) target(%arg12 : memref<128x32xf32, #tpu.memory_space<vmem>>) offsets(%dma_start3A_9 : memref<128xi32, #tpu.memory_space<vmem>>) semaphore(%arg17 : memref<!tpu.dma_semaphore, #tpu.memory_space<semaphore_mem>>)
    %add3A_13 = arith.constant 0 : i32
    %add3A_14 = arith.addi %mul3A_2, %add3A_13 : i32
    %dma_start3A_15 = arith.constant 0 : i32
    %dma_start3A_16 = tpu.memref_slice %arg6[%add3A_14, %dma_start3A_15] : memref<163840x32xf32, #tpu.memory_space<hbm>> -> memref<128x32xf32, #tpu.memory_space<hbm>>
    %dma_start3A_17 = arith.constant 0 : i32
    %dma_start3A_18 = tpu.memref_slice %arg6[%add3A_14, %dma_start3A_17] : memref<163840x32xf32, #tpu.memory_space<hbm>> -> memref<128x32xf32, #tpu.memory_space<hbm>>
    tpu.enqueue_dma source(%dma_start3A_18 : memref<128x32xf32, #tpu.memory_space<hbm>>) target(%arg13 : memref<128x32xf32, #tpu.memory_space<vmem>>) target_semaphore(%arg17 : memref<!tpu.dma_semaphore, #tpu.memory_space<semaphore_mem>>)
    %scan3A = arith.constant 0 : i32
    %scan3A_19 = arith.constant 20 : i32
    %scan3A_20 = arith.addi %scan3A, %scan3A_19 : i32
    %scan3A_21 = arith.constant 1 : i32
    scf.for %scan3A_28 = %scan3A to %scan3A_20 step %scan3A_21  : i32 {
      %mul3A_29 = arith.constant 1 : i32
      %mul3A_30 = arith.muli %scan3A_28, %mul3A_29 : i32
      %add3A_31 = arith.constant 0 : i32
      %add3A_32 = arith.addi %add3A_31, %mul3A_30 : i32
      %mul3A_33 = arith.constant 2 : i32
      %mul3A_34 = arith.muli %add3A_32, %mul3A_33 : i32
      %add3A_35 = arith.constant 0 : i32
      %add3A_36 = arith.addi %mul3A_34, %add3A_35 : i32
      %dma_wait3A = arith.constant 0 : i32
      %dma_wait3A_37 = tpu.memref_slice %arg9[%add3A_36, %dma_wait3A] : memref<40x128xi32, #tpu.memory_space<vmem>> -> memref<1x128xi32, #tpu.memory_space<vmem>>
      %dma_wait3A_38 = tpu.memref_squeeze %dma_wait3A_37 : memref<1x128xi32, #tpu.memory_space<vmem>> -> memref<128xi32, #tpu.memory_space<vmem>>
      %dma_wait3A_39 = arith.constant 0 : i32
      %dma_wait3A_40 = arith.constant 0 : i32
      %dma_wait3A_41 = tpu.memref_slice %arg5[%dma_wait3A_39, %dma_wait3A_40] : memref<10240x32xf32, #tpu.memory_space<hbm>> -> memref<10240x32xf32, #tpu.memory_space<hbm>>
      tpu.wait_indirect_dma semaphore(%arg17 : memref<!tpu.dma_semaphore, #tpu.memory_space<semaphore_mem>>) src(%dma_wait3A_41 : memref<10240x32xf32, #tpu.memory_space<hbm>>) dst(%arg12 : memref<128x32xf32, #tpu.memory_space<vmem>>)
      %mul3A_42 = arith.constant 128 : i32
      %mul3A_43 = arith.muli %add3A_36, %mul3A_42 : i32
      %add3A_44 = arith.addi %mul3A_2, %mul3A_43 : i32
      %dma_wait3A_45 = arith.constant 0 : i32
      %dma_wait3A_46 = tpu.memref_slice %arg6[%add3A_44, %dma_wait3A_45] : memref<163840x32xf32, #tpu.memory_space<hbm>> -> memref<128x32xf32, #tpu.memory_space<hbm>>
      %dma_wait3A_47 = arith.constant 0 : i32
      %dma_wait3A_48 = tpu.memref_slice %arg6[%add3A_44, %dma_wait3A_47] : memref<163840x32xf32, #tpu.memory_space<hbm>> -> memref<128x32xf32, #tpu.memory_space<hbm>>
      tpu.wait_dma2 semaphore(%arg17 : memref<!tpu.dma_semaphore, #tpu.memory_space<semaphore_mem>>) src(%dma_wait3A_48 : memref<128x32xf32, #tpu.memory_space<hbm>>) dst(%arg13 : memref<128x32xf32, #tpu.memory_space<vmem>>)
      %add3A_49 = arith.constant 1 : i32
      %add3A_50 = arith.addi %add3A_36, %add3A_49 : i32
      %dma_start3A_51 = arith.constant 0 : i32
      %dma_start3A_52 = tpu.memref_slice %arg9[%add3A_50, %dma_start3A_51] : memref<40x128xi32, #tpu.memory_space<vmem>> -> memref<1x128xi32, #tpu.memory_space<vmem>>
      %dma_start3A_53 = tpu.memref_squeeze %dma_start3A_52 : memref<1x128xi32, #tpu.memory_space<vmem>> -> memref<128xi32, #tpu.memory_space<vmem>>
      %dma_start3A_54 = arith.constant 0 : i32
      %dma_start3A_55 = arith.constant 0 : i32
      %dma_start3A_56 = tpu.memref_slice %arg5[%dma_start3A_54, %dma_start3A_55] : memref<10240x32xf32, #tpu.memory_space<hbm>> -> memref<10240x32xf32, #tpu.memory_space<hbm>>
      tpu.enqueue_indirect_dma source(%dma_start3A_56 : memref<10240x32xf32, #tpu.memory_space<hbm>>) target(%arg14 : memref<128x32xf32, #tpu.memory_space<vmem>>) offsets(%dma_start3A_53 : memref<128xi32, #tpu.memory_space<vmem>>) semaphore(%arg18 : memref<!tpu.dma_semaphore, #tpu.memory_space<semaphore_mem>>)
      %mul3A_57 = arith.constant 128 : i32
      %mul3A_58 = arith.muli %add3A_50, %mul3A_57 : i32
      %add3A_59 = arith.addi %mul3A_2, %mul3A_58 : i32
      %dma_start3A_60 = arith.constant 0 : i32
      %dma_start3A_61 = tpu.memref_slice %arg6[%add3A_59, %dma_start3A_60] : memref<163840x32xf32, #tpu.memory_space<hbm>> -> memref<128x32xf32, #tpu.memory_space<hbm>>
      %dma_start3A_62 = arith.constant 0 : i32
      %dma_start3A_63 = tpu.memref_slice %arg6[%add3A_59, %dma_start3A_62] : memref<163840x32xf32, #tpu.memory_space<hbm>> -> memref<128x32xf32, #tpu.memory_space<hbm>>
      tpu.enqueue_dma source(%dma_start3A_63 : memref<128x32xf32, #tpu.memory_space<hbm>>) target(%arg15 : memref<128x32xf32, #tpu.memory_space<vmem>>) target_semaphore(%arg18 : memref<!tpu.dma_semaphore, #tpu.memory_space<semaphore_mem>>)
      %scan3A_64 = arith.constant 0 : i32
      %scan3A_65 = arith.constant 8 : i32
      %scan3A_66 = arith.addi %scan3A_64, %scan3A_65 : i32
      %scan3A_67 = arith.constant 1 : i32
      scf.for %scan3A_95 = %scan3A_64 to %scan3A_66 step %scan3A_67  : i32 {
        %mul3A_96 = arith.constant 1 : i32
        %mul3A_97 = arith.muli %scan3A_95, %mul3A_96 : i32
        %add3A_98 = arith.constant 0 : i32
        %add3A_99 = arith.addi %add3A_98, %mul3A_97 : i32
        %mul3A_100 = arith.constant 16 : i32
        %mul3A_101 = arith.muli %add3A_99, %mul3A_100 : i32
        %get3A = arith.index_cast %add3A_36 : i32 to index
        %get3A_102 = arith.index_cast %mul3A_101 : i32 to index
        %get3A_103 = tpu.vector_load %arg9[%get3A, %get3A_102] {strides = array<i32>} : memref<40x128xi32, #tpu.memory_space<vmem>>, vector<16xi32>,
        %mul3A_104 = arith.constant 3 : i32
        %mul3A_105 = vector.broadcast %mul3A_104 : i32 to vector<16xi32>
        %mul3A_106 = arith.muli %get3A_103, %mul3A_105 : vector<16xi32>
        %mul3A_107 = arith.constant 16 : i32
        %mul3A_108 = arith.muli %add3A_99, %mul3A_107 : i32
        %get3A_109 = arith.index_cast %add3A_36 : i32 to index
        %get3A_110 = arith.index_cast %mul3A_108 : i32 to index
        %get3A_111 = tpu.vector_load %arg10[%get3A_109, %get3A_110] {strides = array<i32>} : memref<40x128xi32, #tpu.memory_space<vmem>>, vector<16xi32>,
        %mul3A_112 = arith.constant 3 : i32
        %mul3A_113 = vector.broadcast %mul3A_112 : i32 to vector<16xi32>
        %mul3A_114 = arith.muli %get3A_111, %mul3A_113 : vector<16xi32>
        %gather3A = tpu.vector_load_idx %arg11[%mul3A_114] : memref<30720xf32, #tpu.memory_space<vmem>>[vector<16xi32>], vector<16xf32>,
        %gather3A_115 = tpu.vector_load_idx %arg11[%mul3A_106] : memref<30720xf32, #tpu.memory_space<vmem>>[vector<16xi32>], vector<16xf32>,
        %sub3A = arith.subf %gather3A, %gather3A_115 : vector<16xf32>
        %add3A_116 = arith.constant 1 : i32
        %add3A_117 = vector.broadcast %add3A_116 : i32 to vector<16xi32>
        %add3A_118 = arith.addi %mul3A_114, %add3A_117 : vector<16xi32>
        %gather3A_119 = tpu.vector_load_idx %arg11[%add3A_118] : memref<30720xf32, #tpu.memory_space<vmem>>[vector<16xi32>], vector<16xf32>,
        %add3A_120 = arith.constant 1 : i32
        %add3A_121 = vector.broadcast %add3A_120 : i32 to vector<16xi32>
        %add3A_122 = arith.addi %mul3A_106, %add3A_121 : vector<16xi32>
        %gather3A_123 = tpu.vector_load_idx %arg11[%add3A_122] : memref<30720xf32, #tpu.memory_space<vmem>>[vector<16xi32>], vector<16xf32>,
        %sub3A_124 = arith.subf %gather3A_119, %gather3A_123 : vector<16xf32>
        %add3A_125 = arith.constant 2 : i32
        %add3A_126 = vector.broadcast %add3A_125 : i32 to vector<16xi32>
        %add3A_127 = arith.addi %mul3A_114, %add3A_126 : vector<16xi32>
        %gather3A_128 = tpu.vector_load_idx %arg11[%add3A_127] : memref<30720xf32, #tpu.memory_space<vmem>>[vector<16xi32>], vector<16xf32>,
        %add3A_129 = arith.constant 2 : i32
        %add3A_130 = vector.broadcast %add3A_129 : i32 to vector<16xi32>
        %add3A_131 = arith.addi %mul3A_106, %add3A_130 : vector<16xi32>
        %gather3A_132 = tpu.vector_load_idx %arg11[%add3A_131] : memref<30720xf32, #tpu.memory_space<vmem>>[vector<16xi32>], vector<16xf32>,
        %sub3A_133 = arith.subf %gather3A_128, %gather3A_132 : vector<16xf32>
        %mul3A_134 = arith.mulf %sub3A, %sub3A : vector<16xf32>
        %mul3A_135 = arith.mulf %sub3A_124, %sub3A_124 : vector<16xf32>
        %add3A_136 = arith.addf %mul3A_134, %mul3A_135 : vector<16xf32>
        %mul3A_137 = arith.mulf %sub3A_133, %sub3A_133 : vector<16xf32>
        %add3A_138 = arith.addf %add3A_136, %mul3A_137 : vector<16xf32>
        %add3A_139 = arith.constant 9.99999996E-13 : f32
        %add3A_140 = vector.broadcast %add3A_139 : f32 to vector<16xf32>
        %add3A_141 = arith.addf %add3A_138, %add3A_140 : vector<16xf32>
        %bitcast3A = vector.bitcast %add3A_141 : vector<16xf32> to vector<16xi32>
        %broadcast_in_dim3A = arith.constant 1597463007 : i32
        %broadcast_in_dim3A_142 = vector.broadcast %broadcast_in_dim3A : i32 to vector<16xi32>
        %broadcast_in_dim3A_143 = arith.constant 1 : i32
        %broadcast_in_dim3A_144 = vector.broadcast %broadcast_in_dim3A_143 : i32 to vector<16xi32>
        %shift_right_logical3A = arith.shrui %bitcast3A, %broadcast_in_dim3A_144 : vector<16xi32>
        %sub3A_145 = arith.subi %broadcast_in_dim3A_142, %shift_right_logical3A : vector<16xi32>
        %bitcast3A_146 = vector.bitcast %sub3A_145 : vector<16xi32> to vector<16xf32>
        %mul3A_147 = arith.constant 5.000000e-01 : f32
        %mul3A_148 = vector.broadcast %mul3A_147 : f32 to vector<16xf32>
        %mul3A_149 = arith.mulf %mul3A_148, %add3A_141 : vector<16xf32>
        %mul3A_150 = arith.mulf %mul3A_149, %bitcast3A_146 : vector<16xf32>
        %mul3A_151 = arith.mulf %mul3A_150, %bitcast3A_146 : vector<16xf32>
        %sub3A_152 = arith.constant 1.500000e+00 : f32
        %sub3A_153 = vector.broadcast %sub3A_152 : f32 to vector<16xf32>
        %sub3A_154 = arith.subf %sub3A_153, %mul3A_151 : vector<16xf32>
        %mul3A_155 = arith.mulf %bitcast3A_146, %sub3A_154 : vector<16xf32>
        %mul3A_156 = arith.constant 5.000000e-01 : f32
        %mul3A_157 = vector.broadcast %mul3A_156 : f32 to vector<16xf32>
        %mul3A_158 = arith.mulf %mul3A_157, %add3A_141 : vector<16xf32>
        %mul3A_159 = arith.mulf %mul3A_158, %mul3A_155 : vector<16xf32>
        %mul3A_160 = arith.mulf %mul3A_159, %mul3A_155 : vector<16xf32>
        %sub3A_161 = arith.constant 1.500000e+00 : f32
        %sub3A_162 = vector.broadcast %sub3A_161 : f32 to vector<16xf32>
        %sub3A_163 = arith.subf %sub3A_162, %mul3A_160 : vector<16xf32>
        %mul3A_164 = arith.mulf %mul3A_155, %sub3A_163 : vector<16xf32>
        %mul3A_165 = arith.constant 5.000000e-01 : f32
        %mul3A_166 = vector.broadcast %mul3A_165 : f32 to vector<16xf32>
        %mul3A_167 = arith.mulf %mul3A_166, %add3A_141 : vector<16xf32>
        %mul3A_168 = arith.mulf %mul3A_167, %mul3A_164 : vector<16xf32>
        %mul3A_169 = arith.mulf %mul3A_168, %mul3A_164 : vector<16xf32>
        %sub3A_170 = arith.constant 1.500000e+00 : f32
        %sub3A_171 = vector.broadcast %sub3A_170 : f32 to vector<16xf32>
        %sub3A_172 = arith.subf %sub3A_171, %mul3A_169 : vector<16xf32>
        %mul3A_173 = arith.mulf %mul3A_164, %sub3A_172 : vector<16xf32>
        %mul3A_174 = arith.constant 1.73205078 : f32
        %mul3A_175 = vector.broadcast %mul3A_174 : f32 to vector<16xf32>
        %mul3A_176 = arith.mulf %mul3A_173, %mul3A_175 : vector<16xf32>
        %mul3A_177 = arith.mulf %sub3A, %mul3A_176 : vector<16xf32>
        %mul3A_178 = arith.mulf %sub3A_124, %mul3A_176 : vector<16xf32>
        %mul3A_179 = arith.mulf %sub3A_133, %mul3A_176 : vector<16xf32>
        %mul3A_180 = arith.constant 16 : i32
        %mul3A_181 = arith.muli %add3A_99, %mul3A_180 : i32
        %add3A_182 = vector.broadcast %mul3A_181 : i32 to vector<16xi32>
        %add3A_183 = arith.addi %iota3A, %add3A_182 : vector<16xi32>
        %broadcast_in_dim3A_184 = arith.constant 0.000000e+00 : f32
        %broadcast_in_dim3A_185 = vector.broadcast %broadcast_in_dim3A_184 : f32 to vector<16xf32>
        %add3A_186 = arith.constant 0 : i32
        %add3A_187 = vector.broadcast %add3A_186 : i32 to vector<16xi32>
        %add3A_188 = arith.addi %iota3A, %add3A_187 : vector<16xi32>
        %and3A = arith.constant 31 : i32
        %and3A_189 = vector.broadcast %and3A : i32 to vector<16xi32>
        %and3A_190 = arith.andi %add3A_188, %and3A_189 : vector<16xi32>
        %gather3A_191 = tpu.vector_load_idx %arg12[%add3A_183, %and3A_190] : memref<128x32xf32, #tpu.memory_space<vmem>>[vector<16xi32>, vector<16xi32>], vector<16xf32>,
        %gather3A_192 = tpu.vector_load_idx %arg13[%add3A_183, %and3A_190] : memref<128x32xf32, #tpu.memory_space<vmem>>[vector<16xi32>, vector<16xi32>], vector<16xf32>,
        %mul3A_193 = arith.mulf %gather3A_191, %gather3A_192 : vector<16xf32>
        %add3A_194 = arith.addf %broadcast_in_dim3A_185, %mul3A_193 : vector<16xf32>
        tpu.vector_store_idx %arg16[%add3A_183, %and3A_190], %mul3A_193 : memref<128x48xf32, #tpu.memory_space<vmem>>[vector<16xi32>, vector<16xi32>], vector<16xf32>,
        %add3A_195 = arith.constant 1 : i32
        %add3A_196 = vector.broadcast %add3A_195 : i32 to vector<16xi32>
        %add3A_197 = arith.addi %iota3A, %add3A_196 : vector<16xi32>
        %and3A_198 = arith.constant 31 : i32
        %and3A_199 = vector.broadcast %and3A_198 : i32 to vector<16xi32>
        %and3A_200 = arith.andi %add3A_197, %and3A_199 : vector<16xi32>
        %gather3A_201 = tpu.vector_load_idx %arg12[%add3A_183, %and3A_200] : memref<128x32xf32, #tpu.memory_space<vmem>>[vector<16xi32>, vector<16xi32>], vector<16xf32>,
        %gather3A_202 = tpu.vector_load_idx %arg13[%add3A_183, %and3A_200] : memref<128x32xf32, #tpu.memory_space<vmem>>[vector<16xi32>, vector<16xi32>], vector<16xf32>,
        %mul3A_203 = arith.mulf %gather3A_201, %gather3A_202 : vector<16xf32>
        %add3A_204 = arith.addf %add3A_194, %mul3A_203 : vector<16xf32>
        tpu.vector_store_idx %arg16[%add3A_183, %and3A_200], %mul3A_203 : memref<128x48xf32, #tpu.memory_space<vmem>>[vector<16xi32>, vector<16xi32>], vector<16xf32>,
        %add3A_205 = arith.constant 2 : i32
        %add3A_206 = vector.broadcast %add3A_205 : i32 to vector<16xi32>
        %add3A_207 = arith.addi %iota3A, %add3A_206 : vector<16xi32>
        %and3A_208 = arith.constant 31 : i32
        %and3A_209 = vector.broadcast %and3A_208 : i32 to vector<16xi32>
        %and3A_210 = arith.andi %add3A_207, %and3A_209 : vector<16xi32>
        %gather3A_211 = tpu.vector_load_idx %arg12[%add3A_183, %and3A_210] : memref<128x32xf32, #tpu.memory_space<vmem>>[vector<16xi32>, vector<16xi32>], vector<16xf32>,
        %gather3A_212 = tpu.vector_load_idx %arg13[%add3A_183, %and3A_210] : memref<128x32xf32, #tpu.memory_space<vmem>>[vector<16xi32>, vector<16xi32>], vector<16xf32>,
        %mul3A_213 = arith.mulf %gather3A_211, %gather3A_212 : vector<16xf32>
        %add3A_214 = arith.addf %add3A_204, %mul3A_213 : vector<16xf32>
        tpu.vector_store_idx %arg16[%add3A_183, %and3A_210], %mul3A_213 : memref<128x48xf32, #tpu.memory_space<vmem>>[vector<16xi32>, vector<16xi32>], vector<16xf32>,
        %add3A_215 = arith.constant 3 : i32
        %add3A_216 = vector.broadcast %add3A_215 : i32 to vector<16xi32>
        %add3A_217 = arith.addi %iota3A, %add3A_216 : vector<16xi32>
        %and3A_218 = arith.constant 31 : i32
        %and3A_219 = vector.broadcast %and3A_218 : i32 to vector<16xi32>
        %and3A_220 = arith.andi %add3A_217, %and3A_219 : vector<16xi32>
        %gather3A_221 = tpu.vector_load_idx %arg12[%add3A_183, %and3A_220] : memref<128x32xf32, #tpu.memory_space<vmem>>[vector<16xi32>, vector<16xi32>], vector<16xf32>,
        %gather3A_222 = tpu.vector_load_idx %arg13[%add3A_183, %and3A_220] : memref<128x32xf32, #tpu.memory_space<vmem>>[vector<16xi32>, vector<16xi32>], vector<16xf32>,
        %mul3A_223 = arith.mulf %gather3A_221, %gather3A_222 : vector<16xf32>
        %add3A_224 = arith.addf %add3A_214, %mul3A_223 : vector<16xf32>
        tpu.vector_store_idx %arg16[%add3A_183, %and3A_220], %mul3A_223 : memref<128x48xf32, #tpu.memory_space<vmem>>[vector<16xi32>, vector<16xi32>], vector<16xf32>,
        %add3A_225 = arith.constant 4 : i32
        %add3A_226 = vector.broadcast %add3A_225 : i32 to vector<16xi32>
        %add3A_227 = arith.addi %iota3A, %add3A_226 : vector<16xi32>
        %and3A_228 = arith.constant 31 : i32
        %and3A_229 = vector.broadcast %and3A_228 : i32 to vector<16xi32>
        %and3A_230 = arith.andi %add3A_227, %and3A_229 : vector<16xi32>
        %gather3A_231 = tpu.vector_load_idx %arg12[%add3A_183, %and3A_230] : memref<128x32xf32, #tpu.memory_space<vmem>>[vector<16xi32>, vector<16xi32>], vector<16xf32>,
        %gather3A_232 = tpu.vector_load_idx %arg13[%add3A_183, %and3A_230] : memref<128x32xf32, #tpu.memory_space<vmem>>[vector<16xi32>, vector<16xi32>], vector<16xf32>,
        %mul3A_233 = arith.mulf %gather3A_231, %gather3A_232 : vector<16xf32>
        %add3A_234 = arith.addf %add3A_224, %mul3A_233 : vector<16xf32>
        tpu.vector_store_idx %arg16[%add3A_183, %and3A_230], %mul3A_233 : memref<128x48xf32, #tpu.memory_space<vmem>>[vector<16xi32>, vector<16xi32>], vector<16xf32>,
        %add3A_235 = arith.constant 5 : i32
        %add3A_236 = vector.broadcast %add3A_235 : i32 to vector<16xi32>
        %add3A_237 = arith.addi %iota3A, %add3A_236 : vector<16xi32>
        %and3A_238 = arith.constant 31 : i32
        %and3A_239 = vector.broadcast %and3A_238 : i32 to vector<16xi32>
        %and3A_240 = arith.andi %add3A_237, %and3A_239 : vector<16xi32>
        %gather3A_241 = tpu.vector_load_idx %arg12[%add3A_183, %and3A_240] : memref<128x32xf32, #tpu.memory_space<vmem>>[vector<16xi32>, vector<16xi32>], vector<16xf32>,
        %gather3A_242 = tpu.vector_load_idx %arg13[%add3A_183, %and3A_240] : memref<128x32xf32, #tpu.memory_space<vmem>>[vector<16xi32>, vector<16xi32>], vector<16xf32>,
        %mul3A_243 = arith.mulf %gather3A_241, %gather3A_242 : vector<16xf32>
        %add3A_244 = arith.addf %add3A_234, %mul3A_243 : vector<16xf32>
        tpu.vector_store_idx %arg16[%add3A_183, %and3A_240], %mul3A_243 : memref<128x48xf32, #tpu.memory_space<vmem>>[vector<16xi32>, vector<16xi32>], vector<16xf32>,
        %add3A_245 = arith.constant 6 : i32
        %add3A_246 = vector.broadcast %add3A_245 : i32 to vector<16xi32>
        %add3A_247 = arith.addi %iota3A, %add3A_246 : vector<16xi32>
        %and3A_248 = arith.constant 31 : i32
        %and3A_249 = vector.broadcast %and3A_248 : i32 to vector<16xi32>
        %and3A_250 = arith.andi %add3A_247, %and3A_249 : vector<16xi32>
        %gather3A_251 = tpu.vector_load_idx %arg12[%add3A_183, %and3A_250] : memref<128x32xf32, #tpu.memory_space<vmem>>[vector<16xi32>, vector<16xi32>], vector<16xf32>,
        %gather3A_252 = tpu.vector_load_idx %arg13[%add3A_183, %and3A_250] : memref<128x32xf32, #tpu.memory_space<vmem>>[vector<16xi32>, vector<16xi32>], vector<16xf32>,
        %mul3A_253 = arith.mulf %gather3A_251, %gather3A_252 : vector<16xf32>
        %add3A_254 = arith.addf %add3A_244, %mul3A_253 : vector<16xf32>
        tpu.vector_store_idx %arg16[%add3A_183, %and3A_250], %mul3A_253 : memref<128x48xf32, #tpu.memory_space<vmem>>[vector<16xi32>, vector<16xi32>], vector<16xf32>,
        %add3A_255 = arith.constant 7 : i32
        %add3A_256 = vector.broadcast %add3A_255 : i32 to vector<16xi32>
        %add3A_257 = arith.addi %iota3A, %add3A_256 : vector<16xi32>
        %and3A_258 = arith.constant 31 : i32
        %and3A_259 = vector.broadcast %and3A_258 : i32 to vector<16xi32>
        %and3A_260 = arith.andi %add3A_257, %and3A_259 : vector<16xi32>
        %gather3A_261 = tpu.vector_load_idx %arg12[%add3A_183, %and3A_260] : memref<128x32xf32, #tpu.memory_space<vmem>>[vector<16xi32>, vector<16xi32>], vector<16xf32>,
        %gather3A_262 = tpu.vector_load_idx %arg13[%add3A_183, %and3A_260] : memref<128x32xf32, #tpu.memory_space<vmem>>[vector<16xi32>, vector<16xi32>], vector<16xf32>,
        %mul3A_263 = arith.mulf %gather3A_261, %gather3A_262 : vector<16xf32>
        %add3A_264 = arith.addf %add3A_254, %mul3A_263 : vector<16xf32>
        tpu.vector_store_idx %arg16[%add3A_183, %and3A_260], %mul3A_263 : memref<128x48xf32, #tpu.memory_space<vmem>>[vector<16xi32>, vector<16xi32>], vector<16xf32>,
        %add3A_265 = arith.constant 8 : i32
        %add3A_266 = vector.broadcast %add3A_265 : i32 to vector<16xi32>
        %add3A_267 = arith.addi %iota3A, %add3A_266 : vector<16xi32>
        %and3A_268 = arith.constant 31 : i32
        %and3A_269 = vector.broadcast %and3A_268 : i32 to vector<16xi32>
        %and3A_270 = arith.andi %add3A_267, %and3A_269 : vector<16xi32>
        %gather3A_271 = tpu.vector_load_idx %arg12[%add3A_183, %and3A_270] : memref<128x32xf32, #tpu.memory_space<vmem>>[vector<16xi32>, vector<16xi32>], vector<16xf32>,
        %gather3A_272 = tpu.vector_load_idx %arg13[%add3A_183, %and3A_270] : memref<128x32xf32, #tpu.memory_space<vmem>>[vector<16xi32>, vector<16xi32>], vector<16xf32>,
        %mul3A_273 = arith.mulf %gather3A_271, %gather3A_272 : vector<16xf32>
        %add3A_274 = arith.addf %add3A_264, %mul3A_273 : vector<16xf32>
        tpu.vector_store_idx %arg16[%add3A_183, %and3A_270], %mul3A_273 : memref<128x48xf32, #tpu.memory_space<vmem>>[vector<16xi32>, vector<16xi32>], vector<16xf32>,
        %add3A_275 = arith.constant 9 : i32
        %add3A_276 = vector.broadcast %add3A_275 : i32 to vector<16xi32>
        %add3A_277 = arith.addi %iota3A, %add3A_276 : vector<16xi32>
        %and3A_278 = arith.constant 31 : i32
        %and3A_279 = vector.broadcast %and3A_278 : i32 to vector<16xi32>
        %and3A_280 = arith.andi %add3A_277, %and3A_279 : vector<16xi32>
        %gather3A_281 = tpu.vector_load_idx %arg12[%add3A_183, %and3A_280] : memref<128x32xf32, #tpu.memory_space<vmem>>[vector<16xi32>, vector<16xi32>], vector<16xf32>,
        %gather3A_282 = tpu.vector_load_idx %arg13[%add3A_183, %and3A_280] : memref<128x32xf32, #tpu.memory_space<vmem>>[vector<16xi32>, vector<16xi32>], vector<16xf32>,
        %mul3A_283 = arith.mulf %gather3A_281, %gather3A_282 : vector<16xf32>
        %add3A_284 = arith.addf %add3A_274, %mul3A_283 : vector<16xf32>
        tpu.vector_store_idx %arg16[%add3A_183, %and3A_280], %mul3A_283 : memref<128x48xf32, #tpu.memory_space<vmem>>[vector<16xi32>, vector<16xi32>], vector<16xf32>,
        %add3A_285 = arith.constant 10 : i32
        %add3A_286 = vector.broadcast %add3A_285 : i32 to vector<16xi32>
        %add3A_287 = arith.addi %iota3A, %add3A_286 : vector<16xi32>
        %and3A_288 = arith.constant 31 : i32
        %and3A_289 = vector.broadcast %and3A_288 : i32 to vector<16xi32>
        %and3A_290 = arith.andi %add3A_287, %and3A_289 : vector<16xi32>
        %gather3A_291 = tpu.vector_load_idx %arg12[%add3A_183, %and3A_290] : memref<128x32xf32, #tpu.memory_space<vmem>>[vector<16xi32>, vector<16xi32>], vector<16xf32>,
        %gather3A_292 = tpu.vector_load_idx %arg13[%add3A_183, %and3A_290] : memref<128x32xf32, #tpu.memory_space<vmem>>[vector<16xi32>, vector<16xi32>], vector<16xf32>,
        %mul3A_293 = arith.mulf %gather3A_291, %gather3A_292 : vector<16xf32>
        %add3A_294 = arith.addf %add3A_284, %mul3A_293 : vector<16xf32>
        tpu.vector_store_idx %arg16[%add3A_183, %and3A_290], %mul3A_293 : memref<128x48xf32, #tpu.memory_space<vmem>>[vector<16xi32>, vector<16xi32>], vector<16xf32>,
        %add3A_295 = arith.constant 11 : i32
        %add3A_296 = vector.broadcast %add3A_295 : i32 to vector<16xi32>
        %add3A_297 = arith.addi %iota3A, %add3A_296 : vector<16xi32>
        %and3A_298 = arith.constant 31 : i32
        %and3A_299 = vector.broadcast %and3A_298 : i32 to vector<16xi32>
        %and3A_300 = arith.andi %add3A_297, %and3A_299 : vector<16xi32>
        %gather3A_301 = tpu.vector_load_idx %arg12[%add3A_183, %and3A_300] : memref<128x32xf32, #tpu.memory_space<vmem>>[vector<16xi32>, vector<16xi32>], vector<16xf32>,
        %gather3A_302 = tpu.vector_load_idx %arg13[%add3A_183, %and3A_300] : memref<128x32xf32, #tpu.memory_space<vmem>>[vector<16xi32>, vector<16xi32>], vector<16xf32>,
        %mul3A_303 = arith.mulf %gather3A_301, %gather3A_302 : vector<16xf32>
        %add3A_304 = arith.addf %add3A_294, %mul3A_303 : vector<16xf32>
        tpu.vector_store_idx %arg16[%add3A_183, %and3A_300], %mul3A_303 : memref<128x48xf32, #tpu.memory_space<vmem>>[vector<16xi32>, vector<16xi32>], vector<16xf32>,
        %add3A_305 = arith.constant 12 : i32
        %add3A_306 = vector.broadcast %add3A_305 : i32 to vector<16xi32>
        %add3A_307 = arith.addi %iota3A, %add3A_306 : vector<16xi32>
        %and3A_308 = arith.constant 31 : i32
        %and3A_309 = vector.broadcast %and3A_308 : i32 to vector<16xi32>
        %and3A_310 = arith.andi %add3A_307, %and3A_309 : vector<16xi32>
        %gather3A_311 = tpu.vector_load_idx %arg12[%add3A_183, %and3A_310] : memref<128x32xf32, #tpu.memory_space<vmem>>[vector<16xi32>, vector<16xi32>], vector<16xf32>,
        %gather3A_312 = tpu.vector_load_idx %arg13[%add3A_183, %and3A_310] : memref<128x32xf32, #tpu.memory_space<vmem>>[vector<16xi32>, vector<16xi32>], vector<16xf32>,
        %mul3A_313 = arith.mulf %gather3A_311, %gather3A_312 : vector<16xf32>
        %add3A_314 = arith.addf %add3A_304, %mul3A_313 : vector<16xf32>
        tpu.vector_store_idx %arg16[%add3A_183, %and3A_310], %mul3A_313 : memref<128x48xf32, #tpu.memory_space<vmem>>[vector<16xi32>, vector<16xi32>], vector<16xf32>,
        %add3A_315 = arith.constant 13 : i32
        %add3A_316 = vector.broadcast %add3A_315 : i32 to vector<16xi32>
        %add3A_317 = arith.addi %iota3A, %add3A_316 : vector<16xi32>
        %and3A_318 = arith.constant 31 : i32
        %and3A_319 = vector.broadcast %and3A_318 : i32 to vector<16xi32>
        %and3A_320 = arith.andi %add3A_317, %and3A_319 : vector<16xi32>
        %gather3A_321 = tpu.vector_load_idx %arg12[%add3A_183, %and3A_320] : memref<128x32xf32, #tpu.memory_space<vmem>>[vector<16xi32>, vector<16xi32>], vector<16xf32>,
        %gather3A_322 = tpu.vector_load_idx %arg13[%add3A_183, %and3A_320] : memref<128x32xf32, #tpu.memory_space<vmem>>[vector<16xi32>, vector<16xi32>], vector<16xf32>,
        %mul3A_323 = arith.mulf %gather3A_321, %gather3A_322 : vector<16xf32>
        %add3A_324 = arith.addf %add3A_314, %mul3A_323 : vector<16xf32>
        tpu.vector_store_idx %arg16[%add3A_183, %and3A_320], %mul3A_323 : memref<128x48xf32, #tpu.memory_space<vmem>>[vector<16xi32>, vector<16xi32>], vector<16xf32>,
        %add3A_325 = arith.constant 14 : i32
        %add3A_326 = vector.broadcast %add3A_325 : i32 to vector<16xi32>
        %add3A_327 = arith.addi %iota3A, %add3A_326 : vector<16xi32>
        %and3A_328 = arith.constant 31 : i32
        %and3A_329 = vector.broadcast %and3A_328 : i32 to vector<16xi32>
        %and3A_330 = arith.andi %add3A_327, %and3A_329 : vector<16xi32>
        %gather3A_331 = tpu.vector_load_idx %arg12[%add3A_183, %and3A_330] : memref<128x32xf32, #tpu.memory_space<vmem>>[vector<16xi32>, vector<16xi32>], vector<16xf32>,
        %gather3A_332 = tpu.vector_load_idx %arg13[%add3A_183, %and3A_330] : memref<128x32xf32, #tpu.memory_space<vmem>>[vector<16xi32>, vector<16xi32>], vector<16xf32>,
        %mul3A_333 = arith.mulf %gather3A_331, %gather3A_332 : vector<16xf32>
        %add3A_334 = arith.addf %add3A_324, %mul3A_333 : vector<16xf32>
        tpu.vector_store_idx %arg16[%add3A_183, %and3A_330], %mul3A_333 : memref<128x48xf32, #tpu.memory_space<vmem>>[vector<16xi32>, vector<16xi32>], vector<16xf32>,
        %add3A_335 = arith.constant 15 : i32
        %add3A_336 = vector.broadcast %add3A_335 : i32 to vector<16xi32>
        %add3A_337 = arith.addi %iota3A, %add3A_336 : vector<16xi32>
        %and3A_338 = arith.constant 31 : i32
        %and3A_339 = vector.broadcast %and3A_338 : i32 to vector<16xi32>
        %and3A_340 = arith.andi %add3A_337, %and3A_339 : vector<16xi32>
        %gather3A_341 = tpu.vector_load_idx %arg12[%add3A_183, %and3A_340] : memref<128x32xf32, #tpu.memory_space<vmem>>[vector<16xi32>, vector<16xi32>], vector<16xf32>,
        %gather3A_342 = tpu.vector_load_idx %arg13[%add3A_183, %and3A_340] : memref<128x32xf32, #tpu.memory_space<vmem>>[vector<16xi32>, vector<16xi32>], vector<16xf32>,
        %mul3A_343 = arith.mulf %gather3A_341, %gather3A_342 : vector<16xf32>
        %add3A_344 = arith.addf %add3A_334, %mul3A_343 : vector<16xf32>
        tpu.vector_store_idx %arg16[%add3A_183, %and3A_340], %mul3A_343 : memref<128x48xf32, #tpu.memory_space<vmem>>[vector<16xi32>, vector<16xi32>], vector<16xf32>,
        %add3A_345 = arith.constant 16 : i32
        %add3A_346 = vector.broadcast %add3A_345 : i32 to vector<16xi32>
        %add3A_347 = arith.addi %iota3A, %add3A_346 : vector<16xi32>
        %and3A_348 = arith.constant 31 : i32
        %and3A_349 = vector.broadcast %and3A_348 : i32 to vector<16xi32>
        %and3A_350 = arith.andi %add3A_347, %and3A_349 : vector<16xi32>
        %gather3A_351 = tpu.vector_load_idx %arg12[%add3A_183, %and3A_350] : memref<128x32xf32, #tpu.memory_space<vmem>>[vector<16xi32>, vector<16xi32>], vector<16xf32>,
        %gather3A_352 = tpu.vector_load_idx %arg13[%add3A_183, %and3A_350] : memref<128x32xf32, #tpu.memory_space<vmem>>[vector<16xi32>, vector<16xi32>], vector<16xf32>,
        %mul3A_353 = arith.mulf %gather3A_351, %gather3A_352 : vector<16xf32>
        %add3A_354 = arith.addf %add3A_344, %mul3A_353 : vector<16xf32>
        tpu.vector_store_idx %arg16[%add3A_183, %and3A_350], %mul3A_353 : memref<128x48xf32, #tpu.memory_space<vmem>>[vector<16xi32>, vector<16xi32>], vector<16xf32>,
        %add3A_355 = arith.constant 17 : i32
        %add3A_356 = vector.broadcast %add3A_355 : i32 to vector<16xi32>
        %add3A_357 = arith.addi %iota3A, %add3A_356 : vector<16xi32>
        %and3A_358 = arith.constant 31 : i32
        %and3A_359 = vector.broadcast %and3A_358 : i32 to vector<16xi32>
        %and3A_360 = arith.andi %add3A_357, %and3A_359 : vector<16xi32>
        %gather3A_361 = tpu.vector_load_idx %arg12[%add3A_183, %and3A_360] : memref<128x32xf32, #tpu.memory_space<vmem>>[vector<16xi32>, vector<16xi32>], vector<16xf32>,
        %gather3A_362 = tpu.vector_load_idx %arg13[%add3A_183, %and3A_360] : memref<128x32xf32, #tpu.memory_space<vmem>>[vector<16xi32>, vector<16xi32>], vector<16xf32>,
        %mul3A_363 = arith.mulf %gather3A_361, %gather3A_362 : vector<16xf32>
        %add3A_364 = arith.addf %add3A_354, %mul3A_363 : vector<16xf32>
        tpu.vector_store_idx %arg16[%add3A_183, %and3A_360], %mul3A_363 : memref<128x48xf32, #tpu.memory_space<vmem>>[vector<16xi32>, vector<16xi32>], vector<16xf32>,
        %add3A_365 = arith.constant 18 : i32
        %add3A_366 = vector.broadcast %add3A_365 : i32 to vector<16xi32>
        %add3A_367 = arith.addi %iota3A, %add3A_366 : vector<16xi32>
        %and3A_368 = arith.constant 31 : i32
        %and3A_369 = vector.broadcast %and3A_368 : i32 to vector<16xi32>
        %and3A_370 = arith.andi %add3A_367, %and3A_369 : vector<16xi32>
        %gather3A_371 = tpu.vector_load_idx %arg12[%add3A_183, %and3A_370] : memref<128x32xf32, #tpu.memory_space<vmem>>[vector<16xi32>, vector<16xi32>], vector<16xf32>,
        %gather3A_372 = tpu.vector_load_idx %arg13[%add3A_183, %and3A_370] : memref<128x32xf32, #tpu.memory_space<vmem>>[vector<16xi32>, vector<16xi32>], vector<16xf32>,
        %mul3A_373 = arith.mulf %gather3A_371, %gather3A_372 : vector<16xf32>
        %add3A_374 = arith.addf %add3A_364, %mul3A_373 : vector<16xf32>
        tpu.vector_store_idx %arg16[%add3A_183, %and3A_370], %mul3A_373 : memref<128x48xf32, #tpu.memory_space<vmem>>[vector<16xi32>, vector<16xi32>], vector<16xf32>,
        %add3A_375 = arith.constant 19 : i32
        %add3A_376 = vector.broadcast %add3A_375 : i32 to vector<16xi32>
        %add3A_377 = arith.addi %iota3A, %add3A_376 : vector<16xi32>
        %and3A_378 = arith.constant 31 : i32
        %and3A_379 = vector.broadcast %and3A_378 : i32 to vector<16xi32>
        %and3A_380 = arith.andi %add3A_377, %and3A_379 : vector<16xi32>
        %gather3A_381 = tpu.vector_load_idx %arg12[%add3A_183, %and3A_380] : memref<128x32xf32, #tpu.memory_space<vmem>>[vector<16xi32>, vector<16xi32>], vector<16xf32>,
        %gather3A_382 = tpu.vector_load_idx %arg13[%add3A_183, %and3A_380] : memref<128x32xf32, #tpu.memory_space<vmem>>[vector<16xi32>, vector<16xi32>], vector<16xf32>,
        %mul3A_383 = arith.mulf %gather3A_381, %gather3A_382 : vector<16xf32>
        %add3A_384 = arith.addf %add3A_374, %mul3A_383 : vector<16xf32>
        tpu.vector_store_idx %arg16[%add3A_183, %and3A_380], %mul3A_383 : memref<128x48xf32, #tpu.memory_space<vmem>>[vector<16xi32>, vector<16xi32>], vector<16xf32>,
        %add3A_385 = arith.constant 20 : i32
        %add3A_386 = vector.broadcast %add3A_385 : i32 to vector<16xi32>
        %add3A_387 = arith.addi %iota3A, %add3A_386 : vector<16xi32>
        %and3A_388 = arith.constant 31 : i32
        %and3A_389 = vector.broadcast %and3A_388 : i32 to vector<16xi32>
        %and3A_390 = arith.andi %add3A_387, %and3A_389 : vector<16xi32>
        %gather3A_391 = tpu.vector_load_idx %arg12[%add3A_183, %and3A_390] : memref<128x32xf32, #tpu.memory_space<vmem>>[vector<16xi32>, vector<16xi32>], vector<16xf32>,
        %gather3A_392 = tpu.vector_load_idx %arg13[%add3A_183, %and3A_390] : memref<128x32xf32, #tpu.memory_space<vmem>>[vector<16xi32>, vector<16xi32>], vector<16xf32>,
        %mul3A_393 = arith.mulf %gather3A_391, %gather3A_392 : vector<16xf32>
        %add3A_394 = arith.addf %add3A_384, %mul3A_393 : vector<16xf32>
        tpu.vector_store_idx %arg16[%add3A_183, %and3A_390], %mul3A_393 : memref<128x48xf32, #tpu.memory_space<vmem>>[vector<16xi32>, vector<16xi32>], vector<16xf32>,
        %add3A_395 = arith.constant 21 : i32
        %add3A_396 = vector.broadcast %add3A_395 : i32 to vector<16xi32>
        %add3A_397 = arith.addi %iota3A, %add3A_396 : vector<16xi32>
        %and3A_398 = arith.constant 31 : i32
        %and3A_399 = vector.broadcast %and3A_398 : i32 to vector<16xi32>
        %and3A_400 = arith.andi %add3A_397, %and3A_399 : vector<16xi32>
        %gather3A_401 = tpu.vector_load_idx %arg12[%add3A_183, %and3A_400] : memref<128x32xf32, #tpu.memory_space<vmem>>[vector<16xi32>, vector<16xi32>], vector<16xf32>,
        %gather3A_402 = tpu.vector_load_idx %arg13[%add3A_183, %and3A_400] : memref<128x32xf32, #tpu.memory_space<vmem>>[vector<16xi32>, vector<16xi32>], vector<16xf32>,
        %mul3A_403 = arith.mulf %gather3A_401, %gather3A_402 : vector<16xf32>
        %add3A_404 = arith.addf %add3A_394, %mul3A_403 : vector<16xf32>
        tpu.vector_store_idx %arg16[%add3A_183, %and3A_400], %mul3A_403 : memref<128x48xf32, #tpu.memory_space<vmem>>[vector<16xi32>, vector<16xi32>], vector<16xf32>,
        %add3A_405 = arith.constant 22 : i32
        %add3A_406 = vector.broadcast %add3A_405 : i32 to vector<16xi32>
        %add3A_407 = arith.addi %iota3A, %add3A_406 : vector<16xi32>
        %and3A_408 = arith.constant 31 : i32
        %and3A_409 = vector.broadcast %and3A_408 : i32 to vector<16xi32>
        %and3A_410 = arith.andi %add3A_407, %and3A_409 : vector<16xi32>
        %gather3A_411 = tpu.vector_load_idx %arg12[%add3A_183, %and3A_410] : memref<128x32xf32, #tpu.memory_space<vmem>>[vector<16xi32>, vector<16xi32>], vector<16xf32>,
        %gather3A_412 = tpu.vector_load_idx %arg13[%add3A_183, %and3A_410] : memref<128x32xf32, #tpu.memory_space<vmem>>[vector<16xi32>, vector<16xi32>], vector<16xf32>,
        %mul3A_413 = arith.mulf %gather3A_411, %gather3A_412 : vector<16xf32>
        %add3A_414 = arith.addf %add3A_404, %mul3A_413 : vector<16xf32>
        tpu.vector_store_idx %arg16[%add3A_183, %and3A_410], %mul3A_413 : memref<128x48xf32, #tpu.memory_space<vmem>>[vector<16xi32>, vector<16xi32>], vector<16xf32>,
        %add3A_415 = arith.constant 23 : i32
        %add3A_416 = vector.broadcast %add3A_415 : i32 to vector<16xi32>
        %add3A_417 = arith.addi %iota3A, %add3A_416 : vector<16xi32>
        %and3A_418 = arith.constant 31 : i32
        %and3A_419 = vector.broadcast %and3A_418 : i32 to vector<16xi32>
        %and3A_420 = arith.andi %add3A_417, %and3A_419 : vector<16xi32>
        %gather3A_421 = tpu.vector_load_idx %arg12[%add3A_183, %and3A_420] : memref<128x32xf32, #tpu.memory_space<vmem>>[vector<16xi32>, vector<16xi32>], vector<16xf32>,
        %gather3A_422 = tpu.vector_load_idx %arg13[%add3A_183, %and3A_420] : memref<128x32xf32, #tpu.memory_space<vmem>>[vector<16xi32>, vector<16xi32>], vector<16xf32>,
        %mul3A_423 = arith.mulf %gather3A_421, %gather3A_422 : vector<16xf32>
        %add3A_424 = arith.addf %add3A_414, %mul3A_423 : vector<16xf32>
        tpu.vector_store_idx %arg16[%add3A_183, %and3A_420], %mul3A_423 : memref<128x48xf32, #tpu.memory_space<vmem>>[vector<16xi32>, vector<16xi32>], vector<16xf32>,
        %add3A_425 = arith.constant 24 : i32
        %add3A_426 = vector.broadcast %add3A_425 : i32 to vector<16xi32>
        %add3A_427 = arith.addi %iota3A, %add3A_426 : vector<16xi32>
        %and3A_428 = arith.constant 31 : i32
        %and3A_429 = vector.broadcast %and3A_428 : i32 to vector<16xi32>
        %and3A_430 = arith.andi %add3A_427, %and3A_429 : vector<16xi32>
        %gather3A_431 = tpu.vector_load_idx %arg12[%add3A_183, %and3A_430] : memref<128x32xf32, #tpu.memory_space<vmem>>[vector<16xi32>, vector<16xi32>], vector<16xf32>,
        %gather3A_432 = tpu.vector_load_idx %arg13[%add3A_183, %and3A_430] : memref<128x32xf32, #tpu.memory_space<vmem>>[vector<16xi32>, vector<16xi32>], vector<16xf32>,
        %mul3A_433 = arith.mulf %gather3A_431, %gather3A_432 : vector<16xf32>
        %add3A_434 = arith.addf %add3A_424, %mul3A_433 : vector<16xf32>
        tpu.vector_store_idx %arg16[%add3A_183, %and3A_430], %mul3A_433 : memref<128x48xf32, #tpu.memory_space<vmem>>[vector<16xi32>, vector<16xi32>], vector<16xf32>,
        %add3A_435 = arith.constant 25 : i32
        %add3A_436 = vector.broadcast %add3A_435 : i32 to vector<16xi32>
        %add3A_437 = arith.addi %iota3A, %add3A_436 : vector<16xi32>
        %and3A_438 = arith.constant 31 : i32
        %and3A_439 = vector.broadcast %and3A_438 : i32 to vector<16xi32>
        %and3A_440 = arith.andi %add3A_437, %and3A_439 : vector<16xi32>
        %gather3A_441 = tpu.vector_load_idx %arg12[%add3A_183, %and3A_440] : memref<128x32xf32, #tpu.memory_space<vmem>>[vector<16xi32>, vector<16xi32>], vector<16xf32>,
        %gather3A_442 = tpu.vector_load_idx %arg13[%add3A_183, %and3A_440] : memref<128x32xf32, #tpu.memory_space<vmem>>[vector<16xi32>, vector<16xi32>], vector<16xf32>,
        %mul3A_443 = arith.mulf %gather3A_441, %gather3A_442 : vector<16xf32>
        %add3A_444 = arith.addf %add3A_434, %mul3A_443 : vector<16xf32>
        tpu.vector_store_idx %arg16[%add3A_183, %and3A_440], %mul3A_443 : memref<128x48xf32, #tpu.memory_space<vmem>>[vector<16xi32>, vector<16xi32>], vector<16xf32>,
        %add3A_445 = arith.constant 26 : i32
        %add3A_446 = vector.broadcast %add3A_445 : i32 to vector<16xi32>
        %add3A_447 = arith.addi %iota3A, %add3A_446 : vector<16xi32>
        %and3A_448 = arith.constant 31 : i32
        %and3A_449 = vector.broadcast %and3A_448 : i32 to vector<16xi32>
        %and3A_450 = arith.andi %add3A_447, %and3A_449 : vector<16xi32>
        %gather3A_451 = tpu.vector_load_idx %arg12[%add3A_183, %and3A_450] : memref<128x32xf32, #tpu.memory_space<vmem>>[vector<16xi32>, vector<16xi32>], vector<16xf32>,
        %gather3A_452 = tpu.vector_load_idx %arg13[%add3A_183, %and3A_450] : memref<128x32xf32, #tpu.memory_space<vmem>>[vector<16xi32>, vector<16xi32>], vector<16xf32>,
        %mul3A_453 = arith.mulf %gather3A_451, %gather3A_452 : vector<16xf32>
        %add3A_454 = arith.addf %add3A_444, %mul3A_453 : vector<16xf32>
        tpu.vector_store_idx %arg16[%add3A_183, %and3A_450], %mul3A_453 : memref<128x48xf32, #tpu.memory_space<vmem>>[vector<16xi32>, vector<16xi32>], vector<16xf32>,
        %add3A_455 = arith.constant 27 : i32
        %add3A_456 = vector.broadcast %add3A_455 : i32 to vector<16xi32>
        %add3A_457 = arith.addi %iota3A, %add3A_456 : vector<16xi32>
        %and3A_458 = arith.constant 31 : i32
        %and3A_459 = vector.broadcast %and3A_458 : i32 to vector<16xi32>
        %and3A_460 = arith.andi %add3A_457, %and3A_459 : vector<16xi32>
        %gather3A_461 = tpu.vector_load_idx %arg12[%add3A_183, %and3A_460] : memref<128x32xf32, #tpu.memory_space<vmem>>[vector<16xi32>, vector<16xi32>], vector<16xf32>,
        %gather3A_462 = tpu.vector_load_idx %arg13[%add3A_183, %and3A_460] : memref<128x32xf32, #tpu.memory_space<vmem>>[vector<16xi32>, vector<16xi32>], vector<16xf32>,
        %mul3A_463 = arith.mulf %gather3A_461, %gather3A_462 : vector<16xf32>
        %add3A_464 = arith.addf %add3A_454, %mul3A_463 : vector<16xf32>
        tpu.vector_store_idx %arg16[%add3A_183, %and3A_460], %mul3A_463 : memref<128x48xf32, #tpu.memory_space<vmem>>[vector<16xi32>, vector<16xi32>], vector<16xf32>,
        %add3A_465 = arith.constant 28 : i32
        %add3A_466 = vector.broadcast %add3A_465 : i32 to vector<16xi32>
        %add3A_467 = arith.addi %iota3A, %add3A_466 : vector<16xi32>
        %and3A_468 = arith.constant 31 : i32
        %and3A_469 = vector.broadcast %and3A_468 : i32 to vector<16xi32>
        %and3A_470 = arith.andi %add3A_467, %and3A_469 : vector<16xi32>
        %gather3A_471 = tpu.vector_load_idx %arg12[%add3A_183, %and3A_470] : memref<128x32xf32, #tpu.memory_space<vmem>>[vector<16xi32>, vector<16xi32>], vector<16xf32>,
        %gather3A_472 = tpu.vector_load_idx %arg13[%add3A_183, %and3A_470] : memref<128x32xf32, #tpu.memory_space<vmem>>[vector<16xi32>, vector<16xi32>], vector<16xf32>,
        %mul3A_473 = arith.mulf %gather3A_471, %gather3A_472 : vector<16xf32>
        %add3A_474 = arith.addf %add3A_464, %mul3A_473 : vector<16xf32>
        tpu.vector_store_idx %arg16[%add3A_183, %and3A_470], %mul3A_473 : memref<128x48xf32, #tpu.memory_space<vmem>>[vector<16xi32>, vector<16xi32>], vector<16xf32>,
        %add3A_475 = arith.constant 29 : i32
        %add3A_476 = vector.broadcast %add3A_475 : i32 to vector<16xi32>
        %add3A_477 = arith.addi %iota3A, %add3A_476 : vector<16xi32>
        %and3A_478 = arith.constant 31 : i32
        %and3A_479 = vector.broadcast %and3A_478 : i32 to vector<16xi32>
        %and3A_480 = arith.andi %add3A_477, %and3A_479 : vector<16xi32>
        %gather3A_481 = tpu.vector_load_idx %arg12[%add3A_183, %and3A_480] : memref<128x32xf32, #tpu.memory_space<vmem>>[vector<16xi32>, vector<16xi32>], vector<16xf32>,
        %gather3A_482 = tpu.vector_load_idx %arg13[%add3A_183, %and3A_480] : memref<128x32xf32, #tpu.memory_space<vmem>>[vector<16xi32>, vector<16xi32>], vector<16xf32>,
        %mul3A_483 = arith.mulf %gather3A_481, %gather3A_482 : vector<16xf32>
        %add3A_484 = arith.addf %add3A_474, %mul3A_483 : vector<16xf32>
        tpu.vector_store_idx %arg16[%add3A_183, %and3A_480], %mul3A_483 : memref<128x48xf32, #tpu.memory_space<vmem>>[vector<16xi32>, vector<16xi32>], vector<16xf32>,
        %add3A_485 = arith.constant 30 : i32
        %add3A_486 = vector.broadcast %add3A_485 : i32 to vector<16xi32>
        %add3A_487 = arith.addi %iota3A, %add3A_486 : vector<16xi32>
        %and3A_488 = arith.constant 31 : i32
        %and3A_489 = vector.broadcast %and3A_488 : i32 to vector<16xi32>
        %and3A_490 = arith.andi %add3A_487, %and3A_489 : vector<16xi32>
        %gather3A_491 = tpu.vector_load_idx %arg12[%add3A_183, %and3A_490] : memref<128x32xf32, #tpu.memory_space<vmem>>[vector<16xi32>, vector<16xi32>], vector<16xf32>,
        %gather3A_492 = tpu.vector_load_idx %arg13[%add3A_183, %and3A_490] : memref<128x32xf32, #tpu.memory_space<vmem>>[vector<16xi32>, vector<16xi32>], vector<16xf32>,
        %mul3A_493 = arith.mulf %gather3A_491, %gather3A_492 : vector<16xf32>
        %add3A_494 = arith.addf %add3A_484, %mul3A_493 : vector<16xf32>
        tpu.vector_store_idx %arg16[%add3A_183, %and3A_490], %mul3A_493 : memref<128x48xf32, #tpu.memory_space<vmem>>[vector<16xi32>, vector<16xi32>], vector<16xf32>,
        %add3A_495 = arith.constant 31 : i32
        %add3A_496 = vector.broadcast %add3A_495 : i32 to vector<16xi32>
        %add3A_497 = arith.addi %iota3A, %add3A_496 : vector<16xi32>
        %and3A_498 = arith.constant 31 : i32
        %and3A_499 = vector.broadcast %and3A_498 : i32 to vector<16xi32>
        %and3A_500 = arith.andi %add3A_497, %and3A_499 : vector<16xi32>
        %gather3A_501 = tpu.vector_load_idx %arg12[%add3A_183, %and3A_500] : memref<128x32xf32, #tpu.memory_space<vmem>>[vector<16xi32>, vector<16xi32>], vector<16xf32>,
        %gather3A_502 = tpu.vector_load_idx %arg13[%add3A_183, %and3A_500] : memref<128x32xf32, #tpu.memory_space<vmem>>[vector<16xi32>, vector<16xi32>], vector<16xf32>,
        %mul3A_503 = arith.mulf %gather3A_501, %gather3A_502 : vector<16xf32>
        %add3A_504 = arith.addf %add3A_494, %mul3A_503 : vector<16xf32>
        tpu.vector_store_idx %arg16[%add3A_183, %and3A_500], %mul3A_503 : memref<128x48xf32, #tpu.memory_space<vmem>>[vector<16xi32>, vector<16xi32>], vector<16xf32>,
        %broadcast_in_dim3A_505 = arith.constant 32 : i32
        %broadcast_in_dim3A_506 = vector.broadcast %broadcast_in_dim3A_505 : i32 to vector<16xi32>
        %mul3A_507 = arith.mulf %mul3A_177, %add3A_504 : vector<16xf32>
        tpu.vector_store_idx %arg16[%add3A_183, %broadcast_in_dim3A_506], %mul3A_507 : memref<128x48xf32, #tpu.memory_space<vmem>>[vector<16xi32>, vector<16xi32>], vector<16xf32>,
        %broadcast_in_dim3A_508 = arith.constant 33 : i32
        %broadcast_in_dim3A_509 = vector.broadcast %broadcast_in_dim3A_508 : i32 to vector<16xi32>
        %mul3A_510 = arith.mulf %mul3A_178, %add3A_504 : vector<16xf32>
        tpu.vector_store_idx %arg16[%add3A_183, %broadcast_in_dim3A_509], %mul3A_510 : memref<128x48xf32, #tpu.memory_space<vmem>>[vector<16xi32>, vector<16xi32>], vector<16xf32>,
        %broadcast_in_dim3A_511 = arith.constant 34 : i32
        %broadcast_in_dim3A_512 = vector.broadcast %broadcast_in_dim3A_511 : i32 to vector<16xi32>
        %mul3A_513 = arith.mulf %mul3A_179, %add3A_504 : vector<16xf32>
        tpu.vector_store_idx %arg16[%add3A_183, %broadcast_in_dim3A_512], %mul3A_513 : memref<128x48xf32, #tpu.memory_space<vmem>>[vector<16xi32>, vector<16xi32>], vector<16xf32>,
      }
      %scan3A_68 = arith.constant 8 : i32
      "tpu.region"() ({
        %run_scoped3A = tpu.sem_alloc : memref<!tpu.dma_semaphore, #tpu.memory_space<semaphore_mem>>
        %dma_start3A_95 = arith.constant 0 : i32
        %dma_start3A_96 = tpu.memref_slice %arg10[%add3A_36, %dma_start3A_95] : memref<40x128xi32, #tpu.memory_space<vmem>> -> memref<1x128xi32, #tpu.memory_space<vmem>>
        %dma_start3A_97 = tpu.memref_squeeze %dma_start3A_96 : memref<1x128xi32, #tpu.memory_space<vmem>> -> memref<128xi32, #tpu.memory_space<vmem>>
        %dma_start3A_98 = arith.constant 0 : i32
        %dma_start3A_99 = arith.constant 0 : i32
        %dma_start3A_100 = tpu.memref_slice %arg19[%dma_start3A_98, %dma_start3A_99] : memref<10240x48xf32, #tpu.memory_space<vmem_shared>> -> memref<10240x48xf32, #tpu.memory_space<vmem_shared>>
        tpu.enqueue_indirect_dma source(%arg16 : memref<128x48xf32, #tpu.memory_space<vmem>>) target(%dma_start3A_100 : memref<10240x48xf32, #tpu.memory_space<vmem_shared>>) offsets(%dma_start3A_97 : memref<128xi32, #tpu.memory_space<vmem>>) semaphore(%run_scoped3A : memref<!tpu.dma_semaphore, #tpu.memory_space<semaphore_mem>>) {add = true}
        %dma_wait3A_101 = arith.constant 0 : i32
        %dma_wait3A_102 = tpu.memref_slice %arg10[%add3A_36, %dma_wait3A_101] : memref<40x128xi32, #tpu.memory_space<vmem>> -> memref<1x128xi32, #tpu.memory_space<vmem>>
        %dma_wait3A_103 = tpu.memref_squeeze %dma_wait3A_102 : memref<1x128xi32, #tpu.memory_space<vmem>> -> memref<128xi32, #tpu.memory_space<vmem>>
        %dma_wait3A_104 = arith.constant 0 : i32
        %dma_wait3A_105 = arith.constant 0 : i32
        %dma_wait3A_106 = tpu.memref_slice %arg19[%dma_wait3A_104, %dma_wait3A_105] : memref<10240x48xf32, #tpu.memory_space<vmem_shared>> -> memref<10240x48xf32, #tpu.memory_space<vmem_shared>>
        tpu.wait_indirect_dma semaphore(%run_scoped3A : memref<!tpu.dma_semaphore, #tpu.memory_space<semaphore_mem>>) src(%arg16 : memref<128x48xf32, #tpu.memory_space<vmem>>) dst(%dma_wait3A_106 : memref<10240x48xf32, #tpu.memory_space<vmem_shared>>)
        tpu.yield
      }) : () -> ()
      %mul3A_69 = arith.constant 2 : i32
      %mul3A_70 = arith.muli %add3A_32, %mul3A_69 : i32
      %add3A_71 = arith.constant 1 : i32
      %add3A_72 = arith.addi %mul3A_70, %add3A_71 : i32
      %dma_wait3A_73 = arith.constant 0 : i32
      %dma_wait3A_74 = tpu.memref_slice %arg9[%add3A_72, %dma_wait3A_73] : memref<40x128xi32, #tpu.memory_space<vmem>> -> memref<1x128xi32, #tpu.memory_space<vmem>>
      %dma_wait3A_75 = tpu.memref_squeeze %dma_wait3A_74 : memref<1x128xi32, #tpu.memory_space<vmem>> -> memref<128xi32, #tpu.memory_space<vmem>>
      %dma_wait3A_76 = arith.constant 0 : i32
      %dma_wait3A_77 = arith.constant 0 : i32
      %dma_wait3A_78 = tpu.memref_slice %arg5[%dma_wait3A_76, %dma_wait3A_77] : memref<10240x32xf32, #tpu.memory_space<hbm>> -> memref<10240x32xf32, #tpu.memory_space<hbm>>
      tpu.wait_indirect_dma semaphore(%arg18 : memref<!tpu.dma_semaphore, #tpu.memory_space<semaphore_mem>>) src(%dma_wait3A_78 : memref<10240x32xf32, #tpu.memory_space<hbm>>) dst(%arg14 : memref<128x32xf32, #tpu.memory_space<vmem>>)
      %mul3A_79 = arith.constant 128 : i32
      %mul3A_80 = arith.muli %add3A_72, %mul3A_79 : i32
      %add3A_81 = arith.addi %mul3A_2, %mul3A_80 : i32
      %dma_wait3A_82 = arith.constant 0 : i32
      %dma_wait3A_83 = tpu.memref_slice %arg6[%add3A_81, %dma_wait3A_82] : memref<163840x32xf32, #tpu.memory_space<hbm>> -> memref<128x32xf32, #tpu.memory_space<hbm>>
      %dma_wait3A_84 = arith.constant 0 : i32
      %dma_wait3A_85 = tpu.memref_slice %arg6[%add3A_81, %dma_wait3A_84] : memref<163840x32xf32, #tpu.memory_space<hbm>> -> memref<128x32xf32, #tpu.memory_space<hbm>>
      tpu.wait_dma2 semaphore(%arg18 : memref<!tpu.dma_semaphore, #tpu.memory_space<semaphore_mem>>) src(%dma_wait3A_85 : memref<128x32xf32, #tpu.memory_space<hbm>>) dst(%arg15 : memref<128x32xf32, #tpu.memory_space<vmem>>)
      %add3A_86 = arith.constant 1 : i32
      %add3A_87 = arith.addi %add3A_72, %add3A_86 : i32
      %lt3A = arith.constant 40 : i32
      %lt3A_88 = arith.cmpi slt, %add3A_87, %lt3A : i32
      %convert_element_type3A = arith.extui %lt3A_88 : i1 to i32
      %cond3A = arith.constant 0 : i32
      %cond3A_89 = arith.cmpi ne, %convert_element_type3A, %cond3A : i32
      scf.if %cond3A_89 {
        %add3A_95 = arith.constant 1 : i32
        %add3A_96 = arith.addi %add3A_72, %add3A_95 : i32
        %dma_start3A_97 = arith.constant 0 : i32
        %dma_start3A_98 = tpu.memref_slice %arg9[%add3A_96, %dma_start3A_97] : memref<40x128xi32, #tpu.memory_space<vmem>> -> memref<1x128xi32, #tpu.memory_space<vmem>>
        %dma_start3A_99 = tpu.memref_squeeze %dma_start3A_98 : memref<1x128xi32, #tpu.memory_space<vmem>> -> memref<128xi32, #tpu.memory_space<vmem>>
        %dma_start3A_100 = arith.constant 0 : i32
        %dma_start3A_101 = arith.constant 0 : i32
        %dma_start3A_102 = tpu.memref_slice %arg5[%dma_start3A_100, %dma_start3A_101] : memref<10240x32xf32, #tpu.memory_space<hbm>> -> memref<10240x32xf32, #tpu.memory_space<hbm>>
        tpu.enqueue_indirect_dma source(%dma_start3A_102 : memref<10240x32xf32, #tpu.memory_space<hbm>>) target(%arg12 : memref<128x32xf32, #tpu.memory_space<vmem>>) offsets(%dma_start3A_99 : memref<128xi32, #tpu.memory_space<vmem>>) semaphore(%arg17 : memref<!tpu.dma_semaphore, #tpu.memory_space<semaphore_mem>>)
        %mul3A_103 = arith.constant 128 : i32
        %mul3A_104 = arith.muli %add3A_96, %mul3A_103 : i32
        %add3A_105 = arith.addi %mul3A_2, %mul3A_104 : i32
        %dma_start3A_106 = arith.constant 0 : i32
        %dma_start3A_107 = tpu.memref_slice %arg6[%add3A_105, %dma_start3A_106] : memref<163840x32xf32, #tpu.memory_space<hbm>> -> memref<128x32xf32, #tpu.memory_space<hbm>>
        %dma_start3A_108 = arith.constant 0 : i32
        %dma_start3A_109 = tpu.memref_slice %arg6[%add3A_105, %dma_start3A_108] : memref<163840x32xf32, #tpu.memory_space<hbm>> -> memref<128x32xf32, #tpu.memory_space<hbm>>
        tpu.enqueue_dma source(%dma_start3A_109 : memref<128x32xf32, #tpu.memory_space<hbm>>) target(%arg13 : memref<128x32xf32, #tpu.memory_space<vmem>>) target_semaphore(%arg17 : memref<!tpu.dma_semaphore, #tpu.memory_space<semaphore_mem>>)
      } else {
      }
      %scan3A_90 = arith.constant 0 : i32
      %scan3A_91 = arith.constant 8 : i32
      %scan3A_92 = arith.addi %scan3A_90, %scan3A_91 : i32
      %scan3A_93 = arith.constant 1 : i32
      scf.for %scan3A_95 = %scan3A_90 to %scan3A_92 step %scan3A_93  : i32 {
        %mul3A_96 = arith.constant 1 : i32
        %mul3A_97 = arith.muli %scan3A_95, %mul3A_96 : i32
        %add3A_98 = arith.constant 0 : i32
        %add3A_99 = arith.addi %add3A_98, %mul3A_97 : i32
        %mul3A_100 = arith.constant 16 : i32
        %mul3A_101 = arith.muli %add3A_99, %mul3A_100 : i32
        %get3A = arith.index_cast %add3A_72 : i32 to index
        %get3A_102 = arith.index_cast %mul3A_101 : i32 to index
        %get3A_103 = tpu.vector_load %arg9[%get3A, %get3A_102] {strides = array<i32>} : memref<40x128xi32, #tpu.memory_space<vmem>>, vector<16xi32>,
        %mul3A_104 = arith.constant 3 : i32
        %mul3A_105 = vector.broadcast %mul3A_104 : i32 to vector<16xi32>
        %mul3A_106 = arith.muli %get3A_103, %mul3A_105 : vector<16xi32>
        %mul3A_107 = arith.constant 16 : i32
        %mul3A_108 = arith.muli %add3A_99, %mul3A_107 : i32
        %get3A_109 = arith.index_cast %add3A_72 : i32 to index
        %get3A_110 = arith.index_cast %mul3A_108 : i32 to index
        %get3A_111 = tpu.vector_load %arg10[%get3A_109, %get3A_110] {strides = array<i32>} : memref<40x128xi32, #tpu.memory_space<vmem>>, vector<16xi32>,
        %mul3A_112 = arith.constant 3 : i32
        %mul3A_113 = vector.broadcast %mul3A_112 : i32 to vector<16xi32>
        %mul3A_114 = arith.muli %get3A_111, %mul3A_113 : vector<16xi32>
        %gather3A = tpu.vector_load_idx %arg11[%mul3A_114] : memref<30720xf32, #tpu.memory_space<vmem>>[vector<16xi32>], vector<16xf32>,
        %gather3A_115 = tpu.vector_load_idx %arg11[%mul3A_106] : memref<30720xf32, #tpu.memory_space<vmem>>[vector<16xi32>], vector<16xf32>,
        %sub3A = arith.subf %gather3A, %gather3A_115 : vector<16xf32>
        %add3A_116 = arith.constant 1 : i32
        %add3A_117 = vector.broadcast %add3A_116 : i32 to vector<16xi32>
        %add3A_118 = arith.addi %mul3A_114, %add3A_117 : vector<16xi32>
        %gather3A_119 = tpu.vector_load_idx %arg11[%add3A_118] : memref<30720xf32, #tpu.memory_space<vmem>>[vector<16xi32>], vector<16xf32>,
        %add3A_120 = arith.constant 1 : i32
        %add3A_121 = vector.broadcast %add3A_120 : i32 to vector<16xi32>
        %add3A_122 = arith.addi %mul3A_106, %add3A_121 : vector<16xi32>
        %gather3A_123 = tpu.vector_load_idx %arg11[%add3A_122] : memref<30720xf32, #tpu.memory_space<vmem>>[vector<16xi32>], vector<16xf32>,
        %sub3A_124 = arith.subf %gather3A_119, %gather3A_123 : vector<16xf32>
        %add3A_125 = arith.constant 2 : i32
        %add3A_126 = vector.broadcast %add3A_125 : i32 to vector<16xi32>
        %add3A_127 = arith.addi %mul3A_114, %add3A_126 : vector<16xi32>
        %gather3A_128 = tpu.vector_load_idx %arg11[%add3A_127] : memref<30720xf32, #tpu.memory_space<vmem>>[vector<16xi32>], vector<16xf32>,
        %add3A_129 = arith.constant 2 : i32
        %add3A_130 = vector.broadcast %add3A_129 : i32 to vector<16xi32>
        %add3A_131 = arith.addi %mul3A_106, %add3A_130 : vector<16xi32>
        %gather3A_132 = tpu.vector_load_idx %arg11[%add3A_131] : memref<30720xf32, #tpu.memory_space<vmem>>[vector<16xi32>], vector<16xf32>,
        %sub3A_133 = arith.subf %gather3A_128, %gather3A_132 : vector<16xf32>
        %mul3A_134 = arith.mulf %sub3A, %sub3A : vector<16xf32>
        %mul3A_135 = arith.mulf %sub3A_124, %sub3A_124 : vector<16xf32>
        %add3A_136 = arith.addf %mul3A_134, %mul3A_135 : vector<16xf32>
        %mul3A_137 = arith.mulf %sub3A_133, %sub3A_133 : vector<16xf32>
        %add3A_138 = arith.addf %add3A_136, %mul3A_137 : vector<16xf32>
        %add3A_139 = arith.constant 9.99999996E-13 : f32
        %add3A_140 = vector.broadcast %add3A_139 : f32 to vector<16xf32>
        %add3A_141 = arith.addf %add3A_138, %add3A_140 : vector<16xf32>
        %bitcast3A = vector.bitcast %add3A_141 : vector<16xf32> to vector<16xi32>
        %broadcast_in_dim3A = arith.constant 1597463007 : i32
        %broadcast_in_dim3A_142 = vector.broadcast %broadcast_in_dim3A : i32 to vector<16xi32>
        %broadcast_in_dim3A_143 = arith.constant 1 : i32
        %broadcast_in_dim3A_144 = vector.broadcast %broadcast_in_dim3A_143 : i32 to vector<16xi32>
        %shift_right_logical3A = arith.shrui %bitcast3A, %broadcast_in_dim3A_144 : vector<16xi32>
        %sub3A_145 = arith.subi %broadcast_in_dim3A_142, %shift_right_logical3A : vector<16xi32>
        %bitcast3A_146 = vector.bitcast %sub3A_145 : vector<16xi32> to vector<16xf32>
        %mul3A_147 = arith.constant 5.000000e-01 : f32
        %mul3A_148 = vector.broadcast %mul3A_147 : f32 to vector<16xf32>
        %mul3A_149 = arith.mulf %mul3A_148, %add3A_141 : vector<16xf32>
        %mul3A_150 = arith.mulf %mul3A_149, %bitcast3A_146 : vector<16xf32>
        %mul3A_151 = arith.mulf %mul3A_150, %bitcast3A_146 : vector<16xf32>
        %sub3A_152 = arith.constant 1.500000e+00 : f32
        %sub3A_153 = vector.broadcast %sub3A_152 : f32 to vector<16xf32>
        %sub3A_154 = arith.subf %sub3A_153, %mul3A_151 : vector<16xf32>
        %mul3A_155 = arith.mulf %bitcast3A_146, %sub3A_154 : vector<16xf32>
        %mul3A_156 = arith.constant 5.000000e-01 : f32
        %mul3A_157 = vector.broadcast %mul3A_156 : f32 to vector<16xf32>
        %mul3A_158 = arith.mulf %mul3A_157, %add3A_141 : vector<16xf32>
        %mul3A_159 = arith.mulf %mul3A_158, %mul3A_155 : vector<16xf32>
        %mul3A_160 = arith.mulf %mul3A_159, %mul3A_155 : vector<16xf32>
        %sub3A_161 = arith.constant 1.500000e+00 : f32
        %sub3A_162 = vector.broadcast %sub3A_161 : f32 to vector<16xf32>
        %sub3A_163 = arith.subf %sub3A_162, %mul3A_160 : vector<16xf32>
        %mul3A_164 = arith.mulf %mul3A_155, %sub3A_163 : vector<16xf32>
        %mul3A_165 = arith.constant 5.000000e-01 : f32
        %mul3A_166 = vector.broadcast %mul3A_165 : f32 to vector<16xf32>
        %mul3A_167 = arith.mulf %mul3A_166, %add3A_141 : vector<16xf32>
        %mul3A_168 = arith.mulf %mul3A_167, %mul3A_164 : vector<16xf32>
        %mul3A_169 = arith.mulf %mul3A_168, %mul3A_164 : vector<16xf32>
        %sub3A_170 = arith.constant 1.500000e+00 : f32
        %sub3A_171 = vector.broadcast %sub3A_170 : f32 to vector<16xf32>
        %sub3A_172 = arith.subf %sub3A_171, %mul3A_169 : vector<16xf32>
        %mul3A_173 = arith.mulf %mul3A_164, %sub3A_172 : vector<16xf32>
        %mul3A_174 = arith.constant 1.73205078 : f32
        %mul3A_175 = vector.broadcast %mul3A_174 : f32 to vector<16xf32>
        %mul3A_176 = arith.mulf %mul3A_173, %mul3A_175 : vector<16xf32>
        %mul3A_177 = arith.mulf %sub3A, %mul3A_176 : vector<16xf32>
        %mul3A_178 = arith.mulf %sub3A_124, %mul3A_176 : vector<16xf32>
        %mul3A_179 = arith.mulf %sub3A_133, %mul3A_176 : vector<16xf32>
        %mul3A_180 = arith.constant 16 : i32
        %mul3A_181 = arith.muli %add3A_99, %mul3A_180 : i32
        %add3A_182 = vector.broadcast %mul3A_181 : i32 to vector<16xi32>
        %add3A_183 = arith.addi %iota3A, %add3A_182 : vector<16xi32>
        %broadcast_in_dim3A_184 = arith.constant 0.000000e+00 : f32
        %broadcast_in_dim3A_185 = vector.broadcast %broadcast_in_dim3A_184 : f32 to vector<16xf32>
        %add3A_186 = arith.constant 0 : i32
        %add3A_187 = vector.broadcast %add3A_186 : i32 to vector<16xi32>
        %add3A_188 = arith.addi %iota3A, %add3A_187 : vector<16xi32>
        %and3A = arith.constant 31 : i32
        %and3A_189 = vector.broadcast %and3A : i32 to vector<16xi32>
        %and3A_190 = arith.andi %add3A_188, %and3A_189 : vector<16xi32>
        %gather3A_191 = tpu.vector_load_idx %arg14[%add3A_183, %and3A_190] : memref<128x32xf32, #tpu.memory_space<vmem>>[vector<16xi32>, vector<16xi32>], vector<16xf32>,
        %gather3A_192 = tpu.vector_load_idx %arg15[%add3A_183, %and3A_190] : memref<128x32xf32, #tpu.memory_space<vmem>>[vector<16xi32>, vector<16xi32>], vector<16xf32>,
        %mul3A_193 = arith.mulf %gather3A_191, %gather3A_192 : vector<16xf32>
        %add3A_194 = arith.addf %broadcast_in_dim3A_185, %mul3A_193 : vector<16xf32>
        tpu.vector_store_idx %arg16[%add3A_183, %and3A_190], %mul3A_193 : memref<128x48xf32, #tpu.memory_space<vmem>>[vector<16xi32>, vector<16xi32>], vector<16xf32>,
        %add3A_195 = arith.constant 1 : i32
        %add3A_196 = vector.broadcast %add3A_195 : i32 to vector<16xi32>
        %add3A_197 = arith.addi %iota3A, %add3A_196 : vector<16xi32>
        %and3A_198 = arith.constant 31 : i32
        %and3A_199 = vector.broadcast %and3A_198 : i32 to vector<16xi32>
        %and3A_200 = arith.andi %add3A_197, %and3A_199 : vector<16xi32>
        %gather3A_201 = tpu.vector_load_idx %arg14[%add3A_183, %and3A_200] : memref<128x32xf32, #tpu.memory_space<vmem>>[vector<16xi32>, vector<16xi32>], vector<16xf32>,
        %gather3A_202 = tpu.vector_load_idx %arg15[%add3A_183, %and3A_200] : memref<128x32xf32, #tpu.memory_space<vmem>>[vector<16xi32>, vector<16xi32>], vector<16xf32>,
        %mul3A_203 = arith.mulf %gather3A_201, %gather3A_202 : vector<16xf32>
        %add3A_204 = arith.addf %add3A_194, %mul3A_203 : vector<16xf32>
        tpu.vector_store_idx %arg16[%add3A_183, %and3A_200], %mul3A_203 : memref<128x48xf32, #tpu.memory_space<vmem>>[vector<16xi32>, vector<16xi32>], vector<16xf32>,
        %add3A_205 = arith.constant 2 : i32
        %add3A_206 = vector.broadcast %add3A_205 : i32 to vector<16xi32>
        %add3A_207 = arith.addi %iota3A, %add3A_206 : vector<16xi32>
        %and3A_208 = arith.constant 31 : i32
        %and3A_209 = vector.broadcast %and3A_208 : i32 to vector<16xi32>
        %and3A_210 = arith.andi %add3A_207, %and3A_209 : vector<16xi32>
        %gather3A_211 = tpu.vector_load_idx %arg14[%add3A_183, %and3A_210] : memref<128x32xf32, #tpu.memory_space<vmem>>[vector<16xi32>, vector<16xi32>], vector<16xf32>,
        %gather3A_212 = tpu.vector_load_idx %arg15[%add3A_183, %and3A_210] : memref<128x32xf32, #tpu.memory_space<vmem>>[vector<16xi32>, vector<16xi32>], vector<16xf32>,
        %mul3A_213 = arith.mulf %gather3A_211, %gather3A_212 : vector<16xf32>
        %add3A_214 = arith.addf %add3A_204, %mul3A_213 : vector<16xf32>
        tpu.vector_store_idx %arg16[%add3A_183, %and3A_210], %mul3A_213 : memref<128x48xf32, #tpu.memory_space<vmem>>[vector<16xi32>, vector<16xi32>], vector<16xf32>,
        %add3A_215 = arith.constant 3 : i32
        %add3A_216 = vector.broadcast %add3A_215 : i32 to vector<16xi32>
        %add3A_217 = arith.addi %iota3A, %add3A_216 : vector<16xi32>
        %and3A_218 = arith.constant 31 : i32
        %and3A_219 = vector.broadcast %and3A_218 : i32 to vector<16xi32>
        %and3A_220 = arith.andi %add3A_217, %and3A_219 : vector<16xi32>
        %gather3A_221 = tpu.vector_load_idx %arg14[%add3A_183, %and3A_220] : memref<128x32xf32, #tpu.memory_space<vmem>>[vector<16xi32>, vector<16xi32>], vector<16xf32>,
        %gather3A_222 = tpu.vector_load_idx %arg15[%add3A_183, %and3A_220] : memref<128x32xf32, #tpu.memory_space<vmem>>[vector<16xi32>, vector<16xi32>], vector<16xf32>,
        %mul3A_223 = arith.mulf %gather3A_221, %gather3A_222 : vector<16xf32>
        %add3A_224 = arith.addf %add3A_214, %mul3A_223 : vector<16xf32>
        tpu.vector_store_idx %arg16[%add3A_183, %and3A_220], %mul3A_223 : memref<128x48xf32, #tpu.memory_space<vmem>>[vector<16xi32>, vector<16xi32>], vector<16xf32>,
        %add3A_225 = arith.constant 4 : i32
        %add3A_226 = vector.broadcast %add3A_225 : i32 to vector<16xi32>
        %add3A_227 = arith.addi %iota3A, %add3A_226 : vector<16xi32>
        %and3A_228 = arith.constant 31 : i32
        %and3A_229 = vector.broadcast %and3A_228 : i32 to vector<16xi32>
        %and3A_230 = arith.andi %add3A_227, %and3A_229 : vector<16xi32>
        %gather3A_231 = tpu.vector_load_idx %arg14[%add3A_183, %and3A_230] : memref<128x32xf32, #tpu.memory_space<vmem>>[vector<16xi32>, vector<16xi32>], vector<16xf32>,
        %gather3A_232 = tpu.vector_load_idx %arg15[%add3A_183, %and3A_230] : memref<128x32xf32, #tpu.memory_space<vmem>>[vector<16xi32>, vector<16xi32>], vector<16xf32>,
        %mul3A_233 = arith.mulf %gather3A_231, %gather3A_232 : vector<16xf32>
        %add3A_234 = arith.addf %add3A_224, %mul3A_233 : vector<16xf32>
        tpu.vector_store_idx %arg16[%add3A_183, %and3A_230], %mul3A_233 : memref<128x48xf32, #tpu.memory_space<vmem>>[vector<16xi32>, vector<16xi32>], vector<16xf32>,
        %add3A_235 = arith.constant 5 : i32
        %add3A_236 = vector.broadcast %add3A_235 : i32 to vector<16xi32>
        %add3A_237 = arith.addi %iota3A, %add3A_236 : vector<16xi32>
        %and3A_238 = arith.constant 31 : i32
        %and3A_239 = vector.broadcast %and3A_238 : i32 to vector<16xi32>
        %and3A_240 = arith.andi %add3A_237, %and3A_239 : vector<16xi32>
        %gather3A_241 = tpu.vector_load_idx %arg14[%add3A_183, %and3A_240] : memref<128x32xf32, #tpu.memory_space<vmem>>[vector<16xi32>, vector<16xi32>], vector<16xf32>,
        %gather3A_242 = tpu.vector_load_idx %arg15[%add3A_183, %and3A_240] : memref<128x32xf32, #tpu.memory_space<vmem>>[vector<16xi32>, vector<16xi32>], vector<16xf32>,
        %mul3A_243 = arith.mulf %gather3A_241, %gather3A_242 : vector<16xf32>
        %add3A_244 = arith.addf %add3A_234, %mul3A_243 : vector<16xf32>
        tpu.vector_store_idx %arg16[%add3A_183, %and3A_240], %mul3A_243 : memref<128x48xf32, #tpu.memory_space<vmem>>[vector<16xi32>, vector<16xi32>], vector<16xf32>,
        %add3A_245 = arith.constant 6 : i32
        %add3A_246 = vector.broadcast %add3A_245 : i32 to vector<16xi32>
        %add3A_247 = arith.addi %iota3A, %add3A_246 : vector<16xi32>
        %and3A_248 = arith.constant 31 : i32
        %and3A_249 = vector.broadcast %and3A_248 : i32 to vector<16xi32>
        %and3A_250 = arith.andi %add3A_247, %and3A_249 : vector<16xi32>
        %gather3A_251 = tpu.vector_load_idx %arg14[%add3A_183, %and3A_250] : memref<128x32xf32, #tpu.memory_space<vmem>>[vector<16xi32>, vector<16xi32>], vector<16xf32>,
        %gather3A_252 = tpu.vector_load_idx %arg15[%add3A_183, %and3A_250] : memref<128x32xf32, #tpu.memory_space<vmem>>[vector<16xi32>, vector<16xi32>], vector<16xf32>,
        %mul3A_253 = arith.mulf %gather3A_251, %gather3A_252 : vector<16xf32>
        %add3A_254 = arith.addf %add3A_244, %mul3A_253 : vector<16xf32>
        tpu.vector_store_idx %arg16[%add3A_183, %and3A_250], %mul3A_253 : memref<128x48xf32, #tpu.memory_space<vmem>>[vector<16xi32>, vector<16xi32>], vector<16xf32>,
        %add3A_255 = arith.constant 7 : i32
        %add3A_256 = vector.broadcast %add3A_255 : i32 to vector<16xi32>
        %add3A_257 = arith.addi %iota3A, %add3A_256 : vector<16xi32>
        %and3A_258 = arith.constant 31 : i32
        %and3A_259 = vector.broadcast %and3A_258 : i32 to vector<16xi32>
        %and3A_260 = arith.andi %add3A_257, %and3A_259 : vector<16xi32>
        %gather3A_261 = tpu.vector_load_idx %arg14[%add3A_183, %and3A_260] : memref<128x32xf32, #tpu.memory_space<vmem>>[vector<16xi32>, vector<16xi32>], vector<16xf32>,
        %gather3A_262 = tpu.vector_load_idx %arg15[%add3A_183, %and3A_260] : memref<128x32xf32, #tpu.memory_space<vmem>>[vector<16xi32>, vector<16xi32>], vector<16xf32>,
        %mul3A_263 = arith.mulf %gather3A_261, %gather3A_262 : vector<16xf32>
        %add3A_264 = arith.addf %add3A_254, %mul3A_263 : vector<16xf32>
        tpu.vector_store_idx %arg16[%add3A_183, %and3A_260], %mul3A_263 : memref<128x48xf32, #tpu.memory_space<vmem>>[vector<16xi32>, vector<16xi32>], vector<16xf32>,
        %add3A_265 = arith.constant 8 : i32
        %add3A_266 = vector.broadcast %add3A_265 : i32 to vector<16xi32>
        %add3A_267 = arith.addi %iota3A, %add3A_266 : vector<16xi32>
        %and3A_268 = arith.constant 31 : i32
        %and3A_269 = vector.broadcast %and3A_268 : i32 to vector<16xi32>
        %and3A_270 = arith.andi %add3A_267, %and3A_269 : vector<16xi32>
        %gather3A_271 = tpu.vector_load_idx %arg14[%add3A_183, %and3A_270] : memref<128x32xf32, #tpu.memory_space<vmem>>[vector<16xi32>, vector<16xi32>], vector<16xf32>,
        %gather3A_272 = tpu.vector_load_idx %arg15[%add3A_183, %and3A_270] : memref<128x32xf32, #tpu.memory_space<vmem>>[vector<16xi32>, vector<16xi32>], vector<16xf32>,
        %mul3A_273 = arith.mulf %gather3A_271, %gather3A_272 : vector<16xf32>
        %add3A_274 = arith.addf %add3A_264, %mul3A_273 : vector<16xf32>
        tpu.vector_store_idx %arg16[%add3A_183, %and3A_270], %mul3A_273 : memref<128x48xf32, #tpu.memory_space<vmem>>[vector<16xi32>, vector<16xi32>], vector<16xf32>,
        %add3A_275 = arith.constant 9 : i32
        %add3A_276 = vector.broadcast %add3A_275 : i32 to vector<16xi32>
        %add3A_277 = arith.addi %iota3A, %add3A_276 : vector<16xi32>
        %and3A_278 = arith.constant 31 : i32
        %and3A_279 = vector.broadcast %and3A_278 : i32 to vector<16xi32>
        %and3A_280 = arith.andi %add3A_277, %and3A_279 : vector<16xi32>
        %gather3A_281 = tpu.vector_load_idx %arg14[%add3A_183, %and3A_280] : memref<128x32xf32, #tpu.memory_space<vmem>>[vector<16xi32>, vector<16xi32>], vector<16xf32>,
        %gather3A_282 = tpu.vector_load_idx %arg15[%add3A_183, %and3A_280] : memref<128x32xf32, #tpu.memory_space<vmem>>[vector<16xi32>, vector<16xi32>], vector<16xf32>,
        %mul3A_283 = arith.mulf %gather3A_281, %gather3A_282 : vector<16xf32>
        %add3A_284 = arith.addf %add3A_274, %mul3A_283 : vector<16xf32>
        tpu.vector_store_idx %arg16[%add3A_183, %and3A_280], %mul3A_283 : memref<128x48xf32, #tpu.memory_space<vmem>>[vector<16xi32>, vector<16xi32>], vector<16xf32>,
        %add3A_285 = arith.constant 10 : i32
        %add3A_286 = vector.broadcast %add3A_285 : i32 to vector<16xi32>
        %add3A_287 = arith.addi %iota3A, %add3A_286 : vector<16xi32>
        %and3A_288 = arith.constant 31 : i32
        %and3A_289 = vector.broadcast %and3A_288 : i32 to vector<16xi32>
        %and3A_290 = arith.andi %add3A_287, %and3A_289 : vector<16xi32>
        %gather3A_291 = tpu.vector_load_idx %arg14[%add3A_183, %and3A_290] : memref<128x32xf32, #tpu.memory_space<vmem>>[vector<16xi32>, vector<16xi32>], vector<16xf32>,
        %gather3A_292 = tpu.vector_load_idx %arg15[%add3A_183, %and3A_290] : memref<128x32xf32, #tpu.memory_space<vmem>>[vector<16xi32>, vector<16xi32>], vector<16xf32>,
        %mul3A_293 = arith.mulf %gather3A_291, %gather3A_292 : vector<16xf32>
        %add3A_294 = arith.addf %add3A_284, %mul3A_293 : vector<16xf32>
        tpu.vector_store_idx %arg16[%add3A_183, %and3A_290], %mul3A_293 : memref<128x48xf32, #tpu.memory_space<vmem>>[vector<16xi32>, vector<16xi32>], vector<16xf32>,
        %add3A_295 = arith.constant 11 : i32
        %add3A_296 = vector.broadcast %add3A_295 : i32 to vector<16xi32>
        %add3A_297 = arith.addi %iota3A, %add3A_296 : vector<16xi32>
        %and3A_298 = arith.constant 31 : i32
        %and3A_299 = vector.broadcast %and3A_298 : i32 to vector<16xi32>
        %and3A_300 = arith.andi %add3A_297, %and3A_299 : vector<16xi32>
        %gather3A_301 = tpu.vector_load_idx %arg14[%add3A_183, %and3A_300] : memref<128x32xf32, #tpu.memory_space<vmem>>[vector<16xi32>, vector<16xi32>], vector<16xf32>,
        %gather3A_302 = tpu.vector_load_idx %arg15[%add3A_183, %and3A_300] : memref<128x32xf32, #tpu.memory_space<vmem>>[vector<16xi32>, vector<16xi32>], vector<16xf32>,
        %mul3A_303 = arith.mulf %gather3A_301, %gather3A_302 : vector<16xf32>
        %add3A_304 = arith.addf %add3A_294, %mul3A_303 : vector<16xf32>
        tpu.vector_store_idx %arg16[%add3A_183, %and3A_300], %mul3A_303 : memref<128x48xf32, #tpu.memory_space<vmem>>[vector<16xi32>, vector<16xi32>], vector<16xf32>,
        %add3A_305 = arith.constant 12 : i32
        %add3A_306 = vector.broadcast %add3A_305 : i32 to vector<16xi32>
        %add3A_307 = arith.addi %iota3A, %add3A_306 : vector<16xi32>
        %and3A_308 = arith.constant 31 : i32
        %and3A_309 = vector.broadcast %and3A_308 : i32 to vector<16xi32>
        %and3A_310 = arith.andi %add3A_307, %and3A_309 : vector<16xi32>
        %gather3A_311 = tpu.vector_load_idx %arg14[%add3A_183, %and3A_310] : memref<128x32xf32, #tpu.memory_space<vmem>>[vector<16xi32>, vector<16xi32>], vector<16xf32>,
        %gather3A_312 = tpu.vector_load_idx %arg15[%add3A_183, %and3A_310] : memref<128x32xf32, #tpu.memory_space<vmem>>[vector<16xi32>, vector<16xi32>], vector<16xf32>,
        %mul3A_313 = arith.mulf %gather3A_311, %gather3A_312 : vector<16xf32>
        %add3A_314 = arith.addf %add3A_304, %mul3A_313 : vector<16xf32>
        tpu.vector_store_idx %arg16[%add3A_183, %and3A_310], %mul3A_313 : memref<128x48xf32, #tpu.memory_space<vmem>>[vector<16xi32>, vector<16xi32>], vector<16xf32>,
        %add3A_315 = arith.constant 13 : i32
        %add3A_316 = vector.broadcast %add3A_315 : i32 to vector<16xi32>
        %add3A_317 = arith.addi %iota3A, %add3A_316 : vector<16xi32>
        %and3A_318 = arith.constant 31 : i32
        %and3A_319 = vector.broadcast %and3A_318 : i32 to vector<16xi32>
        %and3A_320 = arith.andi %add3A_317, %and3A_319 : vector<16xi32>
        %gather3A_321 = tpu.vector_load_idx %arg14[%add3A_183, %and3A_320] : memref<128x32xf32, #tpu.memory_space<vmem>>[vector<16xi32>, vector<16xi32>], vector<16xf32>,
        %gather3A_322 = tpu.vector_load_idx %arg15[%add3A_183, %and3A_320] : memref<128x32xf32, #tpu.memory_space<vmem>>[vector<16xi32>, vector<16xi32>], vector<16xf32>,
        %mul3A_323 = arith.mulf %gather3A_321, %gather3A_322 : vector<16xf32>
        %add3A_324 = arith.addf %add3A_314, %mul3A_323 : vector<16xf32>
        tpu.vector_store_idx %arg16[%add3A_183, %and3A_320], %mul3A_323 : memref<128x48xf32, #tpu.memory_space<vmem>>[vector<16xi32>, vector<16xi32>], vector<16xf32>,
        %add3A_325 = arith.constant 14 : i32
        %add3A_326 = vector.broadcast %add3A_325 : i32 to vector<16xi32>
        %add3A_327 = arith.addi %iota3A, %add3A_326 : vector<16xi32>
        %and3A_328 = arith.constant 31 : i32
        %and3A_329 = vector.broadcast %and3A_328 : i32 to vector<16xi32>
        %and3A_330 = arith.andi %add3A_327, %and3A_329 : vector<16xi32>
        %gather3A_331 = tpu.vector_load_idx %arg14[%add3A_183, %and3A_330] : memref<128x32xf32, #tpu.memory_space<vmem>>[vector<16xi32>, vector<16xi32>], vector<16xf32>,
        %gather3A_332 = tpu.vector_load_idx %arg15[%add3A_183, %and3A_330] : memref<128x32xf32, #tpu.memory_space<vmem>>[vector<16xi32>, vector<16xi32>], vector<16xf32>,
        %mul3A_333 = arith.mulf %gather3A_331, %gather3A_332 : vector<16xf32>
        %add3A_334 = arith.addf %add3A_324, %mul3A_333 : vector<16xf32>
        tpu.vector_store_idx %arg16[%add3A_183, %and3A_330], %mul3A_333 : memref<128x48xf32, #tpu.memory_space<vmem>>[vector<16xi32>, vector<16xi32>], vector<16xf32>,
        %add3A_335 = arith.constant 15 : i32
        %add3A_336 = vector.broadcast %add3A_335 : i32 to vector<16xi32>
        %add3A_337 = arith.addi %iota3A, %add3A_336 : vector<16xi32>
        %and3A_338 = arith.constant 31 : i32
        %and3A_339 = vector.broadcast %and3A_338 : i32 to vector<16xi32>
        %and3A_340 = arith.andi %add3A_337, %and3A_339 : vector<16xi32>
        %gather3A_341 = tpu.vector_load_idx %arg14[%add3A_183, %and3A_340] : memref<128x32xf32, #tpu.memory_space<vmem>>[vector<16xi32>, vector<16xi32>], vector<16xf32>,
        %gather3A_342 = tpu.vector_load_idx %arg15[%add3A_183, %and3A_340] : memref<128x32xf32, #tpu.memory_space<vmem>>[vector<16xi32>, vector<16xi32>], vector<16xf32>,
        %mul3A_343 = arith.mulf %gather3A_341, %gather3A_342 : vector<16xf32>
        %add3A_344 = arith.addf %add3A_334, %mul3A_343 : vector<16xf32>
        tpu.vector_store_idx %arg16[%add3A_183, %and3A_340], %mul3A_343 : memref<128x48xf32, #tpu.memory_space<vmem>>[vector<16xi32>, vector<16xi32>], vector<16xf32>,
        %add3A_345 = arith.constant 16 : i32
        %add3A_346 = vector.broadcast %add3A_345 : i32 to vector<16xi32>
        %add3A_347 = arith.addi %iota3A, %add3A_346 : vector<16xi32>
        %and3A_348 = arith.constant 31 : i32
        %and3A_349 = vector.broadcast %and3A_348 : i32 to vector<16xi32>
        %and3A_350 = arith.andi %add3A_347, %and3A_349 : vector<16xi32>
        %gather3A_351 = tpu.vector_load_idx %arg14[%add3A_183, %and3A_350] : memref<128x32xf32, #tpu.memory_space<vmem>>[vector<16xi32>, vector<16xi32>], vector<16xf32>,
        %gather3A_352 = tpu.vector_load_idx %arg15[%add3A_183, %and3A_350] : memref<128x32xf32, #tpu.memory_space<vmem>>[vector<16xi32>, vector<16xi32>], vector<16xf32>,
        %mul3A_353 = arith.mulf %gather3A_351, %gather3A_352 : vector<16xf32>
        %add3A_354 = arith.addf %add3A_344, %mul3A_353 : vector<16xf32>
        tpu.vector_store_idx %arg16[%add3A_183, %and3A_350], %mul3A_353 : memref<128x48xf32, #tpu.memory_space<vmem>>[vector<16xi32>, vector<16xi32>], vector<16xf32>,
        %add3A_355 = arith.constant 17 : i32
        %add3A_356 = vector.broadcast %add3A_355 : i32 to vector<16xi32>
        %add3A_357 = arith.addi %iota3A, %add3A_356 : vector<16xi32>
        %and3A_358 = arith.constant 31 : i32
        %and3A_359 = vector.broadcast %and3A_358 : i32 to vector<16xi32>
        %and3A_360 = arith.andi %add3A_357, %and3A_359 : vector<16xi32>
        %gather3A_361 = tpu.vector_load_idx %arg14[%add3A_183, %and3A_360] : memref<128x32xf32, #tpu.memory_space<vmem>>[vector<16xi32>, vector<16xi32>], vector<16xf32>,
        %gather3A_362 = tpu.vector_load_idx %arg15[%add3A_183, %and3A_360] : memref<128x32xf32, #tpu.memory_space<vmem>>[vector<16xi32>, vector<16xi32>], vector<16xf32>,
        %mul3A_363 = arith.mulf %gather3A_361, %gather3A_362 : vector<16xf32>
        %add3A_364 = arith.addf %add3A_354, %mul3A_363 : vector<16xf32>
        tpu.vector_store_idx %arg16[%add3A_183, %and3A_360], %mul3A_363 : memref<128x48xf32, #tpu.memory_space<vmem>>[vector<16xi32>, vector<16xi32>], vector<16xf32>,
        %add3A_365 = arith.constant 18 : i32
        %add3A_366 = vector.broadcast %add3A_365 : i32 to vector<16xi32>
        %add3A_367 = arith.addi %iota3A, %add3A_366 : vector<16xi32>
        %and3A_368 = arith.constant 31 : i32
        %and3A_369 = vector.broadcast %and3A_368 : i32 to vector<16xi32>
        %and3A_370 = arith.andi %add3A_367, %and3A_369 : vector<16xi32>
        %gather3A_371 = tpu.vector_load_idx %arg14[%add3A_183, %and3A_370] : memref<128x32xf32, #tpu.memory_space<vmem>>[vector<16xi32>, vector<16xi32>], vector<16xf32>,
        %gather3A_372 = tpu.vector_load_idx %arg15[%add3A_183, %and3A_370] : memref<128x32xf32, #tpu.memory_space<vmem>>[vector<16xi32>, vector<16xi32>], vector<16xf32>,
        %mul3A_373 = arith.mulf %gather3A_371, %gather3A_372 : vector<16xf32>
        %add3A_374 = arith.addf %add3A_364, %mul3A_373 : vector<16xf32>
        tpu.vector_store_idx %arg16[%add3A_183, %and3A_370], %mul3A_373 : memref<128x48xf32, #tpu.memory_space<vmem>>[vector<16xi32>, vector<16xi32>], vector<16xf32>,
        %add3A_375 = arith.constant 19 : i32
        %add3A_376 = vector.broadcast %add3A_375 : i32 to vector<16xi32>
        %add3A_377 = arith.addi %iota3A, %add3A_376 : vector<16xi32>
        %and3A_378 = arith.constant 31 : i32
        %and3A_379 = vector.broadcast %and3A_378 : i32 to vector<16xi32>
        %and3A_380 = arith.andi %add3A_377, %and3A_379 : vector<16xi32>
        %gather3A_381 = tpu.vector_load_idx %arg14[%add3A_183, %and3A_380] : memref<128x32xf32, #tpu.memory_space<vmem>>[vector<16xi32>, vector<16xi32>], vector<16xf32>,
        %gather3A_382 = tpu.vector_load_idx %arg15[%add3A_183, %and3A_380] : memref<128x32xf32, #tpu.memory_space<vmem>>[vector<16xi32>, vector<16xi32>], vector<16xf32>,
        %mul3A_383 = arith.mulf %gather3A_381, %gather3A_382 : vector<16xf32>
        %add3A_384 = arith.addf %add3A_374, %mul3A_383 : vector<16xf32>
        tpu.vector_store_idx %arg16[%add3A_183, %and3A_380], %mul3A_383 : memref<128x48xf32, #tpu.memory_space<vmem>>[vector<16xi32>, vector<16xi32>], vector<16xf32>,
        %add3A_385 = arith.constant 20 : i32
        %add3A_386 = vector.broadcast %add3A_385 : i32 to vector<16xi32>
        %add3A_387 = arith.addi %iota3A, %add3A_386 : vector<16xi32>
        %and3A_388 = arith.constant 31 : i32
        %and3A_389 = vector.broadcast %and3A_388 : i32 to vector<16xi32>
        %and3A_390 = arith.andi %add3A_387, %and3A_389 : vector<16xi32>
        %gather3A_391 = tpu.vector_load_idx %arg14[%add3A_183, %and3A_390] : memref<128x32xf32, #tpu.memory_space<vmem>>[vector<16xi32>, vector<16xi32>], vector<16xf32>,
        %gather3A_392 = tpu.vector_load_idx %arg15[%add3A_183, %and3A_390] : memref<128x32xf32, #tpu.memory_space<vmem>>[vector<16xi32>, vector<16xi32>], vector<16xf32>,
        %mul3A_393 = arith.mulf %gather3A_391, %gather3A_392 : vector<16xf32>
        %add3A_394 = arith.addf %add3A_384, %mul3A_393 : vector<16xf32>
        tpu.vector_store_idx %arg16[%add3A_183, %and3A_390], %mul3A_393 : memref<128x48xf32, #tpu.memory_space<vmem>>[vector<16xi32>, vector<16xi32>], vector<16xf32>,
        %add3A_395 = arith.constant 21 : i32
        %add3A_396 = vector.broadcast %add3A_395 : i32 to vector<16xi32>
        %add3A_397 = arith.addi %iota3A, %add3A_396 : vector<16xi32>
        %and3A_398 = arith.constant 31 : i32
        %and3A_399 = vector.broadcast %and3A_398 : i32 to vector<16xi32>
        %and3A_400 = arith.andi %add3A_397, %and3A_399 : vector<16xi32>
        %gather3A_401 = tpu.vector_load_idx %arg14[%add3A_183, %and3A_400] : memref<128x32xf32, #tpu.memory_space<vmem>>[vector<16xi32>, vector<16xi32>], vector<16xf32>,
        %gather3A_402 = tpu.vector_load_idx %arg15[%add3A_183, %and3A_400] : memref<128x32xf32, #tpu.memory_space<vmem>>[vector<16xi32>, vector<16xi32>], vector<16xf32>,
        %mul3A_403 = arith.mulf %gather3A_401, %gather3A_402 : vector<16xf32>
        %add3A_404 = arith.addf %add3A_394, %mul3A_403 : vector<16xf32>
        tpu.vector_store_idx %arg16[%add3A_183, %and3A_400], %mul3A_403 : memref<128x48xf32, #tpu.memory_space<vmem>>[vector<16xi32>, vector<16xi32>], vector<16xf32>,
        %add3A_405 = arith.constant 22 : i32
        %add3A_406 = vector.broadcast %add3A_405 : i32 to vector<16xi32>
        %add3A_407 = arith.addi %iota3A, %add3A_406 : vector<16xi32>
        %and3A_408 = arith.constant 31 : i32
        %and3A_409 = vector.broadcast %and3A_408 : i32 to vector<16xi32>
        %and3A_410 = arith.andi %add3A_407, %and3A_409 : vector<16xi32>
        %gather3A_411 = tpu.vector_load_idx %arg14[%add3A_183, %and3A_410] : memref<128x32xf32, #tpu.memory_space<vmem>>[vector<16xi32>, vector<16xi32>], vector<16xf32>,
        %gather3A_412 = tpu.vector_load_idx %arg15[%add3A_183, %and3A_410] : memref<128x32xf32, #tpu.memory_space<vmem>>[vector<16xi32>, vector<16xi32>], vector<16xf32>,
        %mul3A_413 = arith.mulf %gather3A_411, %gather3A_412 : vector<16xf32>
        %add3A_414 = arith.addf %add3A_404, %mul3A_413 : vector<16xf32>
        tpu.vector_store_idx %arg16[%add3A_183, %and3A_410], %mul3A_413 : memref<128x48xf32, #tpu.memory_space<vmem>>[vector<16xi32>, vector<16xi32>], vector<16xf32>,
        %add3A_415 = arith.constant 23 : i32
        %add3A_416 = vector.broadcast %add3A_415 : i32 to vector<16xi32>
        %add3A_417 = arith.addi %iota3A, %add3A_416 : vector<16xi32>
        %and3A_418 = arith.constant 31 : i32
        %and3A_419 = vector.broadcast %and3A_418 : i32 to vector<16xi32>
        %and3A_420 = arith.andi %add3A_417, %and3A_419 : vector<16xi32>
        %gather3A_421 = tpu.vector_load_idx %arg14[%add3A_183, %and3A_420] : memref<128x32xf32, #tpu.memory_space<vmem>>[vector<16xi32>, vector<16xi32>], vector<16xf32>,
        %gather3A_422 = tpu.vector_load_idx %arg15[%add3A_183, %and3A_420] : memref<128x32xf32, #tpu.memory_space<vmem>>[vector<16xi32>, vector<16xi32>], vector<16xf32>,
        %mul3A_423 = arith.mulf %gather3A_421, %gather3A_422 : vector<16xf32>
        %add3A_424 = arith.addf %add3A_414, %mul3A_423 : vector<16xf32>
        tpu.vector_store_idx %arg16[%add3A_183, %and3A_420], %mul3A_423 : memref<128x48xf32, #tpu.memory_space<vmem>>[vector<16xi32>, vector<16xi32>], vector<16xf32>,
        %add3A_425 = arith.constant 24 : i32
        %add3A_426 = vector.broadcast %add3A_425 : i32 to vector<16xi32>
        %add3A_427 = arith.addi %iota3A, %add3A_426 : vector<16xi32>
        %and3A_428 = arith.constant 31 : i32
        %and3A_429 = vector.broadcast %and3A_428 : i32 to vector<16xi32>
        %and3A_430 = arith.andi %add3A_427, %and3A_429 : vector<16xi32>
        %gather3A_431 = tpu.vector_load_idx %arg14[%add3A_183, %and3A_430] : memref<128x32xf32, #tpu.memory_space<vmem>>[vector<16xi32>, vector<16xi32>], vector<16xf32>,
        %gather3A_432 = tpu.vector_load_idx %arg15[%add3A_183, %and3A_430] : memref<128x32xf32, #tpu.memory_space<vmem>>[vector<16xi32>, vector<16xi32>], vector<16xf32>,
        %mul3A_433 = arith.mulf %gather3A_431, %gather3A_432 : vector<16xf32>
        %add3A_434 = arith.addf %add3A_424, %mul3A_433 : vector<16xf32>
        tpu.vector_store_idx %arg16[%add3A_183, %and3A_430], %mul3A_433 : memref<128x48xf32, #tpu.memory_space<vmem>>[vector<16xi32>, vector<16xi32>], vector<16xf32>,
        %add3A_435 = arith.constant 25 : i32
        %add3A_436 = vector.broadcast %add3A_435 : i32 to vector<16xi32>
        %add3A_437 = arith.addi %iota3A, %add3A_436 : vector<16xi32>
        %and3A_438 = arith.constant 31 : i32
        %and3A_439 = vector.broadcast %and3A_438 : i32 to vector<16xi32>
        %and3A_440 = arith.andi %add3A_437, %and3A_439 : vector<16xi32>
        %gather3A_441 = tpu.vector_load_idx %arg14[%add3A_183, %and3A_440] : memref<128x32xf32, #tpu.memory_space<vmem>>[vector<16xi32>, vector<16xi32>], vector<16xf32>,
        %gather3A_442 = tpu.vector_load_idx %arg15[%add3A_183, %and3A_440] : memref<128x32xf32, #tpu.memory_space<vmem>>[vector<16xi32>, vector<16xi32>], vector<16xf32>,
        %mul3A_443 = arith.mulf %gather3A_441, %gather3A_442 : vector<16xf32>
        %add3A_444 = arith.addf %add3A_434, %mul3A_443 : vector<16xf32>
        tpu.vector_store_idx %arg16[%add3A_183, %and3A_440], %mul3A_443 : memref<128x48xf32, #tpu.memory_space<vmem>>[vector<16xi32>, vector<16xi32>], vector<16xf32>,
        %add3A_445 = arith.constant 26 : i32
        %add3A_446 = vector.broadcast %add3A_445 : i32 to vector<16xi32>
        %add3A_447 = arith.addi %iota3A, %add3A_446 : vector<16xi32>
        %and3A_448 = arith.constant 31 : i32
        %and3A_449 = vector.broadcast %and3A_448 : i32 to vector<16xi32>
        %and3A_450 = arith.andi %add3A_447, %and3A_449 : vector<16xi32>
        %gather3A_451 = tpu.vector_load_idx %arg14[%add3A_183, %and3A_450] : memref<128x32xf32, #tpu.memory_space<vmem>>[vector<16xi32>, vector<16xi32>], vector<16xf32>,
        %gather3A_452 = tpu.vector_load_idx %arg15[%add3A_183, %and3A_450] : memref<128x32xf32, #tpu.memory_space<vmem>>[vector<16xi32>, vector<16xi32>], vector<16xf32>,
        %mul3A_453 = arith.mulf %gather3A_451, %gather3A_452 : vector<16xf32>
        %add3A_454 = arith.addf %add3A_444, %mul3A_453 : vector<16xf32>
        tpu.vector_store_idx %arg16[%add3A_183, %and3A_450], %mul3A_453 : memref<128x48xf32, #tpu.memory_space<vmem>>[vector<16xi32>, vector<16xi32>], vector<16xf32>,
        %add3A_455 = arith.constant 27 : i32
        %add3A_456 = vector.broadcast %add3A_455 : i32 to vector<16xi32>
        %add3A_457 = arith.addi %iota3A, %add3A_456 : vector<16xi32>
        %and3A_458 = arith.constant 31 : i32
        %and3A_459 = vector.broadcast %and3A_458 : i32 to vector<16xi32>
        %and3A_460 = arith.andi %add3A_457, %and3A_459 : vector<16xi32>
        %gather3A_461 = tpu.vector_load_idx %arg14[%add3A_183, %and3A_460] : memref<128x32xf32, #tpu.memory_space<vmem>>[vector<16xi32>, vector<16xi32>], vector<16xf32>,
        %gather3A_462 = tpu.vector_load_idx %arg15[%add3A_183, %and3A_460] : memref<128x32xf32, #tpu.memory_space<vmem>>[vector<16xi32>, vector<16xi32>], vector<16xf32>,
        %mul3A_463 = arith.mulf %gather3A_461, %gather3A_462 : vector<16xf32>
        %add3A_464 = arith.addf %add3A_454, %mul3A_463 : vector<16xf32>
        tpu.vector_store_idx %arg16[%add3A_183, %and3A_460], %mul3A_463 : memref<128x48xf32, #tpu.memory_space<vmem>>[vector<16xi32>, vector<16xi32>], vector<16xf32>,
        %add3A_465 = arith.constant 28 : i32
        %add3A_466 = vector.broadcast %add3A_465 : i32 to vector<16xi32>
        %add3A_467 = arith.addi %iota3A, %add3A_466 : vector<16xi32>
        %and3A_468 = arith.constant 31 : i32
        %and3A_469 = vector.broadcast %and3A_468 : i32 to vector<16xi32>
        %and3A_470 = arith.andi %add3A_467, %and3A_469 : vector<16xi32>
        %gather3A_471 = tpu.vector_load_idx %arg14[%add3A_183, %and3A_470] : memref<128x32xf32, #tpu.memory_space<vmem>>[vector<16xi32>, vector<16xi32>], vector<16xf32>,
        %gather3A_472 = tpu.vector_load_idx %arg15[%add3A_183, %and3A_470] : memref<128x32xf32, #tpu.memory_space<vmem>>[vector<16xi32>, vector<16xi32>], vector<16xf32>,
        %mul3A_473 = arith.mulf %gather3A_471, %gather3A_472 : vector<16xf32>
        %add3A_474 = arith.addf %add3A_464, %mul3A_473 : vector<16xf32>
        tpu.vector_store_idx %arg16[%add3A_183, %and3A_470], %mul3A_473 : memref<128x48xf32, #tpu.memory_space<vmem>>[vector<16xi32>, vector<16xi32>], vector<16xf32>,
        %add3A_475 = arith.constant 29 : i32
        %add3A_476 = vector.broadcast %add3A_475 : i32 to vector<16xi32>
        %add3A_477 = arith.addi %iota3A, %add3A_476 : vector<16xi32>
        %and3A_478 = arith.constant 31 : i32
        %and3A_479 = vector.broadcast %and3A_478 : i32 to vector<16xi32>
        %and3A_480 = arith.andi %add3A_477, %and3A_479 : vector<16xi32>
        %gather3A_481 = tpu.vector_load_idx %arg14[%add3A_183, %and3A_480] : memref<128x32xf32, #tpu.memory_space<vmem>>[vector<16xi32>, vector<16xi32>], vector<16xf32>,
        %gather3A_482 = tpu.vector_load_idx %arg15[%add3A_183, %and3A_480] : memref<128x32xf32, #tpu.memory_space<vmem>>[vector<16xi32>, vector<16xi32>], vector<16xf32>,
        %mul3A_483 = arith.mulf %gather3A_481, %gather3A_482 : vector<16xf32>
        %add3A_484 = arith.addf %add3A_474, %mul3A_483 : vector<16xf32>
        tpu.vector_store_idx %arg16[%add3A_183, %and3A_480], %mul3A_483 : memref<128x48xf32, #tpu.memory_space<vmem>>[vector<16xi32>, vector<16xi32>], vector<16xf32>,
        %add3A_485 = arith.constant 30 : i32
        %add3A_486 = vector.broadcast %add3A_485 : i32 to vector<16xi32>
        %add3A_487 = arith.addi %iota3A, %add3A_486 : vector<16xi32>
        %and3A_488 = arith.constant 31 : i32
        %and3A_489 = vector.broadcast %and3A_488 : i32 to vector<16xi32>
        %and3A_490 = arith.andi %add3A_487, %and3A_489 : vector<16xi32>
        %gather3A_491 = tpu.vector_load_idx %arg14[%add3A_183, %and3A_490] : memref<128x32xf32, #tpu.memory_space<vmem>>[vector<16xi32>, vector<16xi32>], vector<16xf32>,
        %gather3A_492 = tpu.vector_load_idx %arg15[%add3A_183, %and3A_490] : memref<128x32xf32, #tpu.memory_space<vmem>>[vector<16xi32>, vector<16xi32>], vector<16xf32>,
        %mul3A_493 = arith.mulf %gather3A_491, %gather3A_492 : vector<16xf32>
        %add3A_494 = arith.addf %add3A_484, %mul3A_493 : vector<16xf32>
        tpu.vector_store_idx %arg16[%add3A_183, %and3A_490], %mul3A_493 : memref<128x48xf32, #tpu.memory_space<vmem>>[vector<16xi32>, vector<16xi32>], vector<16xf32>,
        %add3A_495 = arith.constant 31 : i32
        %add3A_496 = vector.broadcast %add3A_495 : i32 to vector<16xi32>
        %add3A_497 = arith.addi %iota3A, %add3A_496 : vector<16xi32>
        %and3A_498 = arith.constant 31 : i32
        %and3A_499 = vector.broadcast %and3A_498 : i32 to vector<16xi32>
        %and3A_500 = arith.andi %add3A_497, %and3A_499 : vector<16xi32>
        %gather3A_501 = tpu.vector_load_idx %arg14[%add3A_183, %and3A_500] : memref<128x32xf32, #tpu.memory_space<vmem>>[vector<16xi32>, vector<16xi32>], vector<16xf32>,
        %gather3A_502 = tpu.vector_load_idx %arg15[%add3A_183, %and3A_500] : memref<128x32xf32, #tpu.memory_space<vmem>>[vector<16xi32>, vector<16xi32>], vector<16xf32>,
        %mul3A_503 = arith.mulf %gather3A_501, %gather3A_502 : vector<16xf32>
        %add3A_504 = arith.addf %add3A_494, %mul3A_503 : vector<16xf32>
        tpu.vector_store_idx %arg16[%add3A_183, %and3A_500], %mul3A_503 : memref<128x48xf32, #tpu.memory_space<vmem>>[vector<16xi32>, vector<16xi32>], vector<16xf32>,
        %broadcast_in_dim3A_505 = arith.constant 32 : i32
        %broadcast_in_dim3A_506 = vector.broadcast %broadcast_in_dim3A_505 : i32 to vector<16xi32>
        %mul3A_507 = arith.mulf %mul3A_177, %add3A_504 : vector<16xf32>
        tpu.vector_store_idx %arg16[%add3A_183, %broadcast_in_dim3A_506], %mul3A_507 : memref<128x48xf32, #tpu.memory_space<vmem>>[vector<16xi32>, vector<16xi32>], vector<16xf32>,
        %broadcast_in_dim3A_508 = arith.constant 33 : i32
        %broadcast_in_dim3A_509 = vector.broadcast %broadcast_in_dim3A_508 : i32 to vector<16xi32>
        %mul3A_510 = arith.mulf %mul3A_178, %add3A_504 : vector<16xf32>
        tpu.vector_store_idx %arg16[%add3A_183, %broadcast_in_dim3A_509], %mul3A_510 : memref<128x48xf32, #tpu.memory_space<vmem>>[vector<16xi32>, vector<16xi32>], vector<16xf32>,
        %broadcast_in_dim3A_511 = arith.constant 34 : i32
        %broadcast_in_dim3A_512 = vector.broadcast %broadcast_in_dim3A_511 : i32 to vector<16xi32>
        %mul3A_513 = arith.mulf %mul3A_179, %add3A_504 : vector<16xf32>
        tpu.vector_store_idx %arg16[%add3A_183, %broadcast_in_dim3A_512], %mul3A_513 : memref<128x48xf32, #tpu.memory_space<vmem>>[vector<16xi32>, vector<16xi32>], vector<16xf32>,
      }
      %scan3A_94 = arith.constant 8 : i32
      "tpu.region"() ({
        %run_scoped3A = tpu.sem_alloc : memref<!tpu.dma_semaphore, #tpu.memory_space<semaphore_mem>>
        %dma_start3A_95 = arith.constant 0 : i32
        %dma_start3A_96 = tpu.memref_slice %arg10[%add3A_72, %dma_start3A_95] : memref<40x128xi32, #tpu.memory_space<vmem>> -> memref<1x128xi32, #tpu.memory_space<vmem>>
        %dma_start3A_97 = tpu.memref_squeeze %dma_start3A_96 : memref<1x128xi32, #tpu.memory_space<vmem>> -> memref<128xi32, #tpu.memory_space<vmem>>
        %dma_start3A_98 = arith.constant 0 : i32
        %dma_start3A_99 = arith.constant 0 : i32
        %dma_start3A_100 = tpu.memref_slice %arg19[%dma_start3A_98, %dma_start3A_99] : memref<10240x48xf32, #tpu.memory_space<vmem_shared>> -> memref<10240x48xf32, #tpu.memory_space<vmem_shared>>
        tpu.enqueue_indirect_dma source(%arg16 : memref<128x48xf32, #tpu.memory_space<vmem>>) target(%dma_start3A_100 : memref<10240x48xf32, #tpu.memory_space<vmem_shared>>) offsets(%dma_start3A_97 : memref<128xi32, #tpu.memory_space<vmem>>) semaphore(%run_scoped3A : memref<!tpu.dma_semaphore, #tpu.memory_space<semaphore_mem>>) {add = true}
        %dma_wait3A_101 = arith.constant 0 : i32
        %dma_wait3A_102 = tpu.memref_slice %arg10[%add3A_72, %dma_wait3A_101] : memref<40x128xi32, #tpu.memory_space<vmem>> -> memref<1x128xi32, #tpu.memory_space<vmem>>
        %dma_wait3A_103 = tpu.memref_squeeze %dma_wait3A_102 : memref<1x128xi32, #tpu.memory_space<vmem>> -> memref<128xi32, #tpu.memory_space<vmem>>
        %dma_wait3A_104 = arith.constant 0 : i32
        %dma_wait3A_105 = arith.constant 0 : i32
        %dma_wait3A_106 = tpu.memref_slice %arg19[%dma_wait3A_104, %dma_wait3A_105] : memref<10240x48xf32, #tpu.memory_space<vmem_shared>> -> memref<10240x48xf32, #tpu.memory_space<vmem_shared>>
        tpu.wait_indirect_dma semaphore(%run_scoped3A : memref<!tpu.dma_semaphore, #tpu.memory_space<semaphore_mem>>) src(%arg16 : memref<128x48xf32, #tpu.memory_space<vmem>>) dst(%dma_wait3A_106 : memref<10240x48xf32, #tpu.memory_space<vmem_shared>>)
        tpu.yield
      }) : () -> ()
    }
    %scan3A_22 = arith.constant 20 : i32
    %barrier3A_23 = arith.constant 0 : index
    tpu.barrier barrier_id(%barrier3A_23)
    %mul3A_24 = arith.constant 640 : i32
    %mul3A_25 = arith.muli %arg1, %mul3A_24 : i32
    %mul3A_26 = arith.constant 640 : i32
    %mul3A_27 = arith.muli %arg1, %mul3A_26 : i32
    "tpu.region"() ({
      %run_scoped3A = tpu.sem_alloc : memref<!tpu.dma_semaphore, #tpu.memory_space<semaphore_mem>>
      %dma_start3A_28 = arith.constant 0 : i32
      %dma_start3A_29 = tpu.memref_slice %arg8[%arg0, %mul3A_27, %dma_start3A_28] : memref<2x10240x48xf32, #tpu.memory_space<hbm>> -> memref<1x640x48xf32, #tpu.memory_space<hbm>>
      %dma_start3A_30 = tpu.memref_squeeze %dma_start3A_29 : memref<1x640x48xf32, #tpu.memory_space<hbm>> -> memref<640x48xf32, #tpu.memory_space<hbm>>
      %dma_start3A_31 = arith.constant 0 : i32
      %dma_start3A_32 = tpu.memref_slice %arg19[%mul3A_25, %dma_start3A_31] : memref<10240x48xf32, #tpu.memory_space<vmem_shared>> -> memref<640x48xf32, #tpu.memory_space<vmem_shared>>
      tpu.enqueue_dma source(%dma_start3A_32 : memref<640x48xf32, #tpu.memory_space<vmem_shared>>) target(%dma_start3A_30 : memref<640x48xf32, #tpu.memory_space<hbm>>) target_semaphore(%run_scoped3A : memref<!tpu.dma_semaphore, #tpu.memory_space<semaphore_mem>>)
      %dma_wait3A = arith.constant 0 : i32
      %dma_wait3A_33 = tpu.memref_slice %arg8[%arg0, %mul3A_27, %dma_wait3A] : memref<2x10240x48xf32, #tpu.memory_space<hbm>> -> memref<1x640x48xf32, #tpu.memory_space<hbm>>
      %dma_wait3A_34 = tpu.memref_squeeze %dma_wait3A_33 : memref<1x640x48xf32, #tpu.memory_space<hbm>> -> memref<640x48xf32, #tpu.memory_space<hbm>>
      %dma_wait3A_35 = arith.constant 0 : i32
      %dma_wait3A_36 = tpu.memref_slice %arg19[%mul3A_25, %dma_wait3A_35] : memref<10240x48xf32, #tpu.memory_space<vmem_shared>> -> memref<640x48xf32, #tpu.memory_space<vmem_shared>>
      tpu.wait_dma2 semaphore(%run_scoped3A : memref<!tpu.dma_semaphore, #tpu.memory_space<semaphore_mem>>) src(%dma_wait3A_36 : memref<640x48xf32, #tpu.memory_space<vmem_shared>>) dst(%dma_wait3A_34 : memref<640x48xf32, #tpu.memory_space<hbm>>)
      tpu.yield
    }) : () -> ()
    return
  }
}

#map = affine_map<(d0, d1) -> (0, 0, 0)>
#map1 = affine_map<(d0, d1) -> (0)>
module attributes {stable_mosaic.version = 14 : i64} {
  func.func @_geom_body(%arg0: i32, %arg1: i32, %arg2: memref<32x40x128xi32, #tpu.memory_space<hbm>>, %arg3: memref<32x40x128xi32, #tpu.memory_space<hbm>>, %arg4: memref<30720xf32, #tpu.memory_space<hbm>>, %arg5: memref<163840xf32, #tpu.memory_space<hbm>>, %arg6: memref<40x128xi32, #tpu.memory_space<vmem>>, %arg7: memref<40x128xi32, #tpu.memory_space<vmem>>, %arg8: memref<30720xf32, #tpu.memory_space<vmem>>, %arg9: memref<5120xf32, #tpu.memory_space<vmem>>) attributes {dimension_semantics = [#tpu.dimension_semantics<core_parallel>, #tpu.dimension_semantics<subcore_parallel>], iteration_bounds = array<i64: 2, 16>, scalar_prefetch = 0 : i64, scratch_operands = 4 : i64, tpu.core_type = #tpu.core_type<sc_vector_subcore>, window_params = [{transform_indices = #map}, {transform_indices = #map}, {transform_indices = #map1}, {transform_indices = #map1}]} {
    %mul3A = arith.constant 2 : i32
    %mul3A_0 = arith.muli %arg1, %mul3A : i32
    %add3A = arith.addi %mul3A_0, %arg0 : i32
    %mul3A_1 = arith.constant 5120 : i32
    %mul3A_2 = arith.muli %add3A, %mul3A_1 : i32
    "tpu.region"() ({
      %run_scoped3A = tpu.sem_alloc : memref<!tpu.dma_semaphore, #tpu.memory_space<semaphore_mem>>
      %dma_start3A = arith.constant 0 : i32
      %dma_start3A_7 = arith.constant 0 : i32
      %dma_start3A_8 = tpu.memref_slice %arg2[%add3A, %dma_start3A, %dma_start3A_7] : memref<32x40x128xi32, #tpu.memory_space<hbm>> -> memref<1x40x128xi32, #tpu.memory_space<hbm>>
      %dma_start3A_9 = tpu.memref_squeeze %dma_start3A_8 : memref<1x40x128xi32, #tpu.memory_space<hbm>> -> memref<40x128xi32, #tpu.memory_space<hbm>>
      %dma_start3A_10 = arith.constant 0 : i32
      %dma_start3A_11 = arith.constant 0 : i32
      %dma_start3A_12 = tpu.memref_slice %arg2[%add3A, %dma_start3A_10, %dma_start3A_11] : memref<32x40x128xi32, #tpu.memory_space<hbm>> -> memref<1x40x128xi32, #tpu.memory_space<hbm>>
      %dma_start3A_13 = tpu.memref_squeeze %dma_start3A_12 : memref<1x40x128xi32, #tpu.memory_space<hbm>> -> memref<40x128xi32, #tpu.memory_space<hbm>>
      tpu.enqueue_dma source(%dma_start3A_13 : memref<40x128xi32, #tpu.memory_space<hbm>>) target(%arg6 : memref<40x128xi32, #tpu.memory_space<vmem>>) target_semaphore(%run_scoped3A : memref<!tpu.dma_semaphore, #tpu.memory_space<semaphore_mem>>)
      %dma_wait3A = arith.constant 0 : i32
      %dma_wait3A_14 = arith.constant 0 : i32
      %dma_wait3A_15 = tpu.memref_slice %arg2[%add3A, %dma_wait3A, %dma_wait3A_14] : memref<32x40x128xi32, #tpu.memory_space<hbm>> -> memref<1x40x128xi32, #tpu.memory_space<hbm>>
      %dma_wait3A_16 = tpu.memref_squeeze %dma_wait3A_15 : memref<1x40x128xi32, #tpu.memory_space<hbm>> -> memref<40x128xi32, #tpu.memory_space<hbm>>
      %dma_wait3A_17 = arith.constant 0 : i32
      %dma_wait3A_18 = arith.constant 0 : i32
      %dma_wait3A_19 = tpu.memref_slice %arg2[%add3A, %dma_wait3A_17, %dma_wait3A_18] : memref<32x40x128xi32, #tpu.memory_space<hbm>> -> memref<1x40x128xi32, #tpu.memory_space<hbm>>
      %dma_wait3A_20 = tpu.memref_squeeze %dma_wait3A_19 : memref<1x40x128xi32, #tpu.memory_space<hbm>> -> memref<40x128xi32, #tpu.memory_space<hbm>>
      tpu.wait_dma2 semaphore(%run_scoped3A : memref<!tpu.dma_semaphore, #tpu.memory_space<semaphore_mem>>) src(%dma_wait3A_20 : memref<40x128xi32, #tpu.memory_space<hbm>>) dst(%arg6 : memref<40x128xi32, #tpu.memory_space<vmem>>)
      tpu.yield
    }) : () -> ()
    "tpu.region"() ({
      %run_scoped3A = tpu.sem_alloc : memref<!tpu.dma_semaphore, #tpu.memory_space<semaphore_mem>>
      %dma_start3A = arith.constant 0 : i32
      %dma_start3A_7 = arith.constant 0 : i32
      %dma_start3A_8 = tpu.memref_slice %arg3[%add3A, %dma_start3A, %dma_start3A_7] : memref<32x40x128xi32, #tpu.memory_space<hbm>> -> memref<1x40x128xi32, #tpu.memory_space<hbm>>
      %dma_start3A_9 = tpu.memref_squeeze %dma_start3A_8 : memref<1x40x128xi32, #tpu.memory_space<hbm>> -> memref<40x128xi32, #tpu.memory_space<hbm>>
      %dma_start3A_10 = arith.constant 0 : i32
      %dma_start3A_11 = arith.constant 0 : i32
      %dma_start3A_12 = tpu.memref_slice %arg3[%add3A, %dma_start3A_10, %dma_start3A_11] : memref<32x40x128xi32, #tpu.memory_space<hbm>> -> memref<1x40x128xi32, #tpu.memory_space<hbm>>
      %dma_start3A_13 = tpu.memref_squeeze %dma_start3A_12 : memref<1x40x128xi32, #tpu.memory_space<hbm>> -> memref<40x128xi32, #tpu.memory_space<hbm>>
      tpu.enqueue_dma source(%dma_start3A_13 : memref<40x128xi32, #tpu.memory_space<hbm>>) target(%arg7 : memref<40x128xi32, #tpu.memory_space<vmem>>) target_semaphore(%run_scoped3A : memref<!tpu.dma_semaphore, #tpu.memory_space<semaphore_mem>>)
      %dma_wait3A = arith.constant 0 : i32
      %dma_wait3A_14 = arith.constant 0 : i32
      %dma_wait3A_15 = tpu.memref_slice %arg3[%add3A, %dma_wait3A, %dma_wait3A_14] : memref<32x40x128xi32, #tpu.memory_space<hbm>> -> memref<1x40x128xi32, #tpu.memory_space<hbm>>
      %dma_wait3A_16 = tpu.memref_squeeze %dma_wait3A_15 : memref<1x40x128xi32, #tpu.memory_space<hbm>> -> memref<40x128xi32, #tpu.memory_space<hbm>>
      %dma_wait3A_17 = arith.constant 0 : i32
      %dma_wait3A_18 = arith.constant 0 : i32
      %dma_wait3A_19 = tpu.memref_slice %arg3[%add3A, %dma_wait3A_17, %dma_wait3A_18] : memref<32x40x128xi32, #tpu.memory_space<hbm>> -> memref<1x40x128xi32, #tpu.memory_space<hbm>>
      %dma_wait3A_20 = tpu.memref_squeeze %dma_wait3A_19 : memref<1x40x128xi32, #tpu.memory_space<hbm>> -> memref<40x128xi32, #tpu.memory_space<hbm>>
      tpu.wait_dma2 semaphore(%run_scoped3A : memref<!tpu.dma_semaphore, #tpu.memory_space<semaphore_mem>>) src(%dma_wait3A_20 : memref<40x128xi32, #tpu.memory_space<hbm>>) dst(%arg7 : memref<40x128xi32, #tpu.memory_space<vmem>>)
      tpu.yield
    }) : () -> ()
    "tpu.region"() ({
      %run_scoped3A = tpu.sem_alloc : memref<!tpu.dma_semaphore, #tpu.memory_space<semaphore_mem>>
      tpu.enqueue_dma source(%arg4 : memref<30720xf32, #tpu.memory_space<hbm>>) target(%arg8 : memref<30720xf32, #tpu.memory_space<vmem>>) target_semaphore(%run_scoped3A : memref<!tpu.dma_semaphore, #tpu.memory_space<semaphore_mem>>)
      tpu.wait_dma2 semaphore(%run_scoped3A : memref<!tpu.dma_semaphore, #tpu.memory_space<semaphore_mem>>) src(%arg4 : memref<30720xf32, #tpu.memory_space<hbm>>) dst(%arg8 : memref<30720xf32, #tpu.memory_space<vmem>>)
      tpu.yield
    }) : () -> ()
    %scan3A = arith.constant 0 : i32
    %scan3A_3 = arith.constant 40 : i32
    %scan3A_4 = arith.addi %scan3A, %scan3A_3 : i32
    %scan3A_5 = arith.constant 1 : i32
    scf.for %scan3A_7 = %scan3A to %scan3A_4 step %scan3A_5  : i32 {
      %mul3A_8 = arith.constant 1 : i32
      %mul3A_9 = arith.muli %scan3A_7, %mul3A_8 : i32
      %add3A_10 = arith.constant 0 : i32
      %add3A_11 = arith.addi %add3A_10, %mul3A_9 : i32
      %scan3A_12 = arith.constant 0 : i32
      %scan3A_13 = arith.constant 8 : i32
      %scan3A_14 = arith.addi %scan3A_12, %scan3A_13 : i32
      %scan3A_15 = arith.constant 1 : i32
      scf.for %scan3A_17 = %scan3A_12 to %scan3A_14 step %scan3A_15  : i32 {
        %mul3A_18 = arith.constant 1 : i32
        %mul3A_19 = arith.muli %scan3A_17, %mul3A_18 : i32
        %add3A_20 = arith.constant 0 : i32
        %add3A_21 = arith.addi %add3A_20, %mul3A_19 : i32
        %mul3A_22 = arith.constant 16 : i32
        %mul3A_23 = arith.muli %add3A_21, %mul3A_22 : i32
        %get3A = arith.index_cast %add3A_11 : i32 to index
        %get3A_24 = arith.index_cast %mul3A_23 : i32 to index
        %get3A_25 = tpu.vector_load %arg6[%get3A, %get3A_24] {strides = array<i32>} : memref<40x128xi32, #tpu.memory_space<vmem>>, vector<16xi32>,
        %mul3A_26 = arith.constant 3 : i32
        %mul3A_27 = vector.broadcast %mul3A_26 : i32 to vector<16xi32>
        %mul3A_28 = arith.muli %get3A_25, %mul3A_27 : vector<16xi32>
        %mul3A_29 = arith.constant 16 : i32
        %mul3A_30 = arith.muli %add3A_21, %mul3A_29 : i32
        %get3A_31 = arith.index_cast %add3A_11 : i32 to index
        %get3A_32 = arith.index_cast %mul3A_30 : i32 to index
        %get3A_33 = tpu.vector_load %arg7[%get3A_31, %get3A_32] {strides = array<i32>} : memref<40x128xi32, #tpu.memory_space<vmem>>, vector<16xi32>,
        %mul3A_34 = arith.constant 3 : i32
        %mul3A_35 = vector.broadcast %mul3A_34 : i32 to vector<16xi32>
        %mul3A_36 = arith.muli %get3A_33, %mul3A_35 : vector<16xi32>
        %gather3A = tpu.vector_load_idx %arg8[%mul3A_36] : memref<30720xf32, #tpu.memory_space<vmem>>[vector<16xi32>], vector<16xf32>,
        %gather3A_37 = tpu.vector_load_idx %arg8[%mul3A_28] : memref<30720xf32, #tpu.memory_space<vmem>>[vector<16xi32>], vector<16xf32>,
        %sub3A = arith.subf %gather3A, %gather3A_37 : vector<16xf32>
        %add3A_38 = arith.constant 1 : i32
        %add3A_39 = vector.broadcast %add3A_38 : i32 to vector<16xi32>
        %add3A_40 = arith.addi %mul3A_36, %add3A_39 : vector<16xi32>
        %gather3A_41 = tpu.vector_load_idx %arg8[%add3A_40] : memref<30720xf32, #tpu.memory_space<vmem>>[vector<16xi32>], vector<16xf32>,
        %add3A_42 = arith.constant 1 : i32
        %add3A_43 = vector.broadcast %add3A_42 : i32 to vector<16xi32>
        %add3A_44 = arith.addi %mul3A_28, %add3A_43 : vector<16xi32>
        %gather3A_45 = tpu.vector_load_idx %arg8[%add3A_44] : memref<30720xf32, #tpu.memory_space<vmem>>[vector<16xi32>], vector<16xf32>,
        %sub3A_46 = arith.subf %gather3A_41, %gather3A_45 : vector<16xf32>
        %add3A_47 = arith.constant 2 : i32
        %add3A_48 = vector.broadcast %add3A_47 : i32 to vector<16xi32>
        %add3A_49 = arith.addi %mul3A_36, %add3A_48 : vector<16xi32>
        %gather3A_50 = tpu.vector_load_idx %arg8[%add3A_49] : memref<30720xf32, #tpu.memory_space<vmem>>[vector<16xi32>], vector<16xf32>,
        %add3A_51 = arith.constant 2 : i32
        %add3A_52 = vector.broadcast %add3A_51 : i32 to vector<16xi32>
        %add3A_53 = arith.addi %mul3A_28, %add3A_52 : vector<16xi32>
        %gather3A_54 = tpu.vector_load_idx %arg8[%add3A_53] : memref<30720xf32, #tpu.memory_space<vmem>>[vector<16xi32>], vector<16xf32>,
        %sub3A_55 = arith.subf %gather3A_50, %gather3A_54 : vector<16xf32>
        %mul3A_56 = arith.mulf %sub3A, %sub3A : vector<16xf32>
        %mul3A_57 = arith.mulf %sub3A_46, %sub3A_46 : vector<16xf32>
        %add3A_58 = arith.addf %mul3A_56, %mul3A_57 : vector<16xf32>
        %mul3A_59 = arith.mulf %sub3A_55, %sub3A_55 : vector<16xf32>
        %add3A_60 = arith.addf %add3A_58, %mul3A_59 : vector<16xf32>
        %add3A_61 = arith.constant 9.99999996E-13 : f32
        %add3A_62 = vector.broadcast %add3A_61 : f32 to vector<16xf32>
        %add3A_63 = arith.addf %add3A_60, %add3A_62 : vector<16xf32>
        %bitcast3A = vector.bitcast %add3A_63 : vector<16xf32> to vector<16xi32>
        %broadcast_in_dim3A = arith.constant 1597463007 : i32
        %broadcast_in_dim3A_64 = vector.broadcast %broadcast_in_dim3A : i32 to vector<16xi32>
        %broadcast_in_dim3A_65 = arith.constant 1 : i32
        %broadcast_in_dim3A_66 = vector.broadcast %broadcast_in_dim3A_65 : i32 to vector<16xi32>
        %shift_right_logical3A = arith.shrui %bitcast3A, %broadcast_in_dim3A_66 : vector<16xi32>
        %sub3A_67 = arith.subi %broadcast_in_dim3A_64, %shift_right_logical3A : vector<16xi32>
        %bitcast3A_68 = vector.bitcast %sub3A_67 : vector<16xi32> to vector<16xf32>
        %mul3A_69 = arith.constant 5.000000e-01 : f32
        %mul3A_70 = vector.broadcast %mul3A_69 : f32 to vector<16xf32>
        %mul3A_71 = arith.mulf %mul3A_70, %add3A_63 : vector<16xf32>
        %mul3A_72 = arith.mulf %mul3A_71, %bitcast3A_68 : vector<16xf32>
        %mul3A_73 = arith.mulf %mul3A_72, %bitcast3A_68 : vector<16xf32>
        %sub3A_74 = arith.constant 1.500000e+00 : f32
        %sub3A_75 = vector.broadcast %sub3A_74 : f32 to vector<16xf32>
        %sub3A_76 = arith.subf %sub3A_75, %mul3A_73 : vector<16xf32>
        %mul3A_77 = arith.mulf %bitcast3A_68, %sub3A_76 : vector<16xf32>
        %mul3A_78 = arith.constant 5.000000e-01 : f32
        %mul3A_79 = vector.broadcast %mul3A_78 : f32 to vector<16xf32>
        %mul3A_80 = arith.mulf %mul3A_79, %add3A_63 : vector<16xf32>
        %mul3A_81 = arith.mulf %mul3A_80, %mul3A_77 : vector<16xf32>
        %mul3A_82 = arith.mulf %mul3A_81, %mul3A_77 : vector<16xf32>
        %sub3A_83 = arith.constant 1.500000e+00 : f32
        %sub3A_84 = vector.broadcast %sub3A_83 : f32 to vector<16xf32>
        %sub3A_85 = arith.subf %sub3A_84, %mul3A_82 : vector<16xf32>
        %mul3A_86 = arith.mulf %mul3A_77, %sub3A_85 : vector<16xf32>
        %mul3A_87 = arith.constant 5.000000e-01 : f32
        %mul3A_88 = vector.broadcast %mul3A_87 : f32 to vector<16xf32>
        %mul3A_89 = arith.mulf %mul3A_88, %add3A_63 : vector<16xf32>
        %mul3A_90 = arith.mulf %mul3A_89, %mul3A_86 : vector<16xf32>
        %mul3A_91 = arith.mulf %mul3A_90, %mul3A_86 : vector<16xf32>
        %sub3A_92 = arith.constant 1.500000e+00 : f32
        %sub3A_93 = vector.broadcast %sub3A_92 : f32 to vector<16xf32>
        %sub3A_94 = arith.subf %sub3A_93, %mul3A_91 : vector<16xf32>
        %mul3A_95 = arith.mulf %mul3A_86, %sub3A_94 : vector<16xf32>
        %mul3A_96 = arith.mulf %add3A_63, %mul3A_95 : vector<16xf32>
        %mul3A_97 = arith.constant 128 : i32
        %mul3A_98 = arith.muli %add3A_11, %mul3A_97 : i32
        %mul3A_99 = arith.constant 16 : i32
        %mul3A_100 = arith.muli %add3A_21, %mul3A_99 : i32
        %add3A_101 = arith.addi %mul3A_98, %mul3A_100 : i32
        %swap3A = arith.index_cast %add3A_101 : i32 to index
        %swap3A_102 = tpu.vector_load %arg9[%swap3A] {strides = array<i32>} : memref<5120xf32, #tpu.memory_space<vmem>>, vector<16xf32>,
        tpu.vector_store %arg9[%swap3A], %mul3A_96 {strides = array<i32>} : memref<5120xf32, #tpu.memory_space<vmem>>, vector<16xf32>,
      }
      %scan3A_16 = arith.constant 8 : i32
    }
    %scan3A_6 = arith.constant 40 : i32
    "tpu.region"() ({
      %run_scoped3A = tpu.sem_alloc : memref<!tpu.dma_semaphore, #tpu.memory_space<semaphore_mem>>
      %dma_start3A = tpu.memref_slice %arg5[%mul3A_2] : memref<163840xf32, #tpu.memory_space<hbm>> -> memref<5120xf32, #tpu.memory_space<hbm>>
      %dma_start3A_7 = tpu.memref_slice %arg5[%mul3A_2] : memref<163840xf32, #tpu.memory_space<hbm>> -> memref<5120xf32, #tpu.memory_space<hbm>>
      tpu.enqueue_dma source(%arg9 : memref<5120xf32, #tpu.memory_space<vmem>>) target(%dma_start3A_7 : memref<5120xf32, #tpu.memory_space<hbm>>) target_semaphore(%run_scoped3A : memref<!tpu.dma_semaphore, #tpu.memory_space<semaphore_mem>>)
      %dma_wait3A = tpu.memref_slice %arg5[%mul3A_2] : memref<163840xf32, #tpu.memory_space<hbm>> -> memref<5120xf32, #tpu.memory_space<hbm>>
      %dma_wait3A_8 = tpu.memref_slice %arg5[%mul3A_2] : memref<163840xf32, #tpu.memory_space<hbm>> -> memref<5120xf32, #tpu.memory_space<hbm>>
      tpu.wait_dma2 semaphore(%run_scoped3A : memref<!tpu.dma_semaphore, #tpu.memory_space<semaphore_mem>>) src(%arg9 : memref<5120xf32, #tpu.memory_space<vmem>>) dst(%dma_wait3A_8 : memref<5120xf32, #tpu.memory_space<hbm>>)
      tpu.yield
    }) : () -> ()
    return
  }
}

#map = affine_map<(d0, d1) -> (0, 0, 0)>
#map1 = affine_map<(d0, d1) -> (0)>
#map2 = affine_map<(d0, d1) -> (0, 0)>
module attributes {stable_mosaic.version = 14 : i64} {
  func.func @_main_body(%arg0: i32, %arg1: i32, %arg2: memref<32x40x128xi32, #tpu.memory_space<hbm>>, %arg3: memref<32x40x128xi32, #tpu.memory_space<hbm>>, %arg4: memref<30720xf32, #tpu.memory_space<hbm>>, %arg5: memref<10240x32xf32, #tpu.memory_space<hbm>>, %arg6: memref<163840x32xf32, #tpu.memory_space<hbm>>, %arg7: memref<10240x48xf32, #tpu.memory_space<hbm>>, %arg8: memref<2x10240x48xf32, #tpu.memory_space<hbm>>, %arg9: memref<40x128xi32, #tpu.memory_space<vmem>>, %arg10: memref<40x128xi32, #tpu.memory_space<vmem>>, %arg11: memref<30720xf32, #tpu.memory_space<vmem>>, %arg12: memref<128x32xf32, #tpu.memory_space<vmem>>, %arg13: memref<128x32xf32, #tpu.memory_space<vmem>>, %arg14: memref<128x32xf32, #tpu.memory_space<vmem>>, %arg15: memref<128x32xf32, #tpu.memory_space<vmem>>, %arg16: memref<128x48xf32, #tpu.memory_space<vmem>>, %arg17: memref<!tpu.dma_semaphore, #tpu.memory_space<semaphore_mem>>, %arg18: memref<!tpu.dma_semaphore, #tpu.memory_space<semaphore_mem>>, %arg19: memref<10240x48xf32, #tpu.memory_space<vmem_shared>>) attributes {dimension_semantics = [#tpu.dimension_semantics<core_parallel>, #tpu.dimension_semantics<subcore_parallel>], iteration_bounds = array<i64: 2, 16>, scalar_prefetch = 0 : i64, scratch_operands = 11 : i64, tpu.core_type = #tpu.core_type<sc_vector_subcore>, window_params = [{transform_indices = #map}, {transform_indices = #map}, {transform_indices = #map1}, {transform_indices = #map2}, {transform_indices = #map2}, {transform_indices = #map2}, {transform_indices = #map}]} {
    %mul3A = arith.constant 2 : i32
    %mul3A_0 = arith.muli %arg1, %mul3A : i32
    %add3A = arith.addi %mul3A_0, %arg0 : i32
    %mul3A_1 = arith.constant 5120 : i32
    %mul3A_2 = arith.muli %add3A, %mul3A_1 : i32
    "tpu.region"() ({
      %run_scoped3A = tpu.sem_alloc : memref<!tpu.dma_semaphore, #tpu.memory_space<semaphore_mem>>
      %dma_start3A_28 = arith.constant 0 : i32
      %dma_start3A_29 = arith.constant 0 : i32
      %dma_start3A_30 = tpu.memref_slice %arg2[%add3A, %dma_start3A_28, %dma_start3A_29] : memref<32x40x128xi32, #tpu.memory_space<hbm>> -> memref<1x40x128xi32, #tpu.memory_space<hbm>>
      %dma_start3A_31 = tpu.memref_squeeze %dma_start3A_30 : memref<1x40x128xi32, #tpu.memory_space<hbm>> -> memref<40x128xi32, #tpu.memory_space<hbm>>
      %dma_start3A_32 = arith.constant 0 : i32
      %dma_start3A_33 = arith.constant 0 : i32
      %dma_start3A_34 = tpu.memref_slice %arg2[%add3A, %dma_start3A_32, %dma_start3A_33] : memref<32x40x128xi32, #tpu.memory_space<hbm>> -> memref<1x40x128xi32, #tpu.memory_space<hbm>>
      %dma_start3A_35 = tpu.memref_squeeze %dma_start3A_34 : memref<1x40x128xi32, #tpu.memory_space<hbm>> -> memref<40x128xi32, #tpu.memory_space<hbm>>
      tpu.enqueue_dma source(%dma_start3A_35 : memref<40x128xi32, #tpu.memory_space<hbm>>) target(%arg9 : memref<40x128xi32, #tpu.memory_space<vmem>>) target_semaphore(%run_scoped3A : memref<!tpu.dma_semaphore, #tpu.memory_space<semaphore_mem>>)
      %dma_wait3A = arith.constant 0 : i32
      %dma_wait3A_36 = arith.constant 0 : i32
      %dma_wait3A_37 = tpu.memref_slice %arg2[%add3A, %dma_wait3A, %dma_wait3A_36] : memref<32x40x128xi32, #tpu.memory_space<hbm>> -> memref<1x40x128xi32, #tpu.memory_space<hbm>>
      %dma_wait3A_38 = tpu.memref_squeeze %dma_wait3A_37 : memref<1x40x128xi32, #tpu.memory_space<hbm>> -> memref<40x128xi32, #tpu.memory_space<hbm>>
      %dma_wait3A_39 = arith.constant 0 : i32
      %dma_wait3A_40 = arith.constant 0 : i32
      %dma_wait3A_41 = tpu.memref_slice %arg2[%add3A, %dma_wait3A_39, %dma_wait3A_40] : memref<32x40x128xi32, #tpu.memory_space<hbm>> -> memref<1x40x128xi32, #tpu.memory_space<hbm>>
      %dma_wait3A_42 = tpu.memref_squeeze %dma_wait3A_41 : memref<1x40x128xi32, #tpu.memory_space<hbm>> -> memref<40x128xi32, #tpu.memory_space<hbm>>
      tpu.wait_dma2 semaphore(%run_scoped3A : memref<!tpu.dma_semaphore, #tpu.memory_space<semaphore_mem>>) src(%dma_wait3A_42 : memref<40x128xi32, #tpu.memory_space<hbm>>) dst(%arg9 : memref<40x128xi32, #tpu.memory_space<vmem>>)
      tpu.yield
    }) : () -> ()
    "tpu.region"() ({
      %run_scoped3A = tpu.sem_alloc : memref<!tpu.dma_semaphore, #tpu.memory_space<semaphore_mem>>
      %dma_start3A_28 = arith.constant 0 : i32
      %dma_start3A_29 = arith.constant 0 : i32
      %dma_start3A_30 = tpu.memref_slice %arg3[%add3A, %dma_start3A_28, %dma_start3A_29] : memref<32x40x128xi32, #tpu.memory_space<hbm>> -> memref<1x40x128xi32, #tpu.memory_space<hbm>>
      %dma_start3A_31 = tpu.memref_squeeze %dma_start3A_30 : memref<1x40x128xi32, #tpu.memory_space<hbm>> -> memref<40x128xi32, #tpu.memory_space<hbm>>
      %dma_start3A_32 = arith.constant 0 : i32
      %dma_start3A_33 = arith.constant 0 : i32
      %dma_start3A_34 = tpu.memref_slice %arg3[%add3A, %dma_start3A_32, %dma_start3A_33] : memref<32x40x128xi32, #tpu.memory_space<hbm>> -> memref<1x40x128xi32, #tpu.memory_space<hbm>>
      %dma_start3A_35 = tpu.memref_squeeze %dma_start3A_34 : memref<1x40x128xi32, #tpu.memory_space<hbm>> -> memref<40x128xi32, #tpu.memory_space<hbm>>
      tpu.enqueue_dma source(%dma_start3A_35 : memref<40x128xi32, #tpu.memory_space<hbm>>) target(%arg10 : memref<40x128xi32, #tpu.memory_space<vmem>>) target_semaphore(%run_scoped3A : memref<!tpu.dma_semaphore, #tpu.memory_space<semaphore_mem>>)
      %dma_wait3A = arith.constant 0 : i32
      %dma_wait3A_36 = arith.constant 0 : i32
      %dma_wait3A_37 = tpu.memref_slice %arg3[%add3A, %dma_wait3A, %dma_wait3A_36] : memref<32x40x128xi32, #tpu.memory_space<hbm>> -> memref<1x40x128xi32, #tpu.memory_space<hbm>>
      %dma_wait3A_38 = tpu.memref_squeeze %dma_wait3A_37 : memref<1x40x128xi32, #tpu.memory_space<hbm>> -> memref<40x128xi32, #tpu.memory_space<hbm>>
      %dma_wait3A_39 = arith.constant 0 : i32
      %dma_wait3A_40 = arith.constant 0 : i32
      %dma_wait3A_41 = tpu.memref_slice %arg3[%add3A, %dma_wait3A_39, %dma_wait3A_40] : memref<32x40x128xi32, #tpu.memory_space<hbm>> -> memref<1x40x128xi32, #tpu.memory_space<hbm>>
      %dma_wait3A_42 = tpu.memref_squeeze %dma_wait3A_41 : memref<1x40x128xi32, #tpu.memory_space<hbm>> -> memref<40x128xi32, #tpu.memory_space<hbm>>
      tpu.wait_dma2 semaphore(%run_scoped3A : memref<!tpu.dma_semaphore, #tpu.memory_space<semaphore_mem>>) src(%dma_wait3A_42 : memref<40x128xi32, #tpu.memory_space<hbm>>) dst(%arg10 : memref<40x128xi32, #tpu.memory_space<vmem>>)
      tpu.yield
    }) : () -> ()
    "tpu.region"() ({
      %run_scoped3A = tpu.sem_alloc : memref<!tpu.dma_semaphore, #tpu.memory_space<semaphore_mem>>
      tpu.enqueue_dma source(%arg4 : memref<30720xf32, #tpu.memory_space<hbm>>) target(%arg11 : memref<30720xf32, #tpu.memory_space<vmem>>) target_semaphore(%run_scoped3A : memref<!tpu.dma_semaphore, #tpu.memory_space<semaphore_mem>>)
      tpu.wait_dma2 semaphore(%run_scoped3A : memref<!tpu.dma_semaphore, #tpu.memory_space<semaphore_mem>>) src(%arg4 : memref<30720xf32, #tpu.memory_space<hbm>>) dst(%arg11 : memref<30720xf32, #tpu.memory_space<vmem>>)
      tpu.yield
    }) : () -> ()
    %mul3A_3 = arith.constant 640 : i32
    %mul3A_4 = arith.muli %arg1, %mul3A_3 : i32
    %mul3A_5 = arith.constant 640 : i32
    %mul3A_6 = arith.muli %arg1, %mul3A_5 : i32
    "tpu.region"() ({
      %run_scoped3A = tpu.sem_alloc : memref<!tpu.dma_semaphore, #tpu.memory_space<semaphore_mem>>
      %dma_start3A_28 = arith.constant 0 : i32
      %dma_start3A_29 = tpu.memref_slice %arg19[%mul3A_6, %dma_start3A_28] : memref<10240x48xf32, #tpu.memory_space<vmem_shared>> -> memref<640x48xf32, #tpu.memory_space<vmem_shared>>
      %dma_start3A_30 = arith.constant 0 : i32
      %dma_start3A_31 = tpu.memref_slice %arg7[%mul3A_4, %dma_start3A_30] : memref<10240x48xf32, #tpu.memory_space<hbm>> -> memref<640x48xf32, #tpu.memory_space<hbm>>
      tpu.enqueue_dma source(%dma_start3A_31 : memref<640x48xf32, #tpu.memory_space<hbm>>) target(%dma_start3A_29 : memref<640x48xf32, #tpu.memory_space<vmem_shared>>) target_semaphore(%run_scoped3A : memref<!tpu.dma_semaphore, #tpu.memory_space<semaphore_mem>>)
      %dma_wait3A = arith.constant 0 : i32
      %dma_wait3A_32 = tpu.memref_slice %arg19[%mul3A_6, %dma_wait3A] : memref<10240x48xf32, #tpu.memory_space<vmem_shared>> -> memref<640x48xf32, #tpu.memory_space<vmem_shared>>
      %dma_wait3A_33 = arith.constant 0 : i32
      %dma_wait3A_34 = tpu.memref_slice %arg7[%mul3A_4, %dma_wait3A_33] : memref<10240x48xf32, #tpu.memory_space<hbm>> -> memref<640x48xf32, #tpu.memory_space<hbm>>
      tpu.wait_dma2 semaphore(%run_scoped3A : memref<!tpu.dma_semaphore, #tpu.memory_space<semaphore_mem>>) src(%dma_wait3A_34 : memref<640x48xf32, #tpu.memory_space<hbm>>) dst(%dma_wait3A_32 : memref<640x48xf32, #tpu.memory_space<vmem_shared>>)
      tpu.yield
    }) : () -> ()
    %barrier3A = arith.constant 0 : index
    tpu.barrier barrier_id(%barrier3A)
    %iota3A = tpu.iota {dimensions = array<i32: 0>} : vector<16xi32>
    %dma_start3A = arith.constant 0 : i32
    %dma_start3A_7 = arith.constant 0 : i32
    %dma_start3A_8 = tpu.memref_slice %arg9[%dma_start3A, %dma_start3A_7] : memref<40x128xi32, #tpu.memory_space<vmem>> -> memref<1x128xi32, #tpu.memory_space<vmem>>
    %dma_start3A_9 = tpu.memref_squeeze %dma_start3A_8 : memref<1x128xi32, #tpu.memory_space<vmem>> -> memref<128xi32, #tpu.memory_space<vmem>>
    %dma_start3A_10 = arith.constant 0 : i32
    %dma_start3A_11 = arith.constant 0 : i32
    %dma_start3A_12 = tpu.memref_slice %arg5[%dma_start3A_10, %dma_start3A_11] : memref<10240x32xf32, #tpu.memory_space<hbm>> -> memref<10240x32xf32, #tpu.memory_space<hbm>>
    tpu.enqueue_indirect_dma source(%dma_start3A_12 : memref<10240x32xf32, #tpu.memory_space<hbm>>) target(%arg12 : memref<128x32xf32, #tpu.memory_space<vmem>>) offsets(%dma_start3A_9 : memref<128xi32, #tpu.memory_space<vmem>>) semaphore(%arg17 : memref<!tpu.dma_semaphore, #tpu.memory_space<semaphore_mem>>)
    %add3A_13 = arith.constant 0 : i32
    %add3A_14 = arith.addi %mul3A_2, %add3A_13 : i32
    %dma_start3A_15 = arith.constant 0 : i32
    %dma_start3A_16 = tpu.memref_slice %arg6[%add3A_14, %dma_start3A_15] : memref<163840x32xf32, #tpu.memory_space<hbm>> -> memref<128x32xf32, #tpu.memory_space<hbm>>
    %dma_start3A_17 = arith.constant 0 : i32
    %dma_start3A_18 = tpu.memref_slice %arg6[%add3A_14, %dma_start3A_17] : memref<163840x32xf32, #tpu.memory_space<hbm>> -> memref<128x32xf32, #tpu.memory_space<hbm>>
    tpu.enqueue_dma source(%dma_start3A_18 : memref<128x32xf32, #tpu.memory_space<hbm>>) target(%arg13 : memref<128x32xf32, #tpu.memory_space<vmem>>) target_semaphore(%arg17 : memref<!tpu.dma_semaphore, #tpu.memory_space<semaphore_mem>>)
    %scan3A = arith.constant 0 : i32
    %scan3A_19 = arith.constant 20 : i32
    %scan3A_20 = arith.addi %scan3A, %scan3A_19 : i32
    %scan3A_21 = arith.constant 1 : i32
    scf.for %scan3A_28 = %scan3A to %scan3A_20 step %scan3A_21  : i32 {
      %mul3A_29 = arith.constant 1 : i32
      %mul3A_30 = arith.muli %scan3A_28, %mul3A_29 : i32
      %add3A_31 = arith.constant 0 : i32
      %add3A_32 = arith.addi %add3A_31, %mul3A_30 : i32
      %mul3A_33 = arith.constant 2 : i32
      %mul3A_34 = arith.muli %add3A_32, %mul3A_33 : i32
      %add3A_35 = arith.constant 0 : i32
      %add3A_36 = arith.addi %mul3A_34, %add3A_35 : i32
      %dma_wait3A = arith.constant 0 : i32
      %dma_wait3A_37 = tpu.memref_slice %arg9[%add3A_36, %dma_wait3A] : memref<40x128xi32, #tpu.memory_space<vmem>> -> memref<1x128xi32, #tpu.memory_space<vmem>>
      %dma_wait3A_38 = tpu.memref_squeeze %dma_wait3A_37 : memref<1x128xi32, #tpu.memory_space<vmem>> -> memref<128xi32, #tpu.memory_space<vmem>>
      %dma_wait3A_39 = arith.constant 0 : i32
      %dma_wait3A_40 = arith.constant 0 : i32
      %dma_wait3A_41 = tpu.memref_slice %arg5[%dma_wait3A_39, %dma_wait3A_40] : memref<10240x32xf32, #tpu.memory_space<hbm>> -> memref<10240x32xf32, #tpu.memory_space<hbm>>
      tpu.wait_indirect_dma semaphore(%arg17 : memref<!tpu.dma_semaphore, #tpu.memory_space<semaphore_mem>>) src(%dma_wait3A_41 : memref<10240x32xf32, #tpu.memory_space<hbm>>) dst(%arg12 : memref<128x32xf32, #tpu.memory_space<vmem>>)
      %mul3A_42 = arith.constant 128 : i32
      %mul3A_43 = arith.muli %add3A_36, %mul3A_42 : i32
      %add3A_44 = arith.addi %mul3A_2, %mul3A_43 : i32
      %dma_wait3A_45 = arith.constant 0 : i32
      %dma_wait3A_46 = tpu.memref_slice %arg6[%add3A_44, %dma_wait3A_45] : memref<163840x32xf32, #tpu.memory_space<hbm>> -> memref<128x32xf32, #tpu.memory_space<hbm>>
      %dma_wait3A_47 = arith.constant 0 : i32
      %dma_wait3A_48 = tpu.memref_slice %arg6[%add3A_44, %dma_wait3A_47] : memref<163840x32xf32, #tpu.memory_space<hbm>> -> memref<128x32xf32, #tpu.memory_space<hbm>>
      tpu.wait_dma2 semaphore(%arg17 : memref<!tpu.dma_semaphore, #tpu.memory_space<semaphore_mem>>) src(%dma_wait3A_48 : memref<128x32xf32, #tpu.memory_space<hbm>>) dst(%arg13 : memref<128x32xf32, #tpu.memory_space<vmem>>)
      %add3A_49 = arith.constant 1 : i32
      %add3A_50 = arith.addi %add3A_36, %add3A_49 : i32
      %dma_start3A_51 = arith.constant 0 : i32
      %dma_start3A_52 = tpu.memref_slice %arg9[%add3A_50, %dma_start3A_51] : memref<40x128xi32, #tpu.memory_space<vmem>> -> memref<1x128xi32, #tpu.memory_space<vmem>>
      %dma_start3A_53 = tpu.memref_squeeze %dma_start3A_52 : memref<1x128xi32, #tpu.memory_space<vmem>> -> memref<128xi32, #tpu.memory_space<vmem>>
      %dma_start3A_54 = arith.constant 0 : i32
      %dma_start3A_55 = arith.constant 0 : i32
      %dma_start3A_56 = tpu.memref_slice %arg5[%dma_start3A_54, %dma_start3A_55] : memref<10240x32xf32, #tpu.memory_space<hbm>> -> memref<10240x32xf32, #tpu.memory_space<hbm>>
      tpu.enqueue_indirect_dma source(%dma_start3A_56 : memref<10240x32xf32, #tpu.memory_space<hbm>>) target(%arg14 : memref<128x32xf32, #tpu.memory_space<vmem>>) offsets(%dma_start3A_53 : memref<128xi32, #tpu.memory_space<vmem>>) semaphore(%arg18 : memref<!tpu.dma_semaphore, #tpu.memory_space<semaphore_mem>>)
      %mul3A_57 = arith.constant 128 : i32
      %mul3A_58 = arith.muli %add3A_50, %mul3A_57 : i32
      %add3A_59 = arith.addi %mul3A_2, %mul3A_58 : i32
      %dma_start3A_60 = arith.constant 0 : i32
      %dma_start3A_61 = tpu.memref_slice %arg6[%add3A_59, %dma_start3A_60] : memref<163840x32xf32, #tpu.memory_space<hbm>> -> memref<128x32xf32, #tpu.memory_space<hbm>>
      %dma_start3A_62 = arith.constant 0 : i32
      %dma_start3A_63 = tpu.memref_slice %arg6[%add3A_59, %dma_start3A_62] : memref<163840x32xf32, #tpu.memory_space<hbm>> -> memref<128x32xf32, #tpu.memory_space<hbm>>
      tpu.enqueue_dma source(%dma_start3A_63 : memref<128x32xf32, #tpu.memory_space<hbm>>) target(%arg15 : memref<128x32xf32, #tpu.memory_space<vmem>>) target_semaphore(%arg18 : memref<!tpu.dma_semaphore, #tpu.memory_space<semaphore_mem>>)
      %scan3A_64 = arith.constant 0 : i32
      %scan3A_65 = arith.constant 8 : i32
      %scan3A_66 = arith.addi %scan3A_64, %scan3A_65 : i32
      %scan3A_67 = arith.constant 1 : i32
      scf.for %scan3A_95 = %scan3A_64 to %scan3A_66 step %scan3A_67  : i32 {
        %mul3A_96 = arith.constant 1 : i32
        %mul3A_97 = arith.muli %scan3A_95, %mul3A_96 : i32
        %add3A_98 = arith.constant 0 : i32
        %add3A_99 = arith.addi %add3A_98, %mul3A_97 : i32
        %mul3A_100 = arith.constant 16 : i32
        %mul3A_101 = arith.muli %add3A_99, %mul3A_100 : i32
        %get3A = arith.index_cast %add3A_36 : i32 to index
        %get3A_102 = arith.index_cast %mul3A_101 : i32 to index
        %get3A_103 = tpu.vector_load %arg9[%get3A, %get3A_102] {strides = array<i32>} : memref<40x128xi32, #tpu.memory_space<vmem>>, vector<16xi32>,
        %mul3A_104 = arith.constant 3 : i32
        %mul3A_105 = vector.broadcast %mul3A_104 : i32 to vector<16xi32>
        %mul3A_106 = arith.muli %get3A_103, %mul3A_105 : vector<16xi32>
        %mul3A_107 = arith.constant 16 : i32
        %mul3A_108 = arith.muli %add3A_99, %mul3A_107 : i32
        %get3A_109 = arith.index_cast %add3A_36 : i32 to index
        %get3A_110 = arith.index_cast %mul3A_108 : i32 to index
        %get3A_111 = tpu.vector_load %arg10[%get3A_109, %get3A_110] {strides = array<i32>} : memref<40x128xi32, #tpu.memory_space<vmem>>, vector<16xi32>,
        %mul3A_112 = arith.constant 3 : i32
        %mul3A_113 = vector.broadcast %mul3A_112 : i32 to vector<16xi32>
        %mul3A_114 = arith.muli %get3A_111, %mul3A_113 : vector<16xi32>
        %gather3A = tpu.vector_load_idx %arg11[%mul3A_114] : memref<30720xf32, #tpu.memory_space<vmem>>[vector<16xi32>], vector<16xf32>,
        %gather3A_115 = tpu.vector_load_idx %arg11[%mul3A_106] : memref<30720xf32, #tpu.memory_space<vmem>>[vector<16xi32>], vector<16xf32>,
        %sub3A = arith.subf %gather3A, %gather3A_115 : vector<16xf32>
        %add3A_116 = arith.constant 1 : i32
        %add3A_117 = vector.broadcast %add3A_116 : i32 to vector<16xi32>
        %add3A_118 = arith.addi %mul3A_114, %add3A_117 : vector<16xi32>
        %gather3A_119 = tpu.vector_load_idx %arg11[%add3A_118] : memref<30720xf32, #tpu.memory_space<vmem>>[vector<16xi32>], vector<16xf32>,
        %add3A_120 = arith.constant 1 : i32
        %add3A_121 = vector.broadcast %add3A_120 : i32 to vector<16xi32>
        %add3A_122 = arith.addi %mul3A_106, %add3A_121 : vector<16xi32>
        %gather3A_123 = tpu.vector_load_idx %arg11[%add3A_122] : memref<30720xf32, #tpu.memory_space<vmem>>[vector<16xi32>], vector<16xf32>,
        %sub3A_124 = arith.subf %gather3A_119, %gather3A_123 : vector<16xf32>
        %add3A_125 = arith.constant 2 : i32
        %add3A_126 = vector.broadcast %add3A_125 : i32 to vector<16xi32>
        %add3A_127 = arith.addi %mul3A_114, %add3A_126 : vector<16xi32>
        %gather3A_128 = tpu.vector_load_idx %arg11[%add3A_127] : memref<30720xf32, #tpu.memory_space<vmem>>[vector<16xi32>], vector<16xf32>,
        %add3A_129 = arith.constant 2 : i32
        %add3A_130 = vector.broadcast %add3A_129 : i32 to vector<16xi32>
        %add3A_131 = arith.addi %mul3A_106, %add3A_130 : vector<16xi32>
        %gather3A_132 = tpu.vector_load_idx %arg11[%add3A_131] : memref<30720xf32, #tpu.memory_space<vmem>>[vector<16xi32>], vector<16xf32>,
        %sub3A_133 = arith.subf %gather3A_128, %gather3A_132 : vector<16xf32>
        %mul3A_134 = arith.mulf %sub3A, %sub3A : vector<16xf32>
        %mul3A_135 = arith.mulf %sub3A_124, %sub3A_124 : vector<16xf32>
        %add3A_136 = arith.addf %mul3A_134, %mul3A_135 : vector<16xf32>
        %mul3A_137 = arith.mulf %sub3A_133, %sub3A_133 : vector<16xf32>
        %add3A_138 = arith.addf %add3A_136, %mul3A_137 : vector<16xf32>
        %add3A_139 = arith.constant 9.99999996E-13 : f32
        %add3A_140 = vector.broadcast %add3A_139 : f32 to vector<16xf32>
        %add3A_141 = arith.addf %add3A_138, %add3A_140 : vector<16xf32>
        %bitcast3A = vector.bitcast %add3A_141 : vector<16xf32> to vector<16xi32>
        %broadcast_in_dim3A = arith.constant 1597463007 : i32
        %broadcast_in_dim3A_142 = vector.broadcast %broadcast_in_dim3A : i32 to vector<16xi32>
        %broadcast_in_dim3A_143 = arith.constant 1 : i32
        %broadcast_in_dim3A_144 = vector.broadcast %broadcast_in_dim3A_143 : i32 to vector<16xi32>
        %shift_right_logical3A = arith.shrui %bitcast3A, %broadcast_in_dim3A_144 : vector<16xi32>
        %sub3A_145 = arith.subi %broadcast_in_dim3A_142, %shift_right_logical3A : vector<16xi32>
        %bitcast3A_146 = vector.bitcast %sub3A_145 : vector<16xi32> to vector<16xf32>
        %mul3A_147 = arith.constant 5.000000e-01 : f32
        %mul3A_148 = vector.broadcast %mul3A_147 : f32 to vector<16xf32>
        %mul3A_149 = arith.mulf %mul3A_148, %add3A_141 : vector<16xf32>
        %mul3A_150 = arith.mulf %mul3A_149, %bitcast3A_146 : vector<16xf32>
        %mul3A_151 = arith.mulf %mul3A_150, %bitcast3A_146 : vector<16xf32>
        %sub3A_152 = arith.constant 1.500000e+00 : f32
        %sub3A_153 = vector.broadcast %sub3A_152 : f32 to vector<16xf32>
        %sub3A_154 = arith.subf %sub3A_153, %mul3A_151 : vector<16xf32>
        %mul3A_155 = arith.mulf %bitcast3A_146, %sub3A_154 : vector<16xf32>
        %mul3A_156 = arith.constant 5.000000e-01 : f32
        %mul3A_157 = vector.broadcast %mul3A_156 : f32 to vector<16xf32>
        %mul3A_158 = arith.mulf %mul3A_157, %add3A_141 : vector<16xf32>
        %mul3A_159 = arith.mulf %mul3A_158, %mul3A_155 : vector<16xf32>
        %mul3A_160 = arith.mulf %mul3A_159, %mul3A_155 : vector<16xf32>
        %sub3A_161 = arith.constant 1.500000e+00 : f32
        %sub3A_162 = vector.broadcast %sub3A_161 : f32 to vector<16xf32>
        %sub3A_163 = arith.subf %sub3A_162, %mul3A_160 : vector<16xf32>
        %mul3A_164 = arith.mulf %mul3A_155, %sub3A_163 : vector<16xf32>
        %mul3A_165 = arith.constant 5.000000e-01 : f32
        %mul3A_166 = vector.broadcast %mul3A_165 : f32 to vector<16xf32>
        %mul3A_167 = arith.mulf %mul3A_166, %add3A_141 : vector<16xf32>
        %mul3A_168 = arith.mulf %mul3A_167, %mul3A_164 : vector<16xf32>
        %mul3A_169 = arith.mulf %mul3A_168, %mul3A_164 : vector<16xf32>
        %sub3A_170 = arith.constant 1.500000e+00 : f32
        %sub3A_171 = vector.broadcast %sub3A_170 : f32 to vector<16xf32>
        %sub3A_172 = arith.subf %sub3A_171, %mul3A_169 : vector<16xf32>
        %mul3A_173 = arith.mulf %mul3A_164, %sub3A_172 : vector<16xf32>
        %mul3A_174 = arith.constant 1.73205078 : f32
        %mul3A_175 = vector.broadcast %mul3A_174 : f32 to vector<16xf32>
        %mul3A_176 = arith.mulf %mul3A_173, %mul3A_175 : vector<16xf32>
        %mul3A_177 = arith.mulf %sub3A, %mul3A_176 : vector<16xf32>
        %mul3A_178 = arith.mulf %sub3A_124, %mul3A_176 : vector<16xf32>
        %mul3A_179 = arith.mulf %sub3A_133, %mul3A_176 : vector<16xf32>
        %mul3A_180 = arith.constant 16 : i32
        %mul3A_181 = arith.muli %add3A_99, %mul3A_180 : i32
        %add3A_182 = vector.broadcast %mul3A_181 : i32 to vector<16xi32>
        %add3A_183 = arith.addi %iota3A, %add3A_182 : vector<16xi32>
        %broadcast_in_dim3A_184 = arith.constant 0.000000e+00 : f32
        %broadcast_in_dim3A_185 = vector.broadcast %broadcast_in_dim3A_184 : f32 to vector<16xf32>
        %add3A_186 = arith.constant 0 : i32
        %add3A_187 = vector.broadcast %add3A_186 : i32 to vector<16xi32>
        %add3A_188 = arith.addi %iota3A, %add3A_187 : vector<16xi32>
        %and3A = arith.constant 31 : i32
        %and3A_189 = vector.broadcast %and3A : i32 to vector<16xi32>
        %and3A_190 = arith.andi %add3A_188, %and3A_189 : vector<16xi32>
        %gather3A_191 = tpu.vector_load_idx %arg12[%add3A_183, %and3A_190] : memref<128x32xf32, #tpu.memory_space<vmem>>[vector<16xi32>, vector<16xi32>], vector<16xf32>,
        %gather3A_192 = tpu.vector_load_idx %arg13[%add3A_183, %and3A_190] : memref<128x32xf32, #tpu.memory_space<vmem>>[vector<16xi32>, vector<16xi32>], vector<16xf32>,
        %mul3A_193 = arith.mulf %gather3A_191, %gather3A_192 : vector<16xf32>
        %add3A_194 = arith.addf %broadcast_in_dim3A_185, %mul3A_193 : vector<16xf32>
        tpu.vector_store_idx %arg16[%add3A_183, %and3A_190], %mul3A_193 : memref<128x48xf32, #tpu.memory_space<vmem>>[vector<16xi32>, vector<16xi32>], vector<16xf32>,
        %add3A_195 = arith.constant 1 : i32
        %add3A_196 = vector.broadcast %add3A_195 : i32 to vector<16xi32>
        %add3A_197 = arith.addi %iota3A, %add3A_196 : vector<16xi32>
        %and3A_198 = arith.constant 31 : i32
        %and3A_199 = vector.broadcast %and3A_198 : i32 to vector<16xi32>
        %and3A_200 = arith.andi %add3A_197, %and3A_199 : vector<16xi32>
        %gather3A_201 = tpu.vector_load_idx %arg12[%add3A_183, %and3A_200] : memref<128x32xf32, #tpu.memory_space<vmem>>[vector<16xi32>, vector<16xi32>], vector<16xf32>,
        %gather3A_202 = tpu.vector_load_idx %arg13[%add3A_183, %and3A_200] : memref<128x32xf32, #tpu.memory_space<vmem>>[vector<16xi32>, vector<16xi32>], vector<16xf32>,
        %mul3A_203 = arith.mulf %gather3A_201, %gather3A_202 : vector<16xf32>
        %add3A_204 = arith.addf %add3A_194, %mul3A_203 : vector<16xf32>
        tpu.vector_store_idx %arg16[%add3A_183, %and3A_200], %mul3A_203 : memref<128x48xf32, #tpu.memory_space<vmem>>[vector<16xi32>, vector<16xi32>], vector<16xf32>,
        %add3A_205 = arith.constant 2 : i32
        %add3A_206 = vector.broadcast %add3A_205 : i32 to vector<16xi32>
        %add3A_207 = arith.addi %iota3A, %add3A_206 : vector<16xi32>
        %and3A_208 = arith.constant 31 : i32
        %and3A_209 = vector.broadcast %and3A_208 : i32 to vector<16xi32>
        %and3A_210 = arith.andi %add3A_207, %and3A_209 : vector<16xi32>
        %gather3A_211 = tpu.vector_load_idx %arg12[%add3A_183, %and3A_210] : memref<128x32xf32, #tpu.memory_space<vmem>>[vector<16xi32>, vector<16xi32>], vector<16xf32>,
        %gather3A_212 = tpu.vector_load_idx %arg13[%add3A_183, %and3A_210] : memref<128x32xf32, #tpu.memory_space<vmem>>[vector<16xi32>, vector<16xi32>], vector<16xf32>,
        %mul3A_213 = arith.mulf %gather3A_211, %gather3A_212 : vector<16xf32>
        %add3A_214 = arith.addf %add3A_204, %mul3A_213 : vector<16xf32>
        tpu.vector_store_idx %arg16[%add3A_183, %and3A_210], %mul3A_213 : memref<128x48xf32, #tpu.memory_space<vmem>>[vector<16xi32>, vector<16xi32>], vector<16xf32>,
        %add3A_215 = arith.constant 3 : i32
        %add3A_216 = vector.broadcast %add3A_215 : i32 to vector<16xi32>
        %add3A_217 = arith.addi %iota3A, %add3A_216 : vector<16xi32>
        %and3A_218 = arith.constant 31 : i32
        %and3A_219 = vector.broadcast %and3A_218 : i32 to vector<16xi32>
        %and3A_220 = arith.andi %add3A_217, %and3A_219 : vector<16xi32>
        %gather3A_221 = tpu.vector_load_idx %arg12[%add3A_183, %and3A_220] : memref<128x32xf32, #tpu.memory_space<vmem>>[vector<16xi32>, vector<16xi32>], vector<16xf32>,
        %gather3A_222 = tpu.vector_load_idx %arg13[%add3A_183, %and3A_220] : memref<128x32xf32, #tpu.memory_space<vmem>>[vector<16xi32>, vector<16xi32>], vector<16xf32>,
        %mul3A_223 = arith.mulf %gather3A_221, %gather3A_222 : vector<16xf32>
        %add3A_224 = arith.addf %add3A_214, %mul3A_223 : vector<16xf32>
        tpu.vector_store_idx %arg16[%add3A_183, %and3A_220], %mul3A_223 : memref<128x48xf32, #tpu.memory_space<vmem>>[vector<16xi32>, vector<16xi32>], vector<16xf32>,
        %add3A_225 = arith.constant 4 : i32
        %add3A_226 = vector.broadcast %add3A_225 : i32 to vector<16xi32>
        %add3A_227 = arith.addi %iota3A, %add3A_226 : vector<16xi32>
        %and3A_228 = arith.constant 31 : i32
        %and3A_229 = vector.broadcast %and3A_228 : i32 to vector<16xi32>
        %and3A_230 = arith.andi %add3A_227, %and3A_229 : vector<16xi32>
        %gather3A_231 = tpu.vector_load_idx %arg12[%add3A_183, %and3A_230] : memref<128x32xf32, #tpu.memory_space<vmem>>[vector<16xi32>, vector<16xi32>], vector<16xf32>,
        %gather3A_232 = tpu.vector_load_idx %arg13[%add3A_183, %and3A_230] : memref<128x32xf32, #tpu.memory_space<vmem>>[vector<16xi32>, vector<16xi32>], vector<16xf32>,
        %mul3A_233 = arith.mulf %gather3A_231, %gather3A_232 : vector<16xf32>
        %add3A_234 = arith.addf %add3A_224, %mul3A_233 : vector<16xf32>
        tpu.vector_store_idx %arg16[%add3A_183, %and3A_230], %mul3A_233 : memref<128x48xf32, #tpu.memory_space<vmem>>[vector<16xi32>, vector<16xi32>], vector<16xf32>,
        %add3A_235 = arith.constant 5 : i32
        %add3A_236 = vector.broadcast %add3A_235 : i32 to vector<16xi32>
        %add3A_237 = arith.addi %iota3A, %add3A_236 : vector<16xi32>
        %and3A_238 = arith.constant 31 : i32
        %and3A_239 = vector.broadcast %and3A_238 : i32 to vector<16xi32>
        %and3A_240 = arith.andi %add3A_237, %and3A_239 : vector<16xi32>
        %gather3A_241 = tpu.vector_load_idx %arg12[%add3A_183, %and3A_240] : memref<128x32xf32, #tpu.memory_space<vmem>>[vector<16xi32>, vector<16xi32>], vector<16xf32>,
        %gather3A_242 = tpu.vector_load_idx %arg13[%add3A_183, %and3A_240] : memref<128x32xf32, #tpu.memory_space<vmem>>[vector<16xi32>, vector<16xi32>], vector<16xf32>,
        %mul3A_243 = arith.mulf %gather3A_241, %gather3A_242 : vector<16xf32>
        %add3A_244 = arith.addf %add3A_234, %mul3A_243 : vector<16xf32>
        tpu.vector_store_idx %arg16[%add3A_183, %and3A_240], %mul3A_243 : memref<128x48xf32, #tpu.memory_space<vmem>>[vector<16xi32>, vector<16xi32>], vector<16xf32>,
        %add3A_245 = arith.constant 6 : i32
        %add3A_246 = vector.broadcast %add3A_245 : i32 to vector<16xi32>
        %add3A_247 = arith.addi %iota3A, %add3A_246 : vector<16xi32>
        %and3A_248 = arith.constant 31 : i32
        %and3A_249 = vector.broadcast %and3A_248 : i32 to vector<16xi32>
        %and3A_250 = arith.andi %add3A_247, %and3A_249 : vector<16xi32>
        %gather3A_251 = tpu.vector_load_idx %arg12[%add3A_183, %and3A_250] : memref<128x32xf32, #tpu.memory_space<vmem>>[vector<16xi32>, vector<16xi32>], vector<16xf32>,
        %gather3A_252 = tpu.vector_load_idx %arg13[%add3A_183, %and3A_250] : memref<128x32xf32, #tpu.memory_space<vmem>>[vector<16xi32>, vector<16xi32>], vector<16xf32>,
        %mul3A_253 = arith.mulf %gather3A_251, %gather3A_252 : vector<16xf32>
        %add3A_254 = arith.addf %add3A_244, %mul3A_253 : vector<16xf32>
        tpu.vector_store_idx %arg16[%add3A_183, %and3A_250], %mul3A_253 : memref<128x48xf32, #tpu.memory_space<vmem>>[vector<16xi32>, vector<16xi32>], vector<16xf32>,
        %add3A_255 = arith.constant 7 : i32
        %add3A_256 = vector.broadcast %add3A_255 : i32 to vector<16xi32>
        %add3A_257 = arith.addi %iota3A, %add3A_256 : vector<16xi32>
        %and3A_258 = arith.constant 31 : i32
        %and3A_259 = vector.broadcast %and3A_258 : i32 to vector<16xi32>
        %and3A_260 = arith.andi %add3A_257, %and3A_259 : vector<16xi32>
        %gather3A_261 = tpu.vector_load_idx %arg12[%add3A_183, %and3A_260] : memref<128x32xf32, #tpu.memory_space<vmem>>[vector<16xi32>, vector<16xi32>], vector<16xf32>,
        %gather3A_262 = tpu.vector_load_idx %arg13[%add3A_183, %and3A_260] : memref<128x32xf32, #tpu.memory_space<vmem>>[vector<16xi32>, vector<16xi32>], vector<16xf32>,
        %mul3A_263 = arith.mulf %gather3A_261, %gather3A_262 : vector<16xf32>
        %add3A_264 = arith.addf %add3A_254, %mul3A_263 : vector<16xf32>
        tpu.vector_store_idx %arg16[%add3A_183, %and3A_260], %mul3A_263 : memref<128x48xf32, #tpu.memory_space<vmem>>[vector<16xi32>, vector<16xi32>], vector<16xf32>,
        %add3A_265 = arith.constant 8 : i32
        %add3A_266 = vector.broadcast %add3A_265 : i32 to vector<16xi32>
        %add3A_267 = arith.addi %iota3A, %add3A_266 : vector<16xi32>
        %and3A_268 = arith.constant 31 : i32
        %and3A_269 = vector.broadcast %and3A_268 : i32 to vector<16xi32>
        %and3A_270 = arith.andi %add3A_267, %and3A_269 : vector<16xi32>
        %gather3A_271 = tpu.vector_load_idx %arg12[%add3A_183, %and3A_270] : memref<128x32xf32, #tpu.memory_space<vmem>>[vector<16xi32>, vector<16xi32>], vector<16xf32>,
        %gather3A_272 = tpu.vector_load_idx %arg13[%add3A_183, %and3A_270] : memref<128x32xf32, #tpu.memory_space<vmem>>[vector<16xi32>, vector<16xi32>], vector<16xf32>,
        %mul3A_273 = arith.mulf %gather3A_271, %gather3A_272 : vector<16xf32>
        %add3A_274 = arith.addf %add3A_264, %mul3A_273 : vector<16xf32>
        tpu.vector_store_idx %arg16[%add3A_183, %and3A_270], %mul3A_273 : memref<128x48xf32, #tpu.memory_space<vmem>>[vector<16xi32>, vector<16xi32>], vector<16xf32>,
        %add3A_275 = arith.constant 9 : i32
        %add3A_276 = vector.broadcast %add3A_275 : i32 to vector<16xi32>
        %add3A_277 = arith.addi %iota3A, %add3A_276 : vector<16xi32>
        %and3A_278 = arith.constant 31 : i32
        %and3A_279 = vector.broadcast %and3A_278 : i32 to vector<16xi32>
        %and3A_280 = arith.andi %add3A_277, %and3A_279 : vector<16xi32>
        %gather3A_281 = tpu.vector_load_idx %arg12[%add3A_183, %and3A_280] : memref<128x32xf32, #tpu.memory_space<vmem>>[vector<16xi32>, vector<16xi32>], vector<16xf32>,
        %gather3A_282 = tpu.vector_load_idx %arg13[%add3A_183, %and3A_280] : memref<128x32xf32, #tpu.memory_space<vmem>>[vector<16xi32>, vector<16xi32>], vector<16xf32>,
        %mul3A_283 = arith.mulf %gather3A_281, %gather3A_282 : vector<16xf32>
        %add3A_284 = arith.addf %add3A_274, %mul3A_283 : vector<16xf32>
        tpu.vector_store_idx %arg16[%add3A_183, %and3A_280], %mul3A_283 : memref<128x48xf32, #tpu.memory_space<vmem>>[vector<16xi32>, vector<16xi32>], vector<16xf32>,
        %add3A_285 = arith.constant 10 : i32
        %add3A_286 = vector.broadcast %add3A_285 : i32 to vector<16xi32>
        %add3A_287 = arith.addi %iota3A, %add3A_286 : vector<16xi32>
        %and3A_288 = arith.constant 31 : i32
        %and3A_289 = vector.broadcast %and3A_288 : i32 to vector<16xi32>
        %and3A_290 = arith.andi %add3A_287, %and3A_289 : vector<16xi32>
        %gather3A_291 = tpu.vector_load_idx %arg12[%add3A_183, %and3A_290] : memref<128x32xf32, #tpu.memory_space<vmem>>[vector<16xi32>, vector<16xi32>], vector<16xf32>,
        %gather3A_292 = tpu.vector_load_idx %arg13[%add3A_183, %and3A_290] : memref<128x32xf32, #tpu.memory_space<vmem>>[vector<16xi32>, vector<16xi32>], vector<16xf32>,
        %mul3A_293 = arith.mulf %gather3A_291, %gather3A_292 : vector<16xf32>
        %add3A_294 = arith.addf %add3A_284, %mul3A_293 : vector<16xf32>
        tpu.vector_store_idx %arg16[%add3A_183, %and3A_290], %mul3A_293 : memref<128x48xf32, #tpu.memory_space<vmem>>[vector<16xi32>, vector<16xi32>], vector<16xf32>,
        %add3A_295 = arith.constant 11 : i32
        %add3A_296 = vector.broadcast %add3A_295 : i32 to vector<16xi32>
        %add3A_297 = arith.addi %iota3A, %add3A_296 : vector<16xi32>
        %and3A_298 = arith.constant 31 : i32
        %and3A_299 = vector.broadcast %and3A_298 : i32 to vector<16xi32>
        %and3A_300 = arith.andi %add3A_297, %and3A_299 : vector<16xi32>
        %gather3A_301 = tpu.vector_load_idx %arg12[%add3A_183, %and3A_300] : memref<128x32xf32, #tpu.memory_space<vmem>>[vector<16xi32>, vector<16xi32>], vector<16xf32>,
        %gather3A_302 = tpu.vector_load_idx %arg13[%add3A_183, %and3A_300] : memref<128x32xf32, #tpu.memory_space<vmem>>[vector<16xi32>, vector<16xi32>], vector<16xf32>,
        %mul3A_303 = arith.mulf %gather3A_301, %gather3A_302 : vector<16xf32>
        %add3A_304 = arith.addf %add3A_294, %mul3A_303 : vector<16xf32>
        tpu.vector_store_idx %arg16[%add3A_183, %and3A_300], %mul3A_303 : memref<128x48xf32, #tpu.memory_space<vmem>>[vector<16xi32>, vector<16xi32>], vector<16xf32>,
        %add3A_305 = arith.constant 12 : i32
        %add3A_306 = vector.broadcast %add3A_305 : i32 to vector<16xi32>
        %add3A_307 = arith.addi %iota3A, %add3A_306 : vector<16xi32>
        %and3A_308 = arith.constant 31 : i32
        %and3A_309 = vector.broadcast %and3A_308 : i32 to vector<16xi32>
        %and3A_310 = arith.andi %add3A_307, %and3A_309 : vector<16xi32>
        %gather3A_311 = tpu.vector_load_idx %arg12[%add3A_183, %and3A_310] : memref<128x32xf32, #tpu.memory_space<vmem>>[vector<16xi32>, vector<16xi32>], vector<16xf32>,
        %gather3A_312 = tpu.vector_load_idx %arg13[%add3A_183, %and3A_310] : memref<128x32xf32, #tpu.memory_space<vmem>>[vector<16xi32>, vector<16xi32>], vector<16xf32>,
        %mul3A_313 = arith.mulf %gather3A_311, %gather3A_312 : vector<16xf32>
        %add3A_314 = arith.addf %add3A_304, %mul3A_313 : vector<16xf32>
        tpu.vector_store_idx %arg16[%add3A_183, %and3A_310], %mul3A_313 : memref<128x48xf32, #tpu.memory_space<vmem>>[vector<16xi32>, vector<16xi32>], vector<16xf32>,
        %add3A_315 = arith.constant 13 : i32
        %add3A_316 = vector.broadcast %add3A_315 : i32 to vector<16xi32>
        %add3A_317 = arith.addi %iota3A, %add3A_316 : vector<16xi32>
        %and3A_318 = arith.constant 31 : i32
        %and3A_319 = vector.broadcast %and3A_318 : i32 to vector<16xi32>
        %and3A_320 = arith.andi %add3A_317, %and3A_319 : vector<16xi32>
        %gather3A_321 = tpu.vector_load_idx %arg12[%add3A_183, %and3A_320] : memref<128x32xf32, #tpu.memory_space<vmem>>[vector<16xi32>, vector<16xi32>], vector<16xf32>,
        %gather3A_322 = tpu.vector_load_idx %arg13[%add3A_183, %and3A_320] : memref<128x32xf32, #tpu.memory_space<vmem>>[vector<16xi32>, vector<16xi32>], vector<16xf32>,
        %mul3A_323 = arith.mulf %gather3A_321, %gather3A_322 : vector<16xf32>
        %add3A_324 = arith.addf %add3A_314, %mul3A_323 : vector<16xf32>
        tpu.vector_store_idx %arg16[%add3A_183, %and3A_320], %mul3A_323 : memref<128x48xf32, #tpu.memory_space<vmem>>[vector<16xi32>, vector<16xi32>], vector<16xf32>,
        %add3A_325 = arith.constant 14 : i32
        %add3A_326 = vector.broadcast %add3A_325 : i32 to vector<16xi32>
        %add3A_327 = arith.addi %iota3A, %add3A_326 : vector<16xi32>
        %and3A_328 = arith.constant 31 : i32
        %and3A_329 = vector.broadcast %and3A_328 : i32 to vector<16xi32>
        %and3A_330 = arith.andi %add3A_327, %and3A_329 : vector<16xi32>
        %gather3A_331 = tpu.vector_load_idx %arg12[%add3A_183, %and3A_330] : memref<128x32xf32, #tpu.memory_space<vmem>>[vector<16xi32>, vector<16xi32>], vector<16xf32>,
        %gather3A_332 = tpu.vector_load_idx %arg13[%add3A_183, %and3A_330] : memref<128x32xf32, #tpu.memory_space<vmem>>[vector<16xi32>, vector<16xi32>], vector<16xf32>,
        %mul3A_333 = arith.mulf %gather3A_331, %gather3A_332 : vector<16xf32>
        %add3A_334 = arith.addf %add3A_324, %mul3A_333 : vector<16xf32>
        tpu.vector_store_idx %arg16[%add3A_183, %and3A_330], %mul3A_333 : memref<128x48xf32, #tpu.memory_space<vmem>>[vector<16xi32>, vector<16xi32>], vector<16xf32>,
        %add3A_335 = arith.constant 15 : i32
        %add3A_336 = vector.broadcast %add3A_335 : i32 to vector<16xi32>
        %add3A_337 = arith.addi %iota3A, %add3A_336 : vector<16xi32>
        %and3A_338 = arith.constant 31 : i32
        %and3A_339 = vector.broadcast %and3A_338 : i32 to vector<16xi32>
        %and3A_340 = arith.andi %add3A_337, %and3A_339 : vector<16xi32>
        %gather3A_341 = tpu.vector_load_idx %arg12[%add3A_183, %and3A_340] : memref<128x32xf32, #tpu.memory_space<vmem>>[vector<16xi32>, vector<16xi32>], vector<16xf32>,
        %gather3A_342 = tpu.vector_load_idx %arg13[%add3A_183, %and3A_340] : memref<128x32xf32, #tpu.memory_space<vmem>>[vector<16xi32>, vector<16xi32>], vector<16xf32>,
        %mul3A_343 = arith.mulf %gather3A_341, %gather3A_342 : vector<16xf32>
        %add3A_344 = arith.addf %add3A_334, %mul3A_343 : vector<16xf32>
        tpu.vector_store_idx %arg16[%add3A_183, %and3A_340], %mul3A_343 : memref<128x48xf32, #tpu.memory_space<vmem>>[vector<16xi32>, vector<16xi32>], vector<16xf32>,
        %add3A_345 = arith.constant 16 : i32
        %add3A_346 = vector.broadcast %add3A_345 : i32 to vector<16xi32>
        %add3A_347 = arith.addi %iota3A, %add3A_346 : vector<16xi32>
        %and3A_348 = arith.constant 31 : i32
        %and3A_349 = vector.broadcast %and3A_348 : i32 to vector<16xi32>
        %and3A_350 = arith.andi %add3A_347, %and3A_349 : vector<16xi32>
        %gather3A_351 = tpu.vector_load_idx %arg12[%add3A_183, %and3A_350] : memref<128x32xf32, #tpu.memory_space<vmem>>[vector<16xi32>, vector<16xi32>], vector<16xf32>,
        %gather3A_352 = tpu.vector_load_idx %arg13[%add3A_183, %and3A_350] : memref<128x32xf32, #tpu.memory_space<vmem>>[vector<16xi32>, vector<16xi32>], vector<16xf32>,
        %mul3A_353 = arith.mulf %gather3A_351, %gather3A_352 : vector<16xf32>
        %add3A_354 = arith.addf %add3A_344, %mul3A_353 : vector<16xf32>
        tpu.vector_store_idx %arg16[%add3A_183, %and3A_350], %mul3A_353 : memref<128x48xf32, #tpu.memory_space<vmem>>[vector<16xi32>, vector<16xi32>], vector<16xf32>,
        %add3A_355 = arith.constant 17 : i32
        %add3A_356 = vector.broadcast %add3A_355 : i32 to vector<16xi32>
        %add3A_357 = arith.addi %iota3A, %add3A_356 : vector<16xi32>
        %and3A_358 = arith.constant 31 : i32
        %and3A_359 = vector.broadcast %and3A_358 : i32 to vector<16xi32>
        %and3A_360 = arith.andi %add3A_357, %and3A_359 : vector<16xi32>
        %gather3A_361 = tpu.vector_load_idx %arg12[%add3A_183, %and3A_360] : memref<128x32xf32, #tpu.memory_space<vmem>>[vector<16xi32>, vector<16xi32>], vector<16xf32>,
        %gather3A_362 = tpu.vector_load_idx %arg13[%add3A_183, %and3A_360] : memref<128x32xf32, #tpu.memory_space<vmem>>[vector<16xi32>, vector<16xi32>], vector<16xf32>,
        %mul3A_363 = arith.mulf %gather3A_361, %gather3A_362 : vector<16xf32>
        %add3A_364 = arith.addf %add3A_354, %mul3A_363 : vector<16xf32>
        tpu.vector_store_idx %arg16[%add3A_183, %and3A_360], %mul3A_363 : memref<128x48xf32, #tpu.memory_space<vmem>>[vector<16xi32>, vector<16xi32>], vector<16xf32>,
        %add3A_365 = arith.constant 18 : i32
        %add3A_366 = vector.broadcast %add3A_365 : i32 to vector<16xi32>
        %add3A_367 = arith.addi %iota3A, %add3A_366 : vector<16xi32>
        %and3A_368 = arith.constant 31 : i32
        %and3A_369 = vector.broadcast %and3A_368 : i32 to vector<16xi32>
        %and3A_370 = arith.andi %add3A_367, %and3A_369 : vector<16xi32>
        %gather3A_371 = tpu.vector_load_idx %arg12[%add3A_183, %and3A_370] : memref<128x32xf32, #tpu.memory_space<vmem>>[vector<16xi32>, vector<16xi32>], vector<16xf32>,
        %gather3A_372 = tpu.vector_load_idx %arg13[%add3A_183, %and3A_370] : memref<128x32xf32, #tpu.memory_space<vmem>>[vector<16xi32>, vector<16xi32>], vector<16xf32>,
        %mul3A_373 = arith.mulf %gather3A_371, %gather3A_372 : vector<16xf32>
        %add3A_374 = arith.addf %add3A_364, %mul3A_373 : vector<16xf32>
        tpu.vector_store_idx %arg16[%add3A_183, %and3A_370], %mul3A_373 : memref<128x48xf32, #tpu.memory_space<vmem>>[vector<16xi32>, vector<16xi32>], vector<16xf32>,
        %add3A_375 = arith.constant 19 : i32
        %add3A_376 = vector.broadcast %add3A_375 : i32 to vector<16xi32>
        %add3A_377 = arith.addi %iota3A, %add3A_376 : vector<16xi32>
        %and3A_378 = arith.constant 31 : i32
        %and3A_379 = vector.broadcast %and3A_378 : i32 to vector<16xi32>
        %and3A_380 = arith.andi %add3A_377, %and3A_379 : vector<16xi32>
        %gather3A_381 = tpu.vector_load_idx %arg12[%add3A_183, %and3A_380] : memref<128x32xf32, #tpu.memory_space<vmem>>[vector<16xi32>, vector<16xi32>], vector<16xf32>,
        %gather3A_382 = tpu.vector_load_idx %arg13[%add3A_183, %and3A_380] : memref<128x32xf32, #tpu.memory_space<vmem>>[vector<16xi32>, vector<16xi32>], vector<16xf32>,
        %mul3A_383 = arith.mulf %gather3A_381, %gather3A_382 : vector<16xf32>
        %add3A_384 = arith.addf %add3A_374, %mul3A_383 : vector<16xf32>
        tpu.vector_store_idx %arg16[%add3A_183, %and3A_380], %mul3A_383 : memref<128x48xf32, #tpu.memory_space<vmem>>[vector<16xi32>, vector<16xi32>], vector<16xf32>,
        %add3A_385 = arith.constant 20 : i32
        %add3A_386 = vector.broadcast %add3A_385 : i32 to vector<16xi32>
        %add3A_387 = arith.addi %iota3A, %add3A_386 : vector<16xi32>
        %and3A_388 = arith.constant 31 : i32
        %and3A_389 = vector.broadcast %and3A_388 : i32 to vector<16xi32>
        %and3A_390 = arith.andi %add3A_387, %and3A_389 : vector<16xi32>
        %gather3A_391 = tpu.vector_load_idx %arg12[%add3A_183, %and3A_390] : memref<128x32xf32, #tpu.memory_space<vmem>>[vector<16xi32>, vector<16xi32>], vector<16xf32>,
        %gather3A_392 = tpu.vector_load_idx %arg13[%add3A_183, %and3A_390] : memref<128x32xf32, #tpu.memory_space<vmem>>[vector<16xi32>, vector<16xi32>], vector<16xf32>,
        %mul3A_393 = arith.mulf %gather3A_391, %gather3A_392 : vector<16xf32>
        %add3A_394 = arith.addf %add3A_384, %mul3A_393 : vector<16xf32>
        tpu.vector_store_idx %arg16[%add3A_183, %and3A_390], %mul3A_393 : memref<128x48xf32, #tpu.memory_space<vmem>>[vector<16xi32>, vector<16xi32>], vector<16xf32>,
        %add3A_395 = arith.constant 21 : i32
        %add3A_396 = vector.broadcast %add3A_395 : i32 to vector<16xi32>
        %add3A_397 = arith.addi %iota3A, %add3A_396 : vector<16xi32>
        %and3A_398 = arith.constant 31 : i32
        %and3A_399 = vector.broadcast %and3A_398 : i32 to vector<16xi32>
        %and3A_400 = arith.andi %add3A_397, %and3A_399 : vector<16xi32>
        %gather3A_401 = tpu.vector_load_idx %arg12[%add3A_183, %and3A_400] : memref<128x32xf32, #tpu.memory_space<vmem>>[vector<16xi32>, vector<16xi32>], vector<16xf32>,
        %gather3A_402 = tpu.vector_load_idx %arg13[%add3A_183, %and3A_400] : memref<128x32xf32, #tpu.memory_space<vmem>>[vector<16xi32>, vector<16xi32>], vector<16xf32>,
        %mul3A_403 = arith.mulf %gather3A_401, %gather3A_402 : vector<16xf32>
        %add3A_404 = arith.addf %add3A_394, %mul3A_403 : vector<16xf32>
        tpu.vector_store_idx %arg16[%add3A_183, %and3A_400], %mul3A_403 : memref<128x48xf32, #tpu.memory_space<vmem>>[vector<16xi32>, vector<16xi32>], vector<16xf32>,
        %add3A_405 = arith.constant 22 : i32
        %add3A_406 = vector.broadcast %add3A_405 : i32 to vector<16xi32>
        %add3A_407 = arith.addi %iota3A, %add3A_406 : vector<16xi32>
        %and3A_408 = arith.constant 31 : i32
        %and3A_409 = vector.broadcast %and3A_408 : i32 to vector<16xi32>
        %and3A_410 = arith.andi %add3A_407, %and3A_409 : vector<16xi32>
        %gather3A_411 = tpu.vector_load_idx %arg12[%add3A_183, %and3A_410] : memref<128x32xf32, #tpu.memory_space<vmem>>[vector<16xi32>, vector<16xi32>], vector<16xf32>,
        %gather3A_412 = tpu.vector_load_idx %arg13[%add3A_183, %and3A_410] : memref<128x32xf32, #tpu.memory_space<vmem>>[vector<16xi32>, vector<16xi32>], vector<16xf32>,
        %mul3A_413 = arith.mulf %gather3A_411, %gather3A_412 : vector<16xf32>
        %add3A_414 = arith.addf %add3A_404, %mul3A_413 : vector<16xf32>
        tpu.vector_store_idx %arg16[%add3A_183, %and3A_410], %mul3A_413 : memref<128x48xf32, #tpu.memory_space<vmem>>[vector<16xi32>, vector<16xi32>], vector<16xf32>,
        %add3A_415 = arith.constant 23 : i32
        %add3A_416 = vector.broadcast %add3A_415 : i32 to vector<16xi32>
        %add3A_417 = arith.addi %iota3A, %add3A_416 : vector<16xi32>
        %and3A_418 = arith.constant 31 : i32
        %and3A_419 = vector.broadcast %and3A_418 : i32 to vector<16xi32>
        %and3A_420 = arith.andi %add3A_417, %and3A_419 : vector<16xi32>
        %gather3A_421 = tpu.vector_load_idx %arg12[%add3A_183, %and3A_420] : memref<128x32xf32, #tpu.memory_space<vmem>>[vector<16xi32>, vector<16xi32>], vector<16xf32>,
        %gather3A_422 = tpu.vector_load_idx %arg13[%add3A_183, %and3A_420] : memref<128x32xf32, #tpu.memory_space<vmem>>[vector<16xi32>, vector<16xi32>], vector<16xf32>,
        %mul3A_423 = arith.mulf %gather3A_421, %gather3A_422 : vector<16xf32>
        %add3A_424 = arith.addf %add3A_414, %mul3A_423 : vector<16xf32>
        tpu.vector_store_idx %arg16[%add3A_183, %and3A_420], %mul3A_423 : memref<128x48xf32, #tpu.memory_space<vmem>>[vector<16xi32>, vector<16xi32>], vector<16xf32>,
        %add3A_425 = arith.constant 24 : i32
        %add3A_426 = vector.broadcast %add3A_425 : i32 to vector<16xi32>
        %add3A_427 = arith.addi %iota3A, %add3A_426 : vector<16xi32>
        %and3A_428 = arith.constant 31 : i32
        %and3A_429 = vector.broadcast %and3A_428 : i32 to vector<16xi32>
        %and3A_430 = arith.andi %add3A_427, %and3A_429 : vector<16xi32>
        %gather3A_431 = tpu.vector_load_idx %arg12[%add3A_183, %and3A_430] : memref<128x32xf32, #tpu.memory_space<vmem>>[vector<16xi32>, vector<16xi32>], vector<16xf32>,
        %gather3A_432 = tpu.vector_load_idx %arg13[%add3A_183, %and3A_430] : memref<128x32xf32, #tpu.memory_space<vmem>>[vector<16xi32>, vector<16xi32>], vector<16xf32>,
        %mul3A_433 = arith.mulf %gather3A_431, %gather3A_432 : vector<16xf32>
        %add3A_434 = arith.addf %add3A_424, %mul3A_433 : vector<16xf32>
        tpu.vector_store_idx %arg16[%add3A_183, %and3A_430], %mul3A_433 : memref<128x48xf32, #tpu.memory_space<vmem>>[vector<16xi32>, vector<16xi32>], vector<16xf32>,
        %add3A_435 = arith.constant 25 : i32
        %add3A_436 = vector.broadcast %add3A_435 : i32 to vector<16xi32>
        %add3A_437 = arith.addi %iota3A, %add3A_436 : vector<16xi32>
        %and3A_438 = arith.constant 31 : i32
        %and3A_439 = vector.broadcast %and3A_438 : i32 to vector<16xi32>
        %and3A_440 = arith.andi %add3A_437, %and3A_439 : vector<16xi32>
        %gather3A_441 = tpu.vector_load_idx %arg12[%add3A_183, %and3A_440] : memref<128x32xf32, #tpu.memory_space<vmem>>[vector<16xi32>, vector<16xi32>], vector<16xf32>,
        %gather3A_442 = tpu.vector_load_idx %arg13[%add3A_183, %and3A_440] : memref<128x32xf32, #tpu.memory_space<vmem>>[vector<16xi32>, vector<16xi32>], vector<16xf32>,
        %mul3A_443 = arith.mulf %gather3A_441, %gather3A_442 : vector<16xf32>
        %add3A_444 = arith.addf %add3A_434, %mul3A_443 : vector<16xf32>
        tpu.vector_store_idx %arg16[%add3A_183, %and3A_440], %mul3A_443 : memref<128x48xf32, #tpu.memory_space<vmem>>[vector<16xi32>, vector<16xi32>], vector<16xf32>,
        %add3A_445 = arith.constant 26 : i32
        %add3A_446 = vector.broadcast %add3A_445 : i32 to vector<16xi32>
        %add3A_447 = arith.addi %iota3A, %add3A_446 : vector<16xi32>
        %and3A_448 = arith.constant 31 : i32
        %and3A_449 = vector.broadcast %and3A_448 : i32 to vector<16xi32>
        %and3A_450 = arith.andi %add3A_447, %and3A_449 : vector<16xi32>
        %gather3A_451 = tpu.vector_load_idx %arg12[%add3A_183, %and3A_450] : memref<128x32xf32, #tpu.memory_space<vmem>>[vector<16xi32>, vector<16xi32>], vector<16xf32>,
        %gather3A_452 = tpu.vector_load_idx %arg13[%add3A_183, %and3A_450] : memref<128x32xf32, #tpu.memory_space<vmem>>[vector<16xi32>, vector<16xi32>], vector<16xf32>,
        %mul3A_453 = arith.mulf %gather3A_451, %gather3A_452 : vector<16xf32>
        %add3A_454 = arith.addf %add3A_444, %mul3A_453 : vector<16xf32>
        tpu.vector_store_idx %arg16[%add3A_183, %and3A_450], %mul3A_453 : memref<128x48xf32, #tpu.memory_space<vmem>>[vector<16xi32>, vector<16xi32>], vector<16xf32>,
        %add3A_455 = arith.constant 27 : i32
        %add3A_456 = vector.broadcast %add3A_455 : i32 to vector<16xi32>
        %add3A_457 = arith.addi %iota3A, %add3A_456 : vector<16xi32>
        %and3A_458 = arith.constant 31 : i32
        %and3A_459 = vector.broadcast %and3A_458 : i32 to vector<16xi32>
        %and3A_460 = arith.andi %add3A_457, %and3A_459 : vector<16xi32>
        %gather3A_461 = tpu.vector_load_idx %arg12[%add3A_183, %and3A_460] : memref<128x32xf32, #tpu.memory_space<vmem>>[vector<16xi32>, vector<16xi32>], vector<16xf32>,
        %gather3A_462 = tpu.vector_load_idx %arg13[%add3A_183, %and3A_460] : memref<128x32xf32, #tpu.memory_space<vmem>>[vector<16xi32>, vector<16xi32>], vector<16xf32>,
        %mul3A_463 = arith.mulf %gather3A_461, %gather3A_462 : vector<16xf32>
        %add3A_464 = arith.addf %add3A_454, %mul3A_463 : vector<16xf32>
        tpu.vector_store_idx %arg16[%add3A_183, %and3A_460], %mul3A_463 : memref<128x48xf32, #tpu.memory_space<vmem>>[vector<16xi32>, vector<16xi32>], vector<16xf32>,
        %add3A_465 = arith.constant 28 : i32
        %add3A_466 = vector.broadcast %add3A_465 : i32 to vector<16xi32>
        %add3A_467 = arith.addi %iota3A, %add3A_466 : vector<16xi32>
        %and3A_468 = arith.constant 31 : i32
        %and3A_469 = vector.broadcast %and3A_468 : i32 to vector<16xi32>
        %and3A_470 = arith.andi %add3A_467, %and3A_469 : vector<16xi32>
        %gather3A_471 = tpu.vector_load_idx %arg12[%add3A_183, %and3A_470] : memref<128x32xf32, #tpu.memory_space<vmem>>[vector<16xi32>, vector<16xi32>], vector<16xf32>,
        %gather3A_472 = tpu.vector_load_idx %arg13[%add3A_183, %and3A_470] : memref<128x32xf32, #tpu.memory_space<vmem>>[vector<16xi32>, vector<16xi32>], vector<16xf32>,
        %mul3A_473 = arith.mulf %gather3A_471, %gather3A_472 : vector<16xf32>
        %add3A_474 = arith.addf %add3A_464, %mul3A_473 : vector<16xf32>
        tpu.vector_store_idx %arg16[%add3A_183, %and3A_470], %mul3A_473 : memref<128x48xf32, #tpu.memory_space<vmem>>[vector<16xi32>, vector<16xi32>], vector<16xf32>,
        %add3A_475 = arith.constant 29 : i32
        %add3A_476 = vector.broadcast %add3A_475 : i32 to vector<16xi32>
        %add3A_477 = arith.addi %iota3A, %add3A_476 : vector<16xi32>
        %and3A_478 = arith.constant 31 : i32
        %and3A_479 = vector.broadcast %and3A_478 : i32 to vector<16xi32>
        %and3A_480 = arith.andi %add3A_477, %and3A_479 : vector<16xi32>
        %gather3A_481 = tpu.vector_load_idx %arg12[%add3A_183, %and3A_480] : memref<128x32xf32, #tpu.memory_space<vmem>>[vector<16xi32>, vector<16xi32>], vector<16xf32>,
        %gather3A_482 = tpu.vector_load_idx %arg13[%add3A_183, %and3A_480] : memref<128x32xf32, #tpu.memory_space<vmem>>[vector<16xi32>, vector<16xi32>], vector<16xf32>,
        %mul3A_483 = arith.mulf %gather3A_481, %gather3A_482 : vector<16xf32>
        %add3A_484 = arith.addf %add3A_474, %mul3A_483 : vector<16xf32>
        tpu.vector_store_idx %arg16[%add3A_183, %and3A_480], %mul3A_483 : memref<128x48xf32, #tpu.memory_space<vmem>>[vector<16xi32>, vector<16xi32>], vector<16xf32>,
        %add3A_485 = arith.constant 30 : i32
        %add3A_486 = vector.broadcast %add3A_485 : i32 to vector<16xi32>
        %add3A_487 = arith.addi %iota3A, %add3A_486 : vector<16xi32>
        %and3A_488 = arith.constant 31 : i32
        %and3A_489 = vector.broadcast %and3A_488 : i32 to vector<16xi32>
        %and3A_490 = arith.andi %add3A_487, %and3A_489 : vector<16xi32>
        %gather3A_491 = tpu.vector_load_idx %arg12[%add3A_183, %and3A_490] : memref<128x32xf32, #tpu.memory_space<vmem>>[vector<16xi32>, vector<16xi32>], vector<16xf32>,
        %gather3A_492 = tpu.vector_load_idx %arg13[%add3A_183, %and3A_490] : memref<128x32xf32, #tpu.memory_space<vmem>>[vector<16xi32>, vector<16xi32>], vector<16xf32>,
        %mul3A_493 = arith.mulf %gather3A_491, %gather3A_492 : vector<16xf32>
        %add3A_494 = arith.addf %add3A_484, %mul3A_493 : vector<16xf32>
        tpu.vector_store_idx %arg16[%add3A_183, %and3A_490], %mul3A_493 : memref<128x48xf32, #tpu.memory_space<vmem>>[vector<16xi32>, vector<16xi32>], vector<16xf32>,
        %add3A_495 = arith.constant 31 : i32
        %add3A_496 = vector.broadcast %add3A_495 : i32 to vector<16xi32>
        %add3A_497 = arith.addi %iota3A, %add3A_496 : vector<16xi32>
        %and3A_498 = arith.constant 31 : i32
        %and3A_499 = vector.broadcast %and3A_498 : i32 to vector<16xi32>
        %and3A_500 = arith.andi %add3A_497, %and3A_499 : vector<16xi32>
        %gather3A_501 = tpu.vector_load_idx %arg12[%add3A_183, %and3A_500] : memref<128x32xf32, #tpu.memory_space<vmem>>[vector<16xi32>, vector<16xi32>], vector<16xf32>,
        %gather3A_502 = tpu.vector_load_idx %arg13[%add3A_183, %and3A_500] : memref<128x32xf32, #tpu.memory_space<vmem>>[vector<16xi32>, vector<16xi32>], vector<16xf32>,
        %mul3A_503 = arith.mulf %gather3A_501, %gather3A_502 : vector<16xf32>
        %add3A_504 = arith.addf %add3A_494, %mul3A_503 : vector<16xf32>
        tpu.vector_store_idx %arg16[%add3A_183, %and3A_500], %mul3A_503 : memref<128x48xf32, #tpu.memory_space<vmem>>[vector<16xi32>, vector<16xi32>], vector<16xf32>,
        %broadcast_in_dim3A_505 = arith.constant 32 : i32
        %broadcast_in_dim3A_506 = vector.broadcast %broadcast_in_dim3A_505 : i32 to vector<16xi32>
        %mul3A_507 = arith.mulf %mul3A_177, %add3A_504 : vector<16xf32>
        tpu.vector_store_idx %arg16[%add3A_183, %broadcast_in_dim3A_506], %mul3A_507 : memref<128x48xf32, #tpu.memory_space<vmem>>[vector<16xi32>, vector<16xi32>], vector<16xf32>,
        %broadcast_in_dim3A_508 = arith.constant 33 : i32
        %broadcast_in_dim3A_509 = vector.broadcast %broadcast_in_dim3A_508 : i32 to vector<16xi32>
        %mul3A_510 = arith.mulf %mul3A_178, %add3A_504 : vector<16xf32>
        tpu.vector_store_idx %arg16[%add3A_183, %broadcast_in_dim3A_509], %mul3A_510 : memref<128x48xf32, #tpu.memory_space<vmem>>[vector<16xi32>, vector<16xi32>], vector<16xf32>,
        %broadcast_in_dim3A_511 = arith.constant 34 : i32
        %broadcast_in_dim3A_512 = vector.broadcast %broadcast_in_dim3A_511 : i32 to vector<16xi32>
        %mul3A_513 = arith.mulf %mul3A_179, %add3A_504 : vector<16xf32>
        tpu.vector_store_idx %arg16[%add3A_183, %broadcast_in_dim3A_512], %mul3A_513 : memref<128x48xf32, #tpu.memory_space<vmem>>[vector<16xi32>, vector<16xi32>], vector<16xf32>,
      }
      %scan3A_68 = arith.constant 8 : i32
      "tpu.region"() ({
        %run_scoped3A = tpu.sem_alloc : memref<!tpu.dma_semaphore, #tpu.memory_space<semaphore_mem>>
        %dma_start3A_95 = arith.constant 0 : i32
        %dma_start3A_96 = tpu.memref_slice %arg10[%add3A_36, %dma_start3A_95] : memref<40x128xi32, #tpu.memory_space<vmem>> -> memref<1x128xi32, #tpu.memory_space<vmem>>
        %dma_start3A_97 = tpu.memref_squeeze %dma_start3A_96 : memref<1x128xi32, #tpu.memory_space<vmem>> -> memref<128xi32, #tpu.memory_space<vmem>>
        %dma_start3A_98 = arith.constant 0 : i32
        %dma_start3A_99 = arith.constant 0 : i32
        %dma_start3A_100 = tpu.memref_slice %arg19[%dma_start3A_98, %dma_start3A_99] : memref<10240x48xf32, #tpu.memory_space<vmem_shared>> -> memref<10240x48xf32, #tpu.memory_space<vmem_shared>>
        tpu.enqueue_indirect_dma source(%arg16 : memref<128x48xf32, #tpu.memory_space<vmem>>) target(%dma_start3A_100 : memref<10240x48xf32, #tpu.memory_space<vmem_shared>>) offsets(%dma_start3A_97 : memref<128xi32, #tpu.memory_space<vmem>>) semaphore(%run_scoped3A : memref<!tpu.dma_semaphore, #tpu.memory_space<semaphore_mem>>) {add = true}
        %dma_wait3A_101 = arith.constant 0 : i32
        %dma_wait3A_102 = tpu.memref_slice %arg10[%add3A_36, %dma_wait3A_101] : memref<40x128xi32, #tpu.memory_space<vmem>> -> memref<1x128xi32, #tpu.memory_space<vmem>>
        %dma_wait3A_103 = tpu.memref_squeeze %dma_wait3A_102 : memref<1x128xi32, #tpu.memory_space<vmem>> -> memref<128xi32, #tpu.memory_space<vmem>>
        %dma_wait3A_104 = arith.constant 0 : i32
        %dma_wait3A_105 = arith.constant 0 : i32
        %dma_wait3A_106 = tpu.memref_slice %arg19[%dma_wait3A_104, %dma_wait3A_105] : memref<10240x48xf32, #tpu.memory_space<vmem_shared>> -> memref<10240x48xf32, #tpu.memory_space<vmem_shared>>
        tpu.wait_indirect_dma semaphore(%run_scoped3A : memref<!tpu.dma_semaphore, #tpu.memory_space<semaphore_mem>>) src(%arg16 : memref<128x48xf32, #tpu.memory_space<vmem>>) dst(%dma_wait3A_106 : memref<10240x48xf32, #tpu.memory_space<vmem_shared>>)
        tpu.yield
      }) : () -> ()
      %mul3A_69 = arith.constant 2 : i32
      %mul3A_70 = arith.muli %add3A_32, %mul3A_69 : i32
      %add3A_71 = arith.constant 1 : i32
      %add3A_72 = arith.addi %mul3A_70, %add3A_71 : i32
      %dma_wait3A_73 = arith.constant 0 : i32
      %dma_wait3A_74 = tpu.memref_slice %arg9[%add3A_72, %dma_wait3A_73] : memref<40x128xi32, #tpu.memory_space<vmem>> -> memref<1x128xi32, #tpu.memory_space<vmem>>
      %dma_wait3A_75 = tpu.memref_squeeze %dma_wait3A_74 : memref<1x128xi32, #tpu.memory_space<vmem>> -> memref<128xi32, #tpu.memory_space<vmem>>
      %dma_wait3A_76 = arith.constant 0 : i32
      %dma_wait3A_77 = arith.constant 0 : i32
      %dma_wait3A_78 = tpu.memref_slice %arg5[%dma_wait3A_76, %dma_wait3A_77] : memref<10240x32xf32, #tpu.memory_space<hbm>> -> memref<10240x32xf32, #tpu.memory_space<hbm>>
      tpu.wait_indirect_dma semaphore(%arg18 : memref<!tpu.dma_semaphore, #tpu.memory_space<semaphore_mem>>) src(%dma_wait3A_78 : memref<10240x32xf32, #tpu.memory_space<hbm>>) dst(%arg14 : memref<128x32xf32, #tpu.memory_space<vmem>>)
      %mul3A_79 = arith.constant 128 : i32
      %mul3A_80 = arith.muli %add3A_72, %mul3A_79 : i32
      %add3A_81 = arith.addi %mul3A_2, %mul3A_80 : i32
      %dma_wait3A_82 = arith.constant 0 : i32
      %dma_wait3A_83 = tpu.memref_slice %arg6[%add3A_81, %dma_wait3A_82] : memref<163840x32xf32, #tpu.memory_space<hbm>> -> memref<128x32xf32, #tpu.memory_space<hbm>>
      %dma_wait3A_84 = arith.constant 0 : i32
      %dma_wait3A_85 = tpu.memref_slice %arg6[%add3A_81, %dma_wait3A_84] : memref<163840x32xf32, #tpu.memory_space<hbm>> -> memref<128x32xf32, #tpu.memory_space<hbm>>
      tpu.wait_dma2 semaphore(%arg18 : memref<!tpu.dma_semaphore, #tpu.memory_space<semaphore_mem>>) src(%dma_wait3A_85 : memref<128x32xf32, #tpu.memory_space<hbm>>) dst(%arg15 : memref<128x32xf32, #tpu.memory_space<vmem>>)
      %add3A_86 = arith.constant 1 : i32
      %add3A_87 = arith.addi %add3A_72, %add3A_86 : i32
      %lt3A = arith.constant 40 : i32
      %lt3A_88 = arith.cmpi slt, %add3A_87, %lt3A : i32
      %convert_element_type3A = arith.extui %lt3A_88 : i1 to i32
      %cond3A = arith.constant 0 : i32
      %cond3A_89 = arith.cmpi ne, %convert_element_type3A, %cond3A : i32
      scf.if %cond3A_89 {
        %add3A_95 = arith.constant 1 : i32
        %add3A_96 = arith.addi %add3A_72, %add3A_95 : i32
        %dma_start3A_97 = arith.constant 0 : i32
        %dma_start3A_98 = tpu.memref_slice %arg9[%add3A_96, %dma_start3A_97] : memref<40x128xi32, #tpu.memory_space<vmem>> -> memref<1x128xi32, #tpu.memory_space<vmem>>
        %dma_start3A_99 = tpu.memref_squeeze %dma_start3A_98 : memref<1x128xi32, #tpu.memory_space<vmem>> -> memref<128xi32, #tpu.memory_space<vmem>>
        %dma_start3A_100 = arith.constant 0 : i32
        %dma_start3A_101 = arith.constant 0 : i32
        %dma_start3A_102 = tpu.memref_slice %arg5[%dma_start3A_100, %dma_start3A_101] : memref<10240x32xf32, #tpu.memory_space<hbm>> -> memref<10240x32xf32, #tpu.memory_space<hbm>>
        tpu.enqueue_indirect_dma source(%dma_start3A_102 : memref<10240x32xf32, #tpu.memory_space<hbm>>) target(%arg12 : memref<128x32xf32, #tpu.memory_space<vmem>>) offsets(%dma_start3A_99 : memref<128xi32, #tpu.memory_space<vmem>>) semaphore(%arg17 : memref<!tpu.dma_semaphore, #tpu.memory_space<semaphore_mem>>)
        %mul3A_103 = arith.constant 128 : i32
        %mul3A_104 = arith.muli %add3A_96, %mul3A_103 : i32
        %add3A_105 = arith.addi %mul3A_2, %mul3A_104 : i32
        %dma_start3A_106 = arith.constant 0 : i32
        %dma_start3A_107 = tpu.memref_slice %arg6[%add3A_105, %dma_start3A_106] : memref<163840x32xf32, #tpu.memory_space<hbm>> -> memref<128x32xf32, #tpu.memory_space<hbm>>
        %dma_start3A_108 = arith.constant 0 : i32
        %dma_start3A_109 = tpu.memref_slice %arg6[%add3A_105, %dma_start3A_108] : memref<163840x32xf32, #tpu.memory_space<hbm>> -> memref<128x32xf32, #tpu.memory_space<hbm>>
        tpu.enqueue_dma source(%dma_start3A_109 : memref<128x32xf32, #tpu.memory_space<hbm>>) target(%arg13 : memref<128x32xf32, #tpu.memory_space<vmem>>) target_semaphore(%arg17 : memref<!tpu.dma_semaphore, #tpu.memory_space<semaphore_mem>>)
      } else {
      }
      %scan3A_90 = arith.constant 0 : i32
      %scan3A_91 = arith.constant 8 : i32
      %scan3A_92 = arith.addi %scan3A_90, %scan3A_91 : i32
      %scan3A_93 = arith.constant 1 : i32
      scf.for %scan3A_95 = %scan3A_90 to %scan3A_92 step %scan3A_93  : i32 {
        %mul3A_96 = arith.constant 1 : i32
        %mul3A_97 = arith.muli %scan3A_95, %mul3A_96 : i32
        %add3A_98 = arith.constant 0 : i32
        %add3A_99 = arith.addi %add3A_98, %mul3A_97 : i32
        %mul3A_100 = arith.constant 16 : i32
        %mul3A_101 = arith.muli %add3A_99, %mul3A_100 : i32
        %get3A = arith.index_cast %add3A_72 : i32 to index
        %get3A_102 = arith.index_cast %mul3A_101 : i32 to index
        %get3A_103 = tpu.vector_load %arg9[%get3A, %get3A_102] {strides = array<i32>} : memref<40x128xi32, #tpu.memory_space<vmem>>, vector<16xi32>,
        %mul3A_104 = arith.constant 3 : i32
        %mul3A_105 = vector.broadcast %mul3A_104 : i32 to vector<16xi32>
        %mul3A_106 = arith.muli %get3A_103, %mul3A_105 : vector<16xi32>
        %mul3A_107 = arith.constant 16 : i32
        %mul3A_108 = arith.muli %add3A_99, %mul3A_107 : i32
        %get3A_109 = arith.index_cast %add3A_72 : i32 to index
        %get3A_110 = arith.index_cast %mul3A_108 : i32 to index
        %get3A_111 = tpu.vector_load %arg10[%get3A_109, %get3A_110] {strides = array<i32>} : memref<40x128xi32, #tpu.memory_space<vmem>>, vector<16xi32>,
        %mul3A_112 = arith.constant 3 : i32
        %mul3A_113 = vector.broadcast %mul3A_112 : i32 to vector<16xi32>
        %mul3A_114 = arith.muli %get3A_111, %mul3A_113 : vector<16xi32>
        %gather3A = tpu.vector_load_idx %arg11[%mul3A_114] : memref<30720xf32, #tpu.memory_space<vmem>>[vector<16xi32>], vector<16xf32>,
        %gather3A_115 = tpu.vector_load_idx %arg11[%mul3A_106] : memref<30720xf32, #tpu.memory_space<vmem>>[vector<16xi32>], vector<16xf32>,
        %sub3A = arith.subf %gather3A, %gather3A_115 : vector<16xf32>
        %add3A_116 = arith.constant 1 : i32
        %add3A_117 = vector.broadcast %add3A_116 : i32 to vector<16xi32>
        %add3A_118 = arith.addi %mul3A_114, %add3A_117 : vector<16xi32>
        %gather3A_119 = tpu.vector_load_idx %arg11[%add3A_118] : memref<30720xf32, #tpu.memory_space<vmem>>[vector<16xi32>], vector<16xf32>,
        %add3A_120 = arith.constant 1 : i32
        %add3A_121 = vector.broadcast %add3A_120 : i32 to vector<16xi32>
        %add3A_122 = arith.addi %mul3A_106, %add3A_121 : vector<16xi32>
        %gather3A_123 = tpu.vector_load_idx %arg11[%add3A_122] : memref<30720xf32, #tpu.memory_space<vmem>>[vector<16xi32>], vector<16xf32>,
        %sub3A_124 = arith.subf %gather3A_119, %gather3A_123 : vector<16xf32>
        %add3A_125 = arith.constant 2 : i32
        %add3A_126 = vector.broadcast %add3A_125 : i32 to vector<16xi32>
        %add3A_127 = arith.addi %mul3A_114, %add3A_126 : vector<16xi32>
        %gather3A_128 = tpu.vector_load_idx %arg11[%add3A_127] : memref<30720xf32, #tpu.memory_space<vmem>>[vector<16xi32>], vector<16xf32>,
        %add3A_129 = arith.constant 2 : i32
        %add3A_130 = vector.broadcast %add3A_129 : i32 to vector<16xi32>
        %add3A_131 = arith.addi %mul3A_106, %add3A_130 : vector<16xi32>
        %gather3A_132 = tpu.vector_load_idx %arg11[%add3A_131] : memref<30720xf32, #tpu.memory_space<vmem>>[vector<16xi32>], vector<16xf32>,
        %sub3A_133 = arith.subf %gather3A_128, %gather3A_132 : vector<16xf32>
        %mul3A_134 = arith.mulf %sub3A, %sub3A : vector<16xf32>
        %mul3A_135 = arith.mulf %sub3A_124, %sub3A_124 : vector<16xf32>
        %add3A_136 = arith.addf %mul3A_134, %mul3A_135 : vector<16xf32>
        %mul3A_137 = arith.mulf %sub3A_133, %sub3A_133 : vector<16xf32>
        %add3A_138 = arith.addf %add3A_136, %mul3A_137 : vector<16xf32>
        %add3A_139 = arith.constant 9.99999996E-13 : f32
        %add3A_140 = vector.broadcast %add3A_139 : f32 to vector<16xf32>
        %add3A_141 = arith.addf %add3A_138, %add3A_140 : vector<16xf32>
        %bitcast3A = vector.bitcast %add3A_141 : vector<16xf32> to vector<16xi32>
        %broadcast_in_dim3A = arith.constant 1597463007 : i32
        %broadcast_in_dim3A_142 = vector.broadcast %broadcast_in_dim3A : i32 to vector<16xi32>
        %broadcast_in_dim3A_143 = arith.constant 1 : i32
        %broadcast_in_dim3A_144 = vector.broadcast %broadcast_in_dim3A_143 : i32 to vector<16xi32>
        %shift_right_logical3A = arith.shrui %bitcast3A, %broadcast_in_dim3A_144 : vector<16xi32>
        %sub3A_145 = arith.subi %broadcast_in_dim3A_142, %shift_right_logical3A : vector<16xi32>
        %bitcast3A_146 = vector.bitcast %sub3A_145 : vector<16xi32> to vector<16xf32>
        %mul3A_147 = arith.constant 5.000000e-01 : f32
        %mul3A_148 = vector.broadcast %mul3A_147 : f32 to vector<16xf32>
        %mul3A_149 = arith.mulf %mul3A_148, %add3A_141 : vector<16xf32>
        %mul3A_150 = arith.mulf %mul3A_149, %bitcast3A_146 : vector<16xf32>
        %mul3A_151 = arith.mulf %mul3A_150, %bitcast3A_146 : vector<16xf32>
        %sub3A_152 = arith.constant 1.500000e+00 : f32
        %sub3A_153 = vector.broadcast %sub3A_152 : f32 to vector<16xf32>
        %sub3A_154 = arith.subf %sub3A_153, %mul3A_151 : vector<16xf32>
        %mul3A_155 = arith.mulf %bitcast3A_146, %sub3A_154 : vector<16xf32>
        %mul3A_156 = arith.constant 5.000000e-01 : f32
        %mul3A_157 = vector.broadcast %mul3A_156 : f32 to vector<16xf32>
        %mul3A_158 = arith.mulf %mul3A_157, %add3A_141 : vector<16xf32>
        %mul3A_159 = arith.mulf %mul3A_158, %mul3A_155 : vector<16xf32>
        %mul3A_160 = arith.mulf %mul3A_159, %mul3A_155 : vector<16xf32>
        %sub3A_161 = arith.constant 1.500000e+00 : f32
        %sub3A_162 = vector.broadcast %sub3A_161 : f32 to vector<16xf32>
        %sub3A_163 = arith.subf %sub3A_162, %mul3A_160 : vector<16xf32>
        %mul3A_164 = arith.mulf %mul3A_155, %sub3A_163 : vector<16xf32>
        %mul3A_165 = arith.constant 5.000000e-01 : f32
        %mul3A_166 = vector.broadcast %mul3A_165 : f32 to vector<16xf32>
        %mul3A_167 = arith.mulf %mul3A_166, %add3A_141 : vector<16xf32>
        %mul3A_168 = arith.mulf %mul3A_167, %mul3A_164 : vector<16xf32>
        %mul3A_169 = arith.mulf %mul3A_168, %mul3A_164 : vector<16xf32>
        %sub3A_170 = arith.constant 1.500000e+00 : f32
        %sub3A_171 = vector.broadcast %sub3A_170 : f32 to vector<16xf32>
        %sub3A_172 = arith.subf %sub3A_171, %mul3A_169 : vector<16xf32>
        %mul3A_173 = arith.mulf %mul3A_164, %sub3A_172 : vector<16xf32>
        %mul3A_174 = arith.constant 1.73205078 : f32
        %mul3A_175 = vector.broadcast %mul3A_174 : f32 to vector<16xf32>
        %mul3A_176 = arith.mulf %mul3A_173, %mul3A_175 : vector<16xf32>
        %mul3A_177 = arith.mulf %sub3A, %mul3A_176 : vector<16xf32>
        %mul3A_178 = arith.mulf %sub3A_124, %mul3A_176 : vector<16xf32>
        %mul3A_179 = arith.mulf %sub3A_133, %mul3A_176 : vector<16xf32>
        %mul3A_180 = arith.constant 16 : i32
        %mul3A_181 = arith.muli %add3A_99, %mul3A_180 : i32
        %add3A_182 = vector.broadcast %mul3A_181 : i32 to vector<16xi32>
        %add3A_183 = arith.addi %iota3A, %add3A_182 : vector<16xi32>
        %broadcast_in_dim3A_184 = arith.constant 0.000000e+00 : f32
        %broadcast_in_dim3A_185 = vector.broadcast %broadcast_in_dim3A_184 : f32 to vector<16xf32>
        %add3A_186 = arith.constant 0 : i32
        %add3A_187 = vector.broadcast %add3A_186 : i32 to vector<16xi32>
        %add3A_188 = arith.addi %iota3A, %add3A_187 : vector<16xi32>
        %and3A = arith.constant 31 : i32
        %and3A_189 = vector.broadcast %and3A : i32 to vector<16xi32>
        %and3A_190 = arith.andi %add3A_188, %and3A_189 : vector<16xi32>
        %gather3A_191 = tpu.vector_load_idx %arg14[%add3A_183, %and3A_190] : memref<128x32xf32, #tpu.memory_space<vmem>>[vector<16xi32>, vector<16xi32>], vector<16xf32>,
        %gather3A_192 = tpu.vector_load_idx %arg15[%add3A_183, %and3A_190] : memref<128x32xf32, #tpu.memory_space<vmem>>[vector<16xi32>, vector<16xi32>], vector<16xf32>,
        %mul3A_193 = arith.mulf %gather3A_191, %gather3A_192 : vector<16xf32>
        %add3A_194 = arith.addf %broadcast_in_dim3A_185, %mul3A_193 : vector<16xf32>
        tpu.vector_store_idx %arg16[%add3A_183, %and3A_190], %mul3A_193 : memref<128x48xf32, #tpu.memory_space<vmem>>[vector<16xi32>, vector<16xi32>], vector<16xf32>,
        %add3A_195 = arith.constant 1 : i32
        %add3A_196 = vector.broadcast %add3A_195 : i32 to vector<16xi32>
        %add3A_197 = arith.addi %iota3A, %add3A_196 : vector<16xi32>
        %and3A_198 = arith.constant 31 : i32
        %and3A_199 = vector.broadcast %and3A_198 : i32 to vector<16xi32>
        %and3A_200 = arith.andi %add3A_197, %and3A_199 : vector<16xi32>
        %gather3A_201 = tpu.vector_load_idx %arg14[%add3A_183, %and3A_200] : memref<128x32xf32, #tpu.memory_space<vmem>>[vector<16xi32>, vector<16xi32>], vector<16xf32>,
        %gather3A_202 = tpu.vector_load_idx %arg15[%add3A_183, %and3A_200] : memref<128x32xf32, #tpu.memory_space<vmem>>[vector<16xi32>, vector<16xi32>], vector<16xf32>,
        %mul3A_203 = arith.mulf %gather3A_201, %gather3A_202 : vector<16xf32>
        %add3A_204 = arith.addf %add3A_194, %mul3A_203 : vector<16xf32>
        tpu.vector_store_idx %arg16[%add3A_183, %and3A_200], %mul3A_203 : memref<128x48xf32, #tpu.memory_space<vmem>>[vector<16xi32>, vector<16xi32>], vector<16xf32>,
        %add3A_205 = arith.constant 2 : i32
        %add3A_206 = vector.broadcast %add3A_205 : i32 to vector<16xi32>
        %add3A_207 = arith.addi %iota3A, %add3A_206 : vector<16xi32>
        %and3A_208 = arith.constant 31 : i32
        %and3A_209 = vector.broadcast %and3A_208 : i32 to vector<16xi32>
        %and3A_210 = arith.andi %add3A_207, %and3A_209 : vector<16xi32>
        %gather3A_211 = tpu.vector_load_idx %arg14[%add3A_183, %and3A_210] : memref<128x32xf32, #tpu.memory_space<vmem>>[vector<16xi32>, vector<16xi32>], vector<16xf32>,
        %gather3A_212 = tpu.vector_load_idx %arg15[%add3A_183, %and3A_210] : memref<128x32xf32, #tpu.memory_space<vmem>>[vector<16xi32>, vector<16xi32>], vector<16xf32>,
        %mul3A_213 = arith.mulf %gather3A_211, %gather3A_212 : vector<16xf32>
        %add3A_214 = arith.addf %add3A_204, %mul3A_213 : vector<16xf32>
        tpu.vector_store_idx %arg16[%add3A_183, %and3A_210], %mul3A_213 : memref<128x48xf32, #tpu.memory_space<vmem>>[vector<16xi32>, vector<16xi32>], vector<16xf32>,
        %add3A_215 = arith.constant 3 : i32
        %add3A_216 = vector.broadcast %add3A_215 : i32 to vector<16xi32>
        %add3A_217 = arith.addi %iota3A, %add3A_216 : vector<16xi32>
        %and3A_218 = arith.constant 31 : i32
        %and3A_219 = vector.broadcast %and3A_218 : i32 to vector<16xi32>
        %and3A_220 = arith.andi %add3A_217, %and3A_219 : vector<16xi32>
        %gather3A_221 = tpu.vector_load_idx %arg14[%add3A_183, %and3A_220] : memref<128x32xf32, #tpu.memory_space<vmem>>[vector<16xi32>, vector<16xi32>], vector<16xf32>,
        %gather3A_222 = tpu.vector_load_idx %arg15[%add3A_183, %and3A_220] : memref<128x32xf32, #tpu.memory_space<vmem>>[vector<16xi32>, vector<16xi32>], vector<16xf32>,
        %mul3A_223 = arith.mulf %gather3A_221, %gather3A_222 : vector<16xf32>
        %add3A_224 = arith.addf %add3A_214, %mul3A_223 : vector<16xf32>
        tpu.vector_store_idx %arg16[%add3A_183, %and3A_220], %mul3A_223 : memref<128x48xf32, #tpu.memory_space<vmem>>[vector<16xi32>, vector<16xi32>], vector<16xf32>,
        %add3A_225 = arith.constant 4 : i32
        %add3A_226 = vector.broadcast %add3A_225 : i32 to vector<16xi32>
        %add3A_227 = arith.addi %iota3A, %add3A_226 : vector<16xi32>
        %and3A_228 = arith.constant 31 : i32
        %and3A_229 = vector.broadcast %and3A_228 : i32 to vector<16xi32>
        %and3A_230 = arith.andi %add3A_227, %and3A_229 : vector<16xi32>
        %gather3A_231 = tpu.vector_load_idx %arg14[%add3A_183, %and3A_230] : memref<128x32xf32, #tpu.memory_space<vmem>>[vector<16xi32>, vector<16xi32>], vector<16xf32>,
        %gather3A_232 = tpu.vector_load_idx %arg15[%add3A_183, %and3A_230] : memref<128x32xf32, #tpu.memory_space<vmem>>[vector<16xi32>, vector<16xi32>], vector<16xf32>,
        %mul3A_233 = arith.mulf %gather3A_231, %gather3A_232 : vector<16xf32>
        %add3A_234 = arith.addf %add3A_224, %mul3A_233 : vector<16xf32>
        tpu.vector_store_idx %arg16[%add3A_183, %and3A_230], %mul3A_233 : memref<128x48xf32, #tpu.memory_space<vmem>>[vector<16xi32>, vector<16xi32>], vector<16xf32>,
        %add3A_235 = arith.constant 5 : i32
        %add3A_236 = vector.broadcast %add3A_235 : i32 to vector<16xi32>
        %add3A_237 = arith.addi %iota3A, %add3A_236 : vector<16xi32>
        %and3A_238 = arith.constant 31 : i32
        %and3A_239 = vector.broadcast %and3A_238 : i32 to vector<16xi32>
        %and3A_240 = arith.andi %add3A_237, %and3A_239 : vector<16xi32>
        %gather3A_241 = tpu.vector_load_idx %arg14[%add3A_183, %and3A_240] : memref<128x32xf32, #tpu.memory_space<vmem>>[vector<16xi32>, vector<16xi32>], vector<16xf32>,
        %gather3A_242 = tpu.vector_load_idx %arg15[%add3A_183, %and3A_240] : memref<128x32xf32, #tpu.memory_space<vmem>>[vector<16xi32>, vector<16xi32>], vector<16xf32>,
        %mul3A_243 = arith.mulf %gather3A_241, %gather3A_242 : vector<16xf32>
        %add3A_244 = arith.addf %add3A_234, %mul3A_243 : vector<16xf32>
        tpu.vector_store_idx %arg16[%add3A_183, %and3A_240], %mul3A_243 : memref<128x48xf32, #tpu.memory_space<vmem>>[vector<16xi32>, vector<16xi32>], vector<16xf32>,
        %add3A_245 = arith.constant 6 : i32
        %add3A_246 = vector.broadcast %add3A_245 : i32 to vector<16xi32>
        %add3A_247 = arith.addi %iota3A, %add3A_246 : vector<16xi32>
        %and3A_248 = arith.constant 31 : i32
        %and3A_249 = vector.broadcast %and3A_248 : i32 to vector<16xi32>
        %and3A_250 = arith.andi %add3A_247, %and3A_249 : vector<16xi32>
        %gather3A_251 = tpu.vector_load_idx %arg14[%add3A_183, %and3A_250] : memref<128x32xf32, #tpu.memory_space<vmem>>[vector<16xi32>, vector<16xi32>], vector<16xf32>,
        %gather3A_252 = tpu.vector_load_idx %arg15[%add3A_183, %and3A_250] : memref<128x32xf32, #tpu.memory_space<vmem>>[vector<16xi32>, vector<16xi32>], vector<16xf32>,
        %mul3A_253 = arith.mulf %gather3A_251, %gather3A_252 : vector<16xf32>
        %add3A_254 = arith.addf %add3A_244, %mul3A_253 : vector<16xf32>
        tpu.vector_store_idx %arg16[%add3A_183, %and3A_250], %mul3A_253 : memref<128x48xf32, #tpu.memory_space<vmem>>[vector<16xi32>, vector<16xi32>], vector<16xf32>,
        %add3A_255 = arith.constant 7 : i32
        %add3A_256 = vector.broadcast %add3A_255 : i32 to vector<16xi32>
        %add3A_257 = arith.addi %iota3A, %add3A_256 : vector<16xi32>
        %and3A_258 = arith.constant 31 : i32
        %and3A_259 = vector.broadcast %and3A_258 : i32 to vector<16xi32>
        %and3A_260 = arith.andi %add3A_257, %and3A_259 : vector<16xi32>
        %gather3A_261 = tpu.vector_load_idx %arg14[%add3A_183, %and3A_260] : memref<128x32xf32, #tpu.memory_space<vmem>>[vector<16xi32>, vector<16xi32>], vector<16xf32>,
        %gather3A_262 = tpu.vector_load_idx %arg15[%add3A_183, %and3A_260] : memref<128x32xf32, #tpu.memory_space<vmem>>[vector<16xi32>, vector<16xi32>], vector<16xf32>,
        %mul3A_263 = arith.mulf %gather3A_261, %gather3A_262 : vector<16xf32>
        %add3A_264 = arith.addf %add3A_254, %mul3A_263 : vector<16xf32>
        tpu.vector_store_idx %arg16[%add3A_183, %and3A_260], %mul3A_263 : memref<128x48xf32, #tpu.memory_space<vmem>>[vector<16xi32>, vector<16xi32>], vector<16xf32>,
        %add3A_265 = arith.constant 8 : i32
        %add3A_266 = vector.broadcast %add3A_265 : i32 to vector<16xi32>
        %add3A_267 = arith.addi %iota3A, %add3A_266 : vector<16xi32>
        %and3A_268 = arith.constant 31 : i32
        %and3A_269 = vector.broadcast %and3A_268 : i32 to vector<16xi32>
        %and3A_270 = arith.andi %add3A_267, %and3A_269 : vector<16xi32>
        %gather3A_271 = tpu.vector_load_idx %arg14[%add3A_183, %and3A_270] : memref<128x32xf32, #tpu.memory_space<vmem>>[vector<16xi32>, vector<16xi32>], vector<16xf32>,
        %gather3A_272 = tpu.vector_load_idx %arg15[%add3A_183, %and3A_270] : memref<128x32xf32, #tpu.memory_space<vmem>>[vector<16xi32>, vector<16xi32>], vector<16xf32>,
        %mul3A_273 = arith.mulf %gather3A_271, %gather3A_272 : vector<16xf32>
        %add3A_274 = arith.addf %add3A_264, %mul3A_273 : vector<16xf32>
        tpu.vector_store_idx %arg16[%add3A_183, %and3A_270], %mul3A_273 : memref<128x48xf32, #tpu.memory_space<vmem>>[vector<16xi32>, vector<16xi32>], vector<16xf32>,
        %add3A_275 = arith.constant 9 : i32
        %add3A_276 = vector.broadcast %add3A_275 : i32 to vector<16xi32>
        %add3A_277 = arith.addi %iota3A, %add3A_276 : vector<16xi32>
        %and3A_278 = arith.constant 31 : i32
        %and3A_279 = vector.broadcast %and3A_278 : i32 to vector<16xi32>
        %and3A_280 = arith.andi %add3A_277, %and3A_279 : vector<16xi32>
        %gather3A_281 = tpu.vector_load_idx %arg14[%add3A_183, %and3A_280] : memref<128x32xf32, #tpu.memory_space<vmem>>[vector<16xi32>, vector<16xi32>], vector<16xf32>,
        %gather3A_282 = tpu.vector_load_idx %arg15[%add3A_183, %and3A_280] : memref<128x32xf32, #tpu.memory_space<vmem>>[vector<16xi32>, vector<16xi32>], vector<16xf32>,
        %mul3A_283 = arith.mulf %gather3A_281, %gather3A_282 : vector<16xf32>
        %add3A_284 = arith.addf %add3A_274, %mul3A_283 : vector<16xf32>
        tpu.vector_store_idx %arg16[%add3A_183, %and3A_280], %mul3A_283 : memref<128x48xf32, #tpu.memory_space<vmem>>[vector<16xi32>, vector<16xi32>], vector<16xf32>,
        %add3A_285 = arith.constant 10 : i32
        %add3A_286 = vector.broadcast %add3A_285 : i32 to vector<16xi32>
        %add3A_287 = arith.addi %iota3A, %add3A_286 : vector<16xi32>
        %and3A_288 = arith.constant 31 : i32
        %and3A_289 = vector.broadcast %and3A_288 : i32 to vector<16xi32>
        %and3A_290 = arith.andi %add3A_287, %and3A_289 : vector<16xi32>
        %gather3A_291 = tpu.vector_load_idx %arg14[%add3A_183, %and3A_290] : memref<128x32xf32, #tpu.memory_space<vmem>>[vector<16xi32>, vector<16xi32>], vector<16xf32>,
        %gather3A_292 = tpu.vector_load_idx %arg15[%add3A_183, %and3A_290] : memref<128x32xf32, #tpu.memory_space<vmem>>[vector<16xi32>, vector<16xi32>], vector<16xf32>,
        %mul3A_293 = arith.mulf %gather3A_291, %gather3A_292 : vector<16xf32>
        %add3A_294 = arith.addf %add3A_284, %mul3A_293 : vector<16xf32>
        tpu.vector_store_idx %arg16[%add3A_183, %and3A_290], %mul3A_293 : memref<128x48xf32, #tpu.memory_space<vmem>>[vector<16xi32>, vector<16xi32>], vector<16xf32>,
        %add3A_295 = arith.constant 11 : i32
        %add3A_296 = vector.broadcast %add3A_295 : i32 to vector<16xi32>
        %add3A_297 = arith.addi %iota3A, %add3A_296 : vector<16xi32>
        %and3A_298 = arith.constant 31 : i32
        %and3A_299 = vector.broadcast %and3A_298 : i32 to vector<16xi32>
        %and3A_300 = arith.andi %add3A_297, %and3A_299 : vector<16xi32>
        %gather3A_301 = tpu.vector_load_idx %arg14[%add3A_183, %and3A_300] : memref<128x32xf32, #tpu.memory_space<vmem>>[vector<16xi32>, vector<16xi32>], vector<16xf32>,
        %gather3A_302 = tpu.vector_load_idx %arg15[%add3A_183, %and3A_300] : memref<128x32xf32, #tpu.memory_space<vmem>>[vector<16xi32>, vector<16xi32>], vector<16xf32>,
        %mul3A_303 = arith.mulf %gather3A_301, %gather3A_302 : vector<16xf32>
        %add3A_304 = arith.addf %add3A_294, %mul3A_303 : vector<16xf32>
        tpu.vector_store_idx %arg16[%add3A_183, %and3A_300], %mul3A_303 : memref<128x48xf32, #tpu.memory_space<vmem>>[vector<16xi32>, vector<16xi32>], vector<16xf32>,
        %add3A_305 = arith.constant 12 : i32
        %add3A_306 = vector.broadcast %add3A_305 : i32 to vector<16xi32>
        %add3A_307 = arith.addi %iota3A, %add3A_306 : vector<16xi32>
        %and3A_308 = arith.constant 31 : i32
        %and3A_309 = vector.broadcast %and3A_308 : i32 to vector<16xi32>
        %and3A_310 = arith.andi %add3A_307, %and3A_309 : vector<16xi32>
        %gather3A_311 = tpu.vector_load_idx %arg14[%add3A_183, %and3A_310] : memref<128x32xf32, #tpu.memory_space<vmem>>[vector<16xi32>, vector<16xi32>], vector<16xf32>,
        %gather3A_312 = tpu.vector_load_idx %arg15[%add3A_183, %and3A_310] : memref<128x32xf32, #tpu.memory_space<vmem>>[vector<16xi32>, vector<16xi32>], vector<16xf32>,
        %mul3A_313 = arith.mulf %gather3A_311, %gather3A_312 : vector<16xf32>
        %add3A_314 = arith.addf %add3A_304, %mul3A_313 : vector<16xf32>
        tpu.vector_store_idx %arg16[%add3A_183, %and3A_310], %mul3A_313 : memref<128x48xf32, #tpu.memory_space<vmem>>[vector<16xi32>, vector<16xi32>], vector<16xf32>,
        %add3A_315 = arith.constant 13 : i32
        %add3A_316 = vector.broadcast %add3A_315 : i32 to vector<16xi32>
        %add3A_317 = arith.addi %iota3A, %add3A_316 : vector<16xi32>
        %and3A_318 = arith.constant 31 : i32
        %and3A_319 = vector.broadcast %and3A_318 : i32 to vector<16xi32>
        %and3A_320 = arith.andi %add3A_317, %and3A_319 : vector<16xi32>
        %gather3A_321 = tpu.vector_load_idx %arg14[%add3A_183, %and3A_320] : memref<128x32xf32, #tpu.memory_space<vmem>>[vector<16xi32>, vector<16xi32>], vector<16xf32>,
        %gather3A_322 = tpu.vector_load_idx %arg15[%add3A_183, %and3A_320] : memref<128x32xf32, #tpu.memory_space<vmem>>[vector<16xi32>, vector<16xi32>], vector<16xf32>,
        %mul3A_323 = arith.mulf %gather3A_321, %gather3A_322 : vector<16xf32>
        %add3A_324 = arith.addf %add3A_314, %mul3A_323 : vector<16xf32>
        tpu.vector_store_idx %arg16[%add3A_183, %and3A_320], %mul3A_323 : memref<128x48xf32, #tpu.memory_space<vmem>>[vector<16xi32>, vector<16xi32>], vector<16xf32>,
        %add3A_325 = arith.constant 14 : i32
        %add3A_326 = vector.broadcast %add3A_325 : i32 to vector<16xi32>
        %add3A_327 = arith.addi %iota3A, %add3A_326 : vector<16xi32>
        %and3A_328 = arith.constant 31 : i32
        %and3A_329 = vector.broadcast %and3A_328 : i32 to vector<16xi32>
        %and3A_330 = arith.andi %add3A_327, %and3A_329 : vector<16xi32>
        %gather3A_331 = tpu.vector_load_idx %arg14[%add3A_183, %and3A_330] : memref<128x32xf32, #tpu.memory_space<vmem>>[vector<16xi32>, vector<16xi32>], vector<16xf32>,
        %gather3A_332 = tpu.vector_load_idx %arg15[%add3A_183, %and3A_330] : memref<128x32xf32, #tpu.memory_space<vmem>>[vector<16xi32>, vector<16xi32>], vector<16xf32>,
        %mul3A_333 = arith.mulf %gather3A_331, %gather3A_332 : vector<16xf32>
        %add3A_334 = arith.addf %add3A_324, %mul3A_333 : vector<16xf32>
        tpu.vector_store_idx %arg16[%add3A_183, %and3A_330], %mul3A_333 : memref<128x48xf32, #tpu.memory_space<vmem>>[vector<16xi32>, vector<16xi32>], vector<16xf32>,
        %add3A_335 = arith.constant 15 : i32
        %add3A_336 = vector.broadcast %add3A_335 : i32 to vector<16xi32>
        %add3A_337 = arith.addi %iota3A, %add3A_336 : vector<16xi32>
        %and3A_338 = arith.constant 31 : i32
        %and3A_339 = vector.broadcast %and3A_338 : i32 to vector<16xi32>
        %and3A_340 = arith.andi %add3A_337, %and3A_339 : vector<16xi32>
        %gather3A_341 = tpu.vector_load_idx %arg14[%add3A_183, %and3A_340] : memref<128x32xf32, #tpu.memory_space<vmem>>[vector<16xi32>, vector<16xi32>], vector<16xf32>,
        %gather3A_342 = tpu.vector_load_idx %arg15[%add3A_183, %and3A_340] : memref<128x32xf32, #tpu.memory_space<vmem>>[vector<16xi32>, vector<16xi32>], vector<16xf32>,
        %mul3A_343 = arith.mulf %gather3A_341, %gather3A_342 : vector<16xf32>
        %add3A_344 = arith.addf %add3A_334, %mul3A_343 : vector<16xf32>
        tpu.vector_store_idx %arg16[%add3A_183, %and3A_340], %mul3A_343 : memref<128x48xf32, #tpu.memory_space<vmem>>[vector<16xi32>, vector<16xi32>], vector<16xf32>,
        %add3A_345 = arith.constant 16 : i32
        %add3A_346 = vector.broadcast %add3A_345 : i32 to vector<16xi32>
        %add3A_347 = arith.addi %iota3A, %add3A_346 : vector<16xi32>
        %and3A_348 = arith.constant 31 : i32
        %and3A_349 = vector.broadcast %and3A_348 : i32 to vector<16xi32>
        %and3A_350 = arith.andi %add3A_347, %and3A_349 : vector<16xi32>
        %gather3A_351 = tpu.vector_load_idx %arg14[%add3A_183, %and3A_350] : memref<128x32xf32, #tpu.memory_space<vmem>>[vector<16xi32>, vector<16xi32>], vector<16xf32>,
        %gather3A_352 = tpu.vector_load_idx %arg15[%add3A_183, %and3A_350] : memref<128x32xf32, #tpu.memory_space<vmem>>[vector<16xi32>, vector<16xi32>], vector<16xf32>,
        %mul3A_353 = arith.mulf %gather3A_351, %gather3A_352 : vector<16xf32>
        %add3A_354 = arith.addf %add3A_344, %mul3A_353 : vector<16xf32>
        tpu.vector_store_idx %arg16[%add3A_183, %and3A_350], %mul3A_353 : memref<128x48xf32, #tpu.memory_space<vmem>>[vector<16xi32>, vector<16xi32>], vector<16xf32>,
        %add3A_355 = arith.constant 17 : i32
        %add3A_356 = vector.broadcast %add3A_355 : i32 to vector<16xi32>
        %add3A_357 = arith.addi %iota3A, %add3A_356 : vector<16xi32>
        %and3A_358 = arith.constant 31 : i32
        %and3A_359 = vector.broadcast %and3A_358 : i32 to vector<16xi32>
        %and3A_360 = arith.andi %add3A_357, %and3A_359 : vector<16xi32>
        %gather3A_361 = tpu.vector_load_idx %arg14[%add3A_183, %and3A_360] : memref<128x32xf32, #tpu.memory_space<vmem>>[vector<16xi32>, vector<16xi32>], vector<16xf32>,
        %gather3A_362 = tpu.vector_load_idx %arg15[%add3A_183, %and3A_360] : memref<128x32xf32, #tpu.memory_space<vmem>>[vector<16xi32>, vector<16xi32>], vector<16xf32>,
        %mul3A_363 = arith.mulf %gather3A_361, %gather3A_362 : vector<16xf32>
        %add3A_364 = arith.addf %add3A_354, %mul3A_363 : vector<16xf32>
        tpu.vector_store_idx %arg16[%add3A_183, %and3A_360], %mul3A_363 : memref<128x48xf32, #tpu.memory_space<vmem>>[vector<16xi32>, vector<16xi32>], vector<16xf32>,
        %add3A_365 = arith.constant 18 : i32
        %add3A_366 = vector.broadcast %add3A_365 : i32 to vector<16xi32>
        %add3A_367 = arith.addi %iota3A, %add3A_366 : vector<16xi32>
        %and3A_368 = arith.constant 31 : i32
        %and3A_369 = vector.broadcast %and3A_368 : i32 to vector<16xi32>
        %and3A_370 = arith.andi %add3A_367, %and3A_369 : vector<16xi32>
        %gather3A_371 = tpu.vector_load_idx %arg14[%add3A_183, %and3A_370] : memref<128x32xf32, #tpu.memory_space<vmem>>[vector<16xi32>, vector<16xi32>], vector<16xf32>,
        %gather3A_372 = tpu.vector_load_idx %arg15[%add3A_183, %and3A_370] : memref<128x32xf32, #tpu.memory_space<vmem>>[vector<16xi32>, vector<16xi32>], vector<16xf32>,
        %mul3A_373 = arith.mulf %gather3A_371, %gather3A_372 : vector<16xf32>
        %add3A_374 = arith.addf %add3A_364, %mul3A_373 : vector<16xf32>
        tpu.vector_store_idx %arg16[%add3A_183, %and3A_370], %mul3A_373 : memref<128x48xf32, #tpu.memory_space<vmem>>[vector<16xi32>, vector<16xi32>], vector<16xf32>,
        %add3A_375 = arith.constant 19 : i32
        %add3A_376 = vector.broadcast %add3A_375 : i32 to vector<16xi32>
        %add3A_377 = arith.addi %iota3A, %add3A_376 : vector<16xi32>
        %and3A_378 = arith.constant 31 : i32
        %and3A_379 = vector.broadcast %and3A_378 : i32 to vector<16xi32>
        %and3A_380 = arith.andi %add3A_377, %and3A_379 : vector<16xi32>
        %gather3A_381 = tpu.vector_load_idx %arg14[%add3A_183, %and3A_380] : memref<128x32xf32, #tpu.memory_space<vmem>>[vector<16xi32>, vector<16xi32>], vector<16xf32>,
        %gather3A_382 = tpu.vector_load_idx %arg15[%add3A_183, %and3A_380] : memref<128x32xf32, #tpu.memory_space<vmem>>[vector<16xi32>, vector<16xi32>], vector<16xf32>,
        %mul3A_383 = arith.mulf %gather3A_381, %gather3A_382 : vector<16xf32>
        %add3A_384 = arith.addf %add3A_374, %mul3A_383 : vector<16xf32>
        tpu.vector_store_idx %arg16[%add3A_183, %and3A_380], %mul3A_383 : memref<128x48xf32, #tpu.memory_space<vmem>>[vector<16xi32>, vector<16xi32>], vector<16xf32>,
        %add3A_385 = arith.constant 20 : i32
        %add3A_386 = vector.broadcast %add3A_385 : i32 to vector<16xi32>
        %add3A_387 = arith.addi %iota3A, %add3A_386 : vector<16xi32>
        %and3A_388 = arith.constant 31 : i32
        %and3A_389 = vector.broadcast %and3A_388 : i32 to vector<16xi32>
        %and3A_390 = arith.andi %add3A_387, %and3A_389 : vector<16xi32>
        %gather3A_391 = tpu.vector_load_idx %arg14[%add3A_183, %and3A_390] : memref<128x32xf32, #tpu.memory_space<vmem>>[vector<16xi32>, vector<16xi32>], vector<16xf32>,
        %gather3A_392 = tpu.vector_load_idx %arg15[%add3A_183, %and3A_390] : memref<128x32xf32, #tpu.memory_space<vmem>>[vector<16xi32>, vector<16xi32>], vector<16xf32>,
        %mul3A_393 = arith.mulf %gather3A_391, %gather3A_392 : vector<16xf32>
        %add3A_394 = arith.addf %add3A_384, %mul3A_393 : vector<16xf32>
        tpu.vector_store_idx %arg16[%add3A_183, %and3A_390], %mul3A_393 : memref<128x48xf32, #tpu.memory_space<vmem>>[vector<16xi32>, vector<16xi32>], vector<16xf32>,
        %add3A_395 = arith.constant 21 : i32
        %add3A_396 = vector.broadcast %add3A_395 : i32 to vector<16xi32>
        %add3A_397 = arith.addi %iota3A, %add3A_396 : vector<16xi32>
        %and3A_398 = arith.constant 31 : i32
        %and3A_399 = vector.broadcast %and3A_398 : i32 to vector<16xi32>
        %and3A_400 = arith.andi %add3A_397, %and3A_399 : vector<16xi32>
        %gather3A_401 = tpu.vector_load_idx %arg14[%add3A_183, %and3A_400] : memref<128x32xf32, #tpu.memory_space<vmem>>[vector<16xi32>, vector<16xi32>], vector<16xf32>,
        %gather3A_402 = tpu.vector_load_idx %arg15[%add3A_183, %and3A_400] : memref<128x32xf32, #tpu.memory_space<vmem>>[vector<16xi32>, vector<16xi32>], vector<16xf32>,
        %mul3A_403 = arith.mulf %gather3A_401, %gather3A_402 : vector<16xf32>
        %add3A_404 = arith.addf %add3A_394, %mul3A_403 : vector<16xf32>
        tpu.vector_store_idx %arg16[%add3A_183, %and3A_400], %mul3A_403 : memref<128x48xf32, #tpu.memory_space<vmem>>[vector<16xi32>, vector<16xi32>], vector<16xf32>,
        %add3A_405 = arith.constant 22 : i32
        %add3A_406 = vector.broadcast %add3A_405 : i32 to vector<16xi32>
        %add3A_407 = arith.addi %iota3A, %add3A_406 : vector<16xi32>
        %and3A_408 = arith.constant 31 : i32
        %and3A_409 = vector.broadcast %and3A_408 : i32 to vector<16xi32>
        %and3A_410 = arith.andi %add3A_407, %and3A_409 : vector<16xi32>
        %gather3A_411 = tpu.vector_load_idx %arg14[%add3A_183, %and3A_410] : memref<128x32xf32, #tpu.memory_space<vmem>>[vector<16xi32>, vector<16xi32>], vector<16xf32>,
        %gather3A_412 = tpu.vector_load_idx %arg15[%add3A_183, %and3A_410] : memref<128x32xf32, #tpu.memory_space<vmem>>[vector<16xi32>, vector<16xi32>], vector<16xf32>,
        %mul3A_413 = arith.mulf %gather3A_411, %gather3A_412 : vector<16xf32>
        %add3A_414 = arith.addf %add3A_404, %mul3A_413 : vector<16xf32>
        tpu.vector_store_idx %arg16[%add3A_183, %and3A_410], %mul3A_413 : memref<128x48xf32, #tpu.memory_space<vmem>>[vector<16xi32>, vector<16xi32>], vector<16xf32>,
        %add3A_415 = arith.constant 23 : i32
        %add3A_416 = vector.broadcast %add3A_415 : i32 to vector<16xi32>
        %add3A_417 = arith.addi %iota3A, %add3A_416 : vector<16xi32>
        %and3A_418 = arith.constant 31 : i32
        %and3A_419 = vector.broadcast %and3A_418 : i32 to vector<16xi32>
        %and3A_420 = arith.andi %add3A_417, %and3A_419 : vector<16xi32>
        %gather3A_421 = tpu.vector_load_idx %arg14[%add3A_183, %and3A_420] : memref<128x32xf32, #tpu.memory_space<vmem>>[vector<16xi32>, vector<16xi32>], vector<16xf32>,
        %gather3A_422 = tpu.vector_load_idx %arg15[%add3A_183, %and3A_420] : memref<128x32xf32, #tpu.memory_space<vmem>>[vector<16xi32>, vector<16xi32>], vector<16xf32>,
        %mul3A_423 = arith.mulf %gather3A_421, %gather3A_422 : vector<16xf32>
        %add3A_424 = arith.addf %add3A_414, %mul3A_423 : vector<16xf32>
        tpu.vector_store_idx %arg16[%add3A_183, %and3A_420], %mul3A_423 : memref<128x48xf32, #tpu.memory_space<vmem>>[vector<16xi32>, vector<16xi32>], vector<16xf32>,
        %add3A_425 = arith.constant 24 : i32
        %add3A_426 = vector.broadcast %add3A_425 : i32 to vector<16xi32>
        %add3A_427 = arith.addi %iota3A, %add3A_426 : vector<16xi32>
        %and3A_428 = arith.constant 31 : i32
        %and3A_429 = vector.broadcast %and3A_428 : i32 to vector<16xi32>
        %and3A_430 = arith.andi %add3A_427, %and3A_429 : vector<16xi32>
        %gather3A_431 = tpu.vector_load_idx %arg14[%add3A_183, %and3A_430] : memref<128x32xf32, #tpu.memory_space<vmem>>[vector<16xi32>, vector<16xi32>], vector<16xf32>,
        %gather3A_432 = tpu.vector_load_idx %arg15[%add3A_183, %and3A_430] : memref<128x32xf32, #tpu.memory_space<vmem>>[vector<16xi32>, vector<16xi32>], vector<16xf32>,
        %mul3A_433 = arith.mulf %gather3A_431, %gather3A_432 : vector<16xf32>
        %add3A_434 = arith.addf %add3A_424, %mul3A_433 : vector<16xf32>
        tpu.vector_store_idx %arg16[%add3A_183, %and3A_430], %mul3A_433 : memref<128x48xf32, #tpu.memory_space<vmem>>[vector<16xi32>, vector<16xi32>], vector<16xf32>,
        %add3A_435 = arith.constant 25 : i32
        %add3A_436 = vector.broadcast %add3A_435 : i32 to vector<16xi32>
        %add3A_437 = arith.addi %iota3A, %add3A_436 : vector<16xi32>
        %and3A_438 = arith.constant 31 : i32
        %and3A_439 = vector.broadcast %and3A_438 : i32 to vector<16xi32>
        %and3A_440 = arith.andi %add3A_437, %and3A_439 : vector<16xi32>
        %gather3A_441 = tpu.vector_load_idx %arg14[%add3A_183, %and3A_440] : memref<128x32xf32, #tpu.memory_space<vmem>>[vector<16xi32>, vector<16xi32>], vector<16xf32>,
        %gather3A_442 = tpu.vector_load_idx %arg15[%add3A_183, %and3A_440] : memref<128x32xf32, #tpu.memory_space<vmem>>[vector<16xi32>, vector<16xi32>], vector<16xf32>,
        %mul3A_443 = arith.mulf %gather3A_441, %gather3A_442 : vector<16xf32>
        %add3A_444 = arith.addf %add3A_434, %mul3A_443 : vector<16xf32>
        tpu.vector_store_idx %arg16[%add3A_183, %and3A_440], %mul3A_443 : memref<128x48xf32, #tpu.memory_space<vmem>>[vector<16xi32>, vector<16xi32>], vector<16xf32>,
        %add3A_445 = arith.constant 26 : i32
        %add3A_446 = vector.broadcast %add3A_445 : i32 to vector<16xi32>
        %add3A_447 = arith.addi %iota3A, %add3A_446 : vector<16xi32>
        %and3A_448 = arith.constant 31 : i32
        %and3A_449 = vector.broadcast %and3A_448 : i32 to vector<16xi32>
        %and3A_450 = arith.andi %add3A_447, %and3A_449 : vector<16xi32>
        %gather3A_451 = tpu.vector_load_idx %arg14[%add3A_183, %and3A_450] : memref<128x32xf32, #tpu.memory_space<vmem>>[vector<16xi32>, vector<16xi32>], vector<16xf32>,
        %gather3A_452 = tpu.vector_load_idx %arg15[%add3A_183, %and3A_450] : memref<128x32xf32, #tpu.memory_space<vmem>>[vector<16xi32>, vector<16xi32>], vector<16xf32>,
        %mul3A_453 = arith.mulf %gather3A_451, %gather3A_452 : vector<16xf32>
        %add3A_454 = arith.addf %add3A_444, %mul3A_453 : vector<16xf32>
        tpu.vector_store_idx %arg16[%add3A_183, %and3A_450], %mul3A_453 : memref<128x48xf32, #tpu.memory_space<vmem>>[vector<16xi32>, vector<16xi32>], vector<16xf32>,
        %add3A_455 = arith.constant 27 : i32
        %add3A_456 = vector.broadcast %add3A_455 : i32 to vector<16xi32>
        %add3A_457 = arith.addi %iota3A, %add3A_456 : vector<16xi32>
        %and3A_458 = arith.constant 31 : i32
        %and3A_459 = vector.broadcast %and3A_458 : i32 to vector<16xi32>
        %and3A_460 = arith.andi %add3A_457, %and3A_459 : vector<16xi32>
        %gather3A_461 = tpu.vector_load_idx %arg14[%add3A_183, %and3A_460] : memref<128x32xf32, #tpu.memory_space<vmem>>[vector<16xi32>, vector<16xi32>], vector<16xf32>,
        %gather3A_462 = tpu.vector_load_idx %arg15[%add3A_183, %and3A_460] : memref<128x32xf32, #tpu.memory_space<vmem>>[vector<16xi32>, vector<16xi32>], vector<16xf32>,
        %mul3A_463 = arith.mulf %gather3A_461, %gather3A_462 : vector<16xf32>
        %add3A_464 = arith.addf %add3A_454, %mul3A_463 : vector<16xf32>
        tpu.vector_store_idx %arg16[%add3A_183, %and3A_460], %mul3A_463 : memref<128x48xf32, #tpu.memory_space<vmem>>[vector<16xi32>, vector<16xi32>], vector<16xf32>,
        %add3A_465 = arith.constant 28 : i32
        %add3A_466 = vector.broadcast %add3A_465 : i32 to vector<16xi32>
        %add3A_467 = arith.addi %iota3A, %add3A_466 : vector<16xi32>
        %and3A_468 = arith.constant 31 : i32
        %and3A_469 = vector.broadcast %and3A_468 : i32 to vector<16xi32>
        %and3A_470 = arith.andi %add3A_467, %and3A_469 : vector<16xi32>
        %gather3A_471 = tpu.vector_load_idx %arg14[%add3A_183, %and3A_470] : memref<128x32xf32, #tpu.memory_space<vmem>>[vector<16xi32>, vector<16xi32>], vector<16xf32>,
        %gather3A_472 = tpu.vector_load_idx %arg15[%add3A_183, %and3A_470] : memref<128x32xf32, #tpu.memory_space<vmem>>[vector<16xi32>, vector<16xi32>], vector<16xf32>,
        %mul3A_473 = arith.mulf %gather3A_471, %gather3A_472 : vector<16xf32>
        %add3A_474 = arith.addf %add3A_464, %mul3A_473 : vector<16xf32>
        tpu.vector_store_idx %arg16[%add3A_183, %and3A_470], %mul3A_473 : memref<128x48xf32, #tpu.memory_space<vmem>>[vector<16xi32>, vector<16xi32>], vector<16xf32>,
        %add3A_475 = arith.constant 29 : i32
        %add3A_476 = vector.broadcast %add3A_475 : i32 to vector<16xi32>
        %add3A_477 = arith.addi %iota3A, %add3A_476 : vector<16xi32>
        %and3A_478 = arith.constant 31 : i32
        %and3A_479 = vector.broadcast %and3A_478 : i32 to vector<16xi32>
        %and3A_480 = arith.andi %add3A_477, %and3A_479 : vector<16xi32>
        %gather3A_481 = tpu.vector_load_idx %arg14[%add3A_183, %and3A_480] : memref<128x32xf32, #tpu.memory_space<vmem>>[vector<16xi32>, vector<16xi32>], vector<16xf32>,
        %gather3A_482 = tpu.vector_load_idx %arg15[%add3A_183, %and3A_480] : memref<128x32xf32, #tpu.memory_space<vmem>>[vector<16xi32>, vector<16xi32>], vector<16xf32>,
        %mul3A_483 = arith.mulf %gather3A_481, %gather3A_482 : vector<16xf32>
        %add3A_484 = arith.addf %add3A_474, %mul3A_483 : vector<16xf32>
        tpu.vector_store_idx %arg16[%add3A_183, %and3A_480], %mul3A_483 : memref<128x48xf32, #tpu.memory_space<vmem>>[vector<16xi32>, vector<16xi32>], vector<16xf32>,
        %add3A_485 = arith.constant 30 : i32
        %add3A_486 = vector.broadcast %add3A_485 : i32 to vector<16xi32>
        %add3A_487 = arith.addi %iota3A, %add3A_486 : vector<16xi32>
        %and3A_488 = arith.constant 31 : i32
        %and3A_489 = vector.broadcast %and3A_488 : i32 to vector<16xi32>
        %and3A_490 = arith.andi %add3A_487, %and3A_489 : vector<16xi32>
        %gather3A_491 = tpu.vector_load_idx %arg14[%add3A_183, %and3A_490] : memref<128x32xf32, #tpu.memory_space<vmem>>[vector<16xi32>, vector<16xi32>], vector<16xf32>,
        %gather3A_492 = tpu.vector_load_idx %arg15[%add3A_183, %and3A_490] : memref<128x32xf32, #tpu.memory_space<vmem>>[vector<16xi32>, vector<16xi32>], vector<16xf32>,
        %mul3A_493 = arith.mulf %gather3A_491, %gather3A_492 : vector<16xf32>
        %add3A_494 = arith.addf %add3A_484, %mul3A_493 : vector<16xf32>
        tpu.vector_store_idx %arg16[%add3A_183, %and3A_490], %mul3A_493 : memref<128x48xf32, #tpu.memory_space<vmem>>[vector<16xi32>, vector<16xi32>], vector<16xf32>,
        %add3A_495 = arith.constant 31 : i32
        %add3A_496 = vector.broadcast %add3A_495 : i32 to vector<16xi32>
        %add3A_497 = arith.addi %iota3A, %add3A_496 : vector<16xi32>
        %and3A_498 = arith.constant 31 : i32
        %and3A_499 = vector.broadcast %and3A_498 : i32 to vector<16xi32>
        %and3A_500 = arith.andi %add3A_497, %and3A_499 : vector<16xi32>
        %gather3A_501 = tpu.vector_load_idx %arg14[%add3A_183, %and3A_500] : memref<128x32xf32, #tpu.memory_space<vmem>>[vector<16xi32>, vector<16xi32>], vector<16xf32>,
        %gather3A_502 = tpu.vector_load_idx %arg15[%add3A_183, %and3A_500] : memref<128x32xf32, #tpu.memory_space<vmem>>[vector<16xi32>, vector<16xi32>], vector<16xf32>,
        %mul3A_503 = arith.mulf %gather3A_501, %gather3A_502 : vector<16xf32>
        %add3A_504 = arith.addf %add3A_494, %mul3A_503 : vector<16xf32>
        tpu.vector_store_idx %arg16[%add3A_183, %and3A_500], %mul3A_503 : memref<128x48xf32, #tpu.memory_space<vmem>>[vector<16xi32>, vector<16xi32>], vector<16xf32>,
        %broadcast_in_dim3A_505 = arith.constant 32 : i32
        %broadcast_in_dim3A_506 = vector.broadcast %broadcast_in_dim3A_505 : i32 to vector<16xi32>
        %mul3A_507 = arith.mulf %mul3A_177, %add3A_504 : vector<16xf32>
        tpu.vector_store_idx %arg16[%add3A_183, %broadcast_in_dim3A_506], %mul3A_507 : memref<128x48xf32, #tpu.memory_space<vmem>>[vector<16xi32>, vector<16xi32>], vector<16xf32>,
        %broadcast_in_dim3A_508 = arith.constant 33 : i32
        %broadcast_in_dim3A_509 = vector.broadcast %broadcast_in_dim3A_508 : i32 to vector<16xi32>
        %mul3A_510 = arith.mulf %mul3A_178, %add3A_504 : vector<16xf32>
        tpu.vector_store_idx %arg16[%add3A_183, %broadcast_in_dim3A_509], %mul3A_510 : memref<128x48xf32, #tpu.memory_space<vmem>>[vector<16xi32>, vector<16xi32>], vector<16xf32>,
        %broadcast_in_dim3A_511 = arith.constant 34 : i32
        %broadcast_in_dim3A_512 = vector.broadcast %broadcast_in_dim3A_511 : i32 to vector<16xi32>
        %mul3A_513 = arith.mulf %mul3A_179, %add3A_504 : vector<16xf32>
        tpu.vector_store_idx %arg16[%add3A_183, %broadcast_in_dim3A_512], %mul3A_513 : memref<128x48xf32, #tpu.memory_space<vmem>>[vector<16xi32>, vector<16xi32>], vector<16xf32>,
      }
      %scan3A_94 = arith.constant 8 : i32
      "tpu.region"() ({
        %run_scoped3A = tpu.sem_alloc : memref<!tpu.dma_semaphore, #tpu.memory_space<semaphore_mem>>
        %dma_start3A_95 = arith.constant 0 : i32
        %dma_start3A_96 = tpu.memref_slice %arg10[%add3A_72, %dma_start3A_95] : memref<40x128xi32, #tpu.memory_space<vmem>> -> memref<1x128xi32, #tpu.memory_space<vmem>>
        %dma_start3A_97 = tpu.memref_squeeze %dma_start3A_96 : memref<1x128xi32, #tpu.memory_space<vmem>> -> memref<128xi32, #tpu.memory_space<vmem>>
        %dma_start3A_98 = arith.constant 0 : i32
        %dma_start3A_99 = arith.constant 0 : i32
        %dma_start3A_100 = tpu.memref_slice %arg19[%dma_start3A_98, %dma_start3A_99] : memref<10240x48xf32, #tpu.memory_space<vmem_shared>> -> memref<10240x48xf32, #tpu.memory_space<vmem_shared>>
        tpu.enqueue_indirect_dma source(%arg16 : memref<128x48xf32, #tpu.memory_space<vmem>>) target(%dma_start3A_100 : memref<10240x48xf32, #tpu.memory_space<vmem_shared>>) offsets(%dma_start3A_97 : memref<128xi32, #tpu.memory_space<vmem>>) semaphore(%run_scoped3A : memref<!tpu.dma_semaphore, #tpu.memory_space<semaphore_mem>>) {add = true}
        %dma_wait3A_101 = arith.constant 0 : i32
        %dma_wait3A_102 = tpu.memref_slice %arg10[%add3A_72, %dma_wait3A_101] : memref<40x128xi32, #tpu.memory_space<vmem>> -> memref<1x128xi32, #tpu.memory_space<vmem>>
        %dma_wait3A_103 = tpu.memref_squeeze %dma_wait3A_102 : memref<1x128xi32, #tpu.memory_space<vmem>> -> memref<128xi32, #tpu.memory_space<vmem>>
        %dma_wait3A_104 = arith.constant 0 : i32
        %dma_wait3A_105 = arith.constant 0 : i32
        %dma_wait3A_106 = tpu.memref_slice %arg19[%dma_wait3A_104, %dma_wait3A_105] : memref<10240x48xf32, #tpu.memory_space<vmem_shared>> -> memref<10240x48xf32, #tpu.memory_space<vmem_shared>>
        tpu.wait_indirect_dma semaphore(%run_scoped3A : memref<!tpu.dma_semaphore, #tpu.memory_space<semaphore_mem>>) src(%arg16 : memref<128x48xf32, #tpu.memory_space<vmem>>) dst(%dma_wait3A_106 : memref<10240x48xf32, #tpu.memory_space<vmem_shared>>)
        tpu.yield
      }) : () -> ()
    }
    %scan3A_22 = arith.constant 20 : i32
    %barrier3A_23 = arith.constant 0 : index
    tpu.barrier barrier_id(%barrier3A_23)
    %mul3A_24 = arith.constant 640 : i32
    %mul3A_25 = arith.muli %arg1, %mul3A_24 : i32
    %mul3A_26 = arith.constant 640 : i32
    %mul3A_27 = arith.muli %arg1, %mul3A_26 : i32
    "tpu.region"() ({
      %run_scoped3A = tpu.sem_alloc : memref<!tpu.dma_semaphore, #tpu.memory_space<semaphore_mem>>
      %dma_start3A_28 = arith.constant 0 : i32
      %dma_start3A_29 = tpu.memref_slice %arg8[%arg0, %mul3A_27, %dma_start3A_28] : memref<2x10240x48xf32, #tpu.memory_space<hbm>> -> memref<1x640x48xf32, #tpu.memory_space<hbm>>
      %dma_start3A_30 = tpu.memref_squeeze %dma_start3A_29 : memref<1x640x48xf32, #tpu.memory_space<hbm>> -> memref<640x48xf32, #tpu.memory_space<hbm>>
      %dma_start3A_31 = arith.constant 0 : i32
      %dma_start3A_32 = tpu.memref_slice %arg19[%mul3A_25, %dma_start3A_31] : memref<10240x48xf32, #tpu.memory_space<vmem_shared>> -> memref<640x48xf32, #tpu.memory_space<vmem_shared>>
      tpu.enqueue_dma source(%dma_start3A_32 : memref<640x48xf32, #tpu.memory_space<vmem_shared>>) target(%dma_start3A_30 : memref<640x48xf32, #tpu.memory_space<hbm>>) target_semaphore(%run_scoped3A : memref<!tpu.dma_semaphore, #tpu.memory_space<semaphore_mem>>)
      %dma_wait3A = arith.constant 0 : i32
      %dma_wait3A_33 = tpu.memref_slice %arg8[%arg0, %mul3A_27, %dma_wait3A] : memref<2x10240x48xf32, #tpu.memory_space<hbm>> -> memref<1x640x48xf32, #tpu.memory_space<hbm>>
      %dma_wait3A_34 = tpu.memref_squeeze %dma_wait3A_33 : memref<1x640x48xf32, #tpu.memory_space<hbm>> -> memref<640x48xf32, #tpu.memory_space<hbm>>
      %dma_wait3A_35 = arith.constant 0 : i32
      %dma_wait3A_36 = tpu.memref_slice %arg19[%mul3A_25, %dma_wait3A_35] : memref<10240x48xf32, #tpu.memory_space<vmem_shared>> -> memref<640x48xf32, #tpu.memory_space<vmem_shared>>
      tpu.wait_dma2 semaphore(%run_scoped3A : memref<!tpu.dma_semaphore, #tpu.memory_space<semaphore_mem>>) src(%dma_wait3A_36 : memref<640x48xf32, #tpu.memory_space<vmem_shared>>) dst(%dma_wait3A_34 : memref<640x48xf32, #tpu.memory_space<hbm>>)
      tpu.yield
    }) : () -> ()
    return
  }
}

module attributes {stable_mosaic.version = 14 : i64} {
  func.func @_prep_krn(%arg0: i32, %arg1: memref<8192x1xf32, #tpu.memory_space<vmem>>, %arg2: memref<10000x10xf32, #tpu.memory_space<vmem>>, %arg3: memref<10x32xf32, #tpu.memory_space<vmem>>, %arg4: memref<1x32xf32, #tpu.memory_space<vmem>>, %arg5: memref<1x16xf32, #tpu.memory_space<vmem>>, %arg6: memref<1x16xf32, #tpu.memory_space<vmem>>, %arg7: memref<16x32xf32, #tpu.memory_space<vmem>>, %arg8: memref<1x32xf32, #tpu.memory_space<vmem>>, %arg9: memref<8192x32xf32, #tpu.memory_space<vmem>>, %arg10: memref<10240x32xf32, #tpu.memory_space<vmem>>) attributes {dimension_semantics = [#tpu.dimension_semantics<arbitrary>], iteration_bounds = array<i64: 20>, scalar_prefetch = 0 : i64, scratch_operands = 0 : i64, tpu.core_type = #tpu.core_type<tc>, window_params = [{transform_indices = @transform_0, window_bounds = array<i64: 8192, 1>}, {pipeline_mode = #tpu.pipeline_mode<synchronous>, transform_indices = @transform_1, window_bounds = array<i64: 10000, 10>}, {pipeline_mode = #tpu.pipeline_mode<synchronous>, transform_indices = @transform_2, window_bounds = array<i64: 10, 32>}, {pipeline_mode = #tpu.pipeline_mode<synchronous>, transform_indices = @transform_3, window_bounds = array<i64: 1, 32>}, {pipeline_mode = #tpu.pipeline_mode<synchronous>, transform_indices = @transform_4, window_bounds = array<i64: 1, 16>}, {pipeline_mode = #tpu.pipeline_mode<synchronous>, transform_indices = @transform_5, window_bounds = array<i64: 1, 16>}, {pipeline_mode = #tpu.pipeline_mode<synchronous>, transform_indices = @transform_6, window_bounds = array<i64: 16, 32>}, {pipeline_mode = #tpu.pipeline_mode<synchronous>, transform_indices = @transform_7, window_bounds = array<i64: 1, 32>}, {transform_indices = @transform_8, window_bounds = array<i64: 8192, 32>}, {pipeline_mode = #tpu.pipeline_mode<synchronous>, transform_indices = @transform_9, window_bounds = array<i64: 10240, 32>}]} {
    %get3A = arith.constant 0 : index
    %get3A_0 = arith.constant 0 : index
    %get3A_1 = vector.load %arg1[%get3A, %get3A_0] : memref<8192x1xf32, #tpu.memory_space<vmem>>, vector<8192x1xf32>
    %get3A_2 = arith.constant 0 : index
    %get3A_3 = arith.constant 0 : index
    %get3A_4 = vector.load %arg5[%get3A_2, %get3A_3] : memref<1x16xf32, #tpu.memory_space<vmem>>, vector<1x16xf32>
    %mul3A = vector.broadcast %get3A_1 : vector<8192x1xf32> to vector<8192x16xf32>
    %mul3A_5 = vector.broadcast %get3A_4 : vector<1x16xf32> to vector<8192x16xf32>
    %mul3A_6 = arith.mulf %mul3A, %mul3A_5 : vector<8192x16xf32>
    %get3A_7 = arith.constant 0 : index
    %get3A_8 = arith.constant 0 : index
    %get3A_9 = vector.load %arg6[%get3A_7, %get3A_8] : memref<1x16xf32, #tpu.memory_space<vmem>>, vector<1x16xf32>
    %add3A = vector.broadcast %get3A_9 : vector<1x16xf32> to vector<8192x16xf32>
    %add3A_10 = arith.addf %mul3A_6, %add3A : vector<8192x16xf32>
    %logistic3A = arith.negf %add3A_10 : vector<8192x16xf32>
    %logistic3A_11 = math.exp %logistic3A : vector<8192x16xf32>
    %logistic3A_12 = arith.constant 1.000000e+00 : f32
    %logistic3A_13 = vector.broadcast %logistic3A_12 : f32 to vector<8192x16xf32>
    %logistic3A_14 = arith.addf %logistic3A_13, %logistic3A_11 : vector<8192x16xf32>
    %logistic3A_15 = arith.divf %logistic3A_13, %logistic3A_14 : vector<8192x16xf32>
    %mul3A_16 = arith.mulf %add3A_10, %logistic3A_15 : vector<8192x16xf32>
    %get3A_17 = arith.constant 0 : index
    %get3A_18 = arith.constant 0 : index
    %get3A_19 = vector.load %arg7[%get3A_17, %get3A_18] : memref<16x32xf32, #tpu.memory_space<vmem>>, vector<16x32xf32>
    %dot_general3A = arith.constant dense<0.000000e+00> : vector<8192x32xf32>
    %dot_general3A_20 = tpu.matmul %mul3A_16, %get3A_19, %dot_general3A {dimension_numbers = #tpu.dot_dimension_numbers<[1], [0], [0], [1], [0, 0, 1, 1], [], []>, transpose_lhs_hint = false} : vector<8192x16xf32>, vector<16x32xf32>, vector<8192x32xf32> -> vector<8192x32xf32>
    %get3A_21 = arith.constant 0 : index
    %get3A_22 = arith.constant 0 : index
    %get3A_23 = vector.load %arg8[%get3A_21, %get3A_22] : memref<1x32xf32, #tpu.memory_space<vmem>>, vector<1x32xf32>
    %add3A_24 = vector.broadcast %get3A_23 : vector<1x32xf32> to vector<8192x32xf32>
    %add3A_25 = arith.addf %dot_general3A_20, %add3A_24 : vector<8192x32xf32>
    %swap3A = arith.constant 0 : index
    %swap3A_26 = arith.constant 0 : index
    %swap3A_27 = vector.load %arg9[%swap3A, %swap3A_26] : memref<8192x32xf32, #tpu.memory_space<vmem>>, vector<8192x32xf32>
    tpu.vector_store %arg9[%swap3A, %swap3A_26], %add3A_25 {strides = array<i32>} : memref<8192x32xf32, #tpu.memory_space<vmem>>, vector<8192x32xf32>,
    %eq3A = arith.constant 0 : i32
    %eq3A_28 = arith.cmpi eq, %arg0, %eq3A : i32
    %convert_element_type3A = arith.extui %eq3A_28 : i1 to i32
    %cond3A = arith.constant 0 : i32
    %cond3A_29 = arith.cmpi ne, %convert_element_type3A, %cond3A : i32
    scf.if %cond3A_29 {
      %get3A_30 = arith.constant 0 : index
      %get3A_31 = arith.constant 0 : index
      %get3A_32 = vector.load %arg2[%get3A_30, %get3A_31] : memref<10000x10xf32, #tpu.memory_space<vmem>>, vector<10000x10xf32>
      %get3A_33 = arith.constant 0 : index
      %get3A_34 = arith.constant 0 : index
      %get3A_35 = vector.load %arg3[%get3A_33, %get3A_34] : memref<10x32xf32, #tpu.memory_space<vmem>>, vector<10x32xf32>
      %dot_general3A_36 = arith.constant dense<0.000000e+00> : vector<10000x32xf32>
      %dot_general3A_37 = tpu.matmul %get3A_32, %get3A_35, %dot_general3A_36 {dimension_numbers = #tpu.dot_dimension_numbers<[1], [0], [0], [1], [0, 0, 1, 1], [], []>, transpose_lhs_hint = false} : vector<10000x10xf32>, vector<10x32xf32>, vector<10000x32xf32> -> vector<10000x32xf32>
      %get3A_38 = arith.constant 0 : index
      %get3A_39 = arith.constant 0 : index
      %get3A_40 = vector.load %arg4[%get3A_38, %get3A_39] : memref<1x32xf32, #tpu.memory_space<vmem>>, vector<1x32xf32>
      %add3A_41 = vector.broadcast %get3A_40 : vector<1x32xf32> to vector<10000x32xf32>
      %add3A_42 = arith.addf %dot_general3A_37, %add3A_41 : vector<10000x32xf32>
      %swap3A_43 = arith.constant 0 : index
      %swap3A_44 = arith.constant 0 : index
      %swap3A_45 = vector.load %arg10[%swap3A_43, %swap3A_44] : memref<10240x32xf32, #tpu.memory_space<vmem>>, vector<10000x32xf32>
      tpu.vector_store %arg10[%swap3A_43, %swap3A_44], %add3A_42 {strides = array<i32>} : memref<10240x32xf32, #tpu.memory_space<vmem>>, vector<10000x32xf32>,
      %broadcast_in_dim3A = arith.constant 0.000000e+00 : f32
      %broadcast_in_dim3A_46 = vector.broadcast %broadcast_in_dim3A : f32 to vector<240x32xf32>
      %swap3A_47 = arith.constant 10000 : index
      %swap3A_48 = arith.constant 0 : index
      %swap3A_49 = vector.load %arg10[%swap3A_47, %swap3A_48] : memref<10240x32xf32, #tpu.memory_space<vmem>>, vector<240x32xf32>
      tpu.vector_store %arg10[%swap3A_47, %swap3A_48], %broadcast_in_dim3A_46 {strides = array<i32>} : memref<10240x32xf32, #tpu.memory_space<vmem>>, vector<240x32xf32>,
    } else {
    }
    return
  }
  func.func @transform_0(%arg0: i32) -> (i32, i32) {
    %c0_i32 = arith.constant 0 : i32
    %c0_i32_0 = arith.constant 0 : i32
    return %arg0, %c0_i32 : i32, i32
  }
  func.func @transform_1(%arg0: i32) -> (i32, i32) {
    %c0_i32 = arith.constant 0 : i32
    %c0_i32_0 = arith.constant 0 : i32
    %c0_i32_1 = arith.constant 0 : i32
    return %c0_i32, %c0_i32_0 : i32, i32
  }
  func.func @transform_2(%arg0: i32) -> (i32, i32) {
    %c0_i32 = arith.constant 0 : i32
    %c0_i32_0 = arith.constant 0 : i32
    %c0_i32_1 = arith.constant 0 : i32
    return %c0_i32, %c0_i32_0 : i32, i32
  }
  func.func @transform_3(%arg0: i32) -> (i32, i32) {
    %c0_i32 = arith.constant 0 : i32
    %c0_i32_0 = arith.constant 0 : i32
    %c0_i32_1 = arith.constant 0 : i32
    return %c0_i32, %c0_i32_0 : i32, i32
  }
  func.func @transform_4(%arg0: i32) -> (i32, i32) {
    %c0_i32 = arith.constant 0 : i32
    %c0_i32_0 = arith.constant 0 : i32
    %c0_i32_1 = arith.constant 0 : i32
    return %c0_i32, %c0_i32_0 : i32, i32
  }
  func.func @transform_5(%arg0: i32) -> (i32, i32) {
    %c0_i32 = arith.constant 0 : i32
    %c0_i32_0 = arith.constant 0 : i32
    %c0_i32_1 = arith.constant 0 : i32
    return %c0_i32, %c0_i32_0 : i32, i32
  }
  func.func @transform_6(%arg0: i32) -> (i32, i32) {
    %c0_i32 = arith.constant 0 : i32
    %c0_i32_0 = arith.constant 0 : i32
    %c0_i32_1 = arith.constant 0 : i32
    return %c0_i32, %c0_i32_0 : i32, i32
  }
  func.func @transform_7(%arg0: i32) -> (i32, i32) {
    %c0_i32 = arith.constant 0 : i32
    %c0_i32_0 = arith.constant 0 : i32
    %c0_i32_1 = arith.constant 0 : i32
    return %c0_i32, %c0_i32_0 : i32, i32
  }
  func.func @transform_8(%arg0: i32) -> (i32, i32) {
    %c0_i32 = arith.constant 0 : i32
    %c0_i32_0 = arith.constant 0 : i32
    return %arg0, %c0_i32 : i32, i32
  }
  func.func @transform_9(%arg0: i32) -> (i32, i32) {
    %c0_i32 = arith.constant 0 : i32
    %c0_i32_0 = arith.constant 0 : i32
    %c0_i32_1 = arith.constant 0 : i32
    return %c0_i32, %c0_i32_0 : i32, i32
  }
}

module attributes {stable_mosaic.version = 14 : i64} {
  func.func @_dense0_krn(%arg0: memref<2x10240x48xf32, #tpu.memory_space<vmem>>, %arg1: memref<10240x3xf32, #tpu.memory_space<vmem>>, %arg2: memref<32x32xf32, #tpu.memory_space<vmem>>, %arg3: memref<32x16xf32, #tpu.memory_space<vmem>>, %arg4: memref<1x16xf32, #tpu.memory_space<vmem>>, %arg5: memref<16x3xf32, #tpu.memory_space<vmem>>, %arg6: memref<1x3xf32, #tpu.memory_space<vmem>>, %arg7: memref<10240x32xf32, #tpu.memory_space<vmem>>, %arg8: memref<10240x3xf32, #tpu.memory_space<vmem>>) attributes {dimension_semantics = [], scalar_prefetch = 0 : i64, scratch_operands = 0 : i64, tpu.core_type = #tpu.core_type<tc>} {
    %get3A = arith.constant 0 : index
    %get3A_0 = arith.constant 0 : index
    %get3A_1 = arith.constant 0 : index
    %get3A_2 = vector.load %arg0[%get3A, %get3A_0, %get3A_1] : memref<2x10240x48xf32, #tpu.memory_space<vmem>>, vector<1x10240x48xf32>
    %get3A_3 = vector.shape_cast %get3A_2 : vector<1x10240x48xf32> to vector<10240x48xf32>
    %get3A_4 = arith.constant 1 : index
    %get3A_5 = arith.constant 0 : index
    %get3A_6 = arith.constant 0 : index
    %get3A_7 = vector.load %arg0[%get3A_4, %get3A_5, %get3A_6] : memref<2x10240x48xf32, #tpu.memory_space<vmem>>, vector<1x10240x48xf32>
    %get3A_8 = vector.shape_cast %get3A_7 : vector<1x10240x48xf32> to vector<10240x48xf32>
    %add3A = arith.addf %get3A_3, %get3A_8 : vector<10240x48xf32>
    %mul3A = arith.constant 6.250000e-02 : f32
    %mul3A_9 = vector.broadcast %mul3A : f32 to vector<10240x48xf32>
    %mul3A_10 = arith.mulf %add3A, %mul3A_9 : vector<10240x48xf32>
    %slice3A = vector.extract_strided_slice %mul3A_10 {offsets = [0, 0], sizes = [10000, 32], strides = [1, 1]} : vector<10240x48xf32> to vector<10000x32xf32>
    %get3A_11 = arith.constant 0 : index
    %get3A_12 = arith.constant 0 : index
    %get3A_13 = vector.load %arg2[%get3A_11, %get3A_12] : memref<32x32xf32, #tpu.memory_space<vmem>>, vector<32x32xf32>
    %dot_general3A = arith.constant dense<0.000000e+00> : vector<10000x32xf32>
    %dot_general3A_14 = tpu.matmul %slice3A, %get3A_13, %dot_general3A {dimension_numbers = #tpu.dot_dimension_numbers<[1], [0], [0], [1], [0, 0, 1, 1], [], []>, transpose_lhs_hint = false} : vector<10000x32xf32>, vector<32x32xf32>, vector<10000x32xf32> -> vector<10000x32xf32>
    %get3A_15 = arith.constant 0 : index
    %get3A_16 = arith.constant 0 : index
    %get3A_17 = vector.load %arg3[%get3A_15, %get3A_16] : memref<32x16xf32, #tpu.memory_space<vmem>>, vector<32x16xf32>
    %dot_general3A_18 = arith.constant dense<0.000000e+00> : vector<10000x16xf32>
    %dot_general3A_19 = tpu.matmul %dot_general3A_14, %get3A_17, %dot_general3A_18 {dimension_numbers = #tpu.dot_dimension_numbers<[1], [0], [0], [1], [0, 0, 1, 1], [], []>, transpose_lhs_hint = false} : vector<10000x32xf32>, vector<32x16xf32>, vector<10000x16xf32> -> vector<10000x16xf32>
    %get3A_20 = arith.constant 0 : index
    %get3A_21 = arith.constant 0 : index
    %get3A_22 = vector.load %arg4[%get3A_20, %get3A_21] : memref<1x16xf32, #tpu.memory_space<vmem>>, vector<1x16xf32>
    %add3A_23 = vector.broadcast %get3A_22 : vector<1x16xf32> to vector<10000x16xf32>
    %add3A_24 = arith.addf %dot_general3A_19, %add3A_23 : vector<10000x16xf32>
    %logistic3A = arith.negf %add3A_24 : vector<10000x16xf32>
    %logistic3A_25 = math.exp %logistic3A : vector<10000x16xf32>
    %logistic3A_26 = arith.constant 1.000000e+00 : f32
    %logistic3A_27 = vector.broadcast %logistic3A_26 : f32 to vector<10000x16xf32>
    %logistic3A_28 = arith.addf %logistic3A_27, %logistic3A_25 : vector<10000x16xf32>
    %logistic3A_29 = arith.divf %logistic3A_27, %logistic3A_28 : vector<10000x16xf32>
    %mul3A_30 = arith.mulf %add3A_24, %logistic3A_29 : vector<10000x16xf32>
    %get3A_31 = arith.constant 0 : index
    %get3A_32 = arith.constant 0 : index
    %get3A_33 = vector.load %arg5[%get3A_31, %get3A_32] : memref<16x3xf32, #tpu.memory_space<vmem>>, vector<16x3xf32>
    %dot_general3A_34 = arith.constant dense<0.000000e+00> : vector<10000x3xf32>
    %dot_general3A_35 = tpu.matmul %mul3A_30, %get3A_33, %dot_general3A_34 {dimension_numbers = #tpu.dot_dimension_numbers<[1], [0], [0], [1], [0, 0, 1, 1], [], []>, transpose_lhs_hint = false} : vector<10000x16xf32>, vector<16x3xf32>, vector<10000x3xf32> -> vector<10000x3xf32>
    %get3A_36 = arith.constant 0 : index
    %get3A_37 = arith.constant 0 : index
    %get3A_38 = vector.load %arg6[%get3A_36, %get3A_37] : memref<1x3xf32, #tpu.memory_space<vmem>>, vector<1x3xf32>
    %add3A_39 = vector.broadcast %get3A_38 : vector<1x3xf32> to vector<10000x3xf32>
    %add3A_40 = arith.addf %dot_general3A_35, %add3A_39 : vector<10000x3xf32>
    %slice3A_41 = vector.extract_strided_slice %mul3A_10 {offsets = [0, 32], sizes = [10000, 3], strides = [1, 1]} : vector<10240x48xf32> to vector<10000x3xf32>
    %add3A_42 = arith.addf %add3A_40, %slice3A_41 : vector<10000x3xf32>
    %swap3A = arith.constant 0 : index
    %swap3A_43 = arith.constant 0 : index
    %swap3A_44 = vector.load %arg7[%swap3A, %swap3A_43] : memref<10240x32xf32, #tpu.memory_space<vmem>>, vector<10000x32xf32>
    tpu.vector_store %arg7[%swap3A, %swap3A_43], %dot_general3A_14 {strides = array<i32>} : memref<10240x32xf32, #tpu.memory_space<vmem>>, vector<10000x32xf32>,
    %broadcast_in_dim3A = arith.constant 0.000000e+00 : f32
    %broadcast_in_dim3A_45 = vector.broadcast %broadcast_in_dim3A : f32 to vector<240x32xf32>
    %swap3A_46 = arith.constant 10000 : index
    %swap3A_47 = arith.constant 0 : index
    %swap3A_48 = vector.load %arg7[%swap3A_46, %swap3A_47] : memref<10240x32xf32, #tpu.memory_space<vmem>>, vector<240x32xf32>
    tpu.vector_store %arg7[%swap3A_46, %swap3A_47], %broadcast_in_dim3A_45 {strides = array<i32>} : memref<10240x32xf32, #tpu.memory_space<vmem>>, vector<240x32xf32>,
    %get3A_49 = arith.constant 0 : index
    %get3A_50 = arith.constant 0 : index
    %get3A_51 = vector.load %arg1[%get3A_49, %get3A_50] : memref<10240x3xf32, #tpu.memory_space<vmem>>, vector<10000x3xf32>
    %add3A_52 = arith.addf %get3A_51, %add3A_42 : vector<10000x3xf32>
    %swap3A_53 = arith.constant 0 : index
    %swap3A_54 = arith.constant 0 : index
    %swap3A_55 = vector.load %arg8[%swap3A_53, %swap3A_54] : memref<10240x3xf32, #tpu.memory_space<vmem>>, vector<10000x3xf32>
    tpu.vector_store %arg8[%swap3A_53, %swap3A_54], %add3A_52 {strides = array<i32>} : memref<10240x3xf32, #tpu.memory_space<vmem>>, vector<10000x3xf32>,
    %broadcast_in_dim3A_56 = arith.constant 0.000000e+00 : f32
    %broadcast_in_dim3A_57 = vector.broadcast %broadcast_in_dim3A_56 : f32 to vector<240x3xf32>
    %swap3A_58 = arith.constant 10000 : index
    %swap3A_59 = arith.constant 0 : index
    %swap3A_60 = vector.load %arg8[%swap3A_58, %swap3A_59] : memref<10240x3xf32, #tpu.memory_space<vmem>>, vector<240x3xf32>
    tpu.vector_store %arg8[%swap3A_58, %swap3A_59], %broadcast_in_dim3A_57 {strides = array<i32>} : memref<10240x3xf32, #tpu.memory_space<vmem>>, vector<240x3xf32>,
    return
  }
}

module attributes {stable_mosaic.version = 14 : i64} {
  func.func @_radial_krn(%arg0: i32, %arg1: memref<8192x1xf32, #tpu.memory_space<vmem>>, %arg2: memref<1x16xf32, #tpu.memory_space<vmem>>, %arg3: memref<1x16xf32, #tpu.memory_space<vmem>>, %arg4: memref<16x32xf32, #tpu.memory_space<vmem>>, %arg5: memref<1x32xf32, #tpu.memory_space<vmem>>, %arg6: memref<8192x32xf32, #tpu.memory_space<vmem>>) attributes {dimension_semantics = [#tpu.dimension_semantics<arbitrary>], iteration_bounds = array<i64: 20>, scalar_prefetch = 0 : i64, scratch_operands = 0 : i64, tpu.core_type = #tpu.core_type<tc>, window_params = [{transform_indices = @transform_0, window_bounds = array<i64: 8192, 1>}, {pipeline_mode = #tpu.pipeline_mode<synchronous>, transform_indices = @transform_1, window_bounds = array<i64: 1, 16>}, {pipeline_mode = #tpu.pipeline_mode<synchronous>, transform_indices = @transform_2, window_bounds = array<i64: 1, 16>}, {pipeline_mode = #tpu.pipeline_mode<synchronous>, transform_indices = @transform_3, window_bounds = array<i64: 16, 32>}, {pipeline_mode = #tpu.pipeline_mode<synchronous>, transform_indices = @transform_4, window_bounds = array<i64: 1, 32>}, {transform_indices = @transform_5, window_bounds = array<i64: 8192, 32>}]} {
    %get3A = arith.constant 0 : index
    %get3A_0 = arith.constant 0 : index
    %get3A_1 = vector.load %arg1[%get3A, %get3A_0] : memref<8192x1xf32, #tpu.memory_space<vmem>>, vector<8192x1xf32>
    %get3A_2 = arith.constant 0 : index
    %get3A_3 = arith.constant 0 : index
    %get3A_4 = vector.load %arg2[%get3A_2, %get3A_3] : memref<1x16xf32, #tpu.memory_space<vmem>>, vector<1x16xf32>
    %mul3A = vector.broadcast %get3A_1 : vector<8192x1xf32> to vector<8192x16xf32>
    %mul3A_5 = vector.broadcast %get3A_4 : vector<1x16xf32> to vector<8192x16xf32>
    %mul3A_6 = arith.mulf %mul3A, %mul3A_5 : vector<8192x16xf32>
    %get3A_7 = arith.constant 0 : index
    %get3A_8 = arith.constant 0 : index
    %get3A_9 = vector.load %arg3[%get3A_7, %get3A_8] : memref<1x16xf32, #tpu.memory_space<vmem>>, vector<1x16xf32>
    %add3A = vector.broadcast %get3A_9 : vector<1x16xf32> to vector<8192x16xf32>
    %add3A_10 = arith.addf %mul3A_6, %add3A : vector<8192x16xf32>
    %logistic3A = arith.negf %add3A_10 : vector<8192x16xf32>
    %logistic3A_11 = math.exp %logistic3A : vector<8192x16xf32>
    %logistic3A_12 = arith.constant 1.000000e+00 : f32
    %logistic3A_13 = vector.broadcast %logistic3A_12 : f32 to vector<8192x16xf32>
    %logistic3A_14 = arith.addf %logistic3A_13, %logistic3A_11 : vector<8192x16xf32>
    %logistic3A_15 = arith.divf %logistic3A_13, %logistic3A_14 : vector<8192x16xf32>
    %mul3A_16 = arith.mulf %add3A_10, %logistic3A_15 : vector<8192x16xf32>
    %get3A_17 = arith.constant 0 : index
    %get3A_18 = arith.constant 0 : index
    %get3A_19 = vector.load %arg4[%get3A_17, %get3A_18] : memref<16x32xf32, #tpu.memory_space<vmem>>, vector<16x32xf32>
    %dot_general3A = arith.constant dense<0.000000e+00> : vector<8192x32xf32>
    %dot_general3A_20 = tpu.matmul %mul3A_16, %get3A_19, %dot_general3A {dimension_numbers = #tpu.dot_dimension_numbers<[1], [0], [0], [1], [0, 0, 1, 1], [], []>, transpose_lhs_hint = false} : vector<8192x16xf32>, vector<16x32xf32>, vector<8192x32xf32> -> vector<8192x32xf32>
    %get3A_21 = arith.constant 0 : index
    %get3A_22 = arith.constant 0 : index
    %get3A_23 = vector.load %arg5[%get3A_21, %get3A_22] : memref<1x32xf32, #tpu.memory_space<vmem>>, vector<1x32xf32>
    %add3A_24 = vector.broadcast %get3A_23 : vector<1x32xf32> to vector<8192x32xf32>
    %add3A_25 = arith.addf %dot_general3A_20, %add3A_24 : vector<8192x32xf32>
    %swap3A = arith.constant 0 : index
    %swap3A_26 = arith.constant 0 : index
    %swap3A_27 = vector.load %arg6[%swap3A, %swap3A_26] : memref<8192x32xf32, #tpu.memory_space<vmem>>, vector<8192x32xf32>
    tpu.vector_store %arg6[%swap3A, %swap3A_26], %add3A_25 {strides = array<i32>} : memref<8192x32xf32, #tpu.memory_space<vmem>>, vector<8192x32xf32>,
    return
  }
  func.func @transform_0(%arg0: i32) -> (i32, i32) {
    %c0_i32 = arith.constant 0 : i32
    %c0_i32_0 = arith.constant 0 : i32
    return %arg0, %c0_i32 : i32, i32
  }
  func.func @transform_1(%arg0: i32) -> (i32, i32) {
    %c0_i32 = arith.constant 0 : i32
    %c0_i32_0 = arith.constant 0 : i32
    %c0_i32_1 = arith.constant 0 : i32
    return %c0_i32, %c0_i32_0 : i32, i32
  }
  func.func @transform_2(%arg0: i32) -> (i32, i32) {
    %c0_i32 = arith.constant 0 : i32
    %c0_i32_0 = arith.constant 0 : i32
    %c0_i32_1 = arith.constant 0 : i32
    return %c0_i32, %c0_i32_0 : i32, i32
  }
  func.func @transform_3(%arg0: i32) -> (i32, i32) {
    %c0_i32 = arith.constant 0 : i32
    %c0_i32_0 = arith.constant 0 : i32
    %c0_i32_1 = arith.constant 0 : i32
    return %c0_i32, %c0_i32_0 : i32, i32
  }
  func.func @transform_4(%arg0: i32) -> (i32, i32) {
    %c0_i32 = arith.constant 0 : i32
    %c0_i32_0 = arith.constant 0 : i32
    %c0_i32_1 = arith.constant 0 : i32
    return %c0_i32, %c0_i32_0 : i32, i32
  }
  func.func @transform_5(%arg0: i32) -> (i32, i32) {
    %c0_i32 = arith.constant 0 : i32
    %c0_i32_0 = arith.constant 0 : i32
    return %arg0, %c0_i32 : i32, i32
  }
}

module attributes {stable_mosaic.version = 14 : i64} {
  func.func @_dense1_krn(%arg0: memref<2x10240x48xf32, #tpu.memory_space<vmem>>, %arg1: memref<10240x3xf32, #tpu.memory_space<vmem>>, %arg2: memref<10000x3xf32, #tpu.memory_space<vmem>>, %arg3: memref<32x32xf32, #tpu.memory_space<vmem>>, %arg4: memref<32x16xf32, #tpu.memory_space<vmem>>, %arg5: memref<1x16xf32, #tpu.memory_space<vmem>>, %arg6: memref<16x3xf32, #tpu.memory_space<vmem>>, %arg7: memref<1x3xf32, #tpu.memory_space<vmem>>, %arg8: memref<10000x3xf32, #tpu.memory_space<vmem>>) attributes {dimension_semantics = [], scalar_prefetch = 0 : i64, scratch_operands = 0 : i64, tpu.core_type = #tpu.core_type<tc>} {
    %get3A = arith.constant 0 : index
    %get3A_0 = arith.constant 0 : index
    %get3A_1 = arith.constant 0 : index
    %get3A_2 = vector.load %arg0[%get3A, %get3A_0, %get3A_1] : memref<2x10240x48xf32, #tpu.memory_space<vmem>>, vector<1x10240x48xf32>
    %get3A_3 = vector.shape_cast %get3A_2 : vector<1x10240x48xf32> to vector<10240x48xf32>
    %get3A_4 = arith.constant 1 : index
    %get3A_5 = arith.constant 0 : index
    %get3A_6 = arith.constant 0 : index
    %get3A_7 = vector.load %arg0[%get3A_4, %get3A_5, %get3A_6] : memref<2x10240x48xf32, #tpu.memory_space<vmem>>, vector<1x10240x48xf32>
    %get3A_8 = vector.shape_cast %get3A_7 : vector<1x10240x48xf32> to vector<10240x48xf32>
    %add3A = arith.addf %get3A_3, %get3A_8 : vector<10240x48xf32>
    %mul3A = arith.constant 6.250000e-02 : f32
    %mul3A_9 = vector.broadcast %mul3A : f32 to vector<10240x48xf32>
    %mul3A_10 = arith.mulf %add3A, %mul3A_9 : vector<10240x48xf32>
    %slice3A = vector.extract_strided_slice %mul3A_10 {offsets = [0, 0], sizes = [10000, 32], strides = [1, 1]} : vector<10240x48xf32> to vector<10000x32xf32>
    %get3A_11 = arith.constant 0 : index
    %get3A_12 = arith.constant 0 : index
    %get3A_13 = vector.load %arg3[%get3A_11, %get3A_12] : memref<32x32xf32, #tpu.memory_space<vmem>>, vector<32x32xf32>
    %dot_general3A = arith.constant dense<0.000000e+00> : vector<10000x32xf32>
    %dot_general3A_14 = tpu.matmul %slice3A, %get3A_13, %dot_general3A {dimension_numbers = #tpu.dot_dimension_numbers<[1], [0], [0], [1], [0, 0, 1, 1], [], []>, transpose_lhs_hint = false} : vector<10000x32xf32>, vector<32x32xf32>, vector<10000x32xf32> -> vector<10000x32xf32>
    %get3A_15 = arith.constant 0 : index
    %get3A_16 = arith.constant 0 : index
    %get3A_17 = vector.load %arg4[%get3A_15, %get3A_16] : memref<32x16xf32, #tpu.memory_space<vmem>>, vector<32x16xf32>
    %dot_general3A_18 = arith.constant dense<0.000000e+00> : vector<10000x16xf32>
    %dot_general3A_19 = tpu.matmul %dot_general3A_14, %get3A_17, %dot_general3A_18 {dimension_numbers = #tpu.dot_dimension_numbers<[1], [0], [0], [1], [0, 0, 1, 1], [], []>, transpose_lhs_hint = false} : vector<10000x32xf32>, vector<32x16xf32>, vector<10000x16xf32> -> vector<10000x16xf32>
    %get3A_20 = arith.constant 0 : index
    %get3A_21 = arith.constant 0 : index
    %get3A_22 = vector.load %arg5[%get3A_20, %get3A_21] : memref<1x16xf32, #tpu.memory_space<vmem>>, vector<1x16xf32>
    %add3A_23 = vector.broadcast %get3A_22 : vector<1x16xf32> to vector<10000x16xf32>
    %add3A_24 = arith.addf %dot_general3A_19, %add3A_23 : vector<10000x16xf32>
    %logistic3A = arith.negf %add3A_24 : vector<10000x16xf32>
    %logistic3A_25 = math.exp %logistic3A : vector<10000x16xf32>
    %logistic3A_26 = arith.constant 1.000000e+00 : f32
    %logistic3A_27 = vector.broadcast %logistic3A_26 : f32 to vector<10000x16xf32>
    %logistic3A_28 = arith.addf %logistic3A_27, %logistic3A_25 : vector<10000x16xf32>
    %logistic3A_29 = arith.divf %logistic3A_27, %logistic3A_28 : vector<10000x16xf32>
    %mul3A_30 = arith.mulf %add3A_24, %logistic3A_29 : vector<10000x16xf32>
    %get3A_31 = arith.constant 0 : index
    %get3A_32 = arith.constant 0 : index
    %get3A_33 = vector.load %arg6[%get3A_31, %get3A_32] : memref<16x3xf32, #tpu.memory_space<vmem>>, vector<16x3xf32>
    %dot_general3A_34 = arith.constant dense<0.000000e+00> : vector<10000x3xf32>
    %dot_general3A_35 = tpu.matmul %mul3A_30, %get3A_33, %dot_general3A_34 {dimension_numbers = #tpu.dot_dimension_numbers<[1], [0], [0], [1], [0, 0, 1, 1], [], []>, transpose_lhs_hint = false} : vector<10000x16xf32>, vector<16x3xf32>, vector<10000x3xf32> -> vector<10000x3xf32>
    %get3A_36 = arith.constant 0 : index
    %get3A_37 = arith.constant 0 : index
    %get3A_38 = vector.load %arg7[%get3A_36, %get3A_37] : memref<1x3xf32, #tpu.memory_space<vmem>>, vector<1x3xf32>
    %add3A_39 = vector.broadcast %get3A_38 : vector<1x3xf32> to vector<10000x3xf32>
    %add3A_40 = arith.addf %dot_general3A_35, %add3A_39 : vector<10000x3xf32>
    %get3A_41 = arith.constant 0 : index
    %get3A_42 = arith.constant 0 : index
    %get3A_43 = vector.load %arg1[%get3A_41, %get3A_42] : memref<10240x3xf32, #tpu.memory_space<vmem>>, vector<10000x3xf32>
    %add3A_44 = arith.addf %get3A_43, %add3A_40 : vector<10000x3xf32>
    %slice3A_45 = vector.extract_strided_slice %mul3A_10 {offsets = [0, 32], sizes = [10000, 3], strides = [1, 1]} : vector<10240x48xf32> to vector<10000x3xf32>
    %add3A_46 = arith.addf %add3A_44, %slice3A_45 : vector<10000x3xf32>
    %reduce_sum3A = arith.constant dense<0.000000e+00> : vector<3xf32>
    %reduce_sum3A_47 = vector.multi_reduction <add>, %add3A_46, %reduce_sum3A [0] : vector<10000x3xf32> to vector<3xf32>
    %broadcast_in_dim3A = vector.shape_cast %reduce_sum3A_47 : vector<3xf32> to vector<1x3xf32>
    %div3A = arith.constant 1.000000e+04 : f32
    %div3A_48 = vector.broadcast %div3A : f32 to vector<1x3xf32>
    %div3A_49 = arith.divf %broadcast_in_dim3A, %div3A_48 : vector<1x3xf32>
    %sub3A = vector.broadcast %div3A_49 : vector<1x3xf32> to vector<10000x3xf32>
    %sub3A_50 = arith.subf %add3A_46, %sub3A : vector<10000x3xf32>
    %get3A_51 = arith.constant 0 : index
    %get3A_52 = arith.constant 0 : index
    %get3A_53 = vector.load %arg2[%get3A_51, %get3A_52] : memref<10000x3xf32, #tpu.memory_space<vmem>>, vector<10000x3xf32>
    %sub3A_54 = arith.subf %sub3A_50, %get3A_53 : vector<10000x3xf32>
    %swap3A = arith.constant 0 : index
    %swap3A_55 = arith.constant 0 : index
    %swap3A_56 = vector.load %arg8[%swap3A, %swap3A_55] : memref<10000x3xf32, #tpu.memory_space<vmem>>, vector<10000x3xf32>
    tpu.vector_store %arg8[%swap3A, %swap3A_55], %sub3A_54 {strides = array<i32>} : memref<10000x3xf32, #tpu.memory_space<vmem>>, vector<10000x3xf32>,
    return
  }
}

</mosaic_0001>

<sc_bundles>
// kernel: kernel.10.cloned.1.call-start
scs
__scs_entry_jumppad:
0x0: {  	(pc) =	sbr.rel $0x88, $3  }
0x1: {  	(tag) =	ssettag $0x0;
	lr =	simm.s32 $0x1  }
0x2: {  	[smem:$0x3F89] =	sst lr;
	_ =	strace $0xD0000000  }
0x3: {  	_ = 	snop  }
0x4: {  	_ = 	snop  }
0x5: {  	_ = 	snop  }
0x6: {  	_ = 	snop  }
0x7: {  	_ = 	snop  }
__scs_overlays_trampoline_lowered:
0x8: {  	[smem:$0x3F98] =	sst s0  }
0x9: {  	[smem:$0x3F99] =	sst s1  }
0xa: {  	[smem:$0x3F9A] =	sst s2  }
0xb: {  	[smem:$0x3F9B] =	sst s3  }
0xc: {  	[smem:$0x3F9C] =	sst s4  }
0xd: {  	[smem:$0x3F9D] =	sst s5  }
0xe: {  	[smem:$0x3F9E] =	sst s6  }
0xf: {  	[smem:$0x3F9F] =	sst s7  }
0x10: {  	[smem:$0x3FA0] =	sst s8  }
0x11: {  	[smem:$0x3FA1] =	sst s9;
	s0 =	simm.s32 @!p0 $0x0  }
0x12: {  	s1 =	sld [smem:$0x3F87];
	s0 =	simm.s32 @p0 $0x1  }
0x13: {  	[smem:$0x3FA2] =	sst s0;
	s0 =	simm.s32 @!p1 $0x0  }
0x14: {  	s2 =	sld [smem:$0x3F86];
	s0 =	simm.s32 @p1 $0x1  }
0x15: {  	[smem:$0x3FA3] =	sst s0;
	s0 =	simm.s32 @!p2 $0x0  }
0x16: {  	s3 =	sld [smem:$0x3FDB];
	s0 =	simm.s32 @p2 $0x1  }
0x17: {  	s4 =	simm.s32 $0x1BF5;
	[smem:$0x3FA5] =	sst s0  }
0x18: {  	s0 =	sld [smem:$0x3F88];
	_ =	swait.ge [sflag:s4], $0x0  }
0x19: {  	s7 =	sld [smem:$0x3F89]  }
0x1a: {  	s8 =	sadd.s32 $0xFFFFE003, lr  }
0x1b: {  	s9 =	sadd.s32 $0xFFFFFEF7, lr;
	s5 =	simm.s32 $0xFFFFFFFF;
	p2 =	slt.u32 s8, $0xFFFFF086  }
0x1c: {  	p1 =	slt.u32 s9, $0xF7A;
	s5 =	simm.s32 @!p2 $0x0  }
0x1d: {  	s5 =	simm.s32 @p1 $0x1;
	p0 =	seq.s32 s7, s2  }
0x1e: {  	s7 =	smul.u32 @!p0 $0xF7A, s2;
	p2 =	seq.s32 @!p0 s5, $0x0  }
0x1f: {  	s9 =	smul.u32 $0xF7A, s1;
	s8 =	simm.s32 @!p0 $0x1BF5;
	p2 =	por !p2, p0  }
0x20: {  	[sflag:s8] =	ssyncset.s32 @!p0 $0xFFFFF086;
	s6 =	sadd.s32 @!p0 s3, s7;
	s7 =	simm.s32 @!p0 $0x108  }
0x21: {  	s3 =	sadd.s32 s3, s9;
	s6 =	sadd.s32 @!p0 $0x88, s6;
	s7 =	simm.s32 @p2 $0x1082  }
0x22: {  	[simem:s7], [sflag:s8] =	dma.local @!p0 [hbm:s6], $0xF7A  }
0x23: {  	s9 =	sor.u32 $0xD0000000, s2;
	s6 =	simm.s32 $0x108;
	_ =	swait.ge @!p0 [sflag:s8], $0x0  }
0x24: {  	s3 =	sadd.s32 $0x88, s3;
	s6 =	simm.s32 @!p1 $0x1082;
	[sflag:s4] =	ssyncset.s32 $0xFFFFF086  }
0x25: {  	[simem:s6], [sflag:s4] =	dma.local [hbm:s3], $0xF7A  }
0x26: {  	[smem:$0x3F89] =	sst s1;
	(tag) =	ssettag s2;
	_ =	strace s9  }
0x27: {  	s1 =	sld [smem:$0x3F99]  }
0x28: {  	s2 =	sld [smem:$0x3F9A]  }
0x29: {  	s4 =	sld [smem:$0x3F9C]  }
0x2a: {  	p0 =	seq.s32 s5, $0x0;
	s5 =	sld [smem:$0x3F9D]  }
0x2b: {  	s6 =	sld [smem:$0x3F9E]  }
0x2c: {  	s7 =	sld [smem:$0x3F9F]  }
0x2d: {  	s3 =	simm.s32 $0x108;
	s8 =	sld [smem:$0x3FA0]  }
0x2e: {  	s3 =	simm.s32 @!p0 $0x1082;
	s9 =	sld [smem:$0x3FA1]  }
0x2f: {  	lr =	sadd.s32 s0, s3;
	s0 =	sld [smem:$0x3F98]  }
0x30: {  	s3 =	sld [smem:$0x3F9B]  }
0x31: {  	[smem:$0x3FA4] =	sst s10  }
0x32: {  	s10 =	sld [smem:$0x3FA2];
	_ =	sdelay $0x3  }
0x33: {  	p0 =	seq.s32 s10, $0x1;
	s10 =	sld [smem:$0x3FA4];
	_ =	sdelay $0x3  }
0x34: {  	[smem:$0x3FA4] =	sst s10  }
0x35: {  	s10 =	sld [smem:$0x3FA3];
	_ =	sdelay $0x3  }
0x36: {  	p1 =	seq.s32 s10, $0x1;
	s10 =	sld [smem:$0x3FA4];
	_ =	sdelay $0x3  }
0x37: {  	[smem:$0x3FA4] =	sst s10  }
0x38: {  	s10 =	sld [smem:$0x3FA5]  }
0x39: {  	_ = 	snop;
	(pc) =	sbr.ind lr, $3  }
0x3a: {  	_ = 	snop  }
0x3b: {  	_ = 	snop  }
0x3c: {  	p2 =	seq.s32 s10, $0x1;
	s10 =	sld [smem:$0x3FA4]  }
0x3d: {  	_ =	shalt  }
0x3e: {  	_ =	shalt  }
0x3f: {  	_ =	shalt  }
0x40: {  	_ =	shalt  }
0x41: {  	_ =	shalt  }
0x42: {  	_ =	shalt  }
0x43: {  	_ =	shalt  }
0x44: {  	_ =	shalt  }
0x45: {  	_ =	shalt  }
0x46: {  	_ =	shalt  }
0x47: {  	_ =	shalt  }
0x48: {  	_ =	shalt  }
0x49: {  	_ =	shalt  }
0x4a: {  	_ =	shalt  }
0x4b: {  	_ =	shalt  }
0x4c: {  	_ =	shalt  }
0x4d: {  	_ =	shalt  }
0x4e: {  	_ =	shalt  }
0x4f: {  	_ =	shalt  }
0x50: {  	_ =	shalt  }
0x51: {  	_ =	shalt  }
0x52: {  	_ =	shalt  }
0x53: {  	_ =	shalt  }
0x54: {  	_ =	shalt  }
0x55: {  	_ =	shalt  }
0x56: {  	_ =	shalt  }
0x57: {  	_ =	shalt  }
0x58: {  	_ =	shalt  }
0x59: {  	_ =	shalt  }
0x5a: {  	_ =	shalt  }
0x5b: {  	_ =	shalt  }
0x5c: {  	_ =	shalt  }
0x5d: {  	_ =	shalt  }
0x5e: {  	_ =	shalt  }
0x5f: {  	_ =	shalt  }
0x60: {  	_ =	shalt  }
0x61: {  	_ =	shalt  }
0x62: {  	_ =	shalt  }
0x63: {  	_ =	shalt  }
0x64: {  	_ =	shalt  }
0x65: {  	_ =	shalt  }
0x66: {  	_ =	shalt  }
0x67: {  	_ =	shalt  }
0x68: {  	_ =	shalt  }
0x69: {  	_ =	shalt  }
0x6a: {  	_ =	shalt  }
0x6b: {  	_ =	shalt  }
0x6c: {  	_ =	shalt  }
0x6d: {  	_ =	shalt  }
0x6e: {  	_ =	shalt  }
0x6f: {  	_ =	shalt  }
0x70: {  	_ =	shalt  }
0x71: {  	_ =	shalt  }
0x72: {  	_ =	shalt  }
0x73: {  	_ =	shalt  }
0x74: {  	_ =	shalt  }
0x75: {  	_ =	shalt  }
0x76: {  	_ =	shalt  }
0x77: {  	_ =	shalt  }
0x78: {  	_ =	shalt  }
0x79: {  	_ =	shalt  }
0x7a: {  	_ =	shalt  }
0x7b: {  	_ =	shalt  }
0x7c: {  	_ =	shalt  }
0x7d: {  	_ =	shalt  }
0x7e: {  	_ =	shalt  }
0x7f: {  	_ =	shalt  }
0x80: {  	_ =	shalt  }
0x81: {  	_ =	shalt  }
0x82: {  	_ =	shalt  }
0x83: {  	_ =	shalt  }
0x84: {  	_ =	shalt  }
0x85: {  	_ =	shalt  }
0x86: {  	_ =	shalt  }
0x87: {  	_ =	shalt  }
.Lfunc_end0:
.L_simem_size_0:
called_computation_lowered:
.L_overlay_start_0:
0x88: {  	s2 =	sld [smem:$0x3FD9]  }
0x89: {  	s3 =	sld [smem:$0x3FFE];
	_ =	sdelay $0x1  }
0x8a: {  	s1 =	srdreg.scid  }
0x8b: {  	s0 =	sand.u32 $0x1, s1  }
0x8c: {  	s17 =	sshll.u32 s0, $0xA;
	s2 =	sadd.s32 s3, s2  }
0x8d: {  	s2 =	sadd.s32 s2, s17  }
0x8e: {  	[smem:$0x3FB0] =	sst s2  }
0x8f: {  	_ = 	snop  }
0x90: {  	s2 =	sld [smem:$0x3FD0];
	(tm) =	ssettm $0x1  }
0x91: {  	s18 =	sld [smem:$0x3FFB];
	_ =	sdelay $0x3  }
0x92: {  	_ =	strace s18  }
0x93: {  	s3 =	sld [smem:$0x3FFC];
	_ =	sdelay $0x3  }
0x94: {  	_ =	strace s3  }
0x95: {  	s3 =	sld [smem:$0x3FFD];
	_ =	sdelay $0x3  }
0x96: {  	_ =	strace s3  }
0x97: {  	_ =	strace $0x8FFFFFFF  }
0x98: {  	s19 =	sld [smem:$0x3FDB];
	_ =	sdelay $0x1  }
0x99: {  	s4 =	simm.s32 $_scs_section_size  }
0x9a: {  	s5 =	simm.s32 $_size__tile_overlayer_lowered;
	s6 =	simm.s32 $_tile_overlayer_lowered  }
0x9b: {  	s22 =	simm.s32 $0x1BFF;
	s21 =	sshll.u32 s6, $0x1;
	s3 =	sadd.s32 s4, s19  }
0x9c: {  	s7 =	simm.s32 $0x0;
	s20 =	sshll.u32 s5, $0x1;
	s5 =	sadd.s32 s21, s3  }
0x9d: {  	[timem:s7], [sflag:s22] =	dma.local [hbm:s5], s20  }
0x9e: {  	_ =	swait.ge [sflag:s22], s20  }
0x9f: {  	s4 =	ssub.s32 $0x0, s20;
	[sflag:s22] =	ssyncset.done $0x0  }
0xa0: {  	[sflag:s22] =	ssyncadd.s32 s4;
	_ =	sdelay $0x1  }
0xa1: {  	s23 =	simm.s32 $0x1B8B  }
0xa2: {  	_ =	swait.ge [sflag:s23], $0x1  }
0xa3: {  	[sflag:s23] =	ssyncset.done $0x0  }
0xa4: {  	s25 =	simm.s32 $0x1B8E;
	s24 =	sld [smem:$0x3FFE];
	[sflag:s23] =	ssyncadd.s32 $0xFFFFFFFF  }
0xa5: {  	s26 =	simm.s32 $execute0_lowered;
	[smem:$0x3FD2] =	sst s25  }
0xa6: {  	s5 =	sshll.u32 s26, $0x1;
	_ =	strace $0x80000046;
	[dreg:$0x1] =	wrdreg $0xFFFFFFFF  }
0xa7: {  	s28 =	simm.s32 $_size_execute0_lowered;
	s3 =	sadd.s32 s3, s5;
	[dreg:$0x0] =	wrdreg $0x0  }
0xa8: {  	s5 =	sshll.u32 s28, $0x1;
	[dreg:$0x2] =	wrdreg s3  }
0xa9: {  	[dreg:$0x3] =	wrdreg s5  }
0xaa: {  	[dreg:$0x4] =	wrdreg $0xC0  }
0xab: {  	_ =	task [dreg:s7], $0x5FFFF  }
0xac: {  	[dreg:$0x1] =	wrdreg $0xFFFFFFFF  }
0xad: {  	[dreg:$0x0] =	wrdreg $0x60  }
0xae: {  	[dreg:$0x2] =	wrdreg s24  }
0xaf: {  	[dreg:$0x3] =	wrdreg s2  }
0xb0: {  	[dreg:$0x4] =	wrdreg $0x9  }
0xb1: {  	_ =	task.clear_ibuf [dreg:s7], $0x5FFFF;
	_ =	strace $0x90000046  }
0xb2: {  	s29 =	simm.s32 $0x9;
	_ =	strace $0x80000048  }
0xb3: {  	_ =	swait.ge [sflag:s29], $0x1  }
0xb4: {  	[sflag:s29] =	ssyncadd.s32 $0xFFFFFFFF  }
0xb5: {  	_ =	strace $0x90000048  }
0xb6: {  	_ =	sfence  }
0xb7: {  	s30 =	sld [smem:$0x0];
	_ =	sdelay $0x2  }
0xb8: {  	s31 =	sshll.u32 s1, $0xD;
	s1 =	sshrl.u32 s1, $0x2  }
0xb9: {  	s3 =	sand.u32 $0x4000, s31;
	s1 =	sadd.s32 s1, s30  }
0xba: {  	s0 =	sor.u32 s3, s0;
	s1 =	sshll.u32 s1, $0x11  }
0xbb: {  	s0 =	sor.u32 s1, s0  }
0xbc: {  	s0 =	sadd.s32 $0x8F2B, s0  }
0xbd: {  	[sflag:s0] =	ssyncadd.remote.s32 $0x1  }
0xbe: {  	_ =	sfence.sel $0xFFFF  }
0xbf: {  	[dreg:$0x0] =	wrdreg $0xFFFFFFFF;
	(pc) =	sbr.abs _section_cstart, $3  }
0xc0: {  	[dreg:$0x1] =	wrdreg $0xFFFFFFFF  }
0xc1: {  	_ =	task.clear_ibuf [dreg:s7], $0x2FFFF;
	_ =	strace $0x9FFFFFFF  }
0xc2: {  	(tm) =	ssettm $0x7FFFFFFF  }
0xc3: {  	_ =	shalt  }
tec
execute0_lowered:
.L_overlay_start_1:
0x0: {  	(tag) =	ssettag $0x1  }
0x1: {  	s1 =	srdreg.scid  }
0x2: {  	s0 =	stileid.u32;
	s4 =	rddreg [dreg:$0x0]  }
0x3: {  	s2 =	rddreg [dreg:$0x1];
	s3 =	simm.s32 $0x0;
	s8 =	simm.s32 $0x1  }
0x4: {  	s9 =	simm.s32 $0x2800;
	s5 =	sand.u32 $0x1, s1;
	s30 =	sshll.u32 s0, $0x1  }
0x5: {  	s10 =	simm.s32 $0xA000;
	s6 =	sor.u32 s5, s30;
	s5 =	ssub.s32 $0x2, s5  }
0x6: {  	s1 =	rddreg [dreg:$0x2];
	s6 =	smul.u32 $0x280, s6;
	s31 =	sshrl.u32 s5, $0x1  }
0x7: {  	s11 =	simm.s32 $0x0;
	[smem:$0x7FF] =	sst s3;
	s7 =	ssub.s32 s5, s31  }
0x8: {  	_ =	strace $0x80000047;
	s6 =	sadd.s32 s6, s4;
	s7 =	smax.u32 s7, $0x1  }
0x9: {  	s4 =	sadd.s32 $0x30400, s6;
	s5 =	sadd.s32 $0x2B400, s6;
	s6 =	sadd.s32 $0x35400, s6  }
.LBB2_1:
0xa: {  	[tilespmem:s3], [sflag:$0x1] =	stream.linear.gather [hbm4b:s4+s3], $0x1400, $0x38;
	[tilespmem:$0xB400] =	vst v63  }
0xb: {  	_ =	swait.ge [sflag:s8], $0x1400  }
0xc: {  	[sflag:s8] =	ssyncset.done $0x0  }
0xd: {  	s12 =	simm.s32 $0x1400;
	[sflag:s8] =	ssyncadd.s32 $0xFFFFEC00  }
0xe: {  	[tilespmem:s12], [sflag:$0x1] =	stream.linear.gather [hbm4b:s5+s3], $0x1400, $0x38;
	[tilespmem:$0xB400] =	vst v63  }
0xf: {  	_ =	swait.ge [sflag:s8], $0x1400  }
0x10: {  	[sflag:s8] =	ssyncset.done $0x0  }
0x11: {  	[sflag:s8] =	ssyncadd.s32 $0xFFFFEC00  }
0x12: {  	[tilespmem:s9], [sflag:$0x1] =	stream.linear.gather [hbm4b:s2+s3], $0x7800, $0x38;
	[tilespmem:$0xB400] =	vst v63  }
0x13: {  	_ =	swait.ge [sflag:s8], $0x7800  }
0x14: {  	s13 =	simm.s32 $0xA000;
	[sflag:s8] =	ssyncset.done $0x0  }
0x15: {  	s14 =	simm.s32 $0x0;
	s15 =	simm.s32 $0x0;
	[sflag:s8] =	ssyncadd.s32 $0xFFFF8800  }
.LBB2_2:
0x16: {  	v1 =	vmov s14  }
0x17: {  	v2 =	vmov s12;
	_ =	sdelay $0x2  }
0x18: {  	s16 =	simm.s32 $0x0  }
0x19: {  	v0 =	vmov s13;
	s17 =	simm.s32 $0x40;
	v3 =	vld.idx.msk [tilespmem:v1+s16+$0x0 ss:$0x1], $0xffff  }
.LBB2_3:
0x1a: {  	p0 =	sne.s32 s17, $0x1C0;
	v4 =	vld.idx.msk [tilespmem:v2+s16+$0x0 ss:$0x1], $0xffff;
	_ =	sdelay $0x3  }
0x1b: {  	v3 =	vmul.u32 $0x3, v3;
	_ =	sdelay $0x1  }
0x1c: {  	v4 =	vmul.u32 $0x3, v4;
	v5 =	vadd.s32 $0x1, v3;
	_ =	sdelay $0x1  }
0x1d: {  	v6 =	vadd.s32 $0x1, v4  }
0x1e: {  	v7 =	vadd.s32 $0x2, v3  }
0x1f: {  	v8 =	vadd.s32 $0x2, v4;
	v3 =	vld.idx.msk [tilespmem:v3+s9+$0x0], $0xffff  }
0x20: {  	v5 =	vld.idx.msk [tilespmem:v5+s9+$0x0], $0xffff  }
0x21: {  	v4 =	vld.idx.msk [tilespmem:v4+s9+$0x0], $0xffff  }
0x22: {  	v6 =	vld.idx.msk [tilespmem:v6+s9+$0x0], $0xffff  }
0x23: {  	v7 =	vld.idx.msk [tilespmem:v7+s9+$0x0], $0xffff  }
0x24: {  	v8 =	vld.idx.msk [tilespmem:v8+s9+$0x0], $0xffff;
	_ =	sdelay $0x3  }
0x25: {  	v3 =	vsub.f32 v4, v3;
	v4 =	vsub.f32 v6, v5;
	_ =	sdelay $0x1  }
0x26: {  	v3 =	vmul.f32 v3, v3;
	v5 =	vsub.f32 v8, v7;
	v4 =	vmul.f32 v4, v4;
	_ =	sdelay $0x1  }
0x27: {  	v3 =	vadd.f32 v4, v3;
	v4 =	vmul.f32 v5, v5;
	_ =	sdelay $0x1  }
0x28: {  	v3 =	vadd.f32 v4, v3;
	_ =	sdelay $0x1  }
0x29: {  	v3 =	vadd.f32 $9.999999960e-13, v3;
	_ =	sdelay $0x1  }
0x2a: {  	v4 =	vshrl.u32 v3, $0x1;
	v5 =	vmul.f32 $5.000000000e-01, v3  }
0x2b: {  	v4 =	vsub.s32 $0x5F3759DF, v4  }
0x2c: {  	v6 =	vmul.f32 v4, v5;
	_ =	sdelay $0x1  }
0x2d: {  	v6 =	vmul.f32 v4, v6;
	_ =	sdelay $0x1  }
0x2e: {  	v6 =	vsub.f32 $1.500000000e+00, v6;
	_ =	sdelay $0x1  }
0x2f: {  	v4 =	vmul.f32 v4, v6;
	_ =	sdelay $0x1  }
0x30: {  	v6 =	vmul.f32 v4, v5;
	_ =	sdelay $0x1  }
0x31: {  	v6 =	vmul.f32 v6, v4;
	_ =	sdelay $0x1  }
0x32: {  	v6 =	vsub.f32 $1.500000000e+00, v6;
	_ =	sdelay $0x1  }
0x33: {  	v4 =	vmul.f32 v6, v4;
	_ =	sdelay $0x1  }
0x34: {  	v5 =	vmul.f32 v4, v5;
	_ =	sdelay $0x1  }
0x35: {  	v5 =	vmul.f32 v5, v4;
	_ =	sdelay $0x1  }
0x36: {  	v5 =	vsub.f32 $1.500000000e+00, v5;
	_ =	sdelay $0x1  }
0x37: {  	v4 =	vmul.f32 v5, v4;
	_ =	sdelay $0x1  }
.Ltmp0:
0x38: {  	v3 =	vmul.f32 v4, v3;
	(pc) =	sbr.rel @p0 .LBB2_3-.Ltmp0, $4  }
0x39: {  	_ = 	snop  }
0x3a: {  	[tilespmem:v0+s16+$0x0 ss:$0x1] =	vst.idx.msk $0xffff, v3;
	s16 =	sshra.s32 s17, $0x2  }
0x3b: {  	v3 =	vld.idx.msk [tilespmem:v1+s16+$0x0 ss:$0x1], $0xffff  }
0x3c: {  	s17 =	sadd.s32 $0x40, s17  }
0x3d: {  	_ =	sdelay $0x3  }
0x3e: {  	v1 =	vld.idx.msk [tilespmem:v2+s16+$0x0 ss:$0x1], $0xffff;
	_ =	sdelay $0x2  }
0x3f: {  	v57 =	vmul.u32 $0x3, v3;
	_ =	sdelay $0x1  }
0x40: {  	v1 =	vmul.u32 $0x3, v1;
	v3 =	vadd.s32 $0x1, v57;
	_ =	sdelay $0x1  }
0x41: {  	v4 =	vadd.s32 $0x1, v1  }
0x42: {  	v5 =	vadd.s32 $0x2, v57  }
0x43: {  	v6 =	vadd.s32 $0x2, v1;
	v2 =	vld.idx.msk [tilespmem:v57+s9+$0x0], $0xffff  }
0x44: {  	v3 =	vld.idx.msk [tilespmem:v3+s9+$0x0], $0xffff  }
0x45: {  	v1 =	vld.idx.msk [tilespmem:v1+s9+$0x0], $0xffff  }
0x46: {  	v4 =	vld.idx.msk [tilespmem:v4+s9+$0x0], $0xffff  }
0x47: {  	v5 =	vld.idx.msk [tilespmem:v5+s9+$0x0], $0xffff  }
0x48: {  	v6 =	vld.idx.msk [tilespmem:v6+s9+$0x0], $0xffff;
	_ =	sdelay $0x2  }
0x49: {  	v1 =	vsub.f32 v1, v2;
	v58 =	vsub.f32 v4, v3;
	_ =	sdelay $0x1  }
0x4a: {  	v59 =	vsub.f32 v6, v5;
	v1 =	vmul.f32 v1, v1;
	v2 =	vmul.f32 v58, v58;
	_ =	sdelay $0x1  }
0x4b: {  	v60 =	vmul.f32 v59, v59;
	v1 =	vadd.f32 v2, v1;
	_ =	sdelay $0x1  }
0x4c: {  	v1 =	vadd.f32 v60, v1;
	_ =	sdelay $0x1  }
0x4d: {  	v1 =	vadd.f32 $9.999999960e-13, v1;
	_ =	sdelay $0x1  }
0x4e: {  	v61 =	vshrl.u32 v1, $0x1;
	v62 =	vmul.f32 $5.000000000e-01, v1  }
0x4f: {  	v2 =	vsub.s32 $0x5F3759DF, v61  }
0x50: {  	v63 =	vmul.f32 v2, v62;
	_ =	sdelay $0x1  }
0x51: {  	v4 =	vmul.f32 v2, v63;
	_ =	sdelay $0x1  }
0x52: {  	v4 =	vsub.f32 $1.500000000e+00, v4;
	_ =	sdelay $0x1  }
0x53: {  	v2 =	vmul.f32 v2, v4;
	_ =	sdelay $0x1  }
0x54: {  	v4 =	vmul.f32 v2, v62;
	_ =	sdelay $0x1  }
0x55: {  	v4 =	vmul.f32 v4, v2;
	_ =	sdelay $0x1  }
0x56: {  	v4 =	vsub.f32 $1.500000000e+00, v4;
	_ =	sdelay $0x1  }
0x57: {  	v2 =	vmul.f32 v4, v2;
	_ =	sdelay $0x1  }
0x58: {  	v3 =	vmul.f32 v2, v62;
	_ =	sdelay $0x1  }
0x59: {  	v3 =	vmul.f32 v3, v2;
	_ =	sdelay $0x1  }
0x5a: {  	s15 =	sadd.s32 $0x1, s15;
	v3 =	vsub.f32 $1.500000000e+00, v3  }
0x5b: {  	p0 =	sne.s32 s15, $0x28  }
.Ltmp1:
0x5c: {  	v2 =	vmul.f32 v3, v2;
	(pc) =	sbr.rel @p0 .LBB2_2-.Ltmp1, $3  }
0x5d: {  	_ = 	snop  }
0x5e: {  	v1 =	vmul.f32 v2, v1;
	_ =	sdelay $0x1  }
0x5f: {  	s12 =	sadd.s32 $0x80, s12;
	s14 =	sadd.s32 $0x80, s14;
	s13 =	sadd.s32 $0x80, s13;
	[tilespmem:v0+s16+$0x0 ss:$0x1] =	vst.idx.msk $0xffff, v1  }
0x60: {  	s11 =	sadd.s32 $0x1, s11  }
0x61: {  	p0 =	sne.s32 s11, s7  }
.Ltmp2:
0x62: {  	_ = 	snop;
	(pc) =	sbr.rel @p0 .LBB2_1-.Ltmp2, $4  }
0x63: {  	[hbm4b:s6+s3] =	stream.linear.scatter [tilespmem:s10], [sflag:$0x1], $0x1400, $0x38;
	[tilespmem:$0xB400] =	vst v63  }
0x64: {  	_ =	swait.ge [sflag:s8], $0x1400  }
0x65: {  	[sflag:s8] =	ssyncset.done $0x0  }
0x66: {  	[sflag:s8] =	ssyncadd.s32 $0xFFFFEC00  }
0x67: {  	_ =	sfence.sel $0x180000  }
0x68: {  	[bflag:$0x0] =	sbarrier.arrive $0xFFFF  }
0x69: {  	p0 =	sne.s32 s0, $0x0;
	_ =	strace $0x90000047  }
0x6a: {  	s0 =	sadd.s32 @!p0 $0x100000, s1;
	[bflag:$0x2] =	sbarrier.arrive $0xFFFF  }
0x6b: {  	[sflag:s0] =	ssyncadd.tile.s32 @!p0 $0x1;
	_ =	shalt  }
.Lfunc_end2:
_tile_overlayer_lowered:
.L_overlay_start_2:
0x6c: {  	(tag) =	ssettag $0x2  }
0x6d: {  	s0 =	rddreg [dreg:$0x0];
	s2 =	stileid.u32  }
0x6e: {  	s1 =	rddreg [dreg:$0x1];
	p0 =	sne.s32 s2, $0x0  }
0x6f: {  	s3 =	rddreg [dreg:$0x2];
	[bflag:$0x3] =	sbarrier.arrive $0xFFFF;
	s2 =	simm.s32 @!p0 $0x1C01  }
0x70: {  	[timem:s3], [sflag:s2] =	dma.local @!p0 [hbm:s0], s1  }
0x71: {  	s0 =	simm.s32 @!p0 $0x1  }
0x72: {  	_ =	swait.ge @!p0 [sflag:s0], s1  }
0x73: {  	s1 =	ssub.s32 @!p0 $0x0, s1;
	[sflag:s0] =	ssyncset.done @!p0 $0x0  }
0x74: {  	[sflag:s0] =	ssyncadd.s32 @!p0 s1  }
0x75: {  	[bflag:$0x3] =	sbarrier.arrive $0xFFFF  }
0x76: {  	_ =	shalt  }

// kernel: kernel.13.cloned.1.call-start
scs
__scs_entry_jumppad:
0x0: {  	(pc) =	sbr.rel $0x88, $3  }
0x1: {  	(tag) =	ssettag $0x0;
	lr =	simm.s32 $0x1  }
0x2: {  	[smem:$0x3F89] =	sst lr;
	_ =	strace $0xD0000000  }
0x3: {  	_ = 	snop  }
0x4: {  	_ = 	snop  }
0x5: {  	_ = 	snop  }
0x6: {  	_ = 	snop  }
0x7: {  	_ = 	snop  }
__scs_overlays_trampoline_lowered:
0x8: {  	[smem:$0x3F98] =	sst s0  }
0x9: {  	[smem:$0x3F99] =	sst s1  }
0xa: {  	[smem:$0x3F9A] =	sst s2  }
0xb: {  	[smem:$0x3F9B] =	sst s3  }
0xc: {  	[smem:$0x3F9C] =	sst s4  }
0xd: {  	[smem:$0x3F9D] =	sst s5  }
0xe: {  	[smem:$0x3F9E] =	sst s6  }
0xf: {  	[smem:$0x3F9F] =	sst s7  }
0x10: {  	[smem:$0x3FA0] =	sst s8  }
0x11: {  	[smem:$0x3FA1] =	sst s9;
	s0 =	simm.s32 @!p0 $0x0  }
0x12: {  	s1 =	sld [smem:$0x3F87];
	s0 =	simm.s32 @p0 $0x1  }
0x13: {  	[smem:$0x3FA2] =	sst s0;
	s0 =	simm.s32 @!p1 $0x0  }
0x14: {  	s2 =	sld [smem:$0x3F86];
	s0 =	simm.s32 @p1 $0x1  }
0x15: {  	[smem:$0x3FA3] =	sst s0;
	s0 =	simm.s32 @!p2 $0x0  }
0x16: {  	s3 =	sld [smem:$0x3FDB];
	s0 =	simm.s32 @p2 $0x1  }
0x17: {  	s4 =	simm.s32 $0x1BF5;
	[smem:$0x3FA5] =	sst s0  }
0x18: {  	s0 =	sld [smem:$0x3F88];
	_ =	swait.ge [sflag:s4], $0x0  }
0x19: {  	s7 =	sld [smem:$0x3F89]  }
0x1a: {  	s8 =	sadd.s32 $0xFFFFE003, lr  }
0x1b: {  	s9 =	sadd.s32 $0xFFFFFEF7, lr;
	s5 =	simm.s32 $0xFFFFFFFF;
	p2 =	slt.u32 s8, $0xFFFFF086  }
0x1c: {  	p1 =	slt.u32 s9, $0xF7A;
	s5 =	simm.s32 @!p2 $0x0  }
0x1d: {  	s5 =	simm.s32 @p1 $0x1;
	p0 =	seq.s32 s7, s2  }
0x1e: {  	s7 =	smul.u32 @!p0 $0xF7A, s2;
	p2 =	seq.s32 @!p0 s5, $0x0  }
0x1f: {  	s9 =	smul.u32 $0xF7A, s1;
	s8 =	simm.s32 @!p0 $0x1BF5;
	p2 =	por !p2, p0  }
0x20: {  	[sflag:s8] =	ssyncset.s32 @!p0 $0xFFFFF086;
	s6 =	sadd.s32 @!p0 s3, s7;
	s7 =	simm.s32 @!p0 $0x108  }
0x21: {  	s3 =	sadd.s32 s3, s9;
	s6 =	sadd.s32 @!p0 $0x88, s6;
	s7 =	simm.s32 @p2 $0x1082  }
0x22: {  	[simem:s7], [sflag:s8] =	dma.local @!p0 [hbm:s6], $0xF7A  }
0x23: {  	s9 =	sor.u32 $0xD0000000, s2;
	s6 =	simm.s32 $0x108;
	_ =	swait.ge @!p0 [sflag:s8], $0x0  }
0x24: {  	s3 =	sadd.s32 $0x88, s3;
	s6 =	simm.s32 @!p1 $0x1082;
	[sflag:s4] =	ssyncset.s32 $0xFFFFF086  }
0x25: {  	[simem:s6], [sflag:s4] =	dma.local [hbm:s3], $0xF7A  }
0x26: {  	[smem:$0x3F89] =	sst s1;
	(tag) =	ssettag s2;
	_ =	strace s9  }
0x27: {  	s1 =	sld [smem:$0x3F99]  }
0x28: {  	s2 =	sld [smem:$0x3F9A]  }
0x29: {  	s4 =	sld [smem:$0x3F9C]  }
0x2a: {  	p0 =	seq.s32 s5, $0x0;
	s5 =	sld [smem:$0x3F9D]  }
0x2b: {  	s6 =	sld [smem:$0x3F9E]  }
0x2c: {  	s7 =	sld [smem:$0x3F9F]  }
0x2d: {  	s3 =	simm.s32 $0x108;
	s8 =	sld [smem:$0x3FA0]  }
0x2e: {  	s3 =	simm.s32 @!p0 $0x1082;
	s9 =	sld [smem:$0x3FA1]  }
0x2f: {  	lr =	sadd.s32 s0, s3;
	s0 =	sld [smem:$0x3F98]  }
0x30: {  	s3 =	sld [smem:$0x3F9B]  }
0x31: {  	[smem:$0x3FA4] =	sst s10  }
0x32: {  	s10 =	sld [smem:$0x3FA2];
	_ =	sdelay $0x3  }
0x33: {  	p0 =	seq.s32 s10, $0x1;
	s10 =	sld [smem:$0x3FA4];
	_ =	sdelay $0x3  }
0x34: {  	[smem:$0x3FA4] =	sst s10  }
0x35: {  	s10 =	sld [smem:$0x3FA3];
	_ =	sdelay $0x3  }
0x36: {  	p1 =	seq.s32 s10, $0x1;
	s10 =	sld [smem:$0x3FA4];
	_ =	sdelay $0x3  }
0x37: {  	[smem:$0x3FA4] =	sst s10  }
0x38: {  	s10 =	sld [smem:$0x3FA5]  }
0x39: {  	_ = 	snop;
	(pc) =	sbr.ind lr, $3  }
0x3a: {  	_ = 	snop  }
0x3b: {  	_ = 	snop  }
0x3c: {  	p2 =	seq.s32 s10, $0x1;
	s10 =	sld [smem:$0x3FA4]  }
0x3d: {  	_ =	shalt  }
0x3e: {  	_ =	shalt  }
0x3f: {  	_ =	shalt  }
0x40: {  	_ =	shalt  }
0x41: {  	_ =	shalt  }
0x42: {  	_ =	shalt  }
0x43: {  	_ =	shalt  }
0x44: {  	_ =	shalt  }
0x45: {  	_ =	shalt  }
0x46: {  	_ =	shalt  }
0x47: {  	_ =	shalt  }
0x48: {  	_ =	shalt  }
0x49: {  	_ =	shalt  }
0x4a: {  	_ =	shalt  }
0x4b: {  	_ =	shalt  }
0x4c: {  	_ =	shalt  }
0x4d: {  	_ =	shalt  }
0x4e: {  	_ =	shalt  }
0x4f: {  	_ =	shalt  }
0x50: {  	_ =	shalt  }
0x51: {  	_ =	shalt  }
0x52: {  	_ =	shalt  }
0x53: {  	_ =	shalt  }
0x54: {  	_ =	shalt  }
0x55: {  	_ =	shalt  }
0x56: {  	_ =	shalt  }
0x57: {  	_ =	shalt  }
0x58: {  	_ =	shalt  }
0x59: {  	_ =	shalt  }
0x5a: {  	_ =	shalt  }
0x5b: {  	_ =	shalt  }
0x5c: {  	_ =	shalt  }
0x5d: {  	_ =	shalt  }
0x5e: {  	_ =	shalt  }
0x5f: {  	_ =	shalt  }
0x60: {  	_ =	shalt  }
0x61: {  	_ =	shalt  }
0x62: {  	_ =	shalt  }
0x63: {  	_ =	shalt  }
0x64: {  	_ =	shalt  }
0x65: {  	_ =	shalt  }
0x66: {  	_ =	shalt  }
0x67: {  	_ =	shalt  }
0x68: {  	_ =	shalt  }
0x69: {  	_ =	shalt  }
0x6a: {  	_ =	shalt  }
0x6b: {  	_ =	shalt  }
0x6c: {  	_ =	shalt  }
0x6d: {  	_ =	shalt  }
0x6e: {  	_ =	shalt  }
0x6f: {  	_ =	shalt  }
0x70: {  	_ =	shalt  }
0x71: {  	_ =	shalt  }
0x72: {  	_ =	shalt  }
0x73: {  	_ =	shalt  }
0x74: {  	_ =	shalt  }
0x75: {  	_ =	shalt  }
0x76: {  	_ =	shalt  }
0x77: {  	_ =	shalt  }
0x78: {  	_ =	shalt  }
0x79: {  	_ =	shalt  }
0x7a: {  	_ =	shalt  }
0x7b: {  	_ =	shalt  }
0x7c: {  	_ =	shalt  }
0x7d: {  	_ =	shalt  }
0x7e: {  	_ =	shalt  }
0x7f: {  	_ =	shalt  }
0x80: {  	_ =	shalt  }
0x81: {  	_ =	shalt  }
0x82: {  	_ =	shalt  }
0x83: {  	_ =	shalt  }
0x84: {  	_ =	shalt  }
0x85: {  	_ =	shalt  }
0x86: {  	_ =	shalt  }
0x87: {  	_ =	shalt  }
.Lfunc_end0:
.L_simem_size_0:
called_computation.1_lowered:
.L_overlay_start_0:
0x88: {  	s2 =	sld [smem:$0x3FD9]  }
0x89: {  	s3 =	sld [smem:$0x3FFE];
	_ =	sdelay $0x1  }
0x8a: {  	s1 =	srdreg.scid  }
0x8b: {  	s0 =	sand.u32 $0x1, s1  }
0x8c: {  	s17 =	sshll.u32 s0, $0xA;
	s2 =	sadd.s32 s3, s2  }
0x8d: {  	s2 =	sadd.s32 s2, s17  }
0x8e: {  	[smem:$0x3FB0] =	sst s2  }
0x8f: {  	_ = 	snop  }
0x90: {  	s2 =	sld [smem:$0x3FD0];
	(tm) =	ssettm $0x1  }
0x91: {  	s18 =	sld [smem:$0x3FFB];
	_ =	sdelay $0x3  }
0x92: {  	_ =	strace s18  }
0x93: {  	s3 =	sld [smem:$0x3FFC];
	_ =	sdelay $0x3  }
0x94: {  	_ =	strace s3  }
0x95: {  	s3 =	sld [smem:$0x3FFD];
	_ =	sdelay $0x3  }
0x96: {  	_ =	strace s3  }
0x97: {  	_ =	strace $0x8FFFFFFF  }
0x98: {  	s19 =	sld [smem:$0x3FDB];
	_ =	sdelay $0x1  }
0x99: {  	s4 =	simm.s32 $_scs_section_size  }
0x9a: {  	s5 =	simm.s32 $_size__tile_overlayer_lowered;
	s6 =	simm.s32 $_tile_overlayer_lowered  }
0x9b: {  	s22 =	simm.s32 $0x1BFF;
	s21 =	sshll.u32 s6, $0x1;
	s3 =	sadd.s32 s4, s19  }
0x9c: {  	s7 =	simm.s32 $0x0;
	s20 =	sshll.u32 s5, $0x1;
	s5 =	sadd.s32 s21, s3  }
0x9d: {  	[timem:s7], [sflag:s22] =	dma.local [hbm:s5], s20  }
0x9e: {  	_ =	swait.ge [sflag:s22], s20  }
0x9f: {  	s4 =	ssub.s32 $0x0, s20;
	[sflag:s22] =	ssyncset.done $0x0  }
0xa0: {  	[sflag:s22] =	ssyncadd.s32 s4;
	_ =	sdelay $0x1  }
0xa1: {  	s23 =	simm.s32 $0x1B8B  }
0xa2: {  	_ =	swait.ge [sflag:s23], $0x1  }
0xa3: {  	[sflag:s23] =	ssyncset.done $0x0  }
0xa4: {  	s25 =	simm.s32 $0x1B8E;
	s24 =	sld [smem:$0x3FFE];
	[sflag:s23] =	ssyncadd.s32 $0xFFFFFFFF  }
0xa5: {  	s26 =	simm.s32 $execute0_lowered;
	[smem:$0x3FD2] =	sst s25  }
0xa6: {  	s5 =	sshll.u32 s26, $0x1;
	_ =	strace $0x80000049;
	[dreg:$0x1] =	wrdreg $0xFFFFFFFF  }
0xa7: {  	s28 =	simm.s32 $_size_execute0_lowered;
	s3 =	sadd.s32 s3, s5;
	[dreg:$0x0] =	wrdreg $0x0  }
0xa8: {  	s5 =	sshll.u32 s28, $0x1;
	[dreg:$0x2] =	wrdreg s3  }
0xa9: {  	[dreg:$0x3] =	wrdreg s5  }
0xaa: {  	[dreg:$0x4] =	wrdreg $0xC0  }
0xab: {  	_ =	task [dreg:s7], $0x5FFFF  }
0xac: {  	[dreg:$0x1] =	wrdreg $0xFFFFFFFF  }
0xad: {  	[dreg:$0x0] =	wrdreg $0x60  }
0xae: {  	[dreg:$0x2] =	wrdreg s24  }
0xaf: {  	[dreg:$0x3] =	wrdreg s2  }
0xb0: {  	[dreg:$0x4] =	wrdreg $0xF8000  }
0xb1: {  	[dreg:$0x5] =	wrdreg $0x9  }
0xb2: {  	_ =	task.clear_ibuf [dreg:s7], $0x6FFFF;
	_ =	strace $0x90000049  }
0xb3: {  	s29 =	simm.s32 $0x9;
	_ =	strace $0x8000004B  }
0xb4: {  	_ =	swait.ge [sflag:s29], $0x1  }
0xb5: {  	[sflag:s29] =	ssyncadd.s32 $0xFFFFFFFF  }
0xb6: {  	_ =	strace $0x9000004B  }
0xb7: {  	_ =	sfence  }
0xb8: {  	s30 =	sld [smem:$0x0];
	_ =	sdelay $0x2  }
0xb9: {  	s31 =	sshll.u32 s1, $0xD;
	s1 =	sshrl.u32 s1, $0x2  }
0xba: {  	s3 =	sand.u32 $0x4000, s31;
	s1 =	sadd.s32 s1, s30  }
0xbb: {  	s0 =	sor.u32 s3, s0;
	s1 =	sshll.u32 s1, $0x11  }
0xbc: {  	s0 =	sor.u32 s1, s0  }
0xbd: {  	s0 =	sadd.s32 $0x8F2B, s0  }
0xbe: {  	[sflag:s0] =	ssyncadd.remote.s32 $0x1  }
0xbf: {  	_ =	sfence.sel $0xFFFF  }
0xc0: {  	[dreg:$0x0] =	wrdreg $0xFFFFFFFF;
	(pc) =	sbr.abs _section_cstart, $3  }
0xc1: {  	[dreg:$0x1] =	wrdreg $0xFFFFFFFF  }
0xc2: {  	_ =	task.clear_ibuf [dreg:s7], $0x2FFFF;
	_ =	strace $0x9FFFFFFF  }
0xc3: {  	(tm) =	ssettm $0x7FFFFFFF  }
tec
execute0_lowered:
.L_overlay_start_1:
0x0: {  	(tag) =	ssettag $0x1  }
0x1: {  	v45 =	vlaneseq.u32;
	v16 =	vimm.s32 $0x14131211  }
0x2: {  	v17 =	vimm.s32 $0x18171615;
	v18 =	vimm.s32 $0x1C1B1A19;
	v10 =	vimm.s32 $0x1F1E1D  }
0x3: {  	v11 =	vimm.s32 $0x15141312;
	v20 =	vimm.s32 $0x19181716;
	vm0 =	vcmask $0x1F10  }
0x4: {  	v21 =	vimm.s32 $0x1D1C1B1A;
	v12 =	vimm.s32 $0x1001F1E;
	v23 =	vimm.s32 $0x16151413  }
0x5: {  	v25 =	vimm.s32 $0x1A191817;
	v36 =	vimm.s32 $0x1E1D1C1B;
	v28 =	vimm.s32 $0x201001F  }
0x6: {  	v29 =	vimm.s32 $0x3020100;
	v30 =	vimm.s32 $0x1F1E1D1C;
	v31 =	vimm.s32 $0x17161514  }
0x7: {  	v32 =	vimm.s32 $0x1B1A1918;
	v39 =	vimm.s32 $0x4030201;
	v41 =	vimm.s32 $0x5040302  }
0x8: {  	v2 =	vimm.s32 $0x76543210;
	v3 =	vimm.s32 $0x87654321;
	v4 =	vimm.s32 $0x98765432  }
0x9: {  	v7 =	vimm.s32 $0xA9876543;
	v8 =	vimm.s32 $0x32107654;
	vm15 =	vcmask $0x2F10  }
0xa: {  	vm1 =	vcmask $0x3F30;
	v47 =	vadd.s32 $0x1, v45;
	v48 =	vadd.s32 $0x2, v45  }
0xb: {  	v49 =	vadd.s32 $0x3, v45;
	v50 =	vadd.s32 $0x4, v45;
	v51 =	vadd.s32 $0x5, v45  }
0xc: {  	v52 =	vadd.s32 $0x6, v45;
	v53 =	vadd.s32 $0x7, v45;
	v54 =	vadd.s32 $0x8, v45  }
0xd: {  	v55 =	vadd.s32 $0x9, v45;
	v56 =	vadd.s32 $0xA, v45;
	v57 =	vadd.s32 $0xB, v45  }
0xe: {  	v58 =	vadd.s32 $0xC, v45;
	v59 =	vadd.s32 $0xD, v45;
	v60 =	vadd.s32 $0xE, v45  }
0xf: {  	v16 =	vunpack.c.0.s8.s32 v16;
	v19 =	vunpack.c.0.s8.s32 v17;
	v18 =	vunpack.c.0.s8.s32 v18  }
0x10: {  	v26 =	vunpack.c.0.s8.s32 v10;
	v17 =	vunpack.c.0.s8.s32 v11;
	v20 =	vunpack.c.0.s8.s32 v20  }
0x11: {  	v21 =	vunpack.c.0.s8.s32 v21;
	v27 =	vunpack.c.0.s8.s32 v12;
	v13 =	vunpack.c.0.s8.s32 v23  }
0x12: {  	v14 =	vunpack.c.0.s8.s32 v25;
	v25 =	vunpack.c.0.s8.s32 v36;
	v28 =	vunpack.c.0.s8.s32 v28  }
0x13: {  	v29 =	vunpack.c.0.s8.s32 v29;
	v30 =	vunpack.c.0.s8.s32 v30;
	v31 =	vunpack.c.0.s8.s32 v31  }
0x14: {  	v32 =	vunpack.c.0.s8.s32 v32;
	v40 =	vunpack.c.0.s8.s32 v39;
	v11 =	vunpack.c.l.s4.s8 v8  }
0x15: {  	v16 =	vsel vm0, v19, v16;
	v24 =	vsel vm0, v26, v18;
	v22 =	vsel vm0, v20, v17  }
0x16: {  	v33 =	vsel vm0, v27, v21;
	v34 =	vsel vm0, v14, v13;
	v35 =	vsel vm0, v28, v25  }
0x17: {  	v37 =	vsel vm0, v29, v30;
	v38 =	vsel vm0, v32, v31;
	v36 =	vsel vm0, v18, v19  }
0x18: {  	v31 =	vunpack.c.0.s8.s32 v41;
	v29 =	vsel vm0, v40, v26;
	v21 =	vsel vm0, v21, v20  }
0x19: {  	v23 =	vsel vm0, v25, v14;
	v25 =	vunpack.c.l.s4.s8 v2;
	v6 =	vsel vm0, v30, v32  }
0x1a: {  	v32 =	vunpack.c.l.s4.s8 v7;
	v17 =	vimm.s32 $0x54329876;
	v18 =	vimm.s32 $0x6543A987  }
0x1b: {  	v19 =	vimm.s32 $0xB0A0908;
	v62 =	vcombine.low v16, v24;
	v63 =	vcombine.low v38, v37  }
0x1c: {  	s0 =	rddreg [dreg:$0x0];
	s1 =	srdreg.scid;
	v37 =	vimm.s32 $0x6050403;
	v0 =	vcombine.low v22, v33;
	v42 =	vcombine.low v34, v35  }
0x1d: {  	s15 =	stileid.u32;
	s3 =	rddreg [dreg:$0x2];
	s4 =	simm.s32 $0x0;
	v44 =	vcombine.low v36, v29;
	v29 =	vunpack.c.l.s4.s8 v3;
	v16 =	vimm.s32 $0x43218765  }
0x1e: {  	s14 =	simm.s32 $0x3;
	s18 =	simm.s32 $0xA000;
	s19 =	simm.s32 $0xB000;
	v34 =	vunpack.c.l.s4.s8 v18;
	v43 =	vunpack.c.0.s8.s32 v37;
	v31 =	vsel vm0, v31, v27  }
0x1f: {  	s20 =	simm.s32 $0x1;
	s21 =	simm.s32 $0x80;
	s22 =	simm.s32 $0xC000;
	v25 =	vunpack.c.0.s8.s32 v25;
	v14 =	vunpack.c.0.s8.s32 v32;
	v32 =	vunpack.c.l.s4.s8 v16  }
0x20: {  	s23 =	simm.s32 $0xD000;
	s24 =	simm.s32 $0xE000;
	s25 =	simm.s32 $0x2;
	v46 =	vcombine.low v21, v31;
	v31 =	vunpack.c.l.s4.s8 v4;
	v29 =	vunpack.c.0.s8.s32 v29  }
0x21: {  	s26 =	simm.s32 $0x0;
	s1 =	sand.u32 $0x1, s1;
	s2 =	sshll.u32 s15, $0x1;
	[tilespmem:$0x1FF40] =	vst v0;
	v34 =	vunpack.c.0.s8.s32 v34;
	v21 =	vimm.s32 $0xC0B0A09;
	v22 =	vsel vm0, v43, v28  }
0x22: {  	[smem:$0x7FF] =	sst s4;
	s8 =	smul.u32 $0x7800, s15;
	s7 =	sadd.s32 $0x35400, s0;
	[tilespmem:$0x1FF50] =	vst v42;
	v9 =	vcombine.low v6, v25;
	v32 =	vunpack.c.0.s8.s32 v32;
	v25 =	vimm.s32 $0xE0D0C0B  }
0x23: {  	s31 =	sshll.u32 s15, $0x6;
	s15 =	simm.s32 $0x2800;
	s2 =	sor.u32 s1, s2;
	[tilespmem:$0x1FF60] =	vst v44;
	v40 =	vunpack.c.0.s8.s32 v21;
	v43 =	vor.u32 $0x10, v45;
	v31 =	vunpack.c.0.s8.s32 v31  }
0x24: {  	s9 =	smul.u32 $0x78000, s1;
	s1 =	ssub.s32 $0x2, s1;
	s16 =	sor.u32 $0x1C03, s31;
	[tilespmem:$0x1FF70] =	vst v46;
	v5 =	vcombine.low v23, v22;
	v10 =	vand.u32 $0xF, v29;
	v29 =	vunpack.c.0.s8.s32 v11  }
0x25: {  	s5 =	smul.u32 $0x1400, s2;
	s11 =	sshrl.u32 s8, $0x3;
	s12 =	sshrl.u32 s1, $0x1;
	v22 =	vand.u32 $0xF, v34;
	[tilespmem:$0x1FF90] =	vst v9;
	v12 =	vcombine.low v24, v10;
	v13 =	vand.u32 $0xF, v31  }
0x26: {  	s2 =	smul.u32 $0x5000, s2;
	s9 =	sadd.s32 s8, s9;
	s11 =	sadd.s32 s11, s0;
	v32 =	vand.u32 $0xF, v32;
	[tilespmem:$0x1FF80] =	vst v5;
	v15 =	vcombine.low v33, v13;
	v33 =	vunpack.c.l.s4.s8 v17  }
0x27: {  	s1 =	ssub.s32 s1, s12;
	s8 =	sadd.s32 s8, s3;
	s6 =	sshrl.u32 s5, $0x3;
	v23 =	vimm.s32 $0xD0C0B0A;
	v31 =	vand.u32 $0xF, v14;
	v32 =	vsel vm15, v32, v26;
	[tilespmem:$0x1FFA0] =	vst v12  }
0x28: {  	s9 =	sshrl.u32 s9, $0x3;
	s10 =	sadd.s32 s6, s0;
	v29 =	vand.u32 $0xF, v29;
	v46 =	vsel vm1, v40, v32;
	_ =	strace $0x8000004A;
	[tilespmem:$0x1FFD0] =	vst v43;
	v33 =	vunpack.c.0.s8.s32 v33  }
0x29: {  	s30 =	sadd.s32 $0xDF400, s11;
	s11 =	sadd.s32 s7, s2;
	s28 =	sadd.s32 $0x30400, s10;
	v29 =	vsel vm15, v29, v30;
	v30 =	vunpack.c.0.s8.s32 v19;
	v42 =	vcombine.low v35, v31;
	[tilespmem:$0x1FFF0] =	vst v46  }
0x2a: {  	s13 =	smax.u32 s1, $0x1;
	s29 =	sadd.s32 $0x2B400, s10;
	v38 =	vunpack.c.0.s8.s32 v25;
	v41 =	vunpack.c.0.s8.s32 v23;
	[dreg:$0x4] =	wrdreg s28;
	[tilespmem:$0x1FFB0] =	vst v15;
	v20 =	vand.u32 $0xF, v33  }
0x2b: {  	s6 =	sadd.s32 $0xD5400, s0;
	s0 =	sadd.s32 s9, s0;
	v34 =	vsel vm15, v22, v28;
	[dreg:$0x5] =	wrdreg s29;
	[tilespmem:$0x1FFC0] =	vst v42;
	v44 =	vsel vm1, v30, v29;
	v33 =	vsel vm15, v20, v27  }
0x2c: {  	v61 =	vadd.s32 $0xF, v45;
	s17 =	sshrl.u32 s8, $0x3;
	s12 =	sadd.s32 $0xEE400, s0;
	v40 =	vsel vm1, v38, v34;
	[dreg:$0x6] =	wrdreg s30;
	[tilespmem:$0x1FFE0] =	vst v44;
	v46 =	vsel vm1, v41, v33  }
.LBB2_1:
0x2d: {  	s0 =	rddreg [dreg:$0x4]  }
0x2e: {  	[tilespmem:s4], [sflag:$0x3] =	stream.linear.gather [hbm4b:s0+s4], $0x1400, $0x38;
	[tilespmem:$0x17000] =	vst v63  }
0x2f: {  	_ =	swait.ge [sflag:s14], $0x1400  }
0x30: {  	[sflag:s14] =	ssyncset.done $0x0  }
0x31: {  	s10 =	simm.s32 $0x1400;
	s9 =	rddreg [dreg:$0x5];
	[sflag:s14] =	ssyncadd.s32 $0xFFFFEC00  }
0x32: {  	[tilespmem:s10], [sflag:$0x3] =	stream.linear.gather [hbm4b:s9+s4], $0x1400, $0x38;
	[tilespmem:$0x17000] =	vst v63  }
0x33: {  	_ =	swait.ge [sflag:s14], $0x1400  }
0x34: {  	[sflag:s14] =	ssyncset.done $0x0  }
0x35: {  	[sflag:s14] =	ssyncadd.s32 $0xFFFFEC00  }
0x36: {  	s28 =	rddreg [dreg:$0x1]  }
0x37: {  	[tilespmem:s15], [sflag:$0x3] =	stream.linear.gather [hbm4b:s28+s4], $0x7800, $0x38;
	[tilespmem:$0x17000] =	vst v63  }
0x38: {  	_ =	swait.ge [sflag:s14], $0x7800  }
0x39: {  	[sflag:s14] =	ssyncset.done $0x0  }
0x3a: {  	s31 =	rddreg [dreg:$0x6];
	[sflag:s14] =	ssyncadd.s32 $0xFFFF8800  }
0x3b: {  	[spmem:s17], [sflag:s16] =	dma.local [hbm:s31], $0xF00  }
0x3c: {  	_ =	swait.ge [sflag:s14], $0xF00  }
0x3d: {  	[sflag:s14] =	ssyncset.done $0x0  }
0x3e: {  	[sflag:s14] =	ssyncadd.s32 $0xFFFFF100  }
0x3f: {  	s29 =	simm.s32 $0x1480;
	[bflag:$0x0] =	sbarrier.arrive $0xFFFF  }
0x40: {  	[tilespmem:s18], [sflag:$0x1] =	stream.indirect.gather [hbm4b:s6+s21], $0x20, s4, s21, $0xb8;
	[tilespmem:$0x17000] =	vst v63  }
0x41: {  	s30 =	simm.s32 $0x80;
	s2 =	simm.s32 $0x0;
	s9 =	simm.s32 $0x0  }
0x42: {  	[tilespmem:s19], [sflag:$0x1] =	stream.linear.gather [hbm4b:s11+s4], $0x1000, $0x38;
	[tilespmem:$0x17000] =	vst v63  }
.LBB2_2:
0x43: {  	_ =	swait.ge [sflag:s20], $0x1000  }
0x44: {  	[sflag:s20] =	ssyncset.done $0x0  }
0x45: {  	[sflag:s20] =	ssyncadd.s32 $0xFFFFF000  }
0x46: {  	_ =	swait.ge [sflag:s20], $0x1000  }
0x47: {  	s1 =	sshll.u32 s2, $0x8;
	v24 =	vld [tilespmem:$0x1FF70]  }
0x48: {  	s0 =	sor.u32 $0x80, s1;
	v25 =	vld [tilespmem:$0x1FF80]  }
0x49: {  	s8 =	sadd.s32 s5, s0;
	v26 =	vld [tilespmem:$0x1FF90]  }
0x4a: {  	s8 =	sshll.u32 s8, $0x2;
	[sflag:s20] =	ssyncset.done $0x0;
	v27 =	vld [tilespmem:$0x1FFA0]  }
0x4b: {  	s8 =	sand.u32 $0x1FFFFE00, s8;
	v28 =	vld [tilespmem:$0x1FFB0];
	[sflag:s20] =	ssyncadd.s32 $0xFFFFF000  }
0x4c: {  	v29 =	vld [tilespmem:$0x1FFC0];
	[tilespmem:s22], [sflag:$0x2] =	stream.indirect.gather [hbm4b:s6+s21], $0x20, s0, s21, $0xb8  }
0x4d: {  	v30 =	vld [tilespmem:$0x1FFD0];
	s28 =	sadd.s32 s7, s8;
	s8 =	simm.s32 $0x0  }
0x4e: {  	v31 =	vld [tilespmem:$0x1FFE0];
	[tilespmem:s23], [sflag:$0x2] =	stream.linear.gather [hbm4b:s28+s8], $0x1000, $0x38  }
0x4f: {  	s31 =	smov.u32 s9;
	v21 =	vld [tilespmem:$0x1FFF0];
	s28 =	smov.u32 s10  }
.LBB2_3:
0x50: {  	v32 =	vld [tilespmem:s28+$0x0]  }
0x51: {  	v34 =	vld [tilespmem:s31+$0x0];
	v35 =	vor.u32 s8, v45  }
0x52: {  	v33 =	vshll.u32 v35, $0x5  }
0x53: {  	v36 =	vor.u32 v45, v33;
	_ =	sdelay $0x1  }
0x54: {  	v37 =	vmul.u32 $0x3, v32  }
0x55: {  	v38 =	vmul.u32 $0x3, v34;
	_ =	sdelay $0x1  }
0x56: {  	v39 =	vadd.s32 $0x1, v37;
	v41 =	vld.idx.msk [tilespmem:v36+s18+$0x0], $0xffff  }
0x57: {  	v23 =	vmov v40;
	v32 =	vmul.u32 $0x30, v35;
	v40 =	vadd.s32 $0x1, v38;
	v43 =	vld.idx.msk [tilespmem:v36+s19+$0x0], $0xffff  }
0x58: {  	v0 =	vlaneseq.u32;
	v42 =	vadd.s32 $0x2, v37  }
0x59: {  	v44 =	vadd.s32 $0x2, v38;
	v0 =	vor.u32 v0, v32;
	v34 =	vld.idx.msk [tilespmem:v37+s15+$0x0], $0xffff  }
0x5a: {  	v1 =	vor.u32 v47, v33;
	v35 =	vld.idx.msk [tilespmem:v38+s15+$0x0], $0xffff  }
0x5b: {  	v36 =	vld.idx.msk [tilespmem:v39+s15+$0x0], $0xffff  }
0x5c: {  	v38 =	vld.idx.msk [tilespmem:v40+s15+$0x0], $0xffff;
	v40 =	vmul.f32 v43, v41  }
0x5d: {  	v37 =	vld.idx.msk [tilespmem:v42+s15+$0x0], $0xffff  }
0x5e: {  	v39 =	vld.idx.msk [tilespmem:v44+s15+$0x0], $0xffff;
	[tilespmem:v0+s24+$0x0] =	vst.idx.msk $0xffff, v40  }
0x5f: {  	v41 =	vld.idx.msk [tilespmem:v1+s18+$0x0], $0xffff  }
0x60: {  	v2 =	vld.idx.msk [tilespmem:v1+s19+$0x0], $0xffff;
	_ =	sdelay $0x1  }
0x61: {  	v0 =	vadd.s32 v47, v32  }
0x62: {  	v1 =	vor.u32 v48, v33;
	_ =	sdelay $0x1  }
0x63: {  	v41 =	vmul.f32 v2, v41;
	_ =	sdelay $0x1  }
0x64: {  	[tilespmem:v0+s24+$0x0] =	vst.idx.msk $0xffff, v41  }
0x65: {  	v2 =	vld.idx.msk [tilespmem:v1+s18+$0x0], $0xffff  }
0x66: {  	v43 =	vld.idx.msk [tilespmem:v1+s19+$0x0], $0xffff;
	_ =	sdelay $0x1  }
0x67: {  	v0 =	vadd.s32 v48, v32  }
0x68: {  	v1 =	vor.u32 v49, v33;
	_ =	sdelay $0x1  }
0x69: {  	v42 =	vmul.f32 v43, v2;
	_ =	sdelay $0x1  }
0x6a: {  	[tilespmem:v0+s24+$0x0] =	vst.idx.msk $0xffff, v42  }
0x6b: {  	v2 =	vld.idx.msk [tilespmem:v1+s18+$0x0], $0xffff  }
0x6c: {  	v44 =	vld.idx.msk [tilespmem:v1+s19+$0x0], $0xffff;
	_ =	sdelay $0x1  }
0x6d: {  	v0 =	vadd.s32 v49, v32  }
0x6e: {  	v1 =	vor.u32 v50, v33;
	_ =	sdelay $0x1  }
0x6f: {  	v43 =	vmul.f32 v44, v2;
	_ =	sdelay $0x1  }
0x70: {  	[tilespmem:v0+s24+$0x0] =	vst.idx.msk $0xffff, v43  }
0x71: {  	v2 =	vld.idx.msk [tilespmem:v1+s18+$0x0], $0xffff  }
0x72: {  	v45 =	vld.idx.msk [tilespmem:v1+s19+$0x0], $0xffff;
	_ =	sdelay $0x1  }
0x73: {  	v0 =	vadd.s32 v50, v32  }
0x74: {  	v1 =	vor.u32 v51, v33;
	_ =	sdelay $0x1  }
0x75: {  	v44 =	vmul.f32 v45, v2;
	_ =	sdelay $0x1  }
0x76: {  	[tilespmem:v0+s24+$0x0] =	vst.idx.msk $0xffff, v44  }
0x77: {  	v2 =	vld.idx.msk [tilespmem:v1+s18+$0x0], $0xffff  }
0x78: {  	v22 =	vmov v46;
	v46 =	vld.idx.msk [tilespmem:v1+s19+$0x0], $0xffff;
	_ =	sdelay $0x1  }
0x79: {  	v0 =	vadd.s32 v51, v32  }
0x7a: {  	v1 =	vor.u32 v52, v33;
	_ =	sdelay $0x1  }
0x7b: {  	v45 =	vmul.f32 v46, v2;
	_ =	sdelay $0x1  }
0x7c: {  	[tilespmem:v0+s24+$0x0] =	vst.idx.msk $0xffff, v45  }
0x7d: {  	v2 =	vld.idx.msk [tilespmem:v1+s18+$0x0], $0xffff  }
0x7e: {  	v4 =	vmov v47;
	v47 =	vld.idx.msk [tilespmem:v1+s19+$0x0], $0xffff;
	_ =	sdelay $0x1  }
0x7f: {  	v0 =	vadd.s32 v52, v32  }
0x80: {  	v1 =	vor.u32 v53, v33;
	_ =	sdelay $0x1  }
0x81: {  	v46 =	vmul.f32 v47, v2;
	_ =	sdelay $0x1  }
0x82: {  	[tilespmem:v0+s24+$0x0] =	vst.idx.msk $0xffff, v46  }
0x83: {  	v2 =	vld.idx.msk [tilespmem:v1+s18+$0x0], $0xffff  }
0x84: {  	v5 =	vmov v48;
	v48 =	vld.idx.msk [tilespmem:v1+s19+$0x0], $0xffff;
	_ =	sdelay $0x1  }
0x85: {  	v0 =	vadd.s32 v53, v32  }
0x86: {  	v1 =	vor.u32 v54, v33;
	_ =	sdelay $0x1  }
0x87: {  	v47 =	vmul.f32 v48, v2;
	_ =	sdelay $0x1  }
0x88: {  	[tilespmem:v0+s24+$0x0] =	vst.idx.msk $0xffff, v47  }
0x89: {  	v2 =	vld.idx.msk [tilespmem:v1+s18+$0x0], $0xffff  }
0x8a: {  	v6 =	vmov v49;
	v49 =	vld.idx.msk [tilespmem:v1+s19+$0x0], $0xffff;
	_ =	sdelay $0x1  }
0x8b: {  	v0 =	vadd.s32 v54, v32  }
0x8c: {  	v1 =	vor.u32 v55, v33;
	_ =	sdelay $0x1  }
0x8d: {  	v48 =	vmul.f32 v49, v2;
	_ =	sdelay $0x1  }
0x8e: {  	[tilespmem:v0+s24+$0x0] =	vst.idx.msk $0xffff, v48  }
0x8f: {  	v2 =	vld.idx.msk [tilespmem:v1+s18+$0x0], $0xffff  }
0x90: {  	v7 =	vmov v50;
	v50 =	vld.idx.msk [tilespmem:v1+s19+$0x0], $0xffff;
	_ =	sdelay $0x1  }
0x91: {  	v0 =	vadd.s32 v55, v32  }
0x92: {  	v1 =	vor.u32 v56, v33;
	_ =	sdelay $0x1  }
0x93: {  	v49 =	vmul.f32 v50, v2;
	_ =	sdelay $0x1  }
0x94: {  	[tilespmem:v0+s24+$0x0] =	vst.idx.msk $0xffff, v49  }
0x95: {  	v2 =	vld.idx.msk [tilespmem:v1+s18+$0x0], $0xffff  }
0x96: {  	v8 =	vmov v51;
	v51 =	vld.idx.msk [tilespmem:v1+s19+$0x0], $0xffff;
	_ =	sdelay $0x1  }
0x97: {  	v0 =	vadd.s32 v56, v32  }
0x98: {  	v1 =	vor.u32 v57, v33;
	_ =	sdelay $0x1  }
0x99: {  	v50 =	vmul.f32 v51, v2;
	_ =	sdelay $0x1  }
0x9a: {  	[tilespmem:v0+s24+$0x0] =	vst.idx.msk $0xffff, v50  }
0x9b: {  	v2 =	vld.idx.msk [tilespmem:v1+s18+$0x0], $0xffff  }
0x9c: {  	v9 =	vmov v52;
	v52 =	vld.idx.msk [tilespmem:v1+s19+$0x0], $0xffff;
	_ =	sdelay $0x1  }
0x9d: {  	v0 =	vadd.s32 v57, v32  }
0x9e: {  	v1 =	vor.u32 v58, v33;
	_ =	sdelay $0x1  }
0x9f: {  	v51 =	vmul.f32 v52, v2;
	_ =	sdelay $0x1  }
0xa0: {  	[tilespmem:v0+s24+$0x0] =	vst.idx.msk $0xffff, v51  }
0xa1: {  	v2 =	vld.idx.msk [tilespmem:v1+s18+$0x0], $0xffff  }
0xa2: {  	v10 =	vmov v53;
	v53 =	vld.idx.msk [tilespmem:v1+s19+$0x0], $0xffff;
	_ =	sdelay $0x1  }
0xa3: {  	v0 =	vadd.s32 v58, v32  }
0xa4: {  	v1 =	vor.u32 v59, v33;
	_ =	sdelay $0x1  }
0xa5: {  	v52 =	vmul.f32 v53, v2;
	_ =	sdelay $0x1  }
0xa6: {  	[tilespmem:v0+s24+$0x0] =	vst.idx.msk $0xffff, v52  }
0xa7: {  	v2 =	vld.idx.msk [tilespmem:v1+s18+$0x0], $0xffff  }
0xa8: {  	v11 =	vmov v54;
	v54 =	vld.idx.msk [tilespmem:v1+s19+$0x0], $0xffff;
	_ =	sdelay $0x1  }
0xa9: {  	v0 =	vadd.s32 v59, v32  }
0xaa: {  	v1 =	vor.u32 v60, v33;
	_ =	sdelay $0x1  }
0xab: {  	v53 =	vmul.f32 v54, v2;
	_ =	sdelay $0x1  }
0xac: {  	[tilespmem:v0+s24+$0x0] =	vst.idx.msk $0xffff, v53  }
0xad: {  	v2 =	vld.idx.msk [tilespmem:v1+s18+$0x0], $0xffff  }
0xae: {  	v12 =	vmov v55;
	v55 =	vld.idx.msk [tilespmem:v1+s19+$0x0], $0xffff;
	_ =	sdelay $0x1  }
0xaf: {  	v0 =	vadd.s32 v60, v32  }
0xb0: {  	v1 =	vor.u32 v61, v33;
	_ =	sdelay $0x1  }
0xb1: {  	v54 =	vmul.f32 v55, v2;
	_ =	sdelay $0x1  }
0xb2: {  	[tilespmem:v0+s24+$0x0] =	vst.idx.msk $0xffff, v54  }
0xb3: {  	v2 =	vld.idx.msk [tilespmem:v1+s18+$0x0], $0xffff  }
0xb4: {  	v13 =	vmov v56;
	v56 =	vld.idx.msk [tilespmem:v1+s19+$0x0], $0xffff;
	_ =	sdelay $0x1  }
0xb5: {  	v0 =	vadd.s32 v61, v32  }
0xb6: {  	v1 =	vor.u32 v30, v33;
	_ =	sdelay $0x1  }
0xb7: {  	v55 =	vmul.f32 v56, v2;
	_ =	sdelay $0x1  }
0xb8: {  	[tilespmem:v0+s24+$0x0] =	vst.idx.msk $0xffff, v55  }
0xb9: {  	v2 =	vld.idx.msk [tilespmem:v1+s18+$0x0], $0xffff  }
0xba: {  	v14 =	vmov v57;
	v57 =	vld.idx.msk [tilespmem:v1+s19+$0x0], $0xffff;
	_ =	sdelay $0x1  }
0xbb: {  	v0 =	vadd.s32 v30, v32  }
0xbc: {  	v1 =	vor.u32 v62, v33;
	_ =	sdelay $0x1  }
0xbd: {  	v56 =	vmul.f32 v57, v2;
	_ =	sdelay $0x1  }
0xbe: {  	[tilespmem:v0+s24+$0x0] =	vst.idx.msk $0xffff, v56;
	v0 =	vld [tilespmem:$0x1FF40]  }
0xbf: {  	v57 =	vld.idx.msk [tilespmem:v1+s18+$0x0], $0xffff  }
0xc0: {  	v15 =	vmov v58;
	v58 =	vld.idx.msk [tilespmem:v1+s19+$0x0], $0xffff;
	_ =	sdelay $0x1  }
0xc1: {  	v16 =	vmov v59;
	v59 =	vadd.s32 v62, v32  }
0xc2: {  	v2 =	vor.u32 v0, v33;
	_ =	sdelay $0x1  }
0xc3: {  	v57 =	vmul.f32 v58, v57;
	_ =	sdelay $0x1  }
0xc4: {  	v17 =	vmov v60;
	v60 =	vadd.s32 v0, v32;
	v0 =	vld [tilespmem:$0x1FF50];
	[tilespmem:v59+s24+$0x0] =	vst.idx.msk $0xffff, v57  }
0xc5: {  	v58 =	vld.idx.msk [tilespmem:v2+s18+$0x0], $0xffff  }
0xc6: {  	v59 =	vld.idx.msk [tilespmem:v2+s19+$0x0], $0xffff;
	_ =	sdelay $0x2  }
0xc7: {  	v1 =	vor.u32 v0, v33;
	_ =	sdelay $0x1  }
0xc8: {  	v58 =	vmul.f32 v59, v58;
	_ =	sdelay $0x1  }
0xc9: {  	[tilespmem:v60+s24+$0x0] =	vst.idx.msk $0xffff, v58  }
0xca: {  	v2 =	vld.idx.msk [tilespmem:v1+s18+$0x0], $0xffff  }
0xcb: {  	v60 =	vld.idx.msk [tilespmem:v1+s19+$0x0], $0xffff;
	_ =	sdelay $0x1  }
0xcc: {  	v0 =	vadd.s32 v0, v32  }
0xcd: {  	v1 =	vor.u32 v63, v33;
	_ =	sdelay $0x1  }
0xce: {  	v59 =	vmul.f32 v60, v2;
	_ =	sdelay $0x1  }
0xcf: {  	[tilespmem:v0+s24+$0x0] =	vst.idx.msk $0xffff, v59;
	v0 =	vld [tilespmem:$0x1FF60]  }
0xd0: {  	v60 =	vld.idx.msk [tilespmem:v1+s18+$0x0], $0xffff  }
0xd1: {  	v18 =	vmov v61;
	v61 =	vld.idx.msk [tilespmem:v1+s19+$0x0], $0xffff;
	_ =	sdelay $0x1  }
0xd2: {  	v19 =	vmov v62;
	v62 =	vadd.s32 v63, v32  }
0xd3: {  	v2 =	vor.u32 v0, v33;
	_ =	sdelay $0x1  }
0xd4: {  	v60 =	vmul.f32 v61, v60;
	_ =	sdelay $0x1  }
0xd5: {  	[tilespmem:v62+s24+$0x0] =	vst.idx.msk $0xffff, v60  }
0xd6: {  	v61 =	vld.idx.msk [tilespmem:v2+s18+$0x0], $0xffff  }
0xd7: {  	v62 =	vld.idx.msk [tilespmem:v2+s19+$0x0], $0xffff;
	_ =	sdelay $0x1  }
0xd8: {  	v20 =	vmov v63;
	v63 =	vadd.s32 v0, v32  }
0xd9: {  	v0 =	vor.u32 v24, v33;
	_ =	sdelay $0x1  }
0xda: {  	v61 =	vmul.f32 v62, v61;
	_ =	sdelay $0x1  }
0xdb: {  	[tilespmem:v63+s24+$0x0] =	vst.idx.msk $0xffff, v61  }
0xdc: {  	v62 =	vld.idx.msk [tilespmem:v0+s18+$0x0], $0xffff  }
0xdd: {  	v0 =	vld.idx.msk [tilespmem:v0+s19+$0x0], $0xffff;
	_ =	sdelay $0x1  }
0xde: {  	v63 =	vadd.s32 v24, v32  }
0xdf: {  	v1 =	vor.u32 v25, v33;
	_ =	sdelay $0x1  }
0xe0: {  	v0 =	vmul.f32 v0, v62;
	_ =	sdelay $0x1  }
0xe1: {  	[tilespmem:v63+s24+$0x0] =	vst.idx.msk $0xffff, v0  }
0xe2: {  	v62 =	vld.idx.msk [tilespmem:v1+s18+$0x0], $0xffff  }
0xe3: {  	v1 =	vld.idx.msk [tilespmem:v1+s19+$0x0], $0xffff;
	_ =	sdelay $0x1  }
0xe4: {  	v63 =	vadd.s32 v25, v32  }
0xe5: {  	v2 =	vor.u32 v26, v33;
	_ =	sdelay $0x1  }
0xe6: {  	v1 =	vmul.f32 v1, v62;
	_ =	sdelay $0x1  }
0xe7: {  	[tilespmem:v63+s24+$0x0] =	vst.idx.msk $0xffff, v1  }
0xe8: {  	v62 =	vld.idx.msk [tilespmem:v2+s18+$0x0], $0xffff  }
0xe9: {  	v2 =	vld.idx.msk [tilespmem:v2+s19+$0x0], $0xffff;
	_ =	sdelay $0x1  }
0xea: {  	v63 =	vadd.s32 v26, v32  }
0xeb: {  	v3 =	vor.u32 v27, v33;
	_ =	sdelay $0x1  }
0xec: {  	v2 =	vmul.f32 v2, v62;
	_ =	sdelay $0x1  }
0xed: {  	v40 =	vadd.f32 $0.0e+00, v40;
	[tilespmem:v63+s24+$0x0] =	vst.idx.msk $0xffff, v2  }
0xee: {  	v62 =	vld.idx.msk [tilespmem:v3+s18+$0x0], $0xffff  }
0xef: {  	v40 =	vadd.f32 v41, v40;
	v3 =	vld.idx.msk [tilespmem:v3+s19+$0x0], $0xffff;
	_ =	sdelay $0x1  }
0xf0: {  	v41 =	vadd.s32 v27, v32;
	v40 =	vadd.f32 v42, v40  }
0xf1: {  	v42 =	vor.u32 v28, v33  }
0xf2: {  	v40 =	vadd.f32 v43, v40  }
0xf3: {  	v3 =	vmul.f32 v3, v62  }
0xf4: {  	v40 =	vadd.f32 v44, v40  }
0xf5: {  	[tilespmem:v41+s24+$0x0] =	vst.idx.msk $0xffff, v3  }
0xf6: {  	v40 =	vadd.f32 v45, v40;
	v41 =	vld.idx.msk [tilespmem:v42+s18+$0x0], $0xffff  }
0xf7: {  	v42 =	vld.idx.msk [tilespmem:v42+s19+$0x0], $0xffff  }
0xf8: {  	v40 =	vadd.f32 v46, v40  }
0xf9: {  	v43 =	vadd.s32 v28, v32  }
0xfa: {  	v44 =	vor.u32 v29, v33;
	v40 =	vadd.f32 v47, v40;
	_ =	sdelay $0x1  }
0xfb: {  	v40 =	vadd.f32 v48, v40;
	v41 =	vmul.f32 v42, v41;
	_ =	sdelay $0x1  }
0xfc: {  	v40 =	vadd.f32 v49, v40;
	[tilespmem:v43+s24+$0x0] =	vst.idx.msk $0xffff, v41  }
0xfd: {  	v42 =	vld.idx.msk [tilespmem:v44+s18+$0x0], $0xffff  }
0xfe: {  	v40 =	vadd.f32 v50, v40;
	v43 =	vld.idx.msk [tilespmem:v44+s19+$0x0], $0xffff;
	_ =	sdelay $0x1  }
0xff: {  	v40 =	vadd.f32 v51, v40;
	v44 =	vadd.s32 v29, v32  }
0x100: {  	v34 =	vsub.f32 v34, v35;
	v45 =	vor.u32 v31, v33  }
0x101: {  	v35 =	vsub.f32 v36, v38;
	v36 =	vadd.f32 v52, v40  }
0x102: {  	v38 =	vmul.f32 v43, v42  }
0x103: {  	v37 =	vsub.f32 v37, v39;
	v36 =	vadd.f32 v53, v36  }
0x104: {  	v46 =	vmul.f32 v34, v34;
	v47 =	vmul.f32 v35, v35;
	[tilespmem:v44+s24+$0x0] =	vst.idx.msk $0xffff, v38  }
0x105: {  	v36 =	vadd.f32 v54, v36;
	v42 =	vld.idx.msk [tilespmem:v45+s18+$0x0], $0xffff  }
0x106: {  	v39 =	vadd.f32 v47, v46;
	v46 =	vmul.f32 v37, v37;
	v43 =	vld.idx.msk [tilespmem:v45+s19+$0x0], $0xffff  }
0x107: {  	v36 =	vadd.f32 v55, v36  }
0x108: {  	v39 =	vadd.f32 v46, v39;
	v40 =	vadd.s32 v31, v32  }
0x109: {  	v36 =	vadd.f32 v56, v36;
	v44 =	vor.u32 v21, v33  }
0x10a: {  	v39 =	vadd.f32 $9.999999960e-13, v39  }
0x10b: {  	v36 =	vadd.f32 v57, v36;
	v42 =	vmul.f32 v43, v42  }
0x10c: {  	v47 =	vshrl.u32 v39, $0x1;
	v39 =	vmul.f32 $5.000000000e-01, v39  }
0x10d: {  	v36 =	vadd.f32 v58, v36;
	v43 =	vsub.s32 $0x5F3759DF, v47;
	[tilespmem:v40+s24+$0x0] =	vst.idx.msk $0xffff, v42  }
0x10e: {  	v40 =	vmul.f32 v43, v39;
	v45 =	vld.idx.msk [tilespmem:v44+s18+$0x0], $0xffff  }
0x10f: {  	v36 =	vadd.f32 v59, v36;
	v44 =	vld.idx.msk [tilespmem:v44+s19+$0x0], $0xffff  }
0x110: {  	v40 =	vmul.f32 v43, v40  }
0x111: {  	v46 =	vadd.s32 v21, v32;
	v36 =	vadd.f32 v60, v36  }
0x112: {  	v47 =	vor.u32 v22, v33;
	v40 =	vsub.f32 $1.500000000e+00, v40  }
0x113: {  	v36 =	vadd.f32 v61, v36  }
0x114: {  	v40 =	vmul.f32 v43, v40;
	v43 =	vmul.f32 v44, v45  }
0x115: {  	v0 =	vadd.f32 v0, v36  }
0x116: {  	v44 =	vmul.f32 v40, v39;
	[tilespmem:v46+s24+$0x0] =	vst.idx.msk $0xffff, v43  }
0x117: {  	v0 =	vadd.f32 v1, v0;
	v1 =	vld.idx.msk [tilespmem:v47+s19+$0x0], $0xffff  }
0x118: {  	v36 =	vmul.f32 v44, v40;
	v44 =	vld.idx.msk [tilespmem:v47+s18+$0x0], $0xffff  }
0x119: {  	v0 =	vadd.f32 v2, v0  }
0x11a: {  	v2 =	vadd.s32 v22, v32;
	v36 =	vsub.f32 $1.500000000e+00, v36  }
0x11b: {  	v0 =	vadd.f32 v3, v0;
	v33 =	vor.u32 v23, v33  }
0x11c: {  	v36 =	vmul.f32 v36, v40  }
0x11d: {  	v0 =	vadd.f32 v41, v0;
	v1 =	vmul.f32 v1, v44  }
0x11e: {  	v3 =	vmul.f32 v36, v39  }
0x11f: {  	v0 =	vadd.f32 v38, v0;
	[tilespmem:v2+s24+$0x0] =	vst.idx.msk $0xffff, v1  }
0x120: {  	v39 =	vmul.f32 v3, v36;
	v3 =	vld.idx.msk [tilespmem:v33+s18+$0x0], $0xffff  }
0x121: {  	v0 =	vadd.f32 v42, v0;
	v33 =	vld.idx.msk [tilespmem:v33+s19+$0x0], $0xffff  }
0x122: {  	v2 =	vsub.f32 $1.500000000e+00, v39  }
0x123: {  	v0 =	vadd.f32 v43, v0  }
0x124: {  	v2 =	vmul.f32 v2, v36  }
0x125: {  	v0 =	vadd.f32 v1, v0  }
0x126: {  	v41 =	vmul.f32 v33, v3;
	v3 =	vadd.s32 v23, v32;
	v2 =	vmul.f32 $1.732050780e+00, v2  }
0x127: {  	v42 =	vadd.s32 $0x20, v32  }
0x128: {  	v43 =	vadd.s32 $0x21, v32;
	v0 =	vadd.f32 v41, v0;
	v34 =	vmul.f32 v2, v34  }
0x129: {  	p0 =	sne.s32 s8, $0x70;
	v48 =	vmov v5;
	v32 =	vadd.s32 $0x22, v32;
	v35 =	vmul.f32 v2, v35  }
.Ltmp0:
0x12a: {  	v49 =	vmovc v6;
	v50 =	vmovc v7;
	v51 =	vmov v8;
	v2 =	vmul.f32 v2, v37;
	v34 =	vmul.f32 v0, v34;
	(pc) =	sbr.rel @p0 .LBB2_3-.Ltmp0, $4  }
0x12b: {  	v52 =	vmovc v9;
	v53 =	vmov v10;
	v54 =	vmov v11;
	[tilespmem:v3+s24+$0x0] =	vst.idx.msk $0xffff, v41;
	v44 =	vmul.f32 v0, v35  }
0x12c: {  	v55 =	vmovc v12;
	v56 =	vmov v13;
	v57 =	vmov v14;
	v0 =	vmul.f32 v0, v2;
	[tilespmem:v42+s24+$0x0] =	vst.idx.msk $0xffff, v34  }
0x12d: {  	v58 =	vmovc v15;
	v59 =	vmovc v16;
	v60 =	vmov v17;
	v61 =	vmov v18;
	v63 =	vmov v20;
	[tilespmem:v43+s24+$0x0] =	vst.idx.msk $0xffff, v44  }
0x12e: {  	s28 =	sadd.s32 $0x10, s28;
	s31 =	sadd.s32 $0x10, s31;
	s8 =	sadd.s32 $0x10, s8;
	v62 =	vmovc v19;
	v45 =	vlaneseq.u32;
	v46 =	vmovc v22;
	v47 =	vmov v4;
	v40 =	vmov v23;
	[tilespmem:v32+s24+$0x0] =	vst.idx.msk $0xffff, v0  }
0x12f: {  	s8 =	sand.u32 $0x3FFFFF00, s1  }
0x130: {  	s8 =	sadd.s32 $0x1400, s8  }
0x131: {  	[spmem:s3] =	stream.indirect.scatter.add.f32 [tilespmem:s24], [sflag:$0x3], $0x30, s8, s21, $0xb8;
	[tilespmem:$0x17000] =	vst v63  }
0x132: {  	_ =	swait.ge [sflag:s14], $0x1800  }
0x133: {  	[sflag:s14] =	ssyncset.done $0x0  }
0x134: {  	[sflag:s14] =	ssyncadd.s32 $0xFFFFE800  }
0x135: {  	_ =	swait.ge [sflag:s25], $0x1000  }
0x136: {  	[sflag:s25] =	ssyncset.done $0x0  }
0x137: {  	[sflag:s25] =	ssyncadd.s32 $0xFFFFF000  }
0x138: {  	p0 =	seq.s32 s2, $0x13;
	_ =	swait.ge [sflag:s25], $0x1000  }
0x139: {  	s1 =	sadd.s32 @!p0 $0x100, s1;
	[sflag:s25] =	ssyncset.done $0x0  }
0x13a: {  	s28 =	simm.s32 @!p0 $0xA000;
	s8 =	simm.s32 @!p0 $0x80;
	[sflag:s25] =	ssyncadd.s32 $0xFFFFF000  }
0x13b: {  	[tilespmem:s28], [sflag:$0x1] =	stream.indirect.gather @!p0 [hbm4b:s6+s8], $0x20, s1, s8, $0xb8;
	[tilespmem:$0x17000] =	vst v63  }
0x13c: {  	s1 =	sadd.s32 @!p0 s5, s1  }
0x13d: {  	s1 =	sshll.u32 @!p0 s1, $0x2  }
0x13e: {  	s1 =	sand.u32 @!p0 $0x1FFFFC00, s1  }
0x13f: {  	s8 =	simm.s32 @!p0 $0x0;
	s28 =	simm.s32 @!p0 $0xB000;
	s1 =	sadd.s32 @!p0 s7, s1  }
0x140: {  	[tilespmem:s28], [sflag:$0x1] =	stream.linear.gather @!p0 [hbm4b:s1+s8], $0x1000, $0x38;
	[tilespmem:$0x17000] =	vst v63  }
0x141: {  	s1 =	simm.s32 $0x0;
	s8 =	smov.u32 s30;
	s28 =	smov.u32 s29  }
.LBB2_5:
0x142: {  	v0 =	vld [tilespmem:s28+$0x0]  }
0x143: {  	v1 =	vld [tilespmem:s8+$0x0];
	v2 =	vor.u32 s1, v45  }
0x144: {  	v33 =	vshll.u32 v2, $0x5  }
0x145: {  	v3 =	vor.u32 v45, v33;
	_ =	sdelay $0x1  }
0x146: {  	v0 =	vmul.u32 $0x3, v0  }
0x147: {  	v1 =	vmul.u32 $0x3, v1;
	_ =	sdelay $0x1  }
0x148: {  	v37 =	vadd.s32 $0x1, v1;
	v39 =	vld.idx.msk [tilespmem:v3+s22+$0x0], $0xffff  }
0x149: {  	v32 =	vmul.u32 $0x30, v2;
	v40 =	vadd.s32 $0x2, v0;
	v3 =	vld.idx.msk [tilespmem:v3+s23+$0x0], $0xffff  }
0x14a: {  	v36 =	vadd.s32 $0x1, v0  }
0x14b: {  	v45 =	vor.u32 v45, v32;
	v44 =	vadd.s32 $0x2, v1;
	v34 =	vld.idx.msk [tilespmem:v0+s15+$0x0], $0xffff  }
0x14c: {  	v46 =	vor.u32 v47, v33;
	v35 =	vld.idx.msk [tilespmem:v1+s15+$0x0], $0xffff  }
0x14d: {  	v38 =	vld.idx.msk [tilespmem:v37+s15+$0x0], $0xffff  }
0x14e: {  	v37 =	vld.idx.msk [tilespmem:v40+s15+$0x0], $0xffff;
	v40 =	vmul.f32 v3, v39  }
0x14f: {  	v36 =	vld.idx.msk [tilespmem:v36+s15+$0x0], $0xffff  }
0x150: {  	v39 =	vld.idx.msk [tilespmem:v44+s15+$0x0], $0xffff;
	[tilespmem:v45+s24+$0x0] =	vst.idx.msk $0xffff, v40  }
0x151: {  	v44 =	vld.idx.msk [tilespmem:v46+s22+$0x0], $0xffff  }
0x152: {  	v1 =	vld.idx.msk [tilespmem:v46+s23+$0x0], $0xffff;
	_ =	sdelay $0x1  }
0x153: {  	v45 =	vadd.s32 v47, v32  }
0x154: {  	v3 =	vor.u32 v48, v33;
	_ =	sdelay $0x1  }
0x155: {  	v41 =	vmul.f32 v1, v44;
	_ =	sdelay $0x1  }
0x156: {  	[tilespmem:v45+s24+$0x0] =	vst.idx.msk $0xffff, v41  }
0x157: {  	v46 =	vld.idx.msk [tilespmem:v3+s22+$0x0], $0xffff  }
0x158: {  	v47 =	vld.idx.msk [tilespmem:v3+s23+$0x0], $0xffff;
	_ =	sdelay $0x1  }
0x159: {  	v48 =	vadd.s32 v48, v32  }
0x15a: {  	v3 =	vor.u32 v49, v33;
	_ =	sdelay $0x1  }
0x15b: {  	v42 =	vmul.f32 v47, v46;
	_ =	sdelay $0x1  }
0x15c: {  	[tilespmem:v48+s24+$0x0] =	vst.idx.msk $0xffff, v42  }
0x15d: {  	v45 =	vld.idx.msk [tilespmem:v3+s22+$0x0], $0xffff  }
0x15e: {  	v46 =	vld.idx.msk [tilespmem:v3+s23+$0x0], $0xffff;
	_ =	sdelay $0x1  }
0x15f: {  	v47 =	vadd.s32 v49, v32  }
0x160: {  	v3 =	vor.u32 v50, v33;
	_ =	sdelay $0x1  }
0x161: {  	v43 =	vmul.f32 v46, v45;
	_ =	sdelay $0x1  }
0x162: {  	[tilespmem:v47+s24+$0x0] =	vst.idx.msk $0xffff, v43  }
0x163: {  	v48 =	vld.idx.msk [tilespmem:v3+s22+$0x0], $0xffff  }
0x164: {  	v49 =	vld.idx.msk [tilespmem:v3+s23+$0x0], $0xffff;
	_ =	sdelay $0x1  }
0x165: {  	v50 =	vadd.s32 v50, v32  }
0x166: {  	v3 =	vor.u32 v51, v33;
	_ =	sdelay $0x1  }
0x167: {  	v44 =	vmul.f32 v49, v48;
	_ =	sdelay $0x1  }
0x168: {  	[tilespmem:v50+s24+$0x0] =	vst.idx.msk $0xffff, v44  }
0x169: {  	v45 =	vld.idx.msk [tilespmem:v3+s22+$0x0], $0xffff  }
0x16a: {  	v46 =	vld.idx.msk [tilespmem:v3+s23+$0x0], $0xffff;
	_ =	sdelay $0x1  }
0x16b: {  	v47 =	vadd.s32 v51, v32  }
0x16c: {  	v3 =	vor.u32 v52, v33;
	_ =	sdelay $0x1  }
0x16d: {  	v0 =	vmul.f32 v46, v45;
	_ =	sdelay $0x1  }
0x16e: {  	[tilespmem:v47+s24+$0x0] =	vst.idx.msk $0xffff, v0  }
0x16f: {  	v48 =	vld.idx.msk [tilespmem:v3+s22+$0x0], $0xffff  }
0x170: {  	v2 =	vld.idx.msk [tilespmem:v3+s23+$0x0], $0xffff;
	_ =	sdelay $0x1  }
0x171: {  	v3 =	vadd.s32 v52, v32  }
0x172: {  	v49 =	vor.u32 v53, v33;
	_ =	sdelay $0x1  }
0x173: {  	v1 =	vmul.f32 v2, v48;
	_ =	sdelay $0x1  }
0x174: {  	[tilespmem:v3+s24+$0x0] =	vst.idx.msk $0xffff, v1  }
0x175: {  	v50 =	vld.idx.msk [tilespmem:v49+s22+$0x0], $0xffff  }
0x176: {  	v3 =	vld.idx.msk [tilespmem:v49+s23+$0x0], $0xffff;
	_ =	sdelay $0x1  }
0x177: {  	v51 =	vadd.s32 v53, v32  }
0x178: {  	v46 =	vor.u32 v54, v33;
	_ =	sdelay $0x1  }
0x179: {  	v2 =	vmul.f32 v3, v50;
	_ =	sdelay $0x1  }
0x17a: {  	[tilespmem:v51+s24+$0x0] =	vst.idx.msk $0xffff, v2  }
0x17b: {  	v3 =	vld.idx.msk [tilespmem:v46+s22+$0x0], $0xffff  }
0x17c: {  	v45 =	vld.idx.msk [tilespmem:v46+s23+$0x0], $0xffff;
	_ =	sdelay $0x1  }
0x17d: {  	v52 =	vadd.s32 v54, v32  }
0x17e: {  	v53 =	vor.u32 v55, v33;
	_ =	sdelay $0x1  }
0x17f: {  	v3 =	vmul.f32 v45, v3;
	_ =	sdelay $0x1  }
0x180: {  	[tilespmem:v52+s24+$0x0] =	vst.idx.msk $0xffff, v3  }
0x181: {  	v54 =	vld.idx.msk [tilespmem:v53+s22+$0x0], $0xffff  }
0x182: {  	v46 =	vld.idx.msk [tilespmem:v53+s23+$0x0], $0xffff;
	_ =	sdelay $0x1  }
0x183: {  	v55 =	vadd.s32 v55, v32  }
0x184: {  	v52 =	vor.u32 v56, v33;
	_ =	sdelay $0x1  }
0x185: {  	v45 =	vmul.f32 v46, v54;
	_ =	sdelay $0x1  }
0x186: {  	[tilespmem:v55+s24+$0x0] =	vst.idx.msk $0xffff, v45  }
0x187: {  	v53 =	vld.idx.msk [tilespmem:v52+s22+$0x0], $0xffff  }
0x188: {  	v47 =	vld.idx.msk [tilespmem:v52+s23+$0x0], $0xffff;
	_ =	sdelay $0x1  }
0x189: {  	v54 =	vadd.s32 v56, v32  }
0x18a: {  	v55 =	vor.u32 v57, v33;
	_ =	sdelay $0x1  }
0x18b: {  	v46 =	vmul.f32 v47, v53;
	_ =	sdelay $0x1  }
0x18c: {  	[tilespmem:v54+s24+$0x0] =	vst.idx.msk $0xffff, v46  }
0x18d: {  	v56 =	vld.idx.msk [tilespmem:v55+s22+$0x0], $0xffff  }
0x18e: {  	v48 =	vld.idx.msk [tilespmem:v55+s23+$0x0], $0xffff;
	_ =	sdelay $0x1  }
0x18f: {  	v52 =	vadd.s32 v57, v32  }
0x190: {  	v53 =	vor.u32 v58, v33;
	_ =	sdelay $0x1  }
0x191: {  	v47 =	vmul.f32 v48, v56;
	_ =	sdelay $0x1  }
0x192: {  	[tilespmem:v52+s24+$0x0] =	vst.idx.msk $0xffff, v47  }
0x193: {  	v54 =	vld.idx.msk [tilespmem:v53+s22+$0x0], $0xffff  }
0x194: {  	v49 =	vld.idx.msk [tilespmem:v53+s23+$0x0], $0xffff;
	_ =	sdelay $0x1  }
0x195: {  	v55 =	vadd.s32 v58, v32  }
0x196: {  	v56 =	vor.u32 v59, v33;
	_ =	sdelay $0x1  }
0x197: {  	v48 =	vmul.f32 v49, v54;
	_ =	sdelay $0x1  }
0x198: {  	[tilespmem:v55+s24+$0x0] =	vst.idx.msk $0xffff, v48  }
0x199: {  	v57 =	vld.idx.msk [tilespmem:v56+s22+$0x0], $0xffff  }
0x19a: {  	v50 =	vld.idx.msk [tilespmem:v56+s23+$0x0], $0xffff;
	_ =	sdelay $0x1  }
0x19b: {  	v58 =	vadd.s32 v59, v32  }
0x19c: {  	v59 =	vor.u32 v60, v33;
	_ =	sdelay $0x1  }
0x19d: {  	v49 =	vmul.f32 v50, v57;
	_ =	sdelay $0x1  }
0x19e: {  	[tilespmem:v58+s24+$0x0] =	vst.idx.msk $0xffff, v49  }
0x19f: {  	v56 =	vld.idx.msk [tilespmem:v59+s22+$0x0], $0xffff  }
0x1a0: {  	v51 =	vld.idx.msk [tilespmem:v59+s23+$0x0], $0xffff;
	_ =	sdelay $0x1  }
0x1a1: {  	v57 =	vadd.s32 v60, v32  }
0x1a2: {  	v58 =	vor.u32 v61, v33;
	_ =	sdelay $0x1  }
0x1a3: {  	v50 =	vmul.f32 v51, v56;
	_ =	sdelay $0x1  }
0x1a4: {  	[tilespmem:v57+s24+$0x0] =	vst.idx.msk $0xffff, v50  }
0x1a5: {  	v59 =	vld.idx.msk [tilespmem:v58+s22+$0x0], $0xffff  }
0x1a6: {  	v52 =	vld.idx.msk [tilespmem:v58+s23+$0x0], $0xffff;
	_ =	sdelay $0x1  }
0x1a7: {  	v60 =	vadd.s32 v61, v32  }
0x1a8: {  	v61 =	vor.u32 v30, v33;
	_ =	sdelay $0x1  }
0x1a9: {  	v51 =	vmul.f32 v52, v59;
	_ =	sdelay $0x1  }
0x1aa: {  	[tilespmem:v60+s24+$0x0] =	vst.idx.msk $0xffff, v51  }
0x1ab: {  	v57 =	vld.idx.msk [tilespmem:v61+s22+$0x0], $0xffff  }
0x1ac: {  	v53 =	vld.idx.msk [tilespmem:v61+s23+$0x0], $0xffff;
	_ =	sdelay $0x1  }
0x1ad: {  	v58 =	vadd.s32 v30, v32  }
0x1ae: {  	v59 =	vor.u32 v62, v33;
	_ =	sdelay $0x1  }
0x1af: {  	v52 =	vmul.f32 v53, v57;
	_ =	sdelay $0x1  }
0x1b0: {  	v61 =	vld [tilespmem:$0x1FF40];
	[tilespmem:v58+s24+$0x0] =	vst.idx.msk $0xffff, v52  }
0x1b1: {  	v53 =	vld.idx.msk [tilespmem:v59+s22+$0x0], $0xffff  }
0x1b2: {  	v54 =	vld.idx.msk [tilespmem:v59+s23+$0x0], $0xffff;
	_ =	sdelay $0x1  }
0x1b3: {  	v60 =	vadd.s32 v62, v32  }
0x1b4: {  	v62 =	vor.u32 v61, v33;
	_ =	sdelay $0x1  }
0x1b5: {  	v53 =	vmul.f32 v54, v53;
	_ =	sdelay $0x1  }
0x1b6: {  	[tilespmem:v60+s24+$0x0] =	vst.idx.msk $0xffff, v53;
	v60 =	vadd.s32 v61, v32;
	v61 =	vld [tilespmem:$0x1FF50]  }
0x1b7: {  	v54 =	vld.idx.msk [tilespmem:v62+s22+$0x0], $0xffff  }
0x1b8: {  	v55 =	vld.idx.msk [tilespmem:v62+s23+$0x0], $0xffff;
	_ =	sdelay $0x2  }
0x1b9: {  	v62 =	vor.u32 v61, v33;
	_ =	sdelay $0x1  }
0x1ba: {  	v54 =	vmul.f32 v55, v54;
	_ =	sdelay $0x1  }
0x1bb: {  	[tilespmem:v60+s24+$0x0] =	vst.idx.msk $0xffff, v54  }
0x1bc: {  	v60 =	vld.idx.msk [tilespmem:v62+s22+$0x0], $0xffff  }
0x1bd: {  	v56 =	vld.idx.msk [tilespmem:v62+s23+$0x0], $0xffff;
	_ =	sdelay $0x1  }
0x1be: {  	v61 =	vadd.s32 v61, v32  }
0x1bf: {  	v62 =	vor.u32 v63, v33;
	_ =	sdelay $0x1  }
0x1c0: {  	v55 =	vmul.f32 v56, v60;
	_ =	sdelay $0x1  }
0x1c1: {  	v60 =	vld [tilespmem:$0x1FF60];
	[tilespmem:v61+s24+$0x0] =	vst.idx.msk $0xffff, v55  }
0x1c2: {  	v56 =	vld.idx.msk [tilespmem:v62+s22+$0x0], $0xffff  }
0x1c3: {  	v57 =	vld.idx.msk [tilespmem:v62+s23+$0x0], $0xffff;
	_ =	sdelay $0x1  }
0x1c4: {  	v58 =	vadd.s32 v63, v32  }
0x1c5: {  	v63 =	vor.u32 v60, v33;
	_ =	sdelay $0x1  }
0x1c6: {  	v56 =	vmul.f32 v57, v56;
	_ =	sdelay $0x1  }
0x1c7: {  	[tilespmem:v58+s24+$0x0] =	vst.idx.msk $0xffff, v56  }
0x1c8: {  	v57 =	vld.idx.msk [tilespmem:v63+s22+$0x0], $0xffff  }
0x1c9: {  	v58 =	vld.idx.msk [tilespmem:v63+s23+$0x0], $0xffff;
	_ =	sdelay $0x1  }
0x1ca: {  	v59 =	vadd.s32 v60, v32  }
0x1cb: {  	v60 =	vor.u32 v24, v33;
	_ =	sdelay $0x1  }
0x1cc: {  	v57 =	vmul.f32 v58, v57;
	_ =	sdelay $0x1  }
0x1cd: {  	[tilespmem:v59+s24+$0x0] =	vst.idx.msk $0xffff, v57  }
0x1ce: {  	v58 =	vld.idx.msk [tilespmem:v60+s22+$0x0], $0xffff  }
0x1cf: {  	v59 =	vld.idx.msk [tilespmem:v60+s23+$0x0], $0xffff;
	_ =	sdelay $0x1  }
0x1d0: {  	v60 =	vadd.s32 v24, v32  }
0x1d1: {  	v61 =	vor.u32 v25, v33;
	_ =	sdelay $0x1  }
0x1d2: {  	v58 =	vmul.f32 v59, v58;
	_ =	sdelay $0x1  }
0x1d3: {  	[tilespmem:v60+s24+$0x0] =	vst.idx.msk $0xffff, v58  }
0x1d4: {  	v59 =	vld.idx.msk [tilespmem:v61+s22+$0x0], $0xffff  }
0x1d5: {  	v60 =	vld.idx.msk [tilespmem:v61+s23+$0x0], $0xffff;
	_ =	sdelay $0x1  }
0x1d6: {  	v61 =	vadd.s32 v25, v32  }
0x1d7: {  	v62 =	vor.u32 v26, v33;
	_ =	sdelay $0x1  }
0x1d8: {  	v59 =	vmul.f32 v60, v59;
	_ =	sdelay $0x1  }
0x1d9: {  	[tilespmem:v61+s24+$0x0] =	vst.idx.msk $0xffff, v59  }
0x1da: {  	v60 =	vld.idx.msk [tilespmem:v62+s22+$0x0], $0xffff  }
0x1db: {  	v61 =	vld.idx.msk [tilespmem:v62+s23+$0x0], $0xffff;
	_ =	sdelay $0x1  }
0x1dc: {  	v62 =	vadd.s32 v26, v32  }
0x1dd: {  	v63 =	vor.u32 v27, v33;
	_ =	sdelay $0x1  }
0x1de: {  	v60 =	vmul.f32 v61, v60;
	_ =	sdelay $0x1  }
0x1df: {  	[tilespmem:v62+s24+$0x0] =	vst.idx.msk $0xffff, v60  }
0x1e0: {  	v40 =	vadd.f32 $0.0e+00, v40;
	v61 =	vld.idx.msk [tilespmem:v63+s22+$0x0], $0xffff  }
0x1e1: {  	v62 =	vld.idx.msk [tilespmem:v63+s23+$0x0], $0xffff  }
0x1e2: {  	v40 =	vadd.f32 v41, v40  }
0x1e3: {  	v41 =	vadd.s32 v27, v32  }
0x1e4: {  	v40 =	vadd.f32 v42, v40;
	v42 =	vor.u32 v28, v33;
	_ =	sdelay $0x1  }
0x1e5: {  	v40 =	vadd.f32 v43, v40;
	v43 =	vmul.f32 v62, v61;
	_ =	sdelay $0x1  }
0x1e6: {  	v40 =	vadd.f32 v44, v40;
	[tilespmem:v41+s24+$0x0] =	vst.idx.msk $0xffff, v43  }
0x1e7: {  	v41 =	vld.idx.msk [tilespmem:v42+s22+$0x0], $0xffff  }
0x1e8: {  	v0 =	vadd.f32 v0, v40;
	v40 =	vld.idx.msk [tilespmem:v42+s23+$0x0], $0xffff;
	_ =	sdelay $0x1  }
0x1e9: {  	v0 =	vadd.f32 v1, v0;
	v1 =	vadd.s32 v28, v32  }
0x1ea: {  	v42 =	vor.u32 v29, v33  }
0x1eb: {  	v0 =	vadd.f32 v2, v0  }
0x1ec: {  	v2 =	vmul.f32 v40, v41  }
0x1ed: {  	v0 =	vadd.f32 v3, v0  }
0x1ee: {  	[tilespmem:v1+s24+$0x0] =	vst.idx.msk $0xffff, v2  }
0x1ef: {  	v0 =	vadd.f32 v45, v0;
	v1 =	vld.idx.msk [tilespmem:v42+s22+$0x0], $0xffff  }
0x1f0: {  	v3 =	vld.idx.msk [tilespmem:v42+s23+$0x0], $0xffff  }
0x1f1: {  	v0 =	vadd.f32 v46, v0  }
0x1f2: {  	v40 =	vadd.s32 v29, v32  }
0x1f3: {  	v0 =	vadd.f32 v47, v0;
	v41 =	vor.u32 v31, v33  }
0x1f4: {  	v34 =	vsub.f32 v34, v35;
	v35 =	vsub.f32 v36, v38  }
0x1f5: {  	v0 =	vadd.f32 v48, v0;
	v1 =	vmul.f32 v3, v1  }
0x1f6: {  	v44 =	vmul.f32 v34, v34;
	v46 =	vmul.f32 v35, v35  }
0x1f7: {  	v0 =	vadd.f32 v49, v0;
	v3 =	vsub.f32 v37, v39;
	[tilespmem:v40+s24+$0x0] =	vst.idx.msk $0xffff, v1  }
0x1f8: {  	v38 =	vld.idx.msk [tilespmem:v41+s22+$0x0], $0xffff  }
0x1f9: {  	v36 =	vadd.f32 v46, v44;
	v0 =	vadd.f32 v50, v0;
	v42 =	vmul.f32 v3, v3;
	v39 =	vld.idx.msk [tilespmem:v41+s23+$0x0], $0xffff;
	_ =	sdelay $0x1  }
0x1fa: {  	v44 =	vadd.s32 v31, v32;
	v0 =	vadd.f32 v51, v0;
	v36 =	vadd.f32 v42, v36  }
0x1fb: {  	v46 =	vor.u32 v21, v33  }
0x1fc: {  	v0 =	vadd.f32 v52, v0;
	v36 =	vadd.f32 $9.999999960e-13, v36  }
0x1fd: {  	v38 =	vmul.f32 v39, v38  }
0x1fe: {  	v0 =	vadd.f32 v53, v0;
	v42 =	vshrl.u32 v36, $0x1;
	v36 =	vmul.f32 $5.000000000e-01, v36  }
0x1ff: {  	v39 =	vsub.s32 $0x5F3759DF, v42;
	[tilespmem:v44+s24+$0x0] =	vst.idx.msk $0xffff, v38  }
0x200: {  	v0 =	vadd.f32 v54, v0;
	v44 =	vmul.f32 v39, v36;
	v41 =	vld.idx.msk [tilespmem:v46+s22+$0x0], $0xffff  }
0x201: {  	v40 =	vld.idx.msk [tilespmem:v46+s23+$0x0], $0xffff  }
0x202: {  	v0 =	vadd.f32 v55, v0;
	v37 =	vmul.f32 v39, v44  }
0x203: {  	v42 =	vadd.s32 v21, v32  }
0x204: {  	v0 =	vadd.f32 v56, v0;
	v44 =	vor.u32 v22, v33;
	v37 =	vsub.f32 $1.500000000e+00, v37;
	_ =	sdelay $0x1  }
0x205: {  	v0 =	vadd.f32 v57, v0;
	v37 =	vmul.f32 v39, v37;
	v39 =	vmul.f32 v40, v41;
	_ =	sdelay $0x1  }
0x206: {  	v0 =	vadd.f32 v58, v0;
	v46 =	vmul.f32 v37, v36;
	[tilespmem:v42+s24+$0x0] =	vst.idx.msk $0xffff, v39  }
0x207: {  	v41 =	vld.idx.msk [tilespmem:v44+s22+$0x0], $0xffff  }
0x208: {  	v0 =	vadd.f32 v59, v0;
	v42 =	vld.idx.msk [tilespmem:v44+s23+$0x0], $0xffff;
	v40 =	vmul.f32 v46, v37;
	_ =	sdelay $0x1  }
0x209: {  	v0 =	vadd.f32 v60, v0;
	v44 =	vadd.s32 v22, v32;
	v40 =	vsub.f32 $1.500000000e+00, v40  }
0x20a: {  	v33 =	vor.u32 v23, v33  }
0x20b: {  	v0 =	vadd.f32 v43, v0;
	v37 =	vmul.f32 v40, v37  }
0x20c: {  	v46 =	vmul.f32 v42, v41  }
0x20d: {  	v0 =	vadd.f32 v2, v0;
	v36 =	vmul.f32 v37, v36  }
0x20e: {  	[tilespmem:v44+s24+$0x0] =	vst.idx.msk $0xffff, v46  }
0x20f: {  	v0 =	vadd.f32 v1, v0;
	v41 =	vld.idx.msk [tilespmem:v33+s22+$0x0], $0xffff;
	v36 =	vmul.f32 v36, v37  }
0x210: {  	v33 =	vld.idx.msk [tilespmem:v33+s23+$0x0], $0xffff  }
0x211: {  	v0 =	vadd.f32 v38, v0;
	v2 =	vsub.f32 $1.500000000e+00, v36;
	_ =	sdelay $0x1  }
0x212: {  	v0 =	vadd.f32 v39, v0;
	v2 =	vmul.f32 v2, v37  }
0x213: {  	v42 =	vadd.s32 v23, v32  }
0x214: {  	v0 =	vadd.f32 v46, v0;
	v1 =	vmul.f32 v33, v41;
	v2 =	vmul.f32 $1.732050780e+00, v2  }
0x215: {  	v43 =	vadd.s32 $0x20, v32  }
0x216: {  	v44 =	vadd.s32 $0x21, v32;
	v0 =	vadd.f32 v1, v0;
	v34 =	vmul.f32 v2, v34  }
0x217: {  	p0 =	sne.s32 s1, $0x70;
	v32 =	vadd.s32 $0x22, v32;
	v35 =	vmul.f32 v2, v35  }
.Ltmp1:
0x218: {  	v47 =	vmov v4;
	v2 =	vmul.f32 v2, v3;
	v3 =	vmul.f32 v0, v34;
	(pc) =	sbr.rel @p0 .LBB2_5-.Ltmp1, $4  }
0x219: {  	v48 =	vmovc v5;
	v49 =	vmov v6;
	v50 =	vmov v7;
	[tilespmem:v42+s24+$0x0] =	vst.idx.msk $0xffff, v1;
	v46 =	vmul.f32 v0, v35  }
0x21a: {  	v45 =	vlaneseq.u32;
	v51 =	vmovc v8;
	v52 =	vmovc v9;
	v53 =	vmov v10;
	v0 =	vmul.f32 v0, v2;
	[tilespmem:v43+s24+$0x0] =	vst.idx.msk $0xffff, v3  }
0x21b: {  	v54 =	vmovc v11;
	v55 =	vmovc v12;
	v56 =	vmov v13;
	v57 =	vmov v14;
	v58 =	vmov v15;
	[tilespmem:v44+s24+$0x0] =	vst.idx.msk $0xffff, v46  }
0x21c: {  	s28 =	sadd.s32 $0x10, s28;
	s8 =	sadd.s32 $0x10, s8;
	s1 =	sadd.s32 $0x10, s1;
	v59 =	vmovc v16;
	v63 =	vmovc v20;
	v60 =	vmov v17;
	v62 =	vmov v19;
	v61 =	vmov v18;
	[tilespmem:v32+s24+$0x0] =	vst.idx.msk $0xffff, v0  }
0x21d: {  	s2 =	sadd.s32 $0x1, s2  }
0x21e: {  	p0 =	sne.s32 s2, $0x14  }
.Ltmp2:
0x21f: {  	s0 =	sadd.s32 $0x1400, s0;
	(pc) =	sbr.rel @p0 .LBB2_2-.Ltmp2, $4  }
0x220: {  	[spmem:s3] =	stream.indirect.scatter.add.f32 [tilespmem:s24], [sflag:$0x3], $0x30, s0, s21, $0xb8;
	[tilespmem:$0x17000] =	vst v63  }
0x221: {  	_ =	swait.ge [sflag:s14], $0x1800  }
0x222: {  	s10 =	sadd.s32 $0x100, s10;
	s9 =	sadd.s32 $0x100, s9;
	[sflag:s14] =	ssyncset.done $0x0  }
0x223: {  	v46 =	vmov v22;
	v40 =	vmov v23;
	s29 =	sadd.s32 $0x100, s29;
	s30 =	sadd.s32 $0x100, s30;
	[sflag:s14] =	ssyncadd.s32 $0xFFFFE800  }
0x224: {  	s26 =	sadd.s32 $0x1, s26  }
0x225: {  	p0 =	sne.s32 s26, s13  }
.Ltmp3:
0x226: {  	[bflag:$0x0] =	sbarrier.arrive $0xFFFF;
	(pc) =	sbr.rel @p0 .LBB2_1-.Ltmp3, $4  }
0x227: {  	[hbm:s12], [sflag:s16] =	dma.local [spmem:s17], $0xF00  }
0x228: {  	_ =	swait.ge [sflag:s14], $0xF00  }
0x229: {  	[sflag:s14] =	ssyncset.done $0x0  }
0x22a: {  	[sflag:s14] =	ssyncadd.s32 $0xFFFFF100  }
0x22b: {  	_ =	sfence.sel $0x180000  }
0x22c: {  	[bflag:$0x0] =	sbarrier.arrive $0xFFFF  }
0x22d: {  	_ =	strace $0x9000004A  }
0x22e: {  	s0 =	stileid.u32;
	[bflag:$0x2] =	sbarrier.arrive $0xFFFF  }
0x22f: {  	p0 =	sne.s32 s0, $0x0;
	s0 =	rddreg [dreg:$0x3]  }
0x230: {  	s0 =	sadd.s32 @!p0 $0x100000, s0  }
0x231: {  	[sflag:s0] =	ssyncadd.tile.s32 @!p0 $0x1;
	_ =	shalt  }
.Lfunc_end2:
_tile_overlayer_lowered:
.L_overlay_start_2:
0x232: {  	(tag) =	ssettag $0x2  }
0x233: {  	s0 =	rddreg [dreg:$0x0];
	s2 =	stileid.u32  }
0x234: {  	s1 =	rddreg [dreg:$0x1];
	p0 =	sne.s32 s2, $0x0  }
0x235: {  	s3 =	rddreg [dreg:$0x2];
	[bflag:$0x3] =	sbarrier.arrive $0xFFFF;
	s2 =	simm.s32 @!p0 $0x1C03  }
0x236: {  	[timem:s3], [sflag:s2] =	dma.local @!p0 [hbm:s0], s1  }
0x237: {  	s0 =	simm.s32 @!p0 $0x3  }
0x238: {  	_ =	swait.ge @!p0 [sflag:s0], s1  }
0x239: {  	s1 =	ssub.s32 @!p0 $0x0, s1;
	[sflag:s0] =	ssyncset.done @!p0 $0x0  }
0x23a: {  	[sflag:s0] =	ssyncadd.s32 @!p0 s1  }
0x23b: {  	[bflag:$0x3] =	sbarrier.arrive $0xFFFF  }
0x23c: {  	_ =	shalt  }

// kernel: kernel.16.cloned.1.call-start
scs
__scs_entry_jumppad:
0x0: {  	(pc) =	sbr.rel $0x88, $3  }
0x1: {  	(tag) =	ssettag $0x0;
	lr =	simm.s32 $0x1  }
0x2: {  	[smem:$0x3F89] =	sst lr;
	_ =	strace $0xD0000000  }
0x3: {  	_ = 	snop  }
0x4: {  	_ = 	snop  }
0x5: {  	_ = 	snop  }
0x6: {  	_ = 	snop  }
0x7: {  	_ = 	snop  }
__scs_overlays_trampoline_lowered:
0x8: {  	[smem:$0x3F98] =	sst s0  }
0x9: {  	[smem:$0x3F99] =	sst s1  }
0xa: {  	[smem:$0x3F9A] =	sst s2  }
0xb: {  	[smem:$0x3F9B] =	sst s3  }
0xc: {  	[smem:$0x3F9C] =	sst s4  }
0xd: {  	[smem:$0x3F9D] =	sst s5  }
0xe: {  	[smem:$0x3F9E] =	sst s6  }
0xf: {  	[smem:$0x3F9F] =	sst s7  }
0x10: {  	[smem:$0x3FA0] =	sst s8  }
0x11: {  	[smem:$0x3FA1] =	sst s9;
	s0 =	simm.s32 @!p0 $0x0  }
0x12: {  	s1 =	sld [smem:$0x3F87];
	s0 =	simm.s32 @p0 $0x1  }
0x13: {  	[smem:$0x3FA2] =	sst s0;
	s0 =	simm.s32 @!p1 $0x0  }
0x14: {  	s2 =	sld [smem:$0x3F86];
	s0 =	simm.s32 @p1 $0x1  }
0x15: {  	[smem:$0x3FA3] =	sst s0;
	s0 =	simm.s32 @!p2 $0x0  }
0x16: {  	s3 =	sld [smem:$0x3FDB];
	s0 =	simm.s32 @p2 $0x1  }
0x17: {  	s4 =	simm.s32 $0x1BF5;
	[smem:$0x3FA5] =	sst s0  }
0x18: {  	s0 =	sld [smem:$0x3F88];
	_ =	swait.ge [sflag:s4], $0x0  }
0x19: {  	s7 =	sld [smem:$0x3F89]  }
0x1a: {  	s8 =	sadd.s32 $0xFFFFE003, lr  }
0x1b: {  	s9 =	sadd.s32 $0xFFFFFEF7, lr;
	s5 =	simm.s32 $0xFFFFFFFF;
	p2 =	slt.u32 s8, $0xFFFFF086  }
0x1c: {  	p1 =	slt.u32 s9, $0xF7A;
	s5 =	simm.s32 @!p2 $0x0  }
0x1d: {  	s5 =	simm.s32 @p1 $0x1;
	p0 =	seq.s32 s7, s2  }
0x1e: {  	s7 =	smul.u32 @!p0 $0xF7A, s2;
	p2 =	seq.s32 @!p0 s5, $0x0  }
0x1f: {  	s9 =	smul.u32 $0xF7A, s1;
	s8 =	simm.s32 @!p0 $0x1BF5;
	p2 =	por !p2, p0  }
0x20: {  	[sflag:s8] =	ssyncset.s32 @!p0 $0xFFFFF086;
	s6 =	sadd.s32 @!p0 s3, s7;
	s7 =	simm.s32 @!p0 $0x108  }
0x21: {  	s3 =	sadd.s32 s3, s9;
	s6 =	sadd.s32 @!p0 $0x88, s6;
	s7 =	simm.s32 @p2 $0x1082  }
0x22: {  	[simem:s7], [sflag:s8] =	dma.local @!p0 [hbm:s6], $0xF7A  }
0x23: {  	s9 =	sor.u32 $0xD0000000, s2;
	s6 =	simm.s32 $0x108;
	_ =	swait.ge @!p0 [sflag:s8], $0x0  }
0x24: {  	s3 =	sadd.s32 $0x88, s3;
	s6 =	simm.s32 @!p1 $0x1082;
	[sflag:s4] =	ssyncset.s32 $0xFFFFF086  }
0x25: {  	[simem:s6], [sflag:s4] =	dma.local [hbm:s3], $0xF7A  }
0x26: {  	[smem:$0x3F89] =	sst s1;
	(tag) =	ssettag s2;
	_ =	strace s9  }
0x27: {  	s1 =	sld [smem:$0x3F99]  }
0x28: {  	s2 =	sld [smem:$0x3F9A]  }
0x29: {  	s4 =	sld [smem:$0x3F9C]  }
0x2a: {  	p0 =	seq.s32 s5, $0x0;
	s5 =	sld [smem:$0x3F9D]  }
0x2b: {  	s6 =	sld [smem:$0x3F9E]  }
0x2c: {  	s7 =	sld [smem:$0x3F9F]  }
0x2d: {  	s3 =	simm.s32 $0x108;
	s8 =	sld [smem:$0x3FA0]  }
0x2e: {  	s3 =	simm.s32 @!p0 $0x1082;
	s9 =	sld [smem:$0x3FA1]  }
0x2f: {  	lr =	sadd.s32 s0, s3;
	s0 =	sld [smem:$0x3F98]  }
0x30: {  	s3 =	sld [smem:$0x3F9B]  }
0x31: {  	[smem:$0x3FA4] =	sst s10  }
0x32: {  	s10 =	sld [smem:$0x3FA2];
	_ =	sdelay $0x3  }
0x33: {  	p0 =	seq.s32 s10, $0x1;
	s10 =	sld [smem:$0x3FA4];
	_ =	sdelay $0x3  }
0x34: {  	[smem:$0x3FA4] =	sst s10  }
0x35: {  	s10 =	sld [smem:$0x3FA3];
	_ =	sdelay $0x3  }
0x36: {  	p1 =	seq.s32 s10, $0x1;
	s10 =	sld [smem:$0x3FA4];
	_ =	sdelay $0x3  }
0x37: {  	[smem:$0x3FA4] =	sst s10  }
0x38: {  	s10 =	sld [smem:$0x3FA5]  }
0x39: {  	_ = 	snop;
	(pc) =	sbr.ind lr, $3  }
0x3a: {  	_ = 	snop  }
0x3b: {  	_ = 	snop  }
0x3c: {  	p2 =	seq.s32 s10, $0x1;
	s10 =	sld [smem:$0x3FA4]  }
0x3d: {  	_ =	shalt  }
0x3e: {  	_ =	shalt  }
0x3f: {  	_ =	shalt  }
0x40: {  	_ =	shalt  }
0x41: {  	_ =	shalt  }
0x42: {  	_ =	shalt  }
0x43: {  	_ =	shalt  }
0x44: {  	_ =	shalt  }
0x45: {  	_ =	shalt  }
0x46: {  	_ =	shalt  }
0x47: {  	_ =	shalt  }
0x48: {  	_ =	shalt  }
0x49: {  	_ =	shalt  }
0x4a: {  	_ =	shalt  }
0x4b: {  	_ =	shalt  }
0x4c: {  	_ =	shalt  }
0x4d: {  	_ =	shalt  }
0x4e: {  	_ =	shalt  }
0x4f: {  	_ =	shalt  }
0x50: {  	_ =	shalt  }
0x51: {  	_ =	shalt  }
0x52: {  	_ =	shalt  }
0x53: {  	_ =	shalt  }
0x54: {  	_ =	shalt  }
0x55: {  	_ =	shalt  }
0x56: {  	_ =	shalt  }
0x57: {  	_ =	shalt  }
0x58: {  	_ =	shalt  }
0x59: {  	_ =	shalt  }
0x5a: {  	_ =	shalt  }
0x5b: {  	_ =	shalt  }
0x5c: {  	_ =	shalt  }
0x5d: {  	_ =	shalt  }
0x5e: {  	_ =	shalt  }
0x5f: {  	_ =	shalt  }
0x60: {  	_ =	shalt  }
0x61: {  	_ =	shalt  }
0x62: {  	_ =	shalt  }
0x63: {  	_ =	shalt  }
0x64: {  	_ =	shalt  }
0x65: {  	_ =	shalt  }
0x66: {  	_ =	shalt  }
0x67: {  	_ =	shalt  }
0x68: {  	_ =	shalt  }
0x69: {  	_ =	shalt  }
0x6a: {  	_ =	shalt  }
0x6b: {  	_ =	shalt  }
0x6c: {  	_ =	shalt  }
0x6d: {  	_ =	shalt  }
0x6e: {  	_ =	shalt  }
0x6f: {  	_ =	shalt  }
0x70: {  	_ =	shalt  }
0x71: {  	_ =	shalt  }
0x72: {  	_ =	shalt  }
0x73: {  	_ =	shalt  }
0x74: {  	_ =	shalt  }
0x75: {  	_ =	shalt  }
0x76: {  	_ =	shalt  }
0x77: {  	_ =	shalt  }
0x78: {  	_ =	shalt  }
0x79: {  	_ =	shalt  }
0x7a: {  	_ =	shalt  }
0x7b: {  	_ =	shalt  }
0x7c: {  	_ =	shalt  }
0x7d: {  	_ =	shalt  }
0x7e: {  	_ =	shalt  }
0x7f: {  	_ =	shalt  }
0x80: {  	_ =	shalt  }
0x81: {  	_ =	shalt  }
0x82: {  	_ =	shalt  }
0x83: {  	_ =	shalt  }
0x84: {  	_ =	shalt  }
0x85: {  	_ =	shalt  }
0x86: {  	_ =	shalt  }
0x87: {  	_ =	shalt  }
.Lfunc_end0:
.L_simem_size_0:
called_computation.2_lowered:
.L_overlay_start_0:
0x88: {  	s2 =	sld [smem:$0x3FD9]  }
0x89: {  	s3 =	sld [smem:$0x3FFE];
	_ =	sdelay $0x1  }
0x8a: {  	s1 =	srdreg.scid  }
0x8b: {  	s0 =	sand.u32 $0x1, s1  }
0x8c: {  	s17 =	sshll.u32 s0, $0xA;
	s2 =	sadd.s32 s3, s2  }
0x8d: {  	s2 =	sadd.s32 s2, s17  }
0x8e: {  	[smem:$0x3FB0] =	sst s2  }
0x8f: {  	_ = 	snop  }
0x90: {  	s2 =	sld [smem:$0x3FD0];
	(tm) =	ssettm $0x1  }
0x91: {  	s18 =	sld [smem:$0x3FFB];
	_ =	sdelay $0x3  }
0x92: {  	_ =	strace s18  }
0x93: {  	s3 =	sld [smem:$0x3FFC];
	_ =	sdelay $0x3  }
0x94: {  	_ =	strace s3  }
0x95: {  	s3 =	sld [smem:$0x3FFD];
	_ =	sdelay $0x3  }
0x96: {  	_ =	strace s3  }
0x97: {  	_ =	strace $0x8FFFFFFF  }
0x98: {  	s19 =	sld [smem:$0x3FDB];
	_ =	sdelay $0x1  }
0x99: {  	s4 =	simm.s32 $_scs_section_size  }
0x9a: {  	s5 =	simm.s32 $_size__tile_overlayer_lowered;
	s6 =	simm.s32 $_tile_overlayer_lowered  }
0x9b: {  	s22 =	simm.s32 $0x1BFF;
	s21 =	sshll.u32 s6, $0x1;
	s3 =	sadd.s32 s4, s19  }
0x9c: {  	s7 =	simm.s32 $0x0;
	s20 =	sshll.u32 s5, $0x1;
	s5 =	sadd.s32 s21, s3  }
0x9d: {  	[timem:s7], [sflag:s22] =	dma.local [hbm:s5], s20  }
0x9e: {  	_ =	swait.ge [sflag:s22], s20  }
0x9f: {  	s4 =	ssub.s32 $0x0, s20;
	[sflag:s22] =	ssyncset.done $0x0  }
0xa0: {  	[sflag:s22] =	ssyncadd.s32 s4;
	_ =	sdelay $0x1  }
0xa1: {  	s23 =	simm.s32 $0x1B8B  }
0xa2: {  	_ =	swait.ge [sflag:s23], $0x1  }
0xa3: {  	[sflag:s23] =	ssyncset.done $0x0  }
0xa4: {  	s25 =	simm.s32 $0x1B8E;
	s24 =	sld [smem:$0x3FFE];
	[sflag:s23] =	ssyncadd.s32 $0xFFFFFFFF  }
0xa5: {  	s26 =	simm.s32 $execute0_lowered;
	[smem:$0x3FD2] =	sst s25  }
0xa6: {  	s5 =	sshll.u32 s26, $0x1;
	_ =	strace $0x8000004C;
	[dreg:$0x1] =	wrdreg $0xFFFFFFFF  }
0xa7: {  	s28 =	simm.s32 $_size_execute0_lowered;
	s3 =	sadd.s32 s3, s5;
	[dreg:$0x0] =	wrdreg $0x0  }
0xa8: {  	s5 =	sshll.u32 s28, $0x1;
	[dreg:$0x2] =	wrdreg s3  }
0xa9: {  	[dreg:$0x3] =	wrdreg s5  }
0xaa: {  	[dreg:$0x4] =	wrdreg $0xC0  }
0xab: {  	_ =	task [dreg:s7], $0x5FFFF  }
0xac: {  	[dreg:$0x1] =	wrdreg $0xFFFFFFFF  }
0xad: {  	[dreg:$0x0] =	wrdreg $0x60  }
0xae: {  	[dreg:$0x2] =	wrdreg s24  }
0xaf: {  	[dreg:$0x3] =	wrdreg s2  }
0xb0: {  	[dreg:$0x4] =	wrdreg $0x9  }
0xb1: {  	_ =	task.clear_ibuf [dreg:s7], $0x5FFFF;
	_ =	strace $0x9000004C  }
0xb2: {  	s29 =	simm.s32 $0x9;
	_ =	strace $0x8000004E  }
0xb3: {  	_ =	swait.ge [sflag:s29], $0x1  }
0xb4: {  	[sflag:s29] =	ssyncadd.s32 $0xFFFFFFFF  }
0xb5: {  	_ =	strace $0x9000004E  }
0xb6: {  	_ =	sfence  }
0xb7: {  	s30 =	sld [smem:$0x0];
	_ =	sdelay $0x2  }
0xb8: {  	s31 =	sshll.u32 s1, $0xD;
	s1 =	sshrl.u32 s1, $0x2  }
0xb9: {  	s3 =	sand.u32 $0x4000, s31;
	s1 =	sadd.s32 s1, s30  }
0xba: {  	s0 =	sor.u32 s3, s0;
	s1 =	sshll.u32 s1, $0x11  }
0xbb: {  	s0 =	sor.u32 s1, s0  }
0xbc: {  	s0 =	sadd.s32 $0x8F2B, s0  }
0xbd: {  	[sflag:s0] =	ssyncadd.remote.s32 $0x1  }
0xbe: {  	_ =	sfence.sel $0xFFFF  }
0xbf: {  	[dreg:$0x0] =	wrdreg $0xFFFFFFFF;
	(pc) =	sbr.abs _section_cstart, $3  }
0xc0: {  	[dreg:$0x1] =	wrdreg $0xFFFFFFFF  }
0xc1: {  	_ =	task.clear_ibuf [dreg:s7], $0x2FFFF;
	_ =	strace $0x9FFFFFFF  }
0xc2: {  	(tm) =	ssettm $0x7FFFFFFF  }
0xc3: {  	_ =	shalt  }
tec
execute0_lowered:
.L_overlay_start_1:
0x0: {  	(tag) =	ssettag $0x1  }
0x1: {  	s1 =	srdreg.scid  }
0x2: {  	s0 =	stileid.u32;
	s4 =	rddreg [dreg:$0x0]  }
0x3: {  	s2 =	rddreg [dreg:$0x1];
	s3 =	simm.s32 $0x0;
	s8 =	simm.s32 $0x1  }
0x4: {  	s9 =	simm.s32 $0x2800;
	s5 =	sand.u32 $0x1, s1;
	s30 =	sshll.u32 s0, $0x1  }
0x5: {  	s10 =	simm.s32 $0xA000;
	s6 =	sor.u32 s5, s30;
	s5 =	ssub.s32 $0x2, s5  }
0x6: {  	s1 =	rddreg [dreg:$0x2];
	s6 =	smul.u32 $0x280, s6;
	s31 =	sshrl.u32 s5, $0x1  }
0x7: {  	s11 =	simm.s32 $0x0;
	[smem:$0x7FF] =	sst s3;
	s7 =	ssub.s32 s5, s31  }
0x8: {  	_ =	strace $0x8000004D;
	s6 =	sadd.s32 s6, s4;
	s7 =	smax.u32 s7, $0x1  }
0x9: {  	s4 =	sadd.s32 $0x30400, s6;
	s5 =	sadd.s32 $0x2B400, s6;
	s6 =	sadd.s32 $0x35400, s6  }
.LBB2_1:
0xa: {  	[tilespmem:s3], [sflag:$0x1] =	stream.linear.gather [hbm4b:s4+s3], $0x1400, $0x38;
	[tilespmem:$0xB400] =	vst v63  }
0xb: {  	_ =	swait.ge [sflag:s8], $0x1400  }
0xc: {  	[sflag:s8] =	ssyncset.done $0x0  }
0xd: {  	s12 =	simm.s32 $0x1400;
	[sflag:s8] =	ssyncadd.s32 $0xFFFFEC00  }
0xe: {  	[tilespmem:s12], [sflag:$0x1] =	stream.linear.gather [hbm4b:s5+s3], $0x1400, $0x38;
	[tilespmem:$0xB400] =	vst v63  }
0xf: {  	_ =	swait.ge [sflag:s8], $0x1400  }
0x10: {  	[sflag:s8] =	ssyncset.done $0x0  }
0x11: {  	[sflag:s8] =	ssyncadd.s32 $0xFFFFEC00  }
0x12: {  	[tilespmem:s9], [sflag:$0x1] =	stream.linear.gather [hbm4b:s2+s3], $0x7800, $0x38;
	[tilespmem:$0xB400] =	vst v63  }
0x13: {  	_ =	swait.ge [sflag:s8], $0x7800  }
0x14: {  	s13 =	simm.s32 $0xA000;
	[sflag:s8] =	ssyncset.done $0x0  }
0x15: {  	s14 =	simm.s32 $0x0;
	s15 =	simm.s32 $0x0;
	[sflag:s8] =	ssyncadd.s32 $0xFFFF8800  }
.LBB2_2:
0x16: {  	v1 =	vmov s14  }
0x17: {  	v2 =	vmov s12;
	_ =	sdelay $0x2  }
0x18: {  	s16 =	simm.s32 $0x0  }
0x19: {  	v0 =	vmov s13;
	s17 =	simm.s32 $0x40;
	v3 =	vld.idx.msk [tilespmem:v1+s16+$0x0 ss:$0x1], $0xffff  }
.LBB2_3:
0x1a: {  	p0 =	sne.s32 s17, $0x1C0;
	v4 =	vld.idx.msk [tilespmem:v2+s16+$0x0 ss:$0x1], $0xffff;
	_ =	sdelay $0x3  }
0x1b: {  	v3 =	vmul.u32 $0x3, v3;
	_ =	sdelay $0x1  }
0x1c: {  	v4 =	vmul.u32 $0x3, v4;
	v5 =	vadd.s32 $0x1, v3;
	_ =	sdelay $0x1  }
0x1d: {  	v6 =	vadd.s32 $0x1, v4  }
0x1e: {  	v7 =	vadd.s32 $0x2, v3  }
0x1f: {  	v8 =	vadd.s32 $0x2, v4;
	v3 =	vld.idx.msk [tilespmem:v3+s9+$0x0], $0xffff  }
0x20: {  	v5 =	vld.idx.msk [tilespmem:v5+s9+$0x0], $0xffff  }
0x21: {  	v4 =	vld.idx.msk [tilespmem:v4+s9+$0x0], $0xffff  }
0x22: {  	v6 =	vld.idx.msk [tilespmem:v6+s9+$0x0], $0xffff  }
0x23: {  	v7 =	vld.idx.msk [tilespmem:v7+s9+$0x0], $0xffff  }
0x24: {  	v8 =	vld.idx.msk [tilespmem:v8+s9+$0x0], $0xffff;
	_ =	sdelay $0x3  }
0x25: {  	v3 =	vsub.f32 v4, v3;
	v4 =	vsub.f32 v6, v5;
	_ =	sdelay $0x1  }
0x26: {  	v3 =	vmul.f32 v3, v3;
	v5 =	vsub.f32 v8, v7;
	v4 =	vmul.f32 v4, v4;
	_ =	sdelay $0x1  }
0x27: {  	v3 =	vadd.f32 v4, v3;
	v4 =	vmul.f32 v5, v5;
	_ =	sdelay $0x1  }
0x28: {  	v3 =	vadd.f32 v4, v3;
	_ =	sdelay $0x1  }
0x29: {  	v3 =	vadd.f32 $9.999999960e-13, v3;
	_ =	sdelay $0x1  }
0x2a: {  	v4 =	vshrl.u32 v3, $0x1;
	v5 =	vmul.f32 $5.000000000e-01, v3  }
0x2b: {  	v4 =	vsub.s32 $0x5F3759DF, v4  }
0x2c: {  	v6 =	vmul.f32 v4, v5;
	_ =	sdelay $0x1  }
0x2d: {  	v6 =	vmul.f32 v4, v6;
	_ =	sdelay $0x1  }
0x2e: {  	v6 =	vsub.f32 $1.500000000e+00, v6;
	_ =	sdelay $0x1  }
0x2f: {  	v4 =	vmul.f32 v4, v6;
	_ =	sdelay $0x1  }
0x30: {  	v6 =	vmul.f32 v4, v5;
	_ =	sdelay $0x1  }
0x31: {  	v6 =	vmul.f32 v6, v4;
	_ =	sdelay $0x1  }
0x32: {  	v6 =	vsub.f32 $1.500000000e+00, v6;
	_ =	sdelay $0x1  }
0x33: {  	v4 =	vmul.f32 v6, v4;
	_ =	sdelay $0x1  }
0x34: {  	v5 =	vmul.f32 v4, v5;
	_ =	sdelay $0x1  }
0x35: {  	v5 =	vmul.f32 v5, v4;
	_ =	sdelay $0x1  }
0x36: {  	v5 =	vsub.f32 $1.500000000e+00, v5;
	_ =	sdelay $0x1  }
0x37: {  	v4 =	vmul.f32 v5, v4;
	_ =	sdelay $0x1  }
.Ltmp0:
0x38: {  	v3 =	vmul.f32 v4, v3;
	(pc) =	sbr.rel @p0 .LBB2_3-.Ltmp0, $4  }
0x39: {  	_ = 	snop  }
0x3a: {  	[tilespmem:v0+s16+$0x0 ss:$0x1] =	vst.idx.msk $0xffff, v3;
	s16 =	sshra.s32 s17, $0x2  }
0x3b: {  	v3 =	vld.idx.msk [tilespmem:v1+s16+$0x0 ss:$0x1], $0xffff  }
0x3c: {  	s17 =	sadd.s32 $0x40, s17  }
0x3d: {  	_ =	sdelay $0x3  }
0x3e: {  	v1 =	vld.idx.msk [tilespmem:v2+s16+$0x0 ss:$0x1], $0xffff;
	_ =	sdelay $0x2  }
0x3f: {  	v57 =	vmul.u32 $0x3, v3;
	_ =	sdelay $0x1  }
0x40: {  	v1 =	vmul.u32 $0x3, v1;
	v3 =	vadd.s32 $0x1, v57;
	_ =	sdelay $0x1  }
0x41: {  	v4 =	vadd.s32 $0x1, v1  }
0x42: {  	v5 =	vadd.s32 $0x2, v57  }
0x43: {  	v6 =	vadd.s32 $0x2, v1;
	v2 =	vld.idx.msk [tilespmem:v57+s9+$0x0], $0xffff  }
0x44: {  	v3 =	vld.idx.msk [tilespmem:v3+s9+$0x0], $0xffff  }
0x45: {  	v1 =	vld.idx.msk [tilespmem:v1+s9+$0x0], $0xffff  }
0x46: {  	v4 =	vld.idx.msk [tilespmem:v4+s9+$0x0], $0xffff  }
0x47: {  	v5 =	vld.idx.msk [tilespmem:v5+s9+$0x0], $0xffff  }
0x48: {  	v6 =	vld.idx.msk [tilespmem:v6+s9+$0x0], $0xffff;
	_ =	sdelay $0x2  }
0x49: {  	v1 =	vsub.f32 v1, v2;
	v58 =	vsub.f32 v4, v3;
	_ =	sdelay $0x1  }
0x4a: {  	v59 =	vsub.f32 v6, v5;
	v1 =	vmul.f32 v1, v1;
	v2 =	vmul.f32 v58, v58;
	_ =	sdelay $0x1  }
0x4b: {  	v60 =	vmul.f32 v59, v59;
	v1 =	vadd.f32 v2, v1;
	_ =	sdelay $0x1  }
0x4c: {  	v1 =	vadd.f32 v60, v1;
	_ =	sdelay $0x1  }
0x4d: {  	v1 =	vadd.f32 $9.999999960e-13, v1;
	_ =	sdelay $0x1  }
0x4e: {  	v61 =	vshrl.u32 v1, $0x1;
	v62 =	vmul.f32 $5.000000000e-01, v1  }
0x4f: {  	v2 =	vsub.s32 $0x5F3759DF, v61  }
0x50: {  	v63 =	vmul.f32 v2, v62;
	_ =	sdelay $0x1  }
0x51: {  	v4 =	vmul.f32 v2, v63;
	_ =	sdelay $0x1  }
0x52: {  	v4 =	vsub.f32 $1.500000000e+00, v4;
	_ =	sdelay $0x1  }
0x53: {  	v2 =	vmul.f32 v2, v4;
	_ =	sdelay $0x1  }
0x54: {  	v4 =	vmul.f32 v2, v62;
	_ =	sdelay $0x1  }
0x55: {  	v4 =	vmul.f32 v4, v2;
	_ =	sdelay $0x1  }
0x56: {  	v4 =	vsub.f32 $1.500000000e+00, v4;
	_ =	sdelay $0x1  }
0x57: {  	v2 =	vmul.f32 v4, v2;
	_ =	sdelay $0x1  }
0x58: {  	v3 =	vmul.f32 v2, v62;
	_ =	sdelay $0x1  }
0x59: {  	v3 =	vmul.f32 v3, v2;
	_ =	sdelay $0x1  }
0x5a: {  	s15 =	sadd.s32 $0x1, s15;
	v3 =	vsub.f32 $1.500000000e+00, v3  }
0x5b: {  	p0 =	sne.s32 s15, $0x28  }
.Ltmp1:
0x5c: {  	v2 =	vmul.f32 v3, v2;
	(pc) =	sbr.rel @p0 .LBB2_2-.Ltmp1, $3  }
0x5d: {  	_ = 	snop  }
0x5e: {  	v1 =	vmul.f32 v2, v1;
	_ =	sdelay $0x1  }
0x5f: {  	s12 =	sadd.s32 $0x80, s12;
	s14 =	sadd.s32 $0x80, s14;
	s13 =	sadd.s32 $0x80, s13;
	[tilespmem:v0+s16+$0x0 ss:$0x1] =	vst.idx.msk $0xffff, v1  }
0x60: {  	s11 =	sadd.s32 $0x1, s11  }
0x61: {  	p0 =	sne.s32 s11, s7  }
.Ltmp2:
0x62: {  	_ = 	snop;
	(pc) =	sbr.rel @p0 .LBB2_1-.Ltmp2, $4  }
0x63: {  	[hbm4b:s6+s3] =	stream.linear.scatter [tilespmem:s10], [sflag:$0x1], $0x1400, $0x38;
	[tilespmem:$0xB400] =	vst v63  }
0x64: {  	_ =	swait.ge [sflag:s8], $0x1400  }
0x65: {  	[sflag:s8] =	ssyncset.done $0x0  }
0x66: {  	[sflag:s8] =	ssyncadd.s32 $0xFFFFEC00  }
0x67: {  	_ =	sfence.sel $0x180000  }
0x68: {  	[bflag:$0x0] =	sbarrier.arrive $0xFFFF  }
0x69: {  	p0 =	sne.s32 s0, $0x0;
	_ =	strace $0x9000004D  }
0x6a: {  	s0 =	sadd.s32 @!p0 $0x100000, s1;
	[bflag:$0x2] =	sbarrier.arrive $0xFFFF  }
0x6b: {  	[sflag:s0] =	ssyncadd.tile.s32 @!p0 $0x1;
	_ =	shalt  }
.Lfunc_end2:
_tile_overlayer_lowered:
.L_overlay_start_2:
0x6c: {  	(tag) =	ssettag $0x2  }
0x6d: {  	s0 =	rddreg [dreg:$0x0];
	s2 =	stileid.u32  }
0x6e: {  	s1 =	rddreg [dreg:$0x1];
	p0 =	sne.s32 s2, $0x0  }
0x6f: {  	s3 =	rddreg [dreg:$0x2];
	[bflag:$0x3] =	sbarrier.arrive $0xFFFF;
	s2 =	simm.s32 @!p0 $0x1C01  }
0x70: {  	[timem:s3], [sflag:s2] =	dma.local @!p0 [hbm:s0], s1  }
0x71: {  	s0 =	simm.s32 @!p0 $0x1  }
0x72: {  	_ =	swait.ge @!p0 [sflag:s0], s1  }
0x73: {  	s1 =	ssub.s32 @!p0 $0x0, s1;
	[sflag:s0] =	ssyncset.done @!p0 $0x0  }
0x74: {  	[sflag:s0] =	ssyncadd.s32 @!p0 s1  }
0x75: {  	[bflag:$0x3] =	sbarrier.arrive $0xFFFF  }
0x76: {  	_ =	shalt  }

// kernel: kernel.19.cloned.1.call-start
scs
__scs_entry_jumppad:
0x0: {  	(pc) =	sbr.rel $0x88, $3  }
0x1: {  	(tag) =	ssettag $0x0;
	lr =	simm.s32 $0x1  }
0x2: {  	[smem:$0x3F89] =	sst lr;
	_ =	strace $0xD0000000  }
0x3: {  	_ = 	snop  }
0x4: {  	_ = 	snop  }
0x5: {  	_ = 	snop  }
0x6: {  	_ = 	snop  }
0x7: {  	_ = 	snop  }
__scs_overlays_trampoline_lowered:
0x8: {  	[smem:$0x3F98] =	sst s0  }
0x9: {  	[smem:$0x3F99] =	sst s1  }
0xa: {  	[smem:$0x3F9A] =	sst s2  }
0xb: {  	[smem:$0x3F9B] =	sst s3  }
0xc: {  	[smem:$0x3F9C] =	sst s4  }
0xd: {  	[smem:$0x3F9D] =	sst s5  }
0xe: {  	[smem:$0x3F9E] =	sst s6  }
0xf: {  	[smem:$0x3F9F] =	sst s7  }
0x10: {  	[smem:$0x3FA0] =	sst s8  }
0x11: {  	[smem:$0x3FA1] =	sst s9;
	s0 =	simm.s32 @!p0 $0x0  }
0x12: {  	s1 =	sld [smem:$0x3F87];
	s0 =	simm.s32 @p0 $0x1  }
0x13: {  	[smem:$0x3FA2] =	sst s0;
	s0 =	simm.s32 @!p1 $0x0  }
0x14: {  	s2 =	sld [smem:$0x3F86];
	s0 =	simm.s32 @p1 $0x1  }
0x15: {  	[smem:$0x3FA3] =	sst s0;
	s0 =	simm.s32 @!p2 $0x0  }
0x16: {  	s3 =	sld [smem:$0x3FDB];
	s0 =	simm.s32 @p2 $0x1  }
0x17: {  	s4 =	simm.s32 $0x1BF5;
	[smem:$0x3FA5] =	sst s0  }
0x18: {  	s0 =	sld [smem:$0x3F88];
	_ =	swait.ge [sflag:s4], $0x0  }
0x19: {  	s7 =	sld [smem:$0x3F89]  }
0x1a: {  	s8 =	sadd.s32 $0xFFFFE003, lr  }
0x1b: {  	s9 =	sadd.s32 $0xFFFFFEF7, lr;
	s5 =	simm.s32 $0xFFFFFFFF;
	p2 =	slt.u32 s8, $0xFFFFF086  }
0x1c: {  	p1 =	slt.u32 s9, $0xF7A;
	s5 =	simm.s32 @!p2 $0x0  }
0x1d: {  	s5 =	simm.s32 @p1 $0x1;
	p0 =	seq.s32 s7, s2  }
0x1e: {  	s7 =	smul.u32 @!p0 $0xF7A, s2;
	p2 =	seq.s32 @!p0 s5, $0x0  }
0x1f: {  	s9 =	smul.u32 $0xF7A, s1;
	s8 =	simm.s32 @!p0 $0x1BF5;
	p2 =	por !p2, p0  }
0x20: {  	[sflag:s8] =	ssyncset.s32 @!p0 $0xFFFFF086;
	s6 =	sadd.s32 @!p0 s3, s7;
	s7 =	simm.s32 @!p0 $0x108  }
0x21: {  	s3 =	sadd.s32 s3, s9;
	s6 =	sadd.s32 @!p0 $0x88, s6;
	s7 =	simm.s32 @p2 $0x1082  }
0x22: {  	[simem:s7], [sflag:s8] =	dma.local @!p0 [hbm:s6], $0xF7A  }
0x23: {  	s9 =	sor.u32 $0xD0000000, s2;
	s6 =	simm.s32 $0x108;
	_ =	swait.ge @!p0 [sflag:s8], $0x0  }
0x24: {  	s3 =	sadd.s32 $0x88, s3;
	s6 =	simm.s32 @!p1 $0x1082;
	[sflag:s4] =	ssyncset.s32 $0xFFFFF086  }
0x25: {  	[simem:s6], [sflag:s4] =	dma.local [hbm:s3], $0xF7A  }
0x26: {  	[smem:$0x3F89] =	sst s1;
	(tag) =	ssettag s2;
	_ =	strace s9  }
0x27: {  	s1 =	sld [smem:$0x3F99]  }
0x28: {  	s2 =	sld [smem:$0x3F9A]  }
0x29: {  	s4 =	sld [smem:$0x3F9C]  }
0x2a: {  	p0 =	seq.s32 s5, $0x0;
	s5 =	sld [smem:$0x3F9D]  }
0x2b: {  	s6 =	sld [smem:$0x3F9E]  }
0x2c: {  	s7 =	sld [smem:$0x3F9F]  }
0x2d: {  	s3 =	simm.s32 $0x108;
	s8 =	sld [smem:$0x3FA0]  }
0x2e: {  	s3 =	simm.s32 @!p0 $0x1082;
	s9 =	sld [smem:$0x3FA1]  }
0x2f: {  	lr =	sadd.s32 s0, s3;
	s0 =	sld [smem:$0x3F98]  }
0x30: {  	s3 =	sld [smem:$0x3F9B]  }
0x31: {  	[smem:$0x3FA4] =	sst s10  }
0x32: {  	s10 =	sld [smem:$0x3FA2];
	_ =	sdelay $0x3  }
0x33: {  	p0 =	seq.s32 s10, $0x1;
	s10 =	sld [smem:$0x3FA4];
	_ =	sdelay $0x3  }
0x34: {  	[smem:$0x3FA4] =	sst s10  }
0x35: {  	s10 =	sld [smem:$0x3FA3];
	_ =	sdelay $0x3  }
0x36: {  	p1 =	seq.s32 s10, $0x1;
	s10 =	sld [smem:$0x3FA4];
	_ =	sdelay $0x3  }
0x37: {  	[smem:$0x3FA4] =	sst s10  }
0x38: {  	s10 =	sld [smem:$0x3FA5]  }
0x39: {  	_ = 	snop;
	(pc) =	sbr.ind lr, $3  }
0x3a: {  	_ = 	snop  }
0x3b: {  	_ = 	snop  }
0x3c: {  	p2 =	seq.s32 s10, $0x1;
	s10 =	sld [smem:$0x3FA4]  }
0x3d: {  	_ =	shalt  }
0x3e: {  	_ =	shalt  }
0x3f: {  	_ =	shalt  }
0x40: {  	_ =	shalt  }
0x41: {  	_ =	shalt  }
0x42: {  	_ =	shalt  }
0x43: {  	_ =	shalt  }
0x44: {  	_ =	shalt  }
0x45: {  	_ =	shalt  }
0x46: {  	_ =	shalt  }
0x47: {  	_ =	shalt  }
0x48: {  	_ =	shalt  }
0x49: {  	_ =	shalt  }
0x4a: {  	_ =	shalt  }
0x4b: {  	_ =	shalt  }
0x4c: {  	_ =	shalt  }
0x4d: {  	_ =	shalt  }
0x4e: {  	_ =	shalt  }
0x4f: {  	_ =	shalt  }
0x50: {  	_ =	shalt  }
0x51: {  	_ =	shalt  }
0x52: {  	_ =	shalt  }
0x53: {  	_ =	shalt  }
0x54: {  	_ =	shalt  }
0x55: {  	_ =	shalt  }
0x56: {  	_ =	shalt  }
0x57: {  	_ =	shalt  }
0x58: {  	_ =	shalt  }
0x59: {  	_ =	shalt  }
0x5a: {  	_ =	shalt  }
0x5b: {  	_ =	shalt  }
0x5c: {  	_ =	shalt  }
0x5d: {  	_ =	shalt  }
0x5e: {  	_ =	shalt  }
0x5f: {  	_ =	shalt  }
0x60: {  	_ =	shalt  }
0x61: {  	_ =	shalt  }
0x62: {  	_ =	shalt  }
0x63: {  	_ =	shalt  }
0x64: {  	_ =	shalt  }
0x65: {  	_ =	shalt  }
0x66: {  	_ =	shalt  }
0x67: {  	_ =	shalt  }
0x68: {  	_ =	shalt  }
0x69: {  	_ =	shalt  }
0x6a: {  	_ =	shalt  }
0x6b: {  	_ =	shalt  }
0x6c: {  	_ =	shalt  }
0x6d: {  	_ =	shalt  }
0x6e: {  	_ =	shalt  }
0x6f: {  	_ =	shalt  }
0x70: {  	_ =	shalt  }
0x71: {  	_ =	shalt  }
0x72: {  	_ =	shalt  }
0x73: {  	_ =	shalt  }
0x74: {  	_ =	shalt  }
0x75: {  	_ =	shalt  }
0x76: {  	_ =	shalt  }
0x77: {  	_ =	shalt  }
0x78: {  	_ =	shalt  }
0x79: {  	_ =	shalt  }
0x7a: {  	_ =	shalt  }
0x7b: {  	_ =	shalt  }
0x7c: {  	_ =	shalt  }
0x7d: {  	_ =	shalt  }
0x7e: {  	_ =	shalt  }
0x7f: {  	_ =	shalt  }
0x80: {  	_ =	shalt  }
0x81: {  	_ =	shalt  }
0x82: {  	_ =	shalt  }
0x83: {  	_ =	shalt  }
0x84: {  	_ =	shalt  }
0x85: {  	_ =	shalt  }
0x86: {  	_ =	shalt  }
0x87: {  	_ =	shalt  }
.Lfunc_end0:
.L_simem_size_0:
called_computation.3_lowered:
.L_overlay_start_0:
0x88: {  	s2 =	sld [smem:$0x3FD9]  }
0x89: {  	s3 =	sld [smem:$0x3FFE];
	_ =	sdelay $0x1  }
0x8a: {  	s1 =	srdreg.scid  }
0x8b: {  	s0 =	sand.u32 $0x1, s1  }
0x8c: {  	s17 =	sshll.u32 s0, $0xA;
	s2 =	sadd.s32 s3, s2  }
0x8d: {  	s2 =	sadd.s32 s2, s17  }
0x8e: {  	[smem:$0x3FB0] =	sst s2  }
0x8f: {  	_ = 	snop  }
0x90: {  	s2 =	sld [smem:$0x3FD0];
	(tm) =	ssettm $0x1  }
0x91: {  	s18 =	sld [smem:$0x3FFB];
	_ =	sdelay $0x3  }
0x92: {  	_ =	strace s18  }
0x93: {  	s3 =	sld [smem:$0x3FFC];
	_ =	sdelay $0x3  }
0x94: {  	_ =	strace s3  }
0x95: {  	s3 =	sld [smem:$0x3FFD];
	_ =	sdelay $0x3  }
0x96: {  	_ =	strace s3  }
0x97: {  	_ =	strace $0x8FFFFFFF  }
0x98: {  	s19 =	sld [smem:$0x3FDB];
	_ =	sdelay $0x1  }
0x99: {  	s4 =	simm.s32 $_scs_section_size  }
0x9a: {  	s5 =	simm.s32 $_size__tile_overlayer_lowered;
	s6 =	simm.s32 $_tile_overlayer_lowered  }
0x9b: {  	s22 =	simm.s32 $0x1BFF;
	s21 =	sshll.u32 s6, $0x1;
	s3 =	sadd.s32 s4, s19  }
0x9c: {  	s7 =	simm.s32 $0x0;
	s20 =	sshll.u32 s5, $0x1;
	s5 =	sadd.s32 s21, s3  }
0x9d: {  	[timem:s7], [sflag:s22] =	dma.local [hbm:s5], s20  }
0x9e: {  	_ =	swait.ge [sflag:s22], s20  }
0x9f: {  	s4 =	ssub.s32 $0x0, s20;
	[sflag:s22] =	ssyncset.done $0x0  }
0xa0: {  	[sflag:s22] =	ssyncadd.s32 s4;
	_ =	sdelay $0x1  }
0xa1: {  	s23 =	simm.s32 $0x1B8B  }
0xa2: {  	_ =	swait.ge [sflag:s23], $0x1  }
0xa3: {  	[sflag:s23] =	ssyncset.done $0x0  }
0xa4: {  	s25 =	simm.s32 $0x1B8E;
	s24 =	sld [smem:$0x3FFE];
	[sflag:s23] =	ssyncadd.s32 $0xFFFFFFFF  }
0xa5: {  	s26 =	simm.s32 $execute0_lowered;
	[smem:$0x3FD2] =	sst s25  }
0xa6: {  	s5 =	sshll.u32 s26, $0x1;
	_ =	strace $0x8000004F;
	[dreg:$0x1] =	wrdreg $0xFFFFFFFF  }
0xa7: {  	s28 =	simm.s32 $_size_execute0_lowered;
	s3 =	sadd.s32 s3, s5;
	[dreg:$0x0] =	wrdreg $0x0  }
0xa8: {  	s5 =	sshll.u32 s28, $0x1;
	[dreg:$0x2] =	wrdreg s3  }
0xa9: {  	[dreg:$0x3] =	wrdreg s5  }
0xaa: {  	[dreg:$0x4] =	wrdreg $0xC0  }
0xab: {  	_ =	task [dreg:s7], $0x5FFFF  }
0xac: {  	[dreg:$0x1] =	wrdreg $0xFFFFFFFF  }
0xad: {  	[dreg:$0x0] =	wrdreg $0x60  }
0xae: {  	[dreg:$0x2] =	wrdreg s24  }
0xaf: {  	[dreg:$0x3] =	wrdreg s2  }
0xb0: {  	[dreg:$0x4] =	wrdreg $0xF8000  }
0xb1: {  	[dreg:$0x5] =	wrdreg $0x9  }
0xb2: {  	_ =	task.clear_ibuf [dreg:s7], $0x6FFFF;
	_ =	strace $0x9000004F  }
0xb3: {  	s29 =	simm.s32 $0x9;
	_ =	strace $0x80000051  }
0xb4: {  	_ =	swait.ge [sflag:s29], $0x1  }
0xb5: {  	[sflag:s29] =	ssyncadd.s32 $0xFFFFFFFF  }
0xb6: {  	_ =	strace $0x90000051  }
0xb7: {  	_ =	sfence  }
0xb8: {  	s30 =	sld [smem:$0x0];
	_ =	sdelay $0x2  }
0xb9: {  	s31 =	sshll.u32 s1, $0xD;
	s1 =	sshrl.u32 s1, $0x2  }
0xba: {  	s3 =	sand.u32 $0x4000, s31;
	s1 =	sadd.s32 s1, s30  }
0xbb: {  	s0 =	sor.u32 s3, s0;
	s1 =	sshll.u32 s1, $0x11  }
0xbc: {  	s0 =	sor.u32 s1, s0  }
0xbd: {  	s0 =	sadd.s32 $0x8F2B, s0  }
0xbe: {  	[sflag:s0] =	ssyncadd.remote.s32 $0x1  }
0xbf: {  	_ =	sfence.sel $0xFFFF  }
0xc0: {  	[dreg:$0x0] =	wrdreg $0xFFFFFFFF;
	(pc) =	sbr.abs _section_cstart, $3  }
0xc1: {  	[dreg:$0x1] =	wrdreg $0xFFFFFFFF  }
0xc2: {  	_ =	task.clear_ibuf [dreg:s7], $0x2FFFF;
	_ =	strace $0x9FFFFFFF  }
0xc3: {  	(tm) =	ssettm $0x7FFFFFFF  }
tec
execute0_lowered:
.L_overlay_start_1:
0x0: {  	(tag) =	ssettag $0x1  }
0x1: {  	v45 =	vlaneseq.u32;
	v16 =	vimm.s32 $0x14131211  }
0x2: {  	v17 =	vimm.s32 $0x18171615;
	v18 =	vimm.s32 $0x1C1B1A19;
	v10 =	vimm.s32 $0x1F1E1D  }
0x3: {  	v11 =	vimm.s32 $0x15141312;
	v20 =	vimm.s32 $0x19181716;
	vm0 =	vcmask $0x1F10  }
0x4: {  	v21 =	vimm.s32 $0x1D1C1B1A;
	v12 =	vimm.s32 $0x1001F1E;
	v23 =	vimm.s32 $0x16151413  }
0x5: {  	v25 =	vimm.s32 $0x1A191817;
	v36 =	vimm.s32 $0x1E1D1C1B;
	v28 =	vimm.s32 $0x201001F  }
0x6: {  	v29 =	vimm.s32 $0x3020100;
	v30 =	vimm.s32 $0x1F1E1D1C;
	v31 =	vimm.s32 $0x17161514  }
0x7: {  	v32 =	vimm.s32 $0x1B1A1918;
	v39 =	vimm.s32 $0x4030201;
	v41 =	vimm.s32 $0x5040302  }
0x8: {  	v2 =	vimm.s32 $0x76543210;
	v3 =	vimm.s32 $0x87654321;
	v4 =	vimm.s32 $0x98765432  }
0x9: {  	v7 =	vimm.s32 $0xA9876543;
	v8 =	vimm.s32 $0x32107654;
	vm15 =	vcmask $0x2F10  }
0xa: {  	vm1 =	vcmask $0x3F30;
	v47 =	vadd.s32 $0x1, v45;
	v48 =	vadd.s32 $0x2, v45  }
0xb: {  	v49 =	vadd.s32 $0x3, v45;
	v50 =	vadd.s32 $0x4, v45;
	v51 =	vadd.s32 $0x5, v45  }
0xc: {  	v52 =	vadd.s32 $0x6, v45;
	v53 =	vadd.s32 $0x7, v45;
	v54 =	vadd.s32 $0x8, v45  }
0xd: {  	v55 =	vadd.s32 $0x9, v45;
	v56 =	vadd.s32 $0xA, v45;
	v57 =	vadd.s32 $0xB, v45  }
0xe: {  	v58 =	vadd.s32 $0xC, v45;
	v59 =	vadd.s32 $0xD, v45;
	v60 =	vadd.s32 $0xE, v45  }
0xf: {  	v16 =	vunpack.c.0.s8.s32 v16;
	v19 =	vunpack.c.0.s8.s32 v17;
	v18 =	vunpack.c.0.s8.s32 v18  }
0x10: {  	v26 =	vunpack.c.0.s8.s32 v10;
	v17 =	vunpack.c.0.s8.s32 v11;
	v20 =	vunpack.c.0.s8.s32 v20  }
0x11: {  	v21 =	vunpack.c.0.s8.s32 v21;
	v27 =	vunpack.c.0.s8.s32 v12;
	v13 =	vunpack.c.0.s8.s32 v23  }
0x12: {  	v14 =	vunpack.c.0.s8.s32 v25;
	v25 =	vunpack.c.0.s8.s32 v36;
	v28 =	vunpack.c.0.s8.s32 v28  }
0x13: {  	v29 =	vunpack.c.0.s8.s32 v29;
	v30 =	vunpack.c.0.s8.s32 v30;
	v31 =	vunpack.c.0.s8.s32 v31  }
0x14: {  	v32 =	vunpack.c.0.s8.s32 v32;
	v40 =	vunpack.c.0.s8.s32 v39;
	v11 =	vunpack.c.l.s4.s8 v8  }
0x15: {  	v16 =	vsel vm0, v19, v16;
	v24 =	vsel vm0, v26, v18;
	v22 =	vsel vm0, v20, v17  }
0x16: {  	v33 =	vsel vm0, v27, v21;
	v34 =	vsel vm0, v14, v13;
	v35 =	vsel vm0, v28, v25  }
0x17: {  	v37 =	vsel vm0, v29, v30;
	v38 =	vsel vm0, v32, v31;
	v36 =	vsel vm0, v18, v19  }
0x18: {  	v31 =	vunpack.c.0.s8.s32 v41;
	v29 =	vsel vm0, v40, v26;
	v21 =	vsel vm0, v21, v20  }
0x19: {  	v23 =	vsel vm0, v25, v14;
	v25 =	vunpack.c.l.s4.s8 v2;
	v6 =	vsel vm0, v30, v32  }
0x1a: {  	v32 =	vunpack.c.l.s4.s8 v7;
	v17 =	vimm.s32 $0x54329876;
	v18 =	vimm.s32 $0x6543A987  }
0x1b: {  	v19 =	vimm.s32 $0xB0A0908;
	v62 =	vcombine.low v16, v24;
	v63 =	vcombine.low v38, v37  }
0x1c: {  	s0 =	rddreg [dreg:$0x0];
	s1 =	srdreg.scid;
	v37 =	vimm.s32 $0x6050403;
	v0 =	vcombine.low v22, v33;
	v42 =	vcombine.low v34, v35  }
0x1d: {  	s15 =	stileid.u32;
	s3 =	rddreg [dreg:$0x2];
	s4 =	simm.s32 $0x0;
	v44 =	vcombine.low v36, v29;
	v29 =	vunpack.c.l.s4.s8 v3;
	v16 =	vimm.s32 $0x43218765  }
0x1e: {  	s14 =	simm.s32 $0x3;
	s18 =	simm.s32 $0xA000;
	s19 =	simm.s32 $0xB000;
	v34 =	vunpack.c.l.s4.s8 v18;
	v43 =	vunpack.c.0.s8.s32 v37;
	v31 =	vsel vm0, v31, v27  }
0x1f: {  	s20 =	simm.s32 $0x1;
	s21 =	simm.s32 $0x80;
	s22 =	simm.s32 $0xC000;
	v25 =	vunpack.c.0.s8.s32 v25;
	v14 =	vunpack.c.0.s8.s32 v32;
	v32 =	vunpack.c.l.s4.s8 v16  }
0x20: {  	s23 =	simm.s32 $0xD000;
	s24 =	simm.s32 $0xE000;
	s25 =	simm.s32 $0x2;
	v46 =	vcombine.low v21, v31;
	v31 =	vunpack.c.l.s4.s8 v4;
	v29 =	vunpack.c.0.s8.s32 v29  }
0x21: {  	s26 =	simm.s32 $0x0;
	s1 =	sand.u32 $0x1, s1;
	s2 =	sshll.u32 s15, $0x1;
	[tilespmem:$0x1FF40] =	vst v0;
	v34 =	vunpack.c.0.s8.s32 v34;
	v21 =	vimm.s32 $0xC0B0A09;
	v22 =	vsel vm0, v43, v28  }
0x22: {  	[smem:$0x7FF] =	sst s4;
	s8 =	smul.u32 $0x7800, s15;
	s7 =	sadd.s32 $0xEE400, s0;
	[tilespmem:$0x1FF50] =	vst v42;
	v9 =	vcombine.low v6, v25;
	v32 =	vunpack.c.0.s8.s32 v32;
	v25 =	vimm.s32 $0xE0D0C0B  }
0x23: {  	s31 =	sshll.u32 s15, $0x6;
	s15 =	simm.s32 $0x2800;
	s2 =	sor.u32 s1, s2;
	[tilespmem:$0x1FF60] =	vst v44;
	v40 =	vunpack.c.0.s8.s32 v21;
	v43 =	vor.u32 $0x10, v45;
	v31 =	vunpack.c.0.s8.s32 v31  }
0x24: {  	s9 =	smul.u32 $0x78000, s1;
	s1 =	ssub.s32 $0x2, s1;
	s16 =	sor.u32 $0x1C03, s31;
	[tilespmem:$0x1FF70] =	vst v46;
	v5 =	vcombine.low v23, v22;
	v10 =	vand.u32 $0xF, v29;
	v29 =	vunpack.c.0.s8.s32 v11  }
0x25: {  	s5 =	smul.u32 $0x1400, s2;
	s11 =	sshrl.u32 s8, $0x3;
	s12 =	sshrl.u32 s1, $0x1;
	v22 =	vand.u32 $0xF, v34;
	[tilespmem:$0x1FF90] =	vst v9;
	v12 =	vcombine.low v24, v10;
	v13 =	vand.u32 $0xF, v31  }
0x26: {  	s2 =	smul.u32 $0x5000, s2;
	s9 =	sadd.s32 s8, s9;
	s11 =	sadd.s32 s11, s0;
	v32 =	vand.u32 $0xF, v32;
	[tilespmem:$0x1FF80] =	vst v5;
	v15 =	vcombine.low v33, v13;
	v33 =	vunpack.c.l.s4.s8 v17  }
0x27: {  	s1 =	ssub.s32 s1, s12;
	s8 =	sadd.s32 s8, s3;
	s6 =	sshrl.u32 s5, $0x3;
	v23 =	vimm.s32 $0xD0C0B0A;
	v31 =	vand.u32 $0xF, v14;
	v32 =	vsel vm15, v32, v26;
	[tilespmem:$0x1FFA0] =	vst v12  }
0x28: {  	s9 =	sshrl.u32 s9, $0x3;
	s10 =	sadd.s32 s6, s0;
	v29 =	vand.u32 $0xF, v29;
	v46 =	vsel vm1, v40, v32;
	_ =	strace $0x80000050;
	[tilespmem:$0x1FFD0] =	vst v43;
	v33 =	vunpack.c.0.s8.s32 v33  }
0x29: {  	s30 =	sadd.s32 $0xDF400, s11;
	s11 =	sadd.s32 s7, s2;
	s28 =	sadd.s32 $0x30400, s10;
	v29 =	vsel vm15, v29, v30;
	v30 =	vunpack.c.0.s8.s32 v19;
	v42 =	vcombine.low v35, v31;
	[tilespmem:$0x1FFF0] =	vst v46  }
0x2a: {  	s13 =	smax.u32 s1, $0x1;
	s29 =	sadd.s32 $0x2B400, s10;
	v38 =	vunpack.c.0.s8.s32 v25;
	v41 =	vunpack.c.0.s8.s32 v23;
	[dreg:$0x4] =	wrdreg s28;
	[tilespmem:$0x1FFB0] =	vst v15;
	v20 =	vand.u32 $0xF, v33  }
0x2b: {  	s6 =	sadd.s32 $0x3A400, s0;
	s0 =	sadd.s32 s9, s0;
	v34 =	vsel vm15, v22, v28;
	[dreg:$0x5] =	wrdreg s29;
	[tilespmem:$0x1FFC0] =	vst v42;
	v44 =	vsel vm1, v30, v29;
	v33 =	vsel vm15, v20, v27  }
0x2c: {  	v61 =	vadd.s32 $0xF, v45;
	s17 =	sshrl.u32 s8, $0x3;
	s12 =	sadd.s32 $0x44400, s0;
	v40 =	vsel vm1, v38, v34;
	[dreg:$0x6] =	wrdreg s30;
	[tilespmem:$0x1FFE0] =	vst v44;
	v46 =	vsel vm1, v41, v33  }
.LBB2_1:
0x2d: {  	s0 =	rddreg [dreg:$0x4]  }
0x2e: {  	[tilespmem:s4], [sflag:$0x3] =	stream.linear.gather [hbm4b:s0+s4], $0x1400, $0x38;
	[tilespmem:$0x17000] =	vst v63  }
0x2f: {  	_ =	swait.ge [sflag:s14], $0x1400  }
0x30: {  	[sflag:s14] =	ssyncset.done $0x0  }
0x31: {  	s10 =	simm.s32 $0x1400;
	s9 =	rddreg [dreg:$0x5];
	[sflag:s14] =	ssyncadd.s32 $0xFFFFEC00  }
0x32: {  	[tilespmem:s10], [sflag:$0x3] =	stream.linear.gather [hbm4b:s9+s4], $0x1400, $0x38;
	[tilespmem:$0x17000] =	vst v63  }
0x33: {  	_ =	swait.ge [sflag:s14], $0x1400  }
0x34: {  	[sflag:s14] =	ssyncset.done $0x0  }
0x35: {  	[sflag:s14] =	ssyncadd.s32 $0xFFFFEC00  }
0x36: {  	s28 =	rddreg [dreg:$0x1]  }
0x37: {  	[tilespmem:s15], [sflag:$0x3] =	stream.linear.gather [hbm4b:s28+s4], $0x7800, $0x38;
	[tilespmem:$0x17000] =	vst v63  }
0x38: {  	_ =	swait.ge [sflag:s14], $0x7800  }
0x39: {  	[sflag:s14] =	ssyncset.done $0x0  }
0x3a: {  	s31 =	rddreg [dreg:$0x6];
	[sflag:s14] =	ssyncadd.s32 $0xFFFF8800  }
0x3b: {  	[spmem:s17], [sflag:s16] =	dma.local [hbm:s31], $0xF00  }
0x3c: {  	_ =	swait.ge [sflag:s14], $0xF00  }
0x3d: {  	[sflag:s14] =	ssyncset.done $0x0  }
0x3e: {  	[sflag:s14] =	ssyncadd.s32 $0xFFFFF100  }
0x3f: {  	s29 =	simm.s32 $0x1480;
	[bflag:$0x0] =	sbarrier.arrive $0xFFFF  }
0x40: {  	[tilespmem:s18], [sflag:$0x1] =	stream.indirect.gather [hbm4b:s6+s21], $0x20, s4, s21, $0xb8;
	[tilespmem:$0x17000] =	vst v63  }
0x41: {  	s30 =	simm.s32 $0x80;
	s2 =	simm.s32 $0x0;
	s9 =	simm.s32 $0x0  }
0x42: {  	[tilespmem:s19], [sflag:$0x1] =	stream.linear.gather [hbm4b:s11+s4], $0x1000, $0x38;
	[tilespmem:$0x17000] =	vst v63  }
.LBB2_2:
0x43: {  	_ =	swait.ge [sflag:s20], $0x1000  }
0x44: {  	[sflag:s20] =	ssyncset.done $0x0  }
0x45: {  	[sflag:s20] =	ssyncadd.s32 $0xFFFFF000  }
0x46: {  	_ =	swait.ge [sflag:s20], $0x1000  }
0x47: {  	s1 =	sshll.u32 s2, $0x8;
	v24 =	vld [tilespmem:$0x1FF70]  }
0x48: {  	s0 =	sor.u32 $0x80, s1;
	v25 =	vld [tilespmem:$0x1FF80]  }
0x49: {  	s8 =	sadd.s32 s5, s0;
	v26 =	vld [tilespmem:$0x1FF90]  }
0x4a: {  	s8 =	sshll.u32 s8, $0x2;
	[sflag:s20] =	ssyncset.done $0x0;
	v27 =	vld [tilespmem:$0x1FFA0]  }
0x4b: {  	s8 =	sand.u32 $0x1FFFFE00, s8;
	v28 =	vld [tilespmem:$0x1FFB0];
	[sflag:s20] =	ssyncadd.s32 $0xFFFFF000  }
0x4c: {  	v29 =	vld [tilespmem:$0x1FFC0];
	[tilespmem:s22], [sflag:$0x2] =	stream.indirect.gather [hbm4b:s6+s21], $0x20, s0, s21, $0xb8  }
0x4d: {  	v30 =	vld [tilespmem:$0x1FFD0];
	s28 =	sadd.s32 s7, s8;
	s8 =	simm.s32 $0x0  }
0x4e: {  	v31 =	vld [tilespmem:$0x1FFE0];
	[tilespmem:s23], [sflag:$0x2] =	stream.linear.gather [hbm4b:s28+s8], $0x1000, $0x38  }
0x4f: {  	s31 =	smov.u32 s9;
	v21 =	vld [tilespmem:$0x1FFF0];
	s28 =	smov.u32 s10  }
.LBB2_3:
0x50: {  	v32 =	vld [tilespmem:s28+$0x0]  }
0x51: {  	v34 =	vld [tilespmem:s31+$0x0];
	v35 =	vor.u32 s8, v45  }
0x52: {  	v33 =	vshll.u32 v35, $0x5  }
0x53: {  	v36 =	vor.u32 v45, v33;
	_ =	sdelay $0x1  }
0x54: {  	v37 =	vmul.u32 $0x3, v32  }
0x55: {  	v38 =	vmul.u32 $0x3, v34;
	_ =	sdelay $0x1  }
0x56: {  	v39 =	vadd.s32 $0x1, v37;
	v41 =	vld.idx.msk [tilespmem:v36+s18+$0x0], $0xffff  }
0x57: {  	v23 =	vmov v40;
	v32 =	vmul.u32 $0x30, v35;
	v40 =	vadd.s32 $0x1, v38;
	v43 =	vld.idx.msk [tilespmem:v36+s19+$0x0], $0xffff  }
0x58: {  	v0 =	vlaneseq.u32;
	v42 =	vadd.s32 $0x2, v37  }
0x59: {  	v44 =	vadd.s32 $0x2, v38;
	v0 =	vor.u32 v0, v32;
	v34 =	vld.idx.msk [tilespmem:v37+s15+$0x0], $0xffff  }
0x5a: {  	v1 =	vor.u32 v47, v33;
	v35 =	vld.idx.msk [tilespmem:v38+s15+$0x0], $0xffff  }
0x5b: {  	v36 =	vld.idx.msk [tilespmem:v39+s15+$0x0], $0xffff  }
0x5c: {  	v38 =	vld.idx.msk [tilespmem:v40+s15+$0x0], $0xffff;
	v40 =	vmul.f32 v43, v41  }
0x5d: {  	v37 =	vld.idx.msk [tilespmem:v42+s15+$0x0], $0xffff  }
0x5e: {  	v39 =	vld.idx.msk [tilespmem:v44+s15+$0x0], $0xffff;
	[tilespmem:v0+s24+$0x0] =	vst.idx.msk $0xffff, v40  }
0x5f: {  	v41 =	vld.idx.msk [tilespmem:v1+s18+$0x0], $0xffff  }
0x60: {  	v2 =	vld.idx.msk [tilespmem:v1+s19+$0x0], $0xffff;
	_ =	sdelay $0x1  }
0x61: {  	v0 =	vadd.s32 v47, v32  }
0x62: {  	v1 =	vor.u32 v48, v33;
	_ =	sdelay $0x1  }
0x63: {  	v41 =	vmul.f32 v2, v41;
	_ =	sdelay $0x1  }
0x64: {  	[tilespmem:v0+s24+$0x0] =	vst.idx.msk $0xffff, v41  }
0x65: {  	v2 =	vld.idx.msk [tilespmem:v1+s18+$0x0], $0xffff  }
0x66: {  	v43 =	vld.idx.msk [tilespmem:v1+s19+$0x0], $0xffff;
	_ =	sdelay $0x1  }
0x67: {  	v0 =	vadd.s32 v48, v32  }
0x68: {  	v1 =	vor.u32 v49, v33;
	_ =	sdelay $0x1  }
0x69: {  	v42 =	vmul.f32 v43, v2;
	_ =	sdelay $0x1  }
0x6a: {  	[tilespmem:v0+s24+$0x0] =	vst.idx.msk $0xffff, v42  }
0x6b: {  	v2 =	vld.idx.msk [tilespmem:v1+s18+$0x0], $0xffff  }
0x6c: {  	v44 =	vld.idx.msk [tilespmem:v1+s19+$0x0], $0xffff;
	_ =	sdelay $0x1  }
0x6d: {  	v0 =	vadd.s32 v49, v32  }
0x6e: {  	v1 =	vor.u32 v50, v33;
	_ =	sdelay $0x1  }
0x6f: {  	v43 =	vmul.f32 v44, v2;
	_ =	sdelay $0x1  }
0x70: {  	[tilespmem:v0+s24+$0x0] =	vst.idx.msk $0xffff, v43  }
0x71: {  	v2 =	vld.idx.msk [tilespmem:v1+s18+$0x0], $0xffff  }
0x72: {  	v45 =	vld.idx.msk [tilespmem:v1+s19+$0x0], $0xffff;
	_ =	sdelay $0x1  }
0x73: {  	v0 =	vadd.s32 v50, v32  }
0x74: {  	v1 =	vor.u32 v51, v33;
	_ =	sdelay $0x1  }
0x75: {  	v44 =	vmul.f32 v45, v2;
	_ =	sdelay $0x1  }
0x76: {  	[tilespmem:v0+s24+$0x0] =	vst.idx.msk $0xffff, v44  }
0x77: {  	v2 =	vld.idx.msk [tilespmem:v1+s18+$0x0], $0xffff  }
0x78: {  	v22 =	vmov v46;
	v46 =	vld.idx.msk [tilespmem:v1+s19+$0x0], $0xffff;
	_ =	sdelay $0x1  }
0x79: {  	v0 =	vadd.s32 v51, v32  }
0x7a: {  	v1 =	vor.u32 v52, v33;
	_ =	sdelay $0x1  }
0x7b: {  	v45 =	vmul.f32 v46, v2;
	_ =	sdelay $0x1  }
0x7c: {  	[tilespmem:v0+s24+$0x0] =	vst.idx.msk $0xffff, v45  }
0x7d: {  	v2 =	vld.idx.msk [tilespmem:v1+s18+$0x0], $0xffff  }
0x7e: {  	v4 =	vmov v47;
	v47 =	vld.idx.msk [tilespmem:v1+s19+$0x0], $0xffff;
	_ =	sdelay $0x1  }
0x7f: {  	v0 =	vadd.s32 v52, v32  }
0x80: {  	v1 =	vor.u32 v53, v33;
	_ =	sdelay $0x1  }
0x81: {  	v46 =	vmul.f32 v47, v2;
	_ =	sdelay $0x1  }
0x82: {  	[tilespmem:v0+s24+$0x0] =	vst.idx.msk $0xffff, v46  }
0x83: {  	v2 =	vld.idx.msk [tilespmem:v1+s18+$0x0], $0xffff  }
0x84: {  	v5 =	vmov v48;
	v48 =	vld.idx.msk [tilespmem:v1+s19+$0x0], $0xffff;
	_ =	sdelay $0x1  }
0x85: {  	v0 =	vadd.s32 v53, v32  }
0x86: {  	v1 =	vor.u32 v54, v33;
	_ =	sdelay $0x1  }
0x87: {  	v47 =	vmul.f32 v48, v2;
	_ =	sdelay $0x1  }
0x88: {  	[tilespmem:v0+s24+$0x0] =	vst.idx.msk $0xffff, v47  }
0x89: {  	v2 =	vld.idx.msk [tilespmem:v1+s18+$0x0], $0xffff  }
0x8a: {  	v6 =	vmov v49;
	v49 =	vld.idx.msk [tilespmem:v1+s19+$0x0], $0xffff;
	_ =	sdelay $0x1  }
0x8b: {  	v0 =	vadd.s32 v54, v32  }
0x8c: {  	v1 =	vor.u32 v55, v33;
	_ =	sdelay $0x1  }
0x8d: {  	v48 =	vmul.f32 v49, v2;
	_ =	sdelay $0x1  }
0x8e: {  	[tilespmem:v0+s24+$0x0] =	vst.idx.msk $0xffff, v48  }
0x8f: {  	v2 =	vld.idx.msk [tilespmem:v1+s18+$0x0], $0xffff  }
0x90: {  	v7 =	vmov v50;
	v50 =	vld.idx.msk [tilespmem:v1+s19+$0x0], $0xffff;
	_ =	sdelay $0x1  }
0x91: {  	v0 =	vadd.s32 v55, v32  }
0x92: {  	v1 =	vor.u32 v56, v33;
	_ =	sdelay $0x1  }
0x93: {  	v49 =	vmul.f32 v50, v2;
	_ =	sdelay $0x1  }
0x94: {  	[tilespmem:v0+s24+$0x0] =	vst.idx.msk $0xffff, v49  }
0x95: {  	v2 =	vld.idx.msk [tilespmem:v1+s18+$0x0], $0xffff  }
0x96: {  	v8 =	vmov v51;
	v51 =	vld.idx.msk [tilespmem:v1+s19+$0x0], $0xffff;
	_ =	sdelay $0x1  }
0x97: {  	v0 =	vadd.s32 v56, v32  }
0x98: {  	v1 =	vor.u32 v57, v33;
	_ =	sdelay $0x1  }
0x99: {  	v50 =	vmul.f32 v51, v2;
	_ =	sdelay $0x1  }
0x9a: {  	[tilespmem:v0+s24+$0x0] =	vst.idx.msk $0xffff, v50  }
0x9b: {  	v2 =	vld.idx.msk [tilespmem:v1+s18+$0x0], $0xffff  }
0x9c: {  	v9 =	vmov v52;
	v52 =	vld.idx.msk [tilespmem:v1+s19+$0x0], $0xffff;
	_ =	sdelay $0x1  }
0x9d: {  	v0 =	vadd.s32 v57, v32  }
0x9e: {  	v1 =	vor.u32 v58, v33;
	_ =	sdelay $0x1  }
0x9f: {  	v51 =	vmul.f32 v52, v2;
	_ =	sdelay $0x1  }
0xa0: {  	[tilespmem:v0+s24+$0x0] =	vst.idx.msk $0xffff, v51  }
0xa1: {  	v2 =	vld.idx.msk [tilespmem:v1+s18+$0x0], $0xffff  }
0xa2: {  	v10 =	vmov v53;
	v53 =	vld.idx.msk [tilespmem:v1+s19+$0x0], $0xffff;
	_ =	sdelay $0x1  }
0xa3: {  	v0 =	vadd.s32 v58, v32  }
0xa4: {  	v1 =	vor.u32 v59, v33;
	_ =	sdelay $0x1  }
0xa5: {  	v52 =	vmul.f32 v53, v2;
	_ =	sdelay $0x1  }
0xa6: {  	[tilespmem:v0+s24+$0x0] =	vst.idx.msk $0xffff, v52  }
0xa7: {  	v2 =	vld.idx.msk [tilespmem:v1+s18+$0x0], $0xffff  }
0xa8: {  	v11 =	vmov v54;
	v54 =	vld.idx.msk [tilespmem:v1+s19+$0x0], $0xffff;
	_ =	sdelay $0x1  }
0xa9: {  	v0 =	vadd.s32 v59, v32  }
0xaa: {  	v1 =	vor.u32 v60, v33;
	_ =	sdelay $0x1  }
0xab: {  	v53 =	vmul.f32 v54, v2;
	_ =	sdelay $0x1  }
0xac: {  	[tilespmem:v0+s24+$0x0] =	vst.idx.msk $0xffff, v53  }
0xad: {  	v2 =	vld.idx.msk [tilespmem:v1+s18+$0x0], $0xffff  }
0xae: {  	v12 =	vmov v55;
	v55 =	vld.idx.msk [tilespmem:v1+s19+$0x0], $0xffff;
	_ =	sdelay $0x1  }
0xaf: {  	v0 =	vadd.s32 v60, v32  }
0xb0: {  	v1 =	vor.u32 v61, v33;
	_ =	sdelay $0x1  }
0xb1: {  	v54 =	vmul.f32 v55, v2;
	_ =	sdelay $0x1  }
0xb2: {  	[tilespmem:v0+s24+$0x0] =	vst.idx.msk $0xffff, v54  }
0xb3: {  	v2 =	vld.idx.msk [tilespmem:v1+s18+$0x0], $0xffff  }
0xb4: {  	v13 =	vmov v56;
	v56 =	vld.idx.msk [tilespmem:v1+s19+$0x0], $0xffff;
	_ =	sdelay $0x1  }
0xb5: {  	v0 =	vadd.s32 v61, v32  }
0xb6: {  	v1 =	vor.u32 v30, v33;
	_ =	sdelay $0x1  }
0xb7: {  	v55 =	vmul.f32 v56, v2;
	_ =	sdelay $0x1  }
0xb8: {  	[tilespmem:v0+s24+$0x0] =	vst.idx.msk $0xffff, v55  }
0xb9: {  	v2 =	vld.idx.msk [tilespmem:v1+s18+$0x0], $0xffff  }
0xba: {  	v14 =	vmov v57;
	v57 =	vld.idx.msk [tilespmem:v1+s19+$0x0], $0xffff;
	_ =	sdelay $0x1  }
0xbb: {  	v0 =	vadd.s32 v30, v32  }
0xbc: {  	v1 =	vor.u32 v62, v33;
	_ =	sdelay $0x1  }
0xbd: {  	v56 =	vmul.f32 v57, v2;
	_ =	sdelay $0x1  }
0xbe: {  	[tilespmem:v0+s24+$0x0] =	vst.idx.msk $0xffff, v56;
	v0 =	vld [tilespmem:$0x1FF40]  }
0xbf: {  	v57 =	vld.idx.msk [tilespmem:v1+s18+$0x0], $0xffff  }
0xc0: {  	v15 =	vmov v58;
	v58 =	vld.idx.msk [tilespmem:v1+s19+$0x0], $0xffff;
	_ =	sdelay $0x1  }
0xc1: {  	v16 =	vmov v59;
	v59 =	vadd.s32 v62, v32  }
0xc2: {  	v2 =	vor.u32 v0, v33;
	_ =	sdelay $0x1  }
0xc3: {  	v57 =	vmul.f32 v58, v57;
	_ =	sdelay $0x1  }
0xc4: {  	v17 =	vmov v60;
	v60 =	vadd.s32 v0, v32;
	v0 =	vld [tilespmem:$0x1FF50];
	[tilespmem:v59+s24+$0x0] =	vst.idx.msk $0xffff, v57  }
0xc5: {  	v58 =	vld.idx.msk [tilespmem:v2+s18+$0x0], $0xffff  }
0xc6: {  	v59 =	vld.idx.msk [tilespmem:v2+s19+$0x0], $0xffff;
	_ =	sdelay $0x2  }
0xc7: {  	v1 =	vor.u32 v0, v33;
	_ =	sdelay $0x1  }
0xc8: {  	v58 =	vmul.f32 v59, v58;
	_ =	sdelay $0x1  }
0xc9: {  	[tilespmem:v60+s24+$0x0] =	vst.idx.msk $0xffff, v58  }
0xca: {  	v2 =	vld.idx.msk [tilespmem:v1+s18+$0x0], $0xffff  }
0xcb: {  	v60 =	vld.idx.msk [tilespmem:v1+s19+$0x0], $0xffff;
	_ =	sdelay $0x1  }
0xcc: {  	v0 =	vadd.s32 v0, v32  }
0xcd: {  	v1 =	vor.u32 v63, v33;
	_ =	sdelay $0x1  }
0xce: {  	v59 =	vmul.f32 v60, v2;
	_ =	sdelay $0x1  }
0xcf: {  	[tilespmem:v0+s24+$0x0] =	vst.idx.msk $0xffff, v59;
	v0 =	vld [tilespmem:$0x1FF60]  }
0xd0: {  	v60 =	vld.idx.msk [tilespmem:v1+s18+$0x0], $0xffff  }
0xd1: {  	v18 =	vmov v61;
	v61 =	vld.idx.msk [tilespmem:v1+s19+$0x0], $0xffff;
	_ =	sdelay $0x1  }
0xd2: {  	v19 =	vmov v62;
	v62 =	vadd.s32 v63, v32  }
0xd3: {  	v2 =	vor.u32 v0, v33;
	_ =	sdelay $0x1  }
0xd4: {  	v60 =	vmul.f32 v61, v60;
	_ =	sdelay $0x1  }
0xd5: {  	[tilespmem:v62+s24+$0x0] =	vst.idx.msk $0xffff, v60  }
0xd6: {  	v61 =	vld.idx.msk [tilespmem:v2+s18+$0x0], $0xffff  }
0xd7: {  	v62 =	vld.idx.msk [tilespmem:v2+s19+$0x0], $0xffff;
	_ =	sdelay $0x1  }
0xd8: {  	v20 =	vmov v63;
	v63 =	vadd.s32 v0, v32  }
0xd9: {  	v0 =	vor.u32 v24, v33;
	_ =	sdelay $0x1  }
0xda: {  	v61 =	vmul.f32 v62, v61;
	_ =	sdelay $0x1  }
0xdb: {  	[tilespmem:v63+s24+$0x0] =	vst.idx.msk $0xffff, v61  }
0xdc: {  	v62 =	vld.idx.msk [tilespmem:v0+s18+$0x0], $0xffff  }
0xdd: {  	v0 =	vld.idx.msk [tilespmem:v0+s19+$0x0], $0xffff;
	_ =	sdelay $0x1  }
0xde: {  	v63 =	vadd.s32 v24, v32  }
0xdf: {  	v1 =	vor.u32 v25, v33;
	_ =	sdelay $0x1  }
0xe0: {  	v0 =	vmul.f32 v0, v62;
	_ =	sdelay $0x1  }
0xe1: {  	[tilespmem:v63+s24+$0x0] =	vst.idx.msk $0xffff, v0  }
0xe2: {  	v62 =	vld.idx.msk [tilespmem:v1+s18+$0x0], $0xffff  }
0xe3: {  	v1 =	vld.idx.msk [tilespmem:v1+s19+$0x0], $0xffff;
	_ =	sdelay $0x1  }
0xe4: {  	v63 =	vadd.s32 v25, v32  }
0xe5: {  	v2 =	vor.u32 v26, v33;
	_ =	sdelay $0x1  }
0xe6: {  	v1 =	vmul.f32 v1, v62;
	_ =	sdelay $0x1  }
0xe7: {  	[tilespmem:v63+s24+$0x0] =	vst.idx.msk $0xffff, v1  }
0xe8: {  	v62 =	vld.idx.msk [tilespmem:v2+s18+$0x0], $0xffff  }
0xe9: {  	v2 =	vld.idx.msk [tilespmem:v2+s19+$0x0], $0xffff;
	_ =	sdelay $0x1  }
0xea: {  	v63 =	vadd.s32 v26, v32  }
0xeb: {  	v3 =	vor.u32 v27, v33;
	_ =	sdelay $0x1  }
0xec: {  	v2 =	vmul.f32 v2, v62;
	_ =	sdelay $0x1  }
0xed: {  	v40 =	vadd.f32 $0.0e+00, v40;
	[tilespmem:v63+s24+$0x0] =	vst.idx.msk $0xffff, v2  }
0xee: {  	v62 =	vld.idx.msk [tilespmem:v3+s18+$0x0], $0xffff  }
0xef: {  	v40 =	vadd.f32 v41, v40;
	v3 =	vld.idx.msk [tilespmem:v3+s19+$0x0], $0xffff;
	_ =	sdelay $0x1  }
0xf0: {  	v41 =	vadd.s32 v27, v32;
	v40 =	vadd.f32 v42, v40  }
0xf1: {  	v42 =	vor.u32 v28, v33  }
0xf2: {  	v40 =	vadd.f32 v43, v40  }
0xf3: {  	v3 =	vmul.f32 v3, v62  }
0xf4: {  	v40 =	vadd.f32 v44, v40  }
0xf5: {  	[tilespmem:v41+s24+$0x0] =	vst.idx.msk $0xffff, v3  }
0xf6: {  	v40 =	vadd.f32 v45, v40;
	v41 =	vld.idx.msk [tilespmem:v42+s18+$0x0], $0xffff  }
0xf7: {  	v42 =	vld.idx.msk [tilespmem:v42+s19+$0x0], $0xffff  }
0xf8: {  	v40 =	vadd.f32 v46, v40  }
0xf9: {  	v43 =	vadd.s32 v28, v32  }
0xfa: {  	v44 =	vor.u32 v29, v33;
	v40 =	vadd.f32 v47, v40;
	_ =	sdelay $0x1  }
0xfb: {  	v40 =	vadd.f32 v48, v40;
	v41 =	vmul.f32 v42, v41;
	_ =	sdelay $0x1  }
0xfc: {  	v40 =	vadd.f32 v49, v40;
	[tilespmem:v43+s24+$0x0] =	vst.idx.msk $0xffff, v41  }
0xfd: {  	v42 =	vld.idx.msk [tilespmem:v44+s18+$0x0], $0xffff  }
0xfe: {  	v40 =	vadd.f32 v50, v40;
	v43 =	vld.idx.msk [tilespmem:v44+s19+$0x0], $0xffff;
	_ =	sdelay $0x1  }
0xff: {  	v40 =	vadd.f32 v51, v40;
	v44 =	vadd.s32 v29, v32  }
0x100: {  	v34 =	vsub.f32 v34, v35;
	v45 =	vor.u32 v31, v33  }
0x101: {  	v35 =	vsub.f32 v36, v38;
	v36 =	vadd.f32 v52, v40  }
0x102: {  	v38 =	vmul.f32 v43, v42  }
0x103: {  	v37 =	vsub.f32 v37, v39;
	v36 =	vadd.f32 v53, v36  }
0x104: {  	v46 =	vmul.f32 v34, v34;
	v47 =	vmul.f32 v35, v35;
	[tilespmem:v44+s24+$0x0] =	vst.idx.msk $0xffff, v38  }
0x105: {  	v36 =	vadd.f32 v54, v36;
	v42 =	vld.idx.msk [tilespmem:v45+s18+$0x0], $0xffff  }
0x106: {  	v39 =	vadd.f32 v47, v46;
	v46 =	vmul.f32 v37, v37;
	v43 =	vld.idx.msk [tilespmem:v45+s19+$0x0], $0xffff  }
0x107: {  	v36 =	vadd.f32 v55, v36  }
0x108: {  	v39 =	vadd.f32 v46, v39;
	v40 =	vadd.s32 v31, v32  }
0x109: {  	v36 =	vadd.f32 v56, v36;
	v44 =	vor.u32 v21, v33  }
0x10a: {  	v39 =	vadd.f32 $9.999999960e-13, v39  }
0x10b: {  	v36 =	vadd.f32 v57, v36;
	v42 =	vmul.f32 v43, v42  }
0x10c: {  	v47 =	vshrl.u32 v39, $0x1;
	v39 =	vmul.f32 $5.000000000e-01, v39  }
0x10d: {  	v36 =	vadd.f32 v58, v36;
	v43 =	vsub.s32 $0x5F3759DF, v47;
	[tilespmem:v40+s24+$0x0] =	vst.idx.msk $0xffff, v42  }
0x10e: {  	v40 =	vmul.f32 v43, v39;
	v45 =	vld.idx.msk [tilespmem:v44+s18+$0x0], $0xffff  }
0x10f: {  	v36 =	vadd.f32 v59, v36;
	v44 =	vld.idx.msk [tilespmem:v44+s19+$0x0], $0xffff  }
0x110: {  	v40 =	vmul.f32 v43, v40  }
0x111: {  	v46 =	vadd.s32 v21, v32;
	v36 =	vadd.f32 v60, v36  }
0x112: {  	v47 =	vor.u32 v22, v33;
	v40 =	vsub.f32 $1.500000000e+00, v40  }
0x113: {  	v36 =	vadd.f32 v61, v36  }
0x114: {  	v40 =	vmul.f32 v43, v40;
	v43 =	vmul.f32 v44, v45  }
0x115: {  	v0 =	vadd.f32 v0, v36  }
0x116: {  	v44 =	vmul.f32 v40, v39;
	[tilespmem:v46+s24+$0x0] =	vst.idx.msk $0xffff, v43  }
0x117: {  	v0 =	vadd.f32 v1, v0;
	v1 =	vld.idx.msk [tilespmem:v47+s19+$0x0], $0xffff  }
0x118: {  	v36 =	vmul.f32 v44, v40;
	v44 =	vld.idx.msk [tilespmem:v47+s18+$0x0], $0xffff  }
0x119: {  	v0 =	vadd.f32 v2, v0  }
0x11a: {  	v2 =	vadd.s32 v22, v32;
	v36 =	vsub.f32 $1.500000000e+00, v36  }
0x11b: {  	v0 =	vadd.f32 v3, v0;
	v33 =	vor.u32 v23, v33  }
0x11c: {  	v36 =	vmul.f32 v36, v40  }
0x11d: {  	v0 =	vadd.f32 v41, v0;
	v1 =	vmul.f32 v1, v44  }
0x11e: {  	v3 =	vmul.f32 v36, v39  }
0x11f: {  	v0 =	vadd.f32 v38, v0;
	[tilespmem:v2+s24+$0x0] =	vst.idx.msk $0xffff, v1  }
0x120: {  	v39 =	vmul.f32 v3, v36;
	v3 =	vld.idx.msk [tilespmem:v33+s18+$0x0], $0xffff  }
0x121: {  	v0 =	vadd.f32 v42, v0;
	v33 =	vld.idx.msk [tilespmem:v33+s19+$0x0], $0xffff  }
0x122: {  	v2 =	vsub.f32 $1.500000000e+00, v39  }
0x123: {  	v0 =	vadd.f32 v43, v0  }
0x124: {  	v2 =	vmul.f32 v2, v36  }
0x125: {  	v0 =	vadd.f32 v1, v0  }
0x126: {  	v41 =	vmul.f32 v33, v3;
	v3 =	vadd.s32 v23, v32;
	v2 =	vmul.f32 $1.732050780e+00, v2  }
0x127: {  	v42 =	vadd.s32 $0x20, v32  }
0x128: {  	v43 =	vadd.s32 $0x21, v32;
	v0 =	vadd.f32 v41, v0;
	v34 =	vmul.f32 v2, v34  }
0x129: {  	p0 =	sne.s32 s8, $0x70;
	v48 =	vmov v5;
	v32 =	vadd.s32 $0x22, v32;
	v35 =	vmul.f32 v2, v35  }
.Ltmp0:
0x12a: {  	v49 =	vmovc v6;
	v50 =	vmovc v7;
	v51 =	vmov v8;
	v2 =	vmul.f32 v2, v37;
	v34 =	vmul.f32 v0, v34;
	(pc) =	sbr.rel @p0 .LBB2_3-.Ltmp0, $4  }
0x12b: {  	v52 =	vmovc v9;
	v53 =	vmov v10;
	v54 =	vmov v11;
	[tilespmem:v3+s24+$0x0] =	vst.idx.msk $0xffff, v41;
	v44 =	vmul.f32 v0, v35  }
0x12c: {  	v55 =	vmovc v12;
	v56 =	vmov v13;
	v57 =	vmov v14;
	v0 =	vmul.f32 v0, v2;
	[tilespmem:v42+s24+$0x0] =	vst.idx.msk $0xffff, v34  }
0x12d: {  	v58 =	vmovc v15;
	v59 =	vmovc v16;
	v60 =	vmov v17;
	v61 =	vmov v18;
	v63 =	vmov v20;
	[tilespmem:v43+s24+$0x0] =	vst.idx.msk $0xffff, v44  }
0x12e: {  	s28 =	sadd.s32 $0x10, s28;
	s31 =	sadd.s32 $0x10, s31;
	s8 =	sadd.s32 $0x10, s8;
	v62 =	vmovc v19;
	v45 =	vlaneseq.u32;
	v46 =	vmovc v22;
	v47 =	vmov v4;
	v40 =	vmov v23;
	[tilespmem:v32+s24+$0x0] =	vst.idx.msk $0xffff, v0  }
0x12f: {  	s8 =	sand.u32 $0x3FFFFF00, s1  }
0x130: {  	s8 =	sadd.s32 $0x1400, s8  }
0x131: {  	[spmem:s3] =	stream.indirect.scatter.add.f32 [tilespmem:s24], [sflag:$0x3], $0x30, s8, s21, $0xb8;
	[tilespmem:$0x17000] =	vst v63  }
0x132: {  	_ =	swait.ge [sflag:s14], $0x1800  }
0x133: {  	[sflag:s14] =	ssyncset.done $0x0  }
0x134: {  	[sflag:s14] =	ssyncadd.s32 $0xFFFFE800  }
0x135: {  	_ =	swait.ge [sflag:s25], $0x1000  }
0x136: {  	[sflag:s25] =	ssyncset.done $0x0  }
0x137: {  	[sflag:s25] =	ssyncadd.s32 $0xFFFFF000  }
0x138: {  	p0 =	seq.s32 s2, $0x13;
	_ =	swait.ge [sflag:s25], $0x1000  }
0x139: {  	s1 =	sadd.s32 @!p0 $0x100, s1;
	[sflag:s25] =	ssyncset.done $0x0  }
0x13a: {  	s28 =	simm.s32 @!p0 $0xA000;
	s8 =	simm.s32 @!p0 $0x80;
	[sflag:s25] =	ssyncadd.s32 $0xFFFFF000  }
0x13b: {  	[tilespmem:s28], [sflag:$0x1] =	stream.indirect.gather @!p0 [hbm4b:s6+s8], $0x20, s1, s8, $0xb8;
	[tilespmem:$0x17000] =	vst v63  }
0x13c: {  	s1 =	sadd.s32 @!p0 s5, s1  }
0x13d: {  	s1 =	sshll.u32 @!p0 s1, $0x2  }
0x13e: {  	s1 =	sand.u32 @!p0 $0x1FFFFC00, s1  }
0x13f: {  	s8 =	simm.s32 @!p0 $0x0;
	s28 =	simm.s32 @!p0 $0xB000;
	s1 =	sadd.s32 @!p0 s7, s1  }
0x140: {  	[tilespmem:s28], [sflag:$0x1] =	stream.linear.gather @!p0 [hbm4b:s1+s8], $0x1000, $0x38;
	[tilespmem:$0x17000] =	vst v63  }
0x141: {  	s1 =	simm.s32 $0x0;
	s8 =	smov.u32 s30;
	s28 =	smov.u32 s29  }
.LBB2_5:
0x142: {  	v0 =	vld [tilespmem:s28+$0x0]  }
0x143: {  	v1 =	vld [tilespmem:s8+$0x0];
	v2 =	vor.u32 s1, v45  }
0x144: {  	v33 =	vshll.u32 v2, $0x5  }
0x145: {  	v3 =	vor.u32 v45, v33;
	_ =	sdelay $0x1  }
0x146: {  	v0 =	vmul.u32 $0x3, v0  }
0x147: {  	v1 =	vmul.u32 $0x3, v1;
	_ =	sdelay $0x1  }
0x148: {  	v37 =	vadd.s32 $0x1, v1;
	v39 =	vld.idx.msk [tilespmem:v3+s22+$0x0], $0xffff  }
0x149: {  	v32 =	vmul.u32 $0x30, v2;
	v40 =	vadd.s32 $0x2, v0;
	v3 =	vld.idx.msk [tilespmem:v3+s23+$0x0], $0xffff  }
0x14a: {  	v36 =	vadd.s32 $0x1, v0  }
0x14b: {  	v45 =	vor.u32 v45, v32;
	v44 =	vadd.s32 $0x2, v1;
	v34 =	vld.idx.msk [tilespmem:v0+s15+$0x0], $0xffff  }
0x14c: {  	v46 =	vor.u32 v47, v33;
	v35 =	vld.idx.msk [tilespmem:v1+s15+$0x0], $0xffff  }
0x14d: {  	v38 =	vld.idx.msk [tilespmem:v37+s15+$0x0], $0xffff  }
0x14e: {  	v37 =	vld.idx.msk [tilespmem:v40+s15+$0x0], $0xffff;
	v40 =	vmul.f32 v3, v39  }
0x14f: {  	v36 =	vld.idx.msk [tilespmem:v36+s15+$0x0], $0xffff  }
0x150: {  	v39 =	vld.idx.msk [tilespmem:v44+s15+$0x0], $0xffff;
	[tilespmem:v45+s24+$0x0] =	vst.idx.msk $0xffff, v40  }
0x151: {  	v44 =	vld.idx.msk [tilespmem:v46+s22+$0x0], $0xffff  }
0x152: {  	v1 =	vld.idx.msk [tilespmem:v46+s23+$0x0], $0xffff;
	_ =	sdelay $0x1  }
0x153: {  	v45 =	vadd.s32 v47, v32  }
0x154: {  	v3 =	vor.u32 v48, v33;
	_ =	sdelay $0x1  }
0x155: {  	v41 =	vmul.f32 v1, v44;
	_ =	sdelay $0x1  }
0x156: {  	[tilespmem:v45+s24+$0x0] =	vst.idx.msk $0xffff, v41  }
0x157: {  	v46 =	vld.idx.msk [tilespmem:v3+s22+$0x0], $0xffff  }
0x158: {  	v47 =	vld.idx.msk [tilespmem:v3+s23+$0x0], $0xffff;
	_ =	sdelay $0x1  }
0x159: {  	v48 =	vadd.s32 v48, v32  }
0x15a: {  	v3 =	vor.u32 v49, v33;
	_ =	sdelay $0x1  }
0x15b: {  	v42 =	vmul.f32 v47, v46;
	_ =	sdelay $0x1  }
0x15c: {  	[tilespmem:v48+s24+$0x0] =	vst.idx.msk $0xffff, v42  }
0x15d: {  	v45 =	vld.idx.msk [tilespmem:v3+s22+$0x0], $0xffff  }
0x15e: {  	v46 =	vld.idx.msk [tilespmem:v3+s23+$0x0], $0xffff;
	_ =	sdelay $0x1  }
0x15f: {  	v47 =	vadd.s32 v49, v32  }
0x160: {  	v3 =	vor.u32 v50, v33;
	_ =	sdelay $0x1  }
0x161: {  	v43 =	vmul.f32 v46, v45;
	_ =	sdelay $0x1  }
0x162: {  	[tilespmem:v47+s24+$0x0] =	vst.idx.msk $0xffff, v43  }
0x163: {  	v48 =	vld.idx.msk [tilespmem:v3+s22+$0x0], $0xffff  }
0x164: {  	v49 =	vld.idx.msk [tilespmem:v3+s23+$0x0], $0xffff;
	_ =	sdelay $0x1  }
0x165: {  	v50 =	vadd.s32 v50, v32  }
0x166: {  	v3 =	vor.u32 v51, v33;
	_ =	sdelay $0x1  }
0x167: {  	v44 =	vmul.f32 v49, v48;
	_ =	sdelay $0x1  }
0x168: {  	[tilespmem:v50+s24+$0x0] =	vst.idx.msk $0xffff, v44  }
0x169: {  	v45 =	vld.idx.msk [tilespmem:v3+s22+$0x0], $0xffff  }
0x16a: {  	v46 =	vld.idx.msk [tilespmem:v3+s23+$0x0], $0xffff;
	_ =	sdelay $0x1  }
0x16b: {  	v47 =	vadd.s32 v51, v32  }
0x16c: {  	v3 =	vor.u32 v52, v33;
	_ =	sdelay $0x1  }
0x16d: {  	v0 =	vmul.f32 v46, v45;
	_ =	sdelay $0x1  }
0x16e: {  	[tilespmem:v47+s24+$0x0] =	vst.idx.msk $0xffff, v0  }
0x16f: {  	v48 =	vld.idx.msk [tilespmem:v3+s22+$0x0], $0xffff  }
0x170: {  	v2 =	vld.idx.msk [tilespmem:v3+s23+$0x0], $0xffff;
	_ =	sdelay $0x1  }
0x171: {  	v3 =	vadd.s32 v52, v32  }
0x172: {  	v49 =	vor.u32 v53, v33;
	_ =	sdelay $0x1  }
0x173: {  	v1 =	vmul.f32 v2, v48;
	_ =	sdelay $0x1  }
0x174: {  	[tilespmem:v3+s24+$0x0] =	vst.idx.msk $0xffff, v1  }
0x175: {  	v50 =	vld.idx.msk [tilespmem:v49+s22+$0x0], $0xffff  }
0x176: {  	v3 =	vld.idx.msk [tilespmem:v49+s23+$0x0], $0xffff;
	_ =	sdelay $0x1  }
0x177: {  	v51 =	vadd.s32 v53, v32  }
0x178: {  	v46 =	vor.u32 v54, v33;
	_ =	sdelay $0x1  }
0x179: {  	v2 =	vmul.f32 v3, v50;
	_ =	sdelay $0x1  }
0x17a: {  	[tilespmem:v51+s24+$0x0] =	vst.idx.msk $0xffff, v2  }
0x17b: {  	v3 =	vld.idx.msk [tilespmem:v46+s22+$0x0], $0xffff  }
0x17c: {  	v45 =	vld.idx.msk [tilespmem:v46+s23+$0x0], $0xffff;
	_ =	sdelay $0x1  }
0x17d: {  	v52 =	vadd.s32 v54, v32  }
0x17e: {  	v53 =	vor.u32 v55, v33;
	_ =	sdelay $0x1  }
0x17f: {  	v3 =	vmul.f32 v45, v3;
	_ =	sdelay $0x1  }
0x180: {  	[tilespmem:v52+s24+$0x0] =	vst.idx.msk $0xffff, v3  }
0x181: {  	v54 =	vld.idx.msk [tilespmem:v53+s22+$0x0], $0xffff  }
0x182: {  	v46 =	vld.idx.msk [tilespmem:v53+s23+$0x0], $0xffff;
	_ =	sdelay $0x1  }
0x183: {  	v55 =	vadd.s32 v55, v32  }
0x184: {  	v52 =	vor.u32 v56, v33;
	_ =	sdelay $0x1  }
0x185: {  	v45 =	vmul.f32 v46, v54;
	_ =	sdelay $0x1  }
0x186: {  	[tilespmem:v55+s24+$0x0] =	vst.idx.msk $0xffff, v45  }
0x187: {  	v53 =	vld.idx.msk [tilespmem:v52+s22+$0x0], $0xffff  }
0x188: {  	v47 =	vld.idx.msk [tilespmem:v52+s23+$0x0], $0xffff;
	_ =	sdelay $0x1  }
0x189: {  	v54 =	vadd.s32 v56, v32  }
0x18a: {  	v55 =	vor.u32 v57, v33;
	_ =	sdelay $0x1  }
0x18b: {  	v46 =	vmul.f32 v47, v53;
	_ =	sdelay $0x1  }
0x18c: {  	[tilespmem:v54+s24+$0x0] =	vst.idx.msk $0xffff, v46  }
0x18d: {  	v56 =	vld.idx.msk [tilespmem:v55+s22+$0x0], $0xffff  }
0x18e: {  	v48 =	vld.idx.msk [tilespmem:v55+s23+$0x0], $0xffff;
	_ =	sdelay $0x1  }
0x18f: {  	v52 =	vadd.s32 v57, v32  }
0x190: {  	v53 =	vor.u32 v58, v33;
	_ =	sdelay $0x1  }
0x191: {  	v47 =	vmul.f32 v48, v56;
	_ =	sdelay $0x1  }
0x192: {  	[tilespmem:v52+s24+$0x0] =	vst.idx.msk $0xffff, v47  }
0x193: {  	v54 =	vld.idx.msk [tilespmem:v53+s22+$0x0], $0xffff  }
0x194: {  	v49 =	vld.idx.msk [tilespmem:v53+s23+$0x0], $0xffff;
	_ =	sdelay $0x1  }
0x195: {  	v55 =	vadd.s32 v58, v32  }
0x196: {  	v56 =	vor.u32 v59, v33;
	_ =	sdelay $0x1  }
0x197: {  	v48 =	vmul.f32 v49, v54;
	_ =	sdelay $0x1  }
0x198: {  	[tilespmem:v55+s24+$0x0] =	vst.idx.msk $0xffff, v48  }
0x199: {  	v57 =	vld.idx.msk [tilespmem:v56+s22+$0x0], $0xffff  }
0x19a: {  	v50 =	vld.idx.msk [tilespmem:v56+s23+$0x0], $0xffff;
	_ =	sdelay $0x1  }
0x19b: {  	v58 =	vadd.s32 v59, v32  }
0x19c: {  	v59 =	vor.u32 v60, v33;
	_ =	sdelay $0x1  }
0x19d: {  	v49 =	vmul.f32 v50, v57;
	_ =	sdelay $0x1  }
0x19e: {  	[tilespmem:v58+s24+$0x0] =	vst.idx.msk $0xffff, v49  }
0x19f: {  	v56 =	vld.idx.msk [tilespmem:v59+s22+$0x0], $0xffff  }
0x1a0: {  	v51 =	vld.idx.msk [tilespmem:v59+s23+$0x0], $0xffff;
	_ =	sdelay $0x1  }
0x1a1: {  	v57 =	vadd.s32 v60, v32  }
0x1a2: {  	v58 =	vor.u32 v61, v33;
	_ =	sdelay $0x1  }
0x1a3: {  	v50 =	vmul.f32 v51, v56;
	_ =	sdelay $0x1  }
0x1a4: {  	[tilespmem:v57+s24+$0x0] =	vst.idx.msk $0xffff, v50  }
0x1a5: {  	v59 =	vld.idx.msk [tilespmem:v58+s22+$0x0], $0xffff  }
0x1a6: {  	v52 =	vld.idx.msk [tilespmem:v58+s23+$0x0], $0xffff;
	_ =	sdelay $0x1  }
0x1a7: {  	v60 =	vadd.s32 v61, v32  }
0x1a8: {  	v61 =	vor.u32 v30, v33;
	_ =	sdelay $0x1  }
0x1a9: {  	v51 =	vmul.f32 v52, v59;
	_ =	sdelay $0x1  }
0x1aa: {  	[tilespmem:v60+s24+$0x0] =	vst.idx.msk $0xffff, v51  }
0x1ab: {  	v57 =	vld.idx.msk [tilespmem:v61+s22+$0x0], $0xffff  }
0x1ac: {  	v53 =	vld.idx.msk [tilespmem:v61+s23+$0x0], $0xffff;
	_ =	sdelay $0x1  }
0x1ad: {  	v58 =	vadd.s32 v30, v32  }
0x1ae: {  	v59 =	vor.u32 v62, v33;
	_ =	sdelay $0x1  }
0x1af: {  	v52 =	vmul.f32 v53, v57;
	_ =	sdelay $0x1  }
0x1b0: {  	v61 =	vld [tilespmem:$0x1FF40];
	[tilespmem:v58+s24+$0x0] =	vst.idx.msk $0xffff, v52  }
0x1b1: {  	v53 =	vld.idx.msk [tilespmem:v59+s22+$0x0], $0xffff  }
0x1b2: {  	v54 =	vld.idx.msk [tilespmem:v59+s23+$0x0], $0xffff;
	_ =	sdelay $0x1  }
0x1b3: {  	v60 =	vadd.s32 v62, v32  }
0x1b4: {  	v62 =	vor.u32 v61, v33;
	_ =	sdelay $0x1  }
0x1b5: {  	v53 =	vmul.f32 v54, v53;
	_ =	sdelay $0x1  }
0x1b6: {  	[tilespmem:v60+s24+$0x0] =	vst.idx.msk $0xffff, v53;
	v60 =	vadd.s32 v61, v32;
	v61 =	vld [tilespmem:$0x1FF50]  }
0x1b7: {  	v54 =	vld.idx.msk [tilespmem:v62+s22+$0x0], $0xffff  }
0x1b8: {  	v55 =	vld.idx.msk [tilespmem:v62+s23+$0x0], $0xffff;
	_ =	sdelay $0x2  }
0x1b9: {  	v62 =	vor.u32 v61, v33;
	_ =	sdelay $0x1  }
0x1ba: {  	v54 =	vmul.f32 v55, v54;
	_ =	sdelay $0x1  }
0x1bb: {  	[tilespmem:v60+s24+$0x0] =	vst.idx.msk $0xffff, v54  }
0x1bc: {  	v60 =	vld.idx.msk [tilespmem:v62+s22+$0x0], $0xffff  }
0x1bd: {  	v56 =	vld.idx.msk [tilespmem:v62+s23+$0x0], $0xffff;
	_ =	sdelay $0x1  }
0x1be: {  	v61 =	vadd.s32 v61, v32  }
0x1bf: {  	v62 =	vor.u32 v63, v33;
	_ =	sdelay $0x1  }
0x1c0: {  	v55 =	vmul.f32 v56, v60;
	_ =	sdelay $0x1  }
0x1c1: {  	v60 =	vld [tilespmem:$0x1FF60];
	[tilespmem:v61+s24+$0x0] =	vst.idx.msk $0xffff, v55  }
0x1c2: {  	v56 =	vld.idx.msk [tilespmem:v62+s22+$0x0], $0xffff  }
0x1c3: {  	v57 =	vld.idx.msk [tilespmem:v62+s23+$0x0], $0xffff;
	_ =	sdelay $0x1  }
0x1c4: {  	v58 =	vadd.s32 v63, v32  }
0x1c5: {  	v63 =	vor.u32 v60, v33;
	_ =	sdelay $0x1  }
0x1c6: {  	v56 =	vmul.f32 v57, v56;
	_ =	sdelay $0x1  }
0x1c7: {  	[tilespmem:v58+s24+$0x0] =	vst.idx.msk $0xffff, v56  }
0x1c8: {  	v57 =	vld.idx.msk [tilespmem:v63+s22+$0x0], $0xffff  }
0x1c9: {  	v58 =	vld.idx.msk [tilespmem:v63+s23+$0x0], $0xffff;
	_ =	sdelay $0x1  }
0x1ca: {  	v59 =	vadd.s32 v60, v32  }
0x1cb: {  	v60 =	vor.u32 v24, v33;
	_ =	sdelay $0x1  }
0x1cc: {  	v57 =	vmul.f32 v58, v57;
	_ =	sdelay $0x1  }
0x1cd: {  	[tilespmem:v59+s24+$0x0] =	vst.idx.msk $0xffff, v57  }
0x1ce: {  	v58 =	vld.idx.msk [tilespmem:v60+s22+$0x0], $0xffff  }
0x1cf: {  	v59 =	vld.idx.msk [tilespmem:v60+s23+$0x0], $0xffff;
	_ =	sdelay $0x1  }
0x1d0: {  	v60 =	vadd.s32 v24, v32  }
0x1d1: {  	v61 =	vor.u32 v25, v33;
	_ =	sdelay $0x1  }
0x1d2: {  	v58 =	vmul.f32 v59, v58;
	_ =	sdelay $0x1  }
0x1d3: {  	[tilespmem:v60+s24+$0x0] =	vst.idx.msk $0xffff, v58  }
0x1d4: {  	v59 =	vld.idx.msk [tilespmem:v61+s22+$0x0], $0xffff  }
0x1d5: {  	v60 =	vld.idx.msk [tilespmem:v61+s23+$0x0], $0xffff;
	_ =	sdelay $0x1  }
0x1d6: {  	v61 =	vadd.s32 v25, v32  }
0x1d7: {  	v62 =	vor.u32 v26, v33;
	_ =	sdelay $0x1  }
0x1d8: {  	v59 =	vmul.f32 v60, v59;
	_ =	sdelay $0x1  }
0x1d9: {  	[tilespmem:v61+s24+$0x0] =	vst.idx.msk $0xffff, v59  }
0x1da: {  	v60 =	vld.idx.msk [tilespmem:v62+s22+$0x0], $0xffff  }
0x1db: {  	v61 =	vld.idx.msk [tilespmem:v62+s23+$0x0], $0xffff;
	_ =	sdelay $0x1  }
0x1dc: {  	v62 =	vadd.s32 v26, v32  }
0x1dd: {  	v63 =	vor.u32 v27, v33;
	_ =	sdelay $0x1  }
0x1de: {  	v60 =	vmul.f32 v61, v60;
	_ =	sdelay $0x1  }
0x1df: {  	[tilespmem:v62+s24+$0x0] =	vst.idx.msk $0xffff, v60  }
0x1e0: {  	v40 =	vadd.f32 $0.0e+00, v40;
	v61 =	vld.idx.msk [tilespmem:v63+s22+$0x0], $0xffff  }
0x1e1: {  	v62 =	vld.idx.msk [tilespmem:v63+s23+$0x0], $0xffff  }
0x1e2: {  	v40 =	vadd.f32 v41, v40  }
0x1e3: {  	v41 =	vadd.s32 v27, v32  }
0x1e4: {  	v40 =	vadd.f32 v42, v40;
	v42 =	vor.u32 v28, v33;
	_ =	sdelay $0x1  }
0x1e5: {  	v40 =	vadd.f32 v43, v40;
	v43 =	vmul.f32 v62, v61;
	_ =	sdelay $0x1  }
0x1e6: {  	v40 =	vadd.f32 v44, v40;
	[tilespmem:v41+s24+$0x0] =	vst.idx.msk $0xffff, v43  }
0x1e7: {  	v41 =	vld.idx.msk [tilespmem:v42+s22+$0x0], $0xffff  }
0x1e8: {  	v0 =	vadd.f32 v0, v40;
	v40 =	vld.idx.msk [tilespmem:v42+s23+$0x0], $0xffff;
	_ =	sdelay $0x1  }
0x1e9: {  	v0 =	vadd.f32 v1, v0;
	v1 =	vadd.s32 v28, v32  }
0x1ea: {  	v42 =	vor.u32 v29, v33  }
0x1eb: {  	v0 =	vadd.f32 v2, v0  }
0x1ec: {  	v2 =	vmul.f32 v40, v41  }
0x1ed: {  	v0 =	vadd.f32 v3, v0  }
0x1ee: {  	[tilespmem:v1+s24+$0x0] =	vst.idx.msk $0xffff, v2  }
0x1ef: {  	v0 =	vadd.f32 v45, v0;
	v1 =	vld.idx.msk [tilespmem:v42+s22+$0x0], $0xffff  }
0x1f0: {  	v3 =	vld.idx.msk [tilespmem:v42+s23+$0x0], $0xffff  }
0x1f1: {  	v0 =	vadd.f32 v46, v0  }
0x1f2: {  	v40 =	vadd.s32 v29, v32  }
0x1f3: {  	v0 =	vadd.f32 v47, v0;
	v41 =	vor.u32 v31, v33  }
0x1f4: {  	v34 =	vsub.f32 v34, v35;
	v35 =	vsub.f32 v36, v38  }
0x1f5: {  	v0 =	vadd.f32 v48, v0;
	v1 =	vmul.f32 v3, v1  }
0x1f6: {  	v44 =	vmul.f32 v34, v34;
	v46 =	vmul.f32 v35, v35  }
0x1f7: {  	v0 =	vadd.f32 v49, v0;
	v3 =	vsub.f32 v37, v39;
	[tilespmem:v40+s24+$0x0] =	vst.idx.msk $0xffff, v1  }
0x1f8: {  	v38 =	vld.idx.msk [tilespmem:v41+s22+$0x0], $0xffff  }
0x1f9: {  	v36 =	vadd.f32 v46, v44;
	v0 =	vadd.f32 v50, v0;
	v42 =	vmul.f32 v3, v3;
	v39 =	vld.idx.msk [tilespmem:v41+s23+$0x0], $0xffff;
	_ =	sdelay $0x1  }
0x1fa: {  	v44 =	vadd.s32 v31, v32;
	v0 =	vadd.f32 v51, v0;
	v36 =	vadd.f32 v42, v36  }
0x1fb: {  	v46 =	vor.u32 v21, v33  }
0x1fc: {  	v0 =	vadd.f32 v52, v0;
	v36 =	vadd.f32 $9.999999960e-13, v36  }
0x1fd: {  	v38 =	vmul.f32 v39, v38  }
0x1fe: {  	v0 =	vadd.f32 v53, v0;
	v42 =	vshrl.u32 v36, $0x1;
	v36 =	vmul.f32 $5.000000000e-01, v36  }
0x1ff: {  	v39 =	vsub.s32 $0x5F3759DF, v42;
	[tilespmem:v44+s24+$0x0] =	vst.idx.msk $0xffff, v38  }
0x200: {  	v0 =	vadd.f32 v54, v0;
	v44 =	vmul.f32 v39, v36;
	v41 =	vld.idx.msk [tilespmem:v46+s22+$0x0], $0xffff  }
0x201: {  	v40 =	vld.idx.msk [tilespmem:v46+s23+$0x0], $0xffff  }
0x202: {  	v0 =	vadd.f32 v55, v0;
	v37 =	vmul.f32 v39, v44  }
0x203: {  	v42 =	vadd.s32 v21, v32  }
0x204: {  	v0 =	vadd.f32 v56, v0;
	v44 =	vor.u32 v22, v33;
	v37 =	vsub.f32 $1.500000000e+00, v37;
	_ =	sdelay $0x1  }
0x205: {  	v0 =	vadd.f32 v57, v0;
	v37 =	vmul.f32 v39, v37;
	v39 =	vmul.f32 v40, v41;
	_ =	sdelay $0x1  }
0x206: {  	v0 =	vadd.f32 v58, v0;
	v46 =	vmul.f32 v37, v36;
	[tilespmem:v42+s24+$0x0] =	vst.idx.msk $0xffff, v39  }
0x207: {  	v41 =	vld.idx.msk [tilespmem:v44+s22+$0x0], $0xffff  }
0x208: {  	v0 =	vadd.f32 v59, v0;
	v42 =	vld.idx.msk [tilespmem:v44+s23+$0x0], $0xffff;
	v40 =	vmul.f32 v46, v37;
	_ =	sdelay $0x1  }
0x209: {  	v0 =	vadd.f32 v60, v0;
	v44 =	vadd.s32 v22, v32;
	v40 =	vsub.f32 $1.500000000e+00, v40  }
0x20a: {  	v33 =	vor.u32 v23, v33  }
0x20b: {  	v0 =	vadd.f32 v43, v0;
	v37 =	vmul.f32 v40, v37  }
0x20c: {  	v46 =	vmul.f32 v42, v41  }
0x20d: {  	v0 =	vadd.f32 v2, v0;
	v36 =	vmul.f32 v37, v36  }
0x20e: {  	[tilespmem:v44+s24+$0x0] =	vst.idx.msk $0xffff, v46  }
0x20f: {  	v0 =	vadd.f32 v1, v0;
	v41 =	vld.idx.msk [tilespmem:v33+s22+$0x0], $0xffff;
	v36 =	vmul.f32 v36, v37  }
0x210: {  	v33 =	vld.idx.msk [tilespmem:v33+s23+$0x0], $0xffff  }
0x211: {  	v0 =	vadd.f32 v38, v0;
	v2 =	vsub.f32 $1.500000000e+00, v36;
	_ =	sdelay $0x1  }
0x212: {  	v0 =	vadd.f32 v39, v0;
	v2 =	vmul.f32 v2, v37  }
0x213: {  	v42 =	vadd.s32 v23, v32  }
0x214: {  	v0 =	vadd.f32 v46, v0;
	v1 =	vmul.f32 v33, v41;
	v2 =	vmul.f32 $1.732050780e+00, v2  }
0x215: {  	v43 =	vadd.s32 $0x20, v32  }
0x216: {  	v44 =	vadd.s32 $0x21, v32;
	v0 =	vadd.f32 v1, v0;
	v34 =	vmul.f32 v2, v34  }
0x217: {  	p0 =	sne.s32 s1, $0x70;
	v32 =	vadd.s32 $0x22, v32;
	v35 =	vmul.f32 v2, v35  }
.Ltmp1:
0x218: {  	v47 =	vmov v4;
	v2 =	vmul.f32 v2, v3;
	v3 =	vmul.f32 v0, v34;
	(pc) =	sbr.rel @p0 .LBB2_5-.Ltmp1, $4  }
0x219: {  	v48 =	vmovc v5;
	v49 =	vmov v6;
	v50 =	vmov v7;
	[tilespmem:v42+s24+$0x0] =	vst.idx.msk $0xffff, v1;
	v46 =	vmul.f32 v0, v35  }
0x21a: {  	v45 =	vlaneseq.u32;
	v51 =	vmovc v8;
	v52 =	vmovc v9;
	v53 =	vmov v10;
	v0 =	vmul.f32 v0, v2;
	[tilespmem:v43+s24+$0x0] =	vst.idx.msk $0xffff, v3  }
0x21b: {  	v54 =	vmovc v11;
	v55 =	vmovc v12;
	v56 =	vmov v13;
	v57 =	vmov v14;
	v58 =	vmov v15;
	[tilespmem:v44+s24+$0x0] =	vst.idx.msk $0xffff, v46  }
0x21c: {  	s28 =	sadd.s32 $0x10, s28;
	s8 =	sadd.s32 $0x10, s8;
	s1 =	sadd.s32 $0x10, s1;
	v59 =	vmovc v16;
	v63 =	vmovc v20;
	v60 =	vmov v17;
	v62 =	vmov v19;
	v61 =	vmov v18;
	[tilespmem:v32+s24+$0x0] =	vst.idx.msk $0xffff, v0  }
0x21d: {  	s2 =	sadd.s32 $0x1, s2  }
0x21e: {  	p0 =	sne.s32 s2, $0x14  }
.Ltmp2:
0x21f: {  	s0 =	sadd.s32 $0x1400, s0;
	(pc) =	sbr.rel @p0 .LBB2_2-.Ltmp2, $4  }
0x220: {  	[spmem:s3] =	stream.indirect.scatter.add.f32 [tilespmem:s24], [sflag:$0x3], $0x30, s0, s21, $0xb8;
	[tilespmem:$0x17000] =	vst v63  }
0x221: {  	_ =	swait.ge [sflag:s14], $0x1800  }
0x222: {  	s10 =	sadd.s32 $0x100, s10;
	s9 =	sadd.s32 $0x100, s9;
	[sflag:s14] =	ssyncset.done $0x0  }
0x223: {  	v46 =	vmov v22;
	v40 =	vmov v23;
	s29 =	sadd.s32 $0x100, s29;
	s30 =	sadd.s32 $0x100, s30;
	[sflag:s14] =	ssyncadd.s32 $0xFFFFE800  }
0x224: {  	s26 =	sadd.s32 $0x1, s26  }
0x225: {  	p0 =	sne.s32 s26, s13  }
.Ltmp3:
0x226: {  	[bflag:$0x0] =	sbarrier.arrive $0xFFFF;
	(pc) =	sbr.rel @p0 .LBB2_1-.Ltmp3, $4  }
0x227: {  	[hbm:s12], [sflag:s16] =	dma.local [spmem:s17], $0xF00  }
0x228: {  	_ =	swait.ge [sflag:s14], $0xF00  }
0x229: {  	[sflag:s14] =	ssyncset.done $0x0  }
0x22a: {  	[sflag:s14] =	ssyncadd.s32 $0xFFFFF100  }
0x22b: {  	_ =	sfence.sel $0x180000  }
0x22c: {  	[bflag:$0x0] =	sbarrier.arrive $0xFFFF  }
0x22d: {  	_ =	strace $0x90000050  }
0x22e: {  	s0 =	stileid.u32;
	[bflag:$0x2] =	sbarrier.arrive $0xFFFF  }
0x22f: {  	p0 =	sne.s32 s0, $0x0;
	s0 =	rddreg [dreg:$0x3]  }
0x230: {  	s0 =	sadd.s32 @!p0 $0x100000, s0  }
0x231: {  	[sflag:s0] =	ssyncadd.tile.s32 @!p0 $0x1;
	_ =	shalt  }
.Lfunc_end2:
_tile_overlayer_lowered:
.L_overlay_start_2:
0x232: {  	(tag) =	ssettag $0x2  }
0x233: {  	s0 =	rddreg [dreg:$0x0];
	s2 =	stileid.u32  }
0x234: {  	s1 =	rddreg [dreg:$0x1];
	p0 =	sne.s32 s2, $0x0  }
0x235: {  	s3 =	rddreg [dreg:$0x2];
	[bflag:$0x3] =	sbarrier.arrive $0xFFFF;
	s2 =	simm.s32 @!p0 $0x1C03  }
0x236: {  	[timem:s3], [sflag:s2] =	dma.local @!p0 [hbm:s0], s1  }
0x237: {  	s0 =	simm.s32 @!p0 $0x3  }
0x238: {  	_ =	swait.ge @!p0 [sflag:s0], s1  }
0x239: {  	s1 =	ssub.s32 @!p0 $0x0, s1;
	[sflag:s0] =	ssyncset.done @!p0 $0x0  }
0x23a: {  	[sflag:s0] =	ssyncadd.s32 @!p0 s1  }
0x23b: {  	[bflag:$0x3] =	sbarrier.arrive $0xFFFF  }
0x23c: {  	_ =	shalt  }

</sc_bundles>
